<compile_context>
chip_gen: v7x
topology: tpu7x:2x2x1
jax: 0.10.2.dev20260603
libtpu: 0.0.44.dev20260713+nightly
codegen_flags: <defaults>
</compile_context>

<pallas_src>
import dataclasses
import functools

import jax
import jax.numpy as jnp
from jax import lax
from jax.experimental import pallas as pl
from jax.experimental.pallas import tpu as pltpu
from jax.experimental.pallas import tpu_sc as plsc

N = 10000
E = 320000
D = 128
NC = 2
NS = 16
NW = NC * NS
CH = 80
WSRC = 2 * D
N2 = 10240
ZR = N2 // NS
EBLK = 512
E1 = 192000
E2 = E - E1


def _sc_params():
    cp = pltpu.CompilerParams()
    if "needs_layout_passes" in pltpu.CompilerParams.__dataclass_fields__:
        cp = dataclasses.replace(cp, needs_layout_passes=False)
    return cp


def _mm(x, w):
    return lax.dot_general(x, w, (((1,), (1,)), ((), ())),
                           preferred_element_type=jnp.float32)


def _tables_body(h_ref, aw, ab, bw, bb, dw, db, ew, eb,
                 ah_ref, tsrc_ref, dh_ref):
    h = h_ref[...]
    ah_ref[...] = _mm(h, aw[...]) + ab[...][None, :]
    bh = _mm(h, bw[...]) + bb[...][None, :]
    ehn = _mm(h, ew[...]) + eb[...][None, :]
    dh_ref[...] = _mm(h, dw[...]) + db[...][None, :]
    tsrc_ref[...] = jnp.concatenate([bh, ehn], axis=1)


def _make_tables(h, aw, ab, bw, bb, dw, db, ew, eb):
    nb = 10
    rb = N // nb
    wspec = pl.BlockSpec((D, D), lambda i: (0, 0))
    bspec = pl.BlockSpec((D,), lambda i: (0,))
    return pl.pallas_call(
        _tables_body,
        grid=(nb,),
        in_specs=[
            pl.BlockSpec((rb, D), lambda i: (i, 0)),
            wspec, bspec, wspec, bspec, wspec, bspec, wspec, bspec,
        ],
        out_specs=[
            pl.BlockSpec((rb, D), lambda i: (i, 0)),
            pl.BlockSpec((rb, WSRC), lambda i: (i, 0)),
            pl.BlockSpec((rb, D), lambda i: (i, 0)),
        ],
        out_shape=[
            jax.ShapeDtypeStruct((N, D), jnp.float32),
            jax.ShapeDtypeStruct((N, WSRC), jnp.float32),
            jax.ShapeDtypeStruct((N, D), jnp.float32),
        ],
    )(h, aw, ab, bw, bb, dw, db, ew, eb)


def _gather_sc(tsrc, dh, src, dst, dirn_flat, aux5, eo, en):
    d0a, d1a, d2a, dsa, mka = aux5
    mesh = plsc.VectorSubcoreMesh(core_axis_name="c", subcore_axis_name="s")
    epw = en // NW
    nch = epw // CH

    @functools.partial(
        pl.kernel,
        out_type=(jax.ShapeDtypeStruct((en, WSRC), jnp.float32),
                  jax.ShapeDtypeStruct((en, D), jnp.float32),
                  jax.ShapeDtypeStruct((en,), jnp.float32)),
        mesh=mesh,
        scratch_types=[
            pltpu.VMEM((epw,), jnp.int32),
            pltpu.VMEM((epw,), jnp.int32),
            pltpu.VMEM((CH, WSRC), jnp.float32),
            pltpu.VMEM((CH, WSRC), jnp.float32),
            pltpu.VMEM((CH, D), jnp.float32),
            pltpu.VMEM((CH, D), jnp.float32),
            pltpu.VMEM((4 * N,), jnp.float32),
        ] + [pltpu.VMEM((CH,), jnp.float32) for _ in range(12)] + [
            pltpu.SemaphoreType.DMA,
            pltpu.SemaphoreType.DMA,
            pltpu.SemaphoreType.DMA,
            pltpu.SemaphoreType.DMA,
        ],
        compiler_params=_sc_params(),
    )
    def k(tsrc_hbm, dh_hbm, src_hbm, dst_hbm, dirn_hbm,
          d0_hbm, d1_hbm, d2_hbm, ds_hbm, mk_hbm,
          gsrc_hbm, gdst_hbm, am_hbm,
          si_v, di_v, rs0_v, rs1_v, rd0_v, rd1_v, dirn_v,
          x00, x01, x02, x03, x04, x05, x10, x11, x12, x13, x14, x15,
          sem_g0, sem_g1, sem_o0, sem_o1):
        wid = lax.axis_index("c") * NS + lax.axis_index("s")
        base0 = eo + wid * epw
        rs_v = (rs0_v, rs1_v)
        rd_v = (rd0_v, rd1_v)
        aux_v = ((x00, x01, x02, x03, x04), (x10, x11, x12, x13, x14))
        am_v = (x05, x15)
        sem_g = (sem_g0, sem_g1)
        sem_o = (sem_o0, sem_o1)

        pltpu.sync_copy(src_hbm.at[pl.ds(base0, epw)], si_v)
        pltpu.sync_copy(dst_hbm.at[pl.ds(base0, epw)], di_v)
        pltpu.sync_copy(dirn_hbm, dirn_v)

        def gather_descs(kk, b):
            loc = kk * CH
            base = base0 + loc
            descs = [
                pltpu.make_async_copy(
                    tsrc_hbm.at[si_v.at[pl.ds(loc, CH)]], rs_v[b],
                    sem_g[b]),
                pltpu.make_async_copy(
                    dh_hbm.at[di_v.at[pl.ds(loc, CH)]], rd_v[b],
                    sem_g[b]),
            ]
            for c, ref in enumerate((d0_hbm, d1_hbm, d2_hbm, ds_hbm,
                                     mk_hbm)):
                descs.append(pltpu.make_async_copy(
                    ref.at[pl.ds(base, CH)], aux_v[b][c], sem_g[b]))
            return descs

        def out_descs(kk, b):
            base = base0 + kk * CH
            return (
                pltpu.make_async_copy(
                    rs_v[b], gsrc_hbm.at[pl.ds(base - eo, CH)], sem_o[b]),
                pltpu.make_async_copy(
                    rd_v[b], gdst_hbm.at[pl.ds(base - eo, CH)], sem_o[b]),
                pltpu.make_async_copy(
                    am_v[b], am_hbm.at[pl.ds(base - eo, CH)], sem_o[b]),
            )

        def compute_am(kk, b):
            loc = kk * CH
            d0v, d1v, d2v, dsv, mkv = aux_v[b]
            for g in range(CH // 16):
                s16 = si_v[pl.ds(loc + g * 16, 16)] * 4
                d16 = di_v[pl.ds(loc + g * 16, 16)] * 4
                s0 = plsc.load_gather(dirn_v, [s16])
                s1 = plsc.load_gather(dirn_v, [s16 + 1])
                s2 = plsc.load_gather(dirn_v, [s16 + 2])
                t0 = plsc.load_gather(dirn_v, [d16])
                t1 = plsc.load_gather(dirn_v, [d16 + 1])
                t2 = plsc.load_gather(dirn_v, [d16 + 2])
                f0 = d0v[pl.ds(g * 16, 16)]
                f1 = d1v[pl.ds(g * 16, 16)]
                f2 = d2v[pl.ds(g * 16, 16)]
                ds = dsv[pl.ds(g * 16, 16)]
                mk = mkv[pl.ds(g * 16, 16)]
                pos = ds > 0.0
                e0 = jnp.where(pos, f0 / ds, f0)
                e1 = jnp.where(pos, f1 / ds, f1)
                e2 = jnp.where(pos, f2 / ds, f2)
                uv = s0 * t0 + s1 * t1 + s2 * t2
                ehd = e0 * t0 + e1 * t1 + e2 * t2
                a = 0.5 * (1.0 - ehd) * uv
                am_v[b][pl.ds(g * 16, 16)] = jnp.where(mk == 1.0, a, 1.0)

        for c in gather_descs(0, 0):
            c.start()

        def body(kk, b):
            @pl.when(kk + 1 < nch)
            def _():
                @pl.when(kk >= 1)
                def _():
                    for c in out_descs(kk - 1, 1 - b):
                        c.wait()
                for c in gather_descs(kk + 1, 1 - b):
                    c.start()

            for c in gather_descs(kk, b):
                c.wait()
            compute_am(kk, b)
            for c in out_descs(kk, b):
                c.start()

        @pl.loop(0, nch // 2)
        def _(t):
            body(2 * t, 0)
            body(2 * t + 1, 1)

        if nch % 2 == 1:
            body(nch - 1, 0)
        for c in out_descs(nch - 1, (nch - 1) % 2):
            c.wait()
        for c in out_descs(nch - 2, (nch - 2) % 2):
            c.wait()

    return k(tsrc, dh, src, dst, dirn_flat, d0a, d1a, d2a, dsa, mka)


def _edge_body(e_ref, gsrc_ref, gdst_ref, a_ref, cw, cb,
               enew_ref, hsig_ref, stats_ref):
    i = pl.program_id(0)
    e_blk = e_ref[...]
    ce = _mm(e_blk, cw[...]) + cb[...][None, :]
    gsrc = gsrc_ref[...]
    bh = gsrc[:, 0:D]
    eh = gsrc[:, D:2 * D]
    dh = gdst_ref[...]
    q = dh - eh
    e_new = q + ce
    he = bh + q
    norm2 = jnp.sum(e_new * e_new, axis=1, keepdims=True)
    sigma = jnp.exp(-0.5 * jnp.sqrt(norm2))
    am = jnp.transpose(a_ref[...].reshape(1, EBLK), (1, 0))
    w = am * sigma
    enew_ref[...] = e_new
    hsig_ref[...] = he * w

    blk_stats = jnp.concatenate(
        [jnp.sum(e_new, axis=0, keepdims=True),
         jnp.sum(e_new * e_new, axis=0, keepdims=True),
         jnp.zeros((6, D), jnp.float32)], axis=0)

    @pl.when(i == 0)
    def _():
        stats_ref[...] = jnp.zeros_like(stats_ref)

    stats_ref[...] += blk_stats


def _edge_pass(e, gsrc, gdst, a3, cw, cb, eob, nb):
    en = nb * EBLK
    return pl.pallas_call(
        _edge_body,
        grid=(nb,),
        in_specs=[
            pl.BlockSpec((EBLK, D), lambda i: (i + eob, 0)),
            pl.BlockSpec((EBLK, WSRC), lambda i: (i, 0)),
            pl.BlockSpec((EBLK, D), lambda i: (i, 0)),
            pl.BlockSpec((1, 1, EBLK), lambda i: (i, 0, 0)),
            pl.BlockSpec((D, D), lambda i: (0, 0)),
            pl.BlockSpec((D,), lambda i: (0,)),
        ],
        out_specs=[
            pl.BlockSpec((EBLK, D), lambda i: (i, 0)),
            pl.BlockSpec((EBLK, D), lambda i: (i, 0)),
            pl.BlockSpec((8, D), lambda i: (0, 0)),
        ],
        out_shape=[
            jax.ShapeDtypeStruct((en, D), jnp.float32),
            jax.ShapeDtypeStruct((en, D), jnp.float32),
            jax.ShapeDtypeStruct((8, D), jnp.float32),
        ],
    )(e, gsrc, gdst, a3, cw, cb)


def _scatter_sc(hsig, dst, eo, en):
    mesh = plsc.VectorSubcoreMesh(core_axis_name="c", subcore_axis_name="s",
                                  num_cores=1)
    epw = en // NS
    nch = epw // CH

    @functools.partial(
        pl.kernel,
        out_type=jax.ShapeDtypeStruct((N2, D), jnp.float32),
        mesh=mesh,
        scratch_types=[
            pltpu.VMEM((1, CH), jnp.int32),
            pltpu.VMEM((1, CH), jnp.int32),
            pltpu.VMEM((CH, D), jnp.float32),
            pltpu.VMEM((CH, D), jnp.float32),
            pltpu.VMEM_SHARED((N2, D), jnp.float32),
            pltpu.SemaphoreType.DMA,
            pltpu.SemaphoreType.DMA,
            pltpu.SemaphoreType.DMA,
            pltpu.SemaphoreType.DMA,
        ],
    )
    def k(hs_hbm, dst_hbm, out_hbm, di0_v, di1_v, rows0_v, rows1_v, acc_sh,
          sem_l0, sem_l1, sem_s0, sem_s1):
        sid = lax.axis_index("s")
        di_v = (di0_v, di1_v)
        rows_v = (rows0_v, rows1_v)
        sem_l = (sem_l0, sem_l1)
        sem_s = (sem_s0, sem_s1)

        @pl.loop(0, CH)
        def _(r):
            for g in range(D // 16):
                rows0_v[pl.ds(r, 1), pl.ds(g * 16, 16)] = (
                    jnp.zeros((1, 16), jnp.float32))

        for j in range(ZR // CH):
            pltpu.sync_copy(rows0_v, acc_sh.at[pl.ds(sid * ZR + j * CH, CH)])
        plsc.subcore_barrier()

        base0 = sid * epw

        def load_descs(kk, b):
            base = base0 + kk * CH
            return (
                pltpu.make_async_copy(
                    dst_hbm.at[pl.ds(eo + base, CH)], di_v[b].at[0],
                    sem_l[b]),
                pltpu.make_async_copy(
                    hs_hbm.at[pl.ds(base, CH)], rows_v[b], sem_l[b]),
            )

        def scat_wait(b):
            pltpu.make_async_copy(
                rows_v[b], acc_sh.at[di_v[b].at[0]], sem_s[b]).wait()

        for c in load_descs(0, 0):
            c.start()

        def body(kk, b):
            @pl.when(kk + 1 < nch)
            def _():
                @pl.when(kk >= 1)
                def _():
                    scat_wait(1 - b)
                for c in load_descs(kk + 1, 1 - b):
                    c.start()

            for c in load_descs(kk, b):
                c.wait()
            pltpu.async_copy(rows_v[b], acc_sh.at[di_v[b].at[0]], sem_s[b],
                             add=True)

        @pl.loop(0, nch // 2)
        def _(t):
            body(2 * t, 0)
            body(2 * t + 1, 1)

        scat_wait((nch - 1) % 2)
        scat_wait((nch - 2) % 2)
        plsc.subcore_barrier()

        for j in range(ZR // CH):
            row0 = sid * ZR + j * CH
            pltpu.sync_copy(acc_sh.at[pl.ds(row0, CH)], rows0_v)
            pltpu.sync_copy(rows0_v, out_hbm.at[pl.ds(row0, CH)])

    return k(hsig, dst)


def _hfin_body(h_ref, ah_ref, acca_ref, accb_ref, gh, bhp, out_ref):
    x = ah_ref[...] + acca_ref[0:N, :] + accb_ref[0:N, :]
    mu = jnp.mean(x, axis=0, keepdims=True)
    xc = x - mu
    var = jnp.mean(xc * xc, axis=0, keepdims=True)
    y = xc * lax.rsqrt(var + 1e-5) * gh[...][None, :] + bhp[...][None, :]
    out_ref[...] = h_ref[...] + jnp.maximum(y, 0.0)


def _h_finalize(h, ah, acca, accb, gh, bh):
    return pl.pallas_call(
        _hfin_body,
        out_shape=jax.ShapeDtypeStruct((N, D), jnp.float32),
    )(h, ah, acca, accb, gh, bh)


def _efin_body_first(e_ref, enew_ref, sa_ref, sb_ref, ge, be, out_ref):
    _efin_common(e_ref, enew_ref, sa_ref, sb_ref, ge, be, out_ref)


def _efin_body_chain(prev_ref, e_ref, enew_ref, sa_ref, sb_ref, ge, be,
                     out_ref):
    del prev_ref
    _efin_common(e_ref, enew_ref, sa_ref, sb_ref, ge, be, out_ref)


def _efin_common(e_ref, enew_ref, sa_ref, sb_ref, ge, be, out_ref):
    s = sa_ref[0:1, :] + sb_ref[0:1, :]
    s2 = sa_ref[1:2, :] + sb_ref[1:2, :]
    mu = s / float(E)
    var = s2 / float(E) - mu * mu
    alpha = ge[...][None, :] * lax.rsqrt(var + 1e-5)
    beta = be[...][None, :] - mu * alpha
    y = enew_ref[...] * alpha + beta
    out_ref[...] = e_ref[...] + jnp.maximum(y, 0.0)


def _e_finalize(prev, e, enew, sa, sb, ge, be, eob, nb):
    especs = [
        pl.BlockSpec((EBLK, D), lambda i: (i + eob, 0)),
        pl.BlockSpec((EBLK, D), lambda i: (i, 0)),
        pl.BlockSpec((8, D), lambda i: (0, 0)),
        pl.BlockSpec((8, D), lambda i: (0, 0)),
        pl.BlockSpec((D,), lambda i: (0,)),
        pl.BlockSpec((D,), lambda i: (0,)),
    ]
    if prev is None:
        return pl.pallas_call(
            _efin_body_first,
            grid=(nb,),
            in_specs=especs,
            out_specs=pl.BlockSpec((EBLK, D), lambda i: (i + eob, 0)),
            out_shape=jax.ShapeDtypeStruct((E, D), jnp.float32),
        )(e, enew, sa, sb, ge, be)
    return pl.pallas_call(
        _efin_body_chain,
        grid=(nb,),
        in_specs=[pl.BlockSpec(memory_space=pl.ANY)] + especs,
        out_specs=pl.BlockSpec((EBLK, D), lambda i: (i + eob, 0)),
        out_shape=jax.ShapeDtypeStruct((E, D), jnp.float32),
        input_output_aliases={0: 0},
    )(prev, e, enew, sa, sb, ge, be)


def kernel(h, e, dirn, diff, dist, edge_index, spatial_mask,
           A_w, A_b, B_w, B_b, C_w, C_b, D_w, D_b, E_w, E_b,
           g_h, b_h, g_e, b_e):
    src = edge_index[0]
    dst = edge_index[1]
    dirn_flat = jnp.concatenate(
        [dirn, jnp.zeros((N, 1), jnp.float32)], axis=1).reshape(-1)
    aux5 = (diff[:, 0], diff[:, 1], diff[:, 2], dist[:, 0],
            spatial_mask[:, 0].astype(jnp.float32))

    ah, tsrc, dh = _make_tables(h, A_w, A_b, B_w, B_b, D_w, D_b, E_w, E_b)
    gs, gd, am = _gather_sc(tsrc, dh, src, dst, dirn_flat, aux5, 0, E)
    nb = E // EBLK
    a3 = am.reshape(nb, 1, EBLK)
    enew, hsig, s1 = _edge_pass(e, gs, gd, a3, C_w, C_b, 0, nb)
    acc_a = _scatter_sc(hsig, dst, 0, E)
    zs = jnp.zeros((8, D), jnp.float32)
    e_out = _e_finalize(None, e, enew, s1, zs, g_e, b_e, 0, nb)
    zacc = jnp.zeros((N2, D), jnp.float32)
    h_out = _h_finalize(h, ah, acc_a, zacc, g_h, b_h)
    return (h_out, e_out)

# --- scband reference (transcript-rebuilt; emitter-appended) ---
"""Pipeline reference for scband-custom-gated-gcnlayer-89129161327105 (READ-ONLY COPY).

The authoritative reference and input builder live on the scoring server;
editing this copy changes nothing except your own understanding.
"""

import jax, jax.numpy as jnp
import numpy as np

N = 10000
E = 320000
D = 128
DDIR = 3

def _lin(k, fan_in, shape):
    s = 1.0 / np.sqrt(fan_in)
    return jax.random.uniform(k, shape, minval=-s, maxval=s, dtype=jnp.float32)

def setup_inputs(seed: int = 0):
    key = jax.random.key(seed)
    ks = jax.random.split(key, 24)
    inp = {}
    inp['h'] = jax.random.normal(ks[0], (N, D), dtype=jnp.float32)
    inp['e'] = jax.random.normal(ks[1], (E, D), dtype=jnp.float32)
    inp['dirn'] = jax.random.normal(ks[2], (N, DDIR), dtype=jnp.float32)
    inp['diff'] = jax.random.normal(ks[3], (E, DDIR), dtype=jnp.float32)
    inp['dist'] = jax.random.uniform(ks[4], (E, 1), dtype=jnp.float32)
    inp['edge_index'] = jax.random.randint(ks[5], (2, E), 0, N, dtype=jnp.int32)
    inp['spatial_mask'] = jax.random.randint(ks[6], (E, 1), 0, 2, dtype=jnp.int32)
    names = ['A', 'B', 'C', 'D', 'E']
    for i, nm in enumerate(names):
        inp[nm + '_w'] = _lin(ks[7 + 2 * i], D, (D, D))
        inp[nm + '_b'] = _lin(ks[8 + 2 * i], D, (D,))
    inp['g_h'] = jnp.ones((D,), dtype=jnp.float32)
    inp['b_h'] = jnp.zeros((D,), dtype=jnp.float32)
    inp['g_e'] = jnp.ones((D,), dtype=jnp.float32)
    inp['b_e'] = jnp.zeros((D,), dtype=jnp.float32)
    return inp

def _bn(x, g, b):
    mu = jnp.mean(x, axis=0)
    var = jnp.var(x, axis=0)
    return (x - mu) / jnp.sqrt(var + 1e-5) * g + b

def reference(h, e, dirn, diff, dist, edge_index, spatial_mask, A_w, A_b, B_w, B_b, C_w, C_b, D_w, D_b, E_w, E_b, g_h, b_h, g_e, b_e):
    src = edge_index[0]
    dst = edge_index[1]
    Ah = h @ A_w.T + A_b
    Bh = h @ B_w.T + B_b
    Ce = e @ C_w.T + C_b
    Dh = h @ D_w.T + D_b
    Eh = h @ E_w.T + E_b
    DEh = Dh[dst] - Eh[src]
    he = Bh[src] + DEh
    e_new = DEh + Ce
    e_norm = 0.5 * jnp.linalg.norm(e_new, axis=-1, keepdims=True)
    sigma = jnp.exp(-e_norm)
    e_dir = jnp.where(dist > 0, diff / dist, diff)
    uv_dir = jnp.sum(dirn[src] * dirn[dst], axis=-1, keepdims=True)
    eh_dir = jnp.sum(e_dir * dirn[dst], axis=-1, keepdims=True)
    a = 0.5 * (1.0 - eh_dir) * uv_dir
    f = a * sigma
    mask = (spatial_mask.reshape(-1) == 1)[:, None]
    h_sigma = jnp.where(mask, he * f, he * sigma)
    sum_sigma_h = jax.ops.segment_sum(h_sigma, dst, num_segments=h.shape[0])
    h_out = Ah + sum_sigma_h
    h_out = _bn(h_out, g_h, b_h)
    e_out = _bn(e_new, g_e, b_e)
    h_out = jax.nn.relu(h_out)
    e_out = jax.nn.relu(e_out)
    h_out = h + h_out
    e_out = e + e_out
    return (h_out, e_out)

if __name__ == "__main__":
    import jax
    _d = setup_inputs()
    print(jax.jit(kernel)(*tuple(_d.values())))

</pallas_src>

<mosaic_0001>
#map = affine_map<(d0, d1) -> (0, 0)>
#map1 = affine_map<(d0, d1) -> (0)>
module attributes {stable_mosaic.version = 14 : i64} {
  func.func @k(%arg0: i32, %arg1: i32, %arg2: memref<320000x128xf32, #tpu.memory_space<hbm>>, %arg3: memref<320000xi32, #tpu.memory_space<hbm>>, %arg4: memref<10240x128xf32, #tpu.memory_space<hbm>>, %arg5: memref<1x80xi32, #tpu.memory_space<vmem>>, %arg6: memref<1x80xi32, #tpu.memory_space<vmem>>, %arg7: memref<80x128xf32, #tpu.memory_space<vmem>>, %arg8: memref<80x128xf32, #tpu.memory_space<vmem>>, %arg9: memref<10240x128xf32, #tpu.memory_space<vmem_shared>>, %arg10: memref<!tpu.dma_semaphore, #tpu.memory_space<semaphore_mem>>, %arg11: memref<!tpu.dma_semaphore, #tpu.memory_space<semaphore_mem>>, %arg12: memref<!tpu.dma_semaphore, #tpu.memory_space<semaphore_mem>>, %arg13: memref<!tpu.dma_semaphore, #tpu.memory_space<semaphore_mem>>) attributes {dimension_semantics = [#tpu.dimension_semantics<core_parallel>, #tpu.dimension_semantics<subcore_parallel>], iteration_bounds = array<i64: 1, 16>, scalar_prefetch = 0 : i64, scratch_operands = 9 : i64, tpu.core_type = #tpu.core_type<sc_vector_subcore>, window_params = [{transform_indices = #map}, {transform_indices = #map1}, {transform_indices = #map}]} {
    %scan3A = arith.constant 0 : i32
    %scan3A_0 = arith.constant 80 : i32
    %scan3A_1 = arith.addi %scan3A, %scan3A_0 : i32
    %scan3A_2 = arith.constant 1 : i32
    scf.for %scan3A_103 = %scan3A to %scan3A_1 step %scan3A_2  : i32 {
      %mul3A_104 = arith.constant 1 : i32
      %mul3A_105 = arith.muli %scan3A_103, %mul3A_104 : i32
      %add3A_106 = arith.constant 0 : i32
      %add3A_107 = arith.addi %add3A_106, %mul3A_105 : i32
      %broadcast_in_dim3A = arith.constant 0.000000e+00 : f32
      %broadcast_in_dim3A_108 = vector.broadcast %broadcast_in_dim3A : f32 to vector<1x16xf32>
      %swap3A = arith.index_cast %add3A_107 : i32 to index
      %swap3A_109 = arith.constant 0 : index
      %swap3A_110 = tpu.vector_load %arg7[%swap3A, %swap3A_109] {strides = array<i32>} : memref<80x128xf32, #tpu.memory_space<vmem>>, vector<1x16xf32>,
      %swap3A_111 = vector.shape_cast %swap3A_110 : vector<1x16xf32> to vector<1x16xf32>
      %swap3A_112 = vector.shape_cast %broadcast_in_dim3A_108 : vector<1x16xf32> to vector<1x16xf32>
      tpu.vector_store %arg7[%swap3A, %swap3A_109], %swap3A_112 {strides = array<i32>} : memref<80x128xf32, #tpu.memory_space<vmem>>, vector<1x16xf32>,
      %broadcast_in_dim3A_113 = arith.constant 0.000000e+00 : f32
      %broadcast_in_dim3A_114 = vector.broadcast %broadcast_in_dim3A_113 : f32 to vector<1x16xf32>
      %swap3A_115 = arith.index_cast %add3A_107 : i32 to index
      %swap3A_116 = arith.constant 16 : index
      %swap3A_117 = tpu.vector_load %arg7[%swap3A_115, %swap3A_116] {strides = array<i32>} : memref<80x128xf32, #tpu.memory_space<vmem>>, vector<1x16xf32>,
      %swap3A_118 = vector.shape_cast %swap3A_117 : vector<1x16xf32> to vector<1x16xf32>
      %swap3A_119 = vector.shape_cast %broadcast_in_dim3A_114 : vector<1x16xf32> to vector<1x16xf32>
      tpu.vector_store %arg7[%swap3A_115, %swap3A_116], %swap3A_119 {strides = array<i32>} : memref<80x128xf32, #tpu.memory_space<vmem>>, vector<1x16xf32>,
      %broadcast_in_dim3A_120 = arith.constant 0.000000e+00 : f32
      %broadcast_in_dim3A_121 = vector.broadcast %broadcast_in_dim3A_120 : f32 to vector<1x16xf32>
      %swap3A_122 = arith.index_cast %add3A_107 : i32 to index
      %swap3A_123 = arith.constant 32 : index
      %swap3A_124 = tpu.vector_load %arg7[%swap3A_122, %swap3A_123] {strides = array<i32>} : memref<80x128xf32, #tpu.memory_space<vmem>>, vector<1x16xf32>,
      %swap3A_125 = vector.shape_cast %swap3A_124 : vector<1x16xf32> to vector<1x16xf32>
      %swap3A_126 = vector.shape_cast %broadcast_in_dim3A_121 : vector<1x16xf32> to vector<1x16xf32>
      tpu.vector_store %arg7[%swap3A_122, %swap3A_123], %swap3A_126 {strides = array<i32>} : memref<80x128xf32, #tpu.memory_space<vmem>>, vector<1x16xf32>,
      %broadcast_in_dim3A_127 = arith.constant 0.000000e+00 : f32
      %broadcast_in_dim3A_128 = vector.broadcast %broadcast_in_dim3A_127 : f32 to vector<1x16xf32>
      %swap3A_129 = arith.index_cast %add3A_107 : i32 to index
      %swap3A_130 = arith.constant 48 : index
      %swap3A_131 = tpu.vector_load %arg7[%swap3A_129, %swap3A_130] {strides = array<i32>} : memref<80x128xf32, #tpu.memory_space<vmem>>, vector<1x16xf32>,
      %swap3A_132 = vector.shape_cast %swap3A_131 : vector<1x16xf32> to vector<1x16xf32>
      %swap3A_133 = vector.shape_cast %broadcast_in_dim3A_128 : vector<1x16xf32> to vector<1x16xf32>
      tpu.vector_store %arg7[%swap3A_129, %swap3A_130], %swap3A_133 {strides = array<i32>} : memref<80x128xf32, #tpu.memory_space<vmem>>, vector<1x16xf32>,
      %broadcast_in_dim3A_134 = arith.constant 0.000000e+00 : f32
      %broadcast_in_dim3A_135 = vector.broadcast %broadcast_in_dim3A_134 : f32 to vector<1x16xf32>
      %swap3A_136 = arith.index_cast %add3A_107 : i32 to index
      %swap3A_137 = arith.constant 64 : index
      %swap3A_138 = tpu.vector_load %arg7[%swap3A_136, %swap3A_137] {strides = array<i32>} : memref<80x128xf32, #tpu.memory_space<vmem>>, vector<1x16xf32>,
      %swap3A_139 = vector.shape_cast %swap3A_138 : vector<1x16xf32> to vector<1x16xf32>
      %swap3A_140 = vector.shape_cast %broadcast_in_dim3A_135 : vector<1x16xf32> to vector<1x16xf32>
      tpu.vector_store %arg7[%swap3A_136, %swap3A_137], %swap3A_140 {strides = array<i32>} : memref<80x128xf32, #tpu.memory_space<vmem>>, vector<1x16xf32>,
      %broadcast_in_dim3A_141 = arith.constant 0.000000e+00 : f32
      %broadcast_in_dim3A_142 = vector.broadcast %broadcast_in_dim3A_141 : f32 to vector<1x16xf32>
      %swap3A_143 = arith.index_cast %add3A_107 : i32 to index
      %swap3A_144 = arith.constant 80 : index
      %swap3A_145 = tpu.vector_load %arg7[%swap3A_143, %swap3A_144] {strides = array<i32>} : memref<80x128xf32, #tpu.memory_space<vmem>>, vector<1x16xf32>,
      %swap3A_146 = vector.shape_cast %swap3A_145 : vector<1x16xf32> to vector<1x16xf32>
      %swap3A_147 = vector.shape_cast %broadcast_in_dim3A_142 : vector<1x16xf32> to vector<1x16xf32>
      tpu.vector_store %arg7[%swap3A_143, %swap3A_144], %swap3A_147 {strides = array<i32>} : memref<80x128xf32, #tpu.memory_space<vmem>>, vector<1x16xf32>,
      %broadcast_in_dim3A_148 = arith.constant 0.000000e+00 : f32
      %broadcast_in_dim3A_149 = vector.broadcast %broadcast_in_dim3A_148 : f32 to vector<1x16xf32>
      %swap3A_150 = arith.index_cast %add3A_107 : i32 to index
      %swap3A_151 = arith.constant 96 : index
      %swap3A_152 = tpu.vector_load %arg7[%swap3A_150, %swap3A_151] {strides = array<i32>} : memref<80x128xf32, #tpu.memory_space<vmem>>, vector<1x16xf32>,
      %swap3A_153 = vector.shape_cast %swap3A_152 : vector<1x16xf32> to vector<1x16xf32>
      %swap3A_154 = vector.shape_cast %broadcast_in_dim3A_149 : vector<1x16xf32> to vector<1x16xf32>
      tpu.vector_store %arg7[%swap3A_150, %swap3A_151], %swap3A_154 {strides = array<i32>} : memref<80x128xf32, #tpu.memory_space<vmem>>, vector<1x16xf32>,
      %broadcast_in_dim3A_155 = arith.constant 0.000000e+00 : f32
      %broadcast_in_dim3A_156 = vector.broadcast %broadcast_in_dim3A_155 : f32 to vector<1x16xf32>
      %swap3A_157 = arith.index_cast %add3A_107 : i32 to index
      %swap3A_158 = arith.constant 112 : index
      %swap3A_159 = tpu.vector_load %arg7[%swap3A_157, %swap3A_158] {strides = array<i32>} : memref<80x128xf32, #tpu.memory_space<vmem>>, vector<1x16xf32>,
      %swap3A_160 = vector.shape_cast %swap3A_159 : vector<1x16xf32> to vector<1x16xf32>
      %swap3A_161 = vector.shape_cast %broadcast_in_dim3A_156 : vector<1x16xf32> to vector<1x16xf32>
      tpu.vector_store %arg7[%swap3A_157, %swap3A_158], %swap3A_161 {strides = array<i32>} : memref<80x128xf32, #tpu.memory_space<vmem>>, vector<1x16xf32>,
    }
    %scan3A_3 = arith.constant 80 : i32
    %mul3A = arith.constant 640 : i32
    %mul3A_4 = arith.muli %arg1, %mul3A : i32
    %add3A = arith.constant 0 : i32
    %add3A_5 = arith.addi %mul3A_4, %add3A : i32
    "tpu.region"() ({
      %run_scoped3A = tpu.sem_alloc : memref<!tpu.dma_semaphore, #tpu.memory_space<semaphore_mem>>
      %dma_start3A_103 = arith.constant 0 : i32
      %dma_start3A_104 = tpu.memref_slice %arg9[%add3A_5, %dma_start3A_103] : memref<10240x128xf32, #tpu.memory_space<vmem_shared>> -> memref<80x128xf32, #tpu.memory_space<vmem_shared>>
      %dma_start3A_105 = arith.constant 0 : i32
      %dma_start3A_106 = tpu.memref_slice %arg9[%add3A_5, %dma_start3A_105] : memref<10240x128xf32, #tpu.memory_space<vmem_shared>> -> memref<80x128xf32, #tpu.memory_space<vmem_shared>>
      tpu.enqueue_dma source(%arg7 : memref<80x128xf32, #tpu.memory_space<vmem>>) target(%dma_start3A_106 : memref<80x128xf32, #tpu.memory_space<vmem_shared>>) target_semaphore(%run_scoped3A : memref<!tpu.dma_semaphore, #tpu.memory_space<semaphore_mem>>)
      %dma_wait3A_107 = arith.constant 0 : i32
      %dma_wait3A_108 = tpu.memref_slice %arg9[%add3A_5, %dma_wait3A_107] : memref<10240x128xf32, #tpu.memory_space<vmem_shared>> -> memref<80x128xf32, #tpu.memory_space<vmem_shared>>
      %dma_wait3A_109 = arith.constant 0 : i32
      %dma_wait3A_110 = tpu.memref_slice %arg9[%add3A_5, %dma_wait3A_109] : memref<10240x128xf32, #tpu.memory_space<vmem_shared>> -> memref<80x128xf32, #tpu.memory_space<vmem_shared>>
      tpu.wait_dma2 semaphore(%run_scoped3A : memref<!tpu.dma_semaphore, #tpu.memory_space<semaphore_mem>>) src(%arg7 : memref<80x128xf32, #tpu.memory_space<vmem>>) dst(%dma_wait3A_110 : memref<80x128xf32, #tpu.memory_space<vmem_shared>>)
      tpu.yield
    }) : () -> ()
    %mul3A_6 = arith.constant 640 : i32
    %mul3A_7 = arith.muli %arg1, %mul3A_6 : i32
    %add3A_8 = arith.constant 80 : i32
    %add3A_9 = arith.addi %mul3A_7, %add3A_8 : i32
    "tpu.region"() ({
      %run_scoped3A = tpu.sem_alloc : memref<!tpu.dma_semaphore, #tpu.memory_space<semaphore_mem>>
      %dma_start3A_103 = arith.constant 0 : i32
      %dma_start3A_104 = tpu.memref_slice %arg9[%add3A_9, %dma_start3A_103] : memref<10240x128xf32, #tpu.memory_space<vmem_shared>> -> memref<80x128xf32, #tpu.memory_space<vmem_shared>>
      %dma_start3A_105 = arith.constant 0 : i32
      %dma_start3A_106 = tpu.memref_slice %arg9[%add3A_9, %dma_start3A_105] : memref<10240x128xf32, #tpu.memory_space<vmem_shared>> -> memref<80x128xf32, #tpu.memory_space<vmem_shared>>
      tpu.enqueue_dma source(%arg7 : memref<80x128xf32, #tpu.memory_space<vmem>>) target(%dma_start3A_106 : memref<80x128xf32, #tpu.memory_space<vmem_shared>>) target_semaphore(%run_scoped3A : memref<!tpu.dma_semaphore, #tpu.memory_space<semaphore_mem>>)
      %dma_wait3A_107 = arith.constant 0 : i32
      %dma_wait3A_108 = tpu.memref_slice %arg9[%add3A_9, %dma_wait3A_107] : memref<10240x128xf32, #tpu.memory_space<vmem_shared>> -> memref<80x128xf32, #tpu.memory_space<vmem_shared>>
      %dma_wait3A_109 = arith.constant 0 : i32
      %dma_wait3A_110 = tpu.memref_slice %arg9[%add3A_9, %dma_wait3A_109] : memref<10240x128xf32, #tpu.memory_space<vmem_shared>> -> memref<80x128xf32, #tpu.memory_space<vmem_shared>>
      tpu.wait_dma2 semaphore(%run_scoped3A : memref<!tpu.dma_semaphore, #tpu.memory_space<semaphore_mem>>) src(%arg7 : memref<80x128xf32, #tpu.memory_space<vmem>>) dst(%dma_wait3A_110 : memref<80x128xf32, #tpu.memory_space<vmem_shared>>)
      tpu.yield
    }) : () -> ()
    %mul3A_10 = arith.constant 640 : i32
    %mul3A_11 = arith.muli %arg1, %mul3A_10 : i32
    %add3A_12 = arith.constant 160 : i32
    %add3A_13 = arith.addi %mul3A_11, %add3A_12 : i32
    "tpu.region"() ({
      %run_scoped3A = tpu.sem_alloc : memref<!tpu.dma_semaphore, #tpu.memory_space<semaphore_mem>>
      %dma_start3A_103 = arith.constant 0 : i32
      %dma_start3A_104 = tpu.memref_slice %arg9[%add3A_13, %dma_start3A_103] : memref<10240x128xf32, #tpu.memory_space<vmem_shared>> -> memref<80x128xf32, #tpu.memory_space<vmem_shared>>
      %dma_start3A_105 = arith.constant 0 : i32
      %dma_start3A_106 = tpu.memref_slice %arg9[%add3A_13, %dma_start3A_105] : memref<10240x128xf32, #tpu.memory_space<vmem_shared>> -> memref<80x128xf32, #tpu.memory_space<vmem_shared>>
      tpu.enqueue_dma source(%arg7 : memref<80x128xf32, #tpu.memory_space<vmem>>) target(%dma_start3A_106 : memref<80x128xf32, #tpu.memory_space<vmem_shared>>) target_semaphore(%run_scoped3A : memref<!tpu.dma_semaphore, #tpu.memory_space<semaphore_mem>>)
      %dma_wait3A_107 = arith.constant 0 : i32
      %dma_wait3A_108 = tpu.memref_slice %arg9[%add3A_13, %dma_wait3A_107] : memref<10240x128xf32, #tpu.memory_space<vmem_shared>> -> memref<80x128xf32, #tpu.memory_space<vmem_shared>>
      %dma_wait3A_109 = arith.constant 0 : i32
      %dma_wait3A_110 = tpu.memref_slice %arg9[%add3A_13, %dma_wait3A_109] : memref<10240x128xf32, #tpu.memory_space<vmem_shared>> -> memref<80x128xf32, #tpu.memory_space<vmem_shared>>
      tpu.wait_dma2 semaphore(%run_scoped3A : memref<!tpu.dma_semaphore, #tpu.memory_space<semaphore_mem>>) src(%arg7 : memref<80x128xf32, #tpu.memory_space<vmem>>) dst(%dma_wait3A_110 : memref<80x128xf32, #tpu.memory_space<vmem_shared>>)
      tpu.yield
    }) : () -> ()
    %mul3A_14 = arith.constant 640 : i32
    %mul3A_15 = arith.muli %arg1, %mul3A_14 : i32
    %add3A_16 = arith.constant 240 : i32
    %add3A_17 = arith.addi %mul3A_15, %add3A_16 : i32
    "tpu.region"() ({
      %run_scoped3A = tpu.sem_alloc : memref<!tpu.dma_semaphore, #tpu.memory_space<semaphore_mem>>
      %dma_start3A_103 = arith.constant 0 : i32
      %dma_start3A_104 = tpu.memref_slice %arg9[%add3A_17, %dma_start3A_103] : memref<10240x128xf32, #tpu.memory_space<vmem_shared>> -> memref<80x128xf32, #tpu.memory_space<vmem_shared>>
      %dma_start3A_105 = arith.constant 0 : i32
      %dma_start3A_106 = tpu.memref_slice %arg9[%add3A_17, %dma_start3A_105] : memref<10240x128xf32, #tpu.memory_space<vmem_shared>> -> memref<80x128xf32, #tpu.memory_space<vmem_shared>>
      tpu.enqueue_dma source(%arg7 : memref<80x128xf32, #tpu.memory_space<vmem>>) target(%dma_start3A_106 : memref<80x128xf32, #tpu.memory_space<vmem_shared>>) target_semaphore(%run_scoped3A : memref<!tpu.dma_semaphore, #tpu.memory_space<semaphore_mem>>)
      %dma_wait3A_107 = arith.constant 0 : i32
      %dma_wait3A_108 = tpu.memref_slice %arg9[%add3A_17, %dma_wait3A_107] : memref<10240x128xf32, #tpu.memory_space<vmem_shared>> -> memref<80x128xf32, #tpu.memory_space<vmem_shared>>
      %dma_wait3A_109 = arith.constant 0 : i32
      %dma_wait3A_110 = tpu.memref_slice %arg9[%add3A_17, %dma_wait3A_109] : memref<10240x128xf32, #tpu.memory_space<vmem_shared>> -> memref<80x128xf32, #tpu.memory_space<vmem_shared>>
      tpu.wait_dma2 semaphore(%run_scoped3A : memref<!tpu.dma_semaphore, #tpu.memory_space<semaphore_mem>>) src(%arg7 : memref<80x128xf32, #tpu.memory_space<vmem>>) dst(%dma_wait3A_110 : memref<80x128xf32, #tpu.memory_space<vmem_shared>>)
      tpu.yield
    }) : () -> ()
    %mul3A_18 = arith.constant 640 : i32
    %mul3A_19 = arith.muli %arg1, %mul3A_18 : i32
    %add3A_20 = arith.constant 320 : i32
    %add3A_21 = arith.addi %mul3A_19, %add3A_20 : i32
    "tpu.region"() ({
      %run_scoped3A = tpu.sem_alloc : memref<!tpu.dma_semaphore, #tpu.memory_space<semaphore_mem>>
      %dma_start3A_103 = arith.constant 0 : i32
      %dma_start3A_104 = tpu.memref_slice %arg9[%add3A_21, %dma_start3A_103] : memref<10240x128xf32, #tpu.memory_space<vmem_shared>> -> memref<80x128xf32, #tpu.memory_space<vmem_shared>>
      %dma_start3A_105 = arith.constant 0 : i32
      %dma_start3A_106 = tpu.memref_slice %arg9[%add3A_21, %dma_start3A_105] : memref<10240x128xf32, #tpu.memory_space<vmem_shared>> -> memref<80x128xf32, #tpu.memory_space<vmem_shared>>
      tpu.enqueue_dma source(%arg7 : memref<80x128xf32, #tpu.memory_space<vmem>>) target(%dma_start3A_106 : memref<80x128xf32, #tpu.memory_space<vmem_shared>>) target_semaphore(%run_scoped3A : memref<!tpu.dma_semaphore, #tpu.memory_space<semaphore_mem>>)
      %dma_wait3A_107 = arith.constant 0 : i32
      %dma_wait3A_108 = tpu.memref_slice %arg9[%add3A_21, %dma_wait3A_107] : memref<10240x128xf32, #tpu.memory_space<vmem_shared>> -> memref<80x128xf32, #tpu.memory_space<vmem_shared>>
      %dma_wait3A_109 = arith.constant 0 : i32
      %dma_wait3A_110 = tpu.memref_slice %arg9[%add3A_21, %dma_wait3A_109] : memref<10240x128xf32, #tpu.memory_space<vmem_shared>> -> memref<80x128xf32, #tpu.memory_space<vmem_shared>>
      tpu.wait_dma2 semaphore(%run_scoped3A : memref<!tpu.dma_semaphore, #tpu.memory_space<semaphore_mem>>) src(%arg7 : memref<80x128xf32, #tpu.memory_space<vmem>>) dst(%dma_wait3A_110 : memref<80x128xf32, #tpu.memory_space<vmem_shared>>)
      tpu.yield
    }) : () -> ()
    %mul3A_22 = arith.constant 640 : i32
    %mul3A_23 = arith.muli %arg1, %mul3A_22 : i32
    %add3A_24 = arith.constant 400 : i32
    %add3A_25 = arith.addi %mul3A_23, %add3A_24 : i32
    "tpu.region"() ({
      %run_scoped3A = tpu.sem_alloc : memref<!tpu.dma_semaphore, #tpu.memory_space<semaphore_mem>>
      %dma_start3A_103 = arith.constant 0 : i32
      %dma_start3A_104 = tpu.memref_slice %arg9[%add3A_25, %dma_start3A_103] : memref<10240x128xf32, #tpu.memory_space<vmem_shared>> -> memref<80x128xf32, #tpu.memory_space<vmem_shared>>
      %dma_start3A_105 = arith.constant 0 : i32
      %dma_start3A_106 = tpu.memref_slice %arg9[%add3A_25, %dma_start3A_105] : memref<10240x128xf32, #tpu.memory_space<vmem_shared>> -> memref<80x128xf32, #tpu.memory_space<vmem_shared>>
      tpu.enqueue_dma source(%arg7 : memref<80x128xf32, #tpu.memory_space<vmem>>) target(%dma_start3A_106 : memref<80x128xf32, #tpu.memory_space<vmem_shared>>) target_semaphore(%run_scoped3A : memref<!tpu.dma_semaphore, #tpu.memory_space<semaphore_mem>>)
      %dma_wait3A_107 = arith.constant 0 : i32
      %dma_wait3A_108 = tpu.memref_slice %arg9[%add3A_25, %dma_wait3A_107] : memref<10240x128xf32, #tpu.memory_space<vmem_shared>> -> memref<80x128xf32, #tpu.memory_space<vmem_shared>>
      %dma_wait3A_109 = arith.constant 0 : i32
      %dma_wait3A_110 = tpu.memref_slice %arg9[%add3A_25, %dma_wait3A_109] : memref<10240x128xf32, #tpu.memory_space<vmem_shared>> -> memref<80x128xf32, #tpu.memory_space<vmem_shared>>
      tpu.wait_dma2 semaphore(%run_scoped3A : memref<!tpu.dma_semaphore, #tpu.memory_space<semaphore_mem>>) src(%arg7 : memref<80x128xf32, #tpu.memory_space<vmem>>) dst(%dma_wait3A_110 : memref<80x128xf32, #tpu.memory_space<vmem_shared>>)
      tpu.yield
    }) : () -> ()
    %mul3A_26 = arith.constant 640 : i32
    %mul3A_27 = arith.muli %arg1, %mul3A_26 : i32
    %add3A_28 = arith.constant 480 : i32
    %add3A_29 = arith.addi %mul3A_27, %add3A_28 : i32
    "tpu.region"() ({
      %run_scoped3A = tpu.sem_alloc : memref<!tpu.dma_semaphore, #tpu.memory_space<semaphore_mem>>
      %dma_start3A_103 = arith.constant 0 : i32
      %dma_start3A_104 = tpu.memref_slice %arg9[%add3A_29, %dma_start3A_103] : memref<10240x128xf32, #tpu.memory_space<vmem_shared>> -> memref<80x128xf32, #tpu.memory_space<vmem_shared>>
      %dma_start3A_105 = arith.constant 0 : i32
      %dma_start3A_106 = tpu.memref_slice %arg9[%add3A_29, %dma_start3A_105] : memref<10240x128xf32, #tpu.memory_space<vmem_shared>> -> memref<80x128xf32, #tpu.memory_space<vmem_shared>>
      tpu.enqueue_dma source(%arg7 : memref<80x128xf32, #tpu.memory_space<vmem>>) target(%dma_start3A_106 : memref<80x128xf32, #tpu.memory_space<vmem_shared>>) target_semaphore(%run_scoped3A : memref<!tpu.dma_semaphore, #tpu.memory_space<semaphore_mem>>)
      %dma_wait3A_107 = arith.constant 0 : i32
      %dma_wait3A_108 = tpu.memref_slice %arg9[%add3A_29, %dma_wait3A_107] : memref<10240x128xf32, #tpu.memory_space<vmem_shared>> -> memref<80x128xf32, #tpu.memory_space<vmem_shared>>
      %dma_wait3A_109 = arith.constant 0 : i32
      %dma_wait3A_110 = tpu.memref_slice %arg9[%add3A_29, %dma_wait3A_109] : memref<10240x128xf32, #tpu.memory_space<vmem_shared>> -> memref<80x128xf32, #tpu.memory_space<vmem_shared>>
      tpu.wait_dma2 semaphore(%run_scoped3A : memref<!tpu.dma_semaphore, #tpu.memory_space<semaphore_mem>>) src(%arg7 : memref<80x128xf32, #tpu.memory_space<vmem>>) dst(%dma_wait3A_110 : memref<80x128xf32, #tpu.memory_space<vmem_shared>>)
      tpu.yield
    }) : () -> ()
    %mul3A_30 = arith.constant 640 : i32
    %mul3A_31 = arith.muli %arg1, %mul3A_30 : i32
    %add3A_32 = arith.constant 560 : i32
    %add3A_33 = arith.addi %mul3A_31, %add3A_32 : i32
    "tpu.region"() ({
      %run_scoped3A = tpu.sem_alloc : memref<!tpu.dma_semaphore, #tpu.memory_space<semaphore_mem>>
      %dma_start3A_103 = arith.constant 0 : i32
      %dma_start3A_104 = tpu.memref_slice %arg9[%add3A_33, %dma_start3A_103] : memref<10240x128xf32, #tpu.memory_space<vmem_shared>> -> memref<80x128xf32, #tpu.memory_space<vmem_shared>>
      %dma_start3A_105 = arith.constant 0 : i32
      %dma_start3A_106 = tpu.memref_slice %arg9[%add3A_33, %dma_start3A_105] : memref<10240x128xf32, #tpu.memory_space<vmem_shared>> -> memref<80x128xf32, #tpu.memory_space<vmem_shared>>
      tpu.enqueue_dma source(%arg7 : memref<80x128xf32, #tpu.memory_space<vmem>>) target(%dma_start3A_106 : memref<80x128xf32, #tpu.memory_space<vmem_shared>>) target_semaphore(%run_scoped3A : memref<!tpu.dma_semaphore, #tpu.memory_space<semaphore_mem>>)
      %dma_wait3A_107 = arith.constant 0 : i32
      %dma_wait3A_108 = tpu.memref_slice %arg9[%add3A_33, %dma_wait3A_107] : memref<10240x128xf32, #tpu.memory_space<vmem_shared>> -> memref<80x128xf32, #tpu.memory_space<vmem_shared>>
      %dma_wait3A_109 = arith.constant 0 : i32
      %dma_wait3A_110 = tpu.memref_slice %arg9[%add3A_33, %dma_wait3A_109] : memref<10240x128xf32, #tpu.memory_space<vmem_shared>> -> memref<80x128xf32, #tpu.memory_space<vmem_shared>>
      tpu.wait_dma2 semaphore(%run_scoped3A : memref<!tpu.dma_semaphore, #tpu.memory_space<semaphore_mem>>) src(%arg7 : memref<80x128xf32, #tpu.memory_space<vmem>>) dst(%dma_wait3A_110 : memref<80x128xf32, #tpu.memory_space<vmem_shared>>)
      tpu.yield
    }) : () -> ()
    %barrier3A = arith.constant 0 : index
    tpu.barrier barrier_id(%barrier3A)
    %mul3A_34 = arith.constant 20000 : i32
    %mul3A_35 = arith.muli %arg1, %mul3A_34 : i32
    %add3A_36 = arith.constant 0 : i32
    %add3A_37 = arith.addi %mul3A_35, %add3A_36 : i32
    %add3A_38 = arith.constant 0 : i32
    %add3A_39 = arith.addi %add3A_38, %add3A_37 : i32
    %dma_start3A = arith.constant 0 : i32
    %dma_start3A_40 = arith.constant 0 : i32
    %dma_start3A_41 = tpu.memref_slice %arg5[%dma_start3A, %dma_start3A_40] : memref<1x80xi32, #tpu.memory_space<vmem>> -> memref<1x80xi32, #tpu.memory_space<vmem>>
    %dma_start3A_42 = tpu.memref_squeeze %dma_start3A_41 : memref<1x80xi32, #tpu.memory_space<vmem>> -> memref<80xi32, #tpu.memory_space<vmem>>
    %dma_start3A_43 = tpu.memref_slice %arg3[%add3A_39] : memref<320000xi32, #tpu.memory_space<hbm>> -> memref<80xi32, #tpu.memory_space<hbm>>
    %dma_start3A_44 = arith.constant 0 : i32
    %dma_start3A_45 = tpu.memref_slice %arg5[%dma_start3A, %dma_start3A_44] : memref<1x80xi32, #tpu.memory_space<vmem>> -> memref<1x80xi32, #tpu.memory_space<vmem>>
    %dma_start3A_46 = tpu.memref_squeeze %dma_start3A_45 : memref<1x80xi32, #tpu.memory_space<vmem>> -> memref<80xi32, #tpu.memory_space<vmem>>
    %dma_start3A_47 = tpu.memref_slice %arg3[%add3A_39] : memref<320000xi32, #tpu.memory_space<hbm>> -> memref<80xi32, #tpu.memory_space<hbm>>
    tpu.enqueue_dma source(%dma_start3A_47 : memref<80xi32, #tpu.memory_space<hbm>>) target(%dma_start3A_46 : memref<80xi32, #tpu.memory_space<vmem>>) target_semaphore(%arg10 : memref<!tpu.dma_semaphore, #tpu.memory_space<semaphore_mem>>)
    %dma_start3A_48 = arith.constant 0 : i32
    %dma_start3A_49 = tpu.memref_slice %arg2[%add3A_37, %dma_start3A_48] : memref<320000x128xf32, #tpu.memory_space<hbm>> -> memref<80x128xf32, #tpu.memory_space<hbm>>
    %dma_start3A_50 = arith.constant 0 : i32
    %dma_start3A_51 = tpu.memref_slice %arg2[%add3A_37, %dma_start3A_50] : memref<320000x128xf32, #tpu.memory_space<hbm>> -> memref<80x128xf32, #tpu.memory_space<hbm>>
    tpu.enqueue_dma source(%dma_start3A_51 : memref<80x128xf32, #tpu.memory_space<hbm>>) target(%arg7 : memref<80x128xf32, #tpu.memory_space<vmem>>) target_semaphore(%arg10 : memref<!tpu.dma_semaphore, #tpu.memory_space<semaphore_mem>>)
    %scan3A_52 = arith.constant 0 : i32
    %scan3A_53 = arith.constant 125 : i32
    %scan3A_54 = arith.addi %scan3A_52, %scan3A_53 : i32
    %scan3A_55 = arith.constant 1 : i32
    scf.for %scan3A_103 = %scan3A_52 to %scan3A_54 step %scan3A_55  : i32 {
      %mul3A_104 = arith.constant 1 : i32
      %mul3A_105 = arith.muli %scan3A_103, %mul3A_104 : i32
      %add3A_106 = arith.constant 0 : i32
      %add3A_107 = arith.addi %add3A_106, %mul3A_105 : i32
      %mul3A_108 = arith.constant 2 : i32
      %mul3A_109 = arith.muli %mul3A_108, %add3A_107 : i32
      %add3A_110 = arith.constant 1 : i32
      %add3A_111 = arith.addi %mul3A_109, %add3A_110 : i32
      %lt3A = arith.constant 250 : i32
      %lt3A_112 = arith.cmpi slt, %add3A_111, %lt3A : i32
      %convert_element_type3A = arith.extui %lt3A_112 : i1 to i32
      %cond3A = arith.constant 0 : i32
      %cond3A_113 = arith.cmpi ne, %convert_element_type3A, %cond3A : i32
      scf.if %cond3A_113 {
        %ge3A = arith.constant 1 : i32
        %ge3A_175 = arith.cmpi sge, %mul3A_109, %ge3A : i32
        %convert_element_type3A_176 = arith.extui %ge3A_175 : i1 to i32
        %cond3A_177 = arith.constant 0 : i32
        %cond3A_178 = arith.cmpi ne, %convert_element_type3A_176, %cond3A_177 : i32
        scf.if %cond3A_178 {
          %dma_wait3A_199 = arith.constant 0 : i32
          %dma_wait3A_200 = arith.constant 0 : i32
          %dma_wait3A_201 = tpu.memref_slice %arg6[%dma_wait3A_199, %dma_wait3A_200] : memref<1x80xi32, #tpu.memory_space<vmem>> -> memref<1x80xi32, #tpu.memory_space<vmem>>
          %dma_wait3A_202 = tpu.memref_squeeze %dma_wait3A_201 : memref<1x80xi32, #tpu.memory_space<vmem>> -> memref<80xi32, #tpu.memory_space<vmem>>
          %dma_wait3A_203 = arith.constant 0 : i32
          %dma_wait3A_204 = arith.constant 0 : i32
          %dma_wait3A_205 = tpu.memref_slice %arg9[%dma_wait3A_203, %dma_wait3A_204] : memref<10240x128xf32, #tpu.memory_space<vmem_shared>> -> memref<10240x128xf32, #tpu.memory_space<vmem_shared>>
          tpu.wait_indirect_dma semaphore(%arg13 : memref<!tpu.dma_semaphore, #tpu.memory_space<semaphore_mem>>) src(%arg8 : memref<80x128xf32, #tpu.memory_space<vmem>>) dst(%dma_wait3A_205 : memref<10240x128xf32, #tpu.memory_space<vmem_shared>>)
        } else {
        }
        %add3A_179 = arith.constant 1 : i32
        %add3A_180 = arith.addi %mul3A_109, %add3A_179 : i32
        %mul3A_181 = arith.constant 80 : i32
        %mul3A_182 = arith.muli %add3A_180, %mul3A_181 : i32
        %add3A_183 = arith.addi %mul3A_35, %mul3A_182 : i32
        %add3A_184 = arith.constant 0 : i32
        %add3A_185 = arith.addi %add3A_184, %add3A_183 : i32
        %dma_start3A_186 = arith.constant 0 : i32
        %dma_start3A_187 = arith.constant 0 : i32
        %dma_start3A_188 = tpu.memref_slice %arg6[%dma_start3A_186, %dma_start3A_187] : memref<1x80xi32, #tpu.memory_space<vmem>> -> memref<1x80xi32, #tpu.memory_space<vmem>>
        %dma_start3A_189 = tpu.memref_squeeze %dma_start3A_188 : memref<1x80xi32, #tpu.memory_space<vmem>> -> memref<80xi32, #tpu.memory_space<vmem>>
        %dma_start3A_190 = tpu.memref_slice %arg3[%add3A_185] : memref<320000xi32, #tpu.memory_space<hbm>> -> memref<80xi32, #tpu.memory_space<hbm>>
        %dma_start3A_191 = arith.constant 0 : i32
        %dma_start3A_192 = tpu.memref_slice %arg6[%dma_start3A_186, %dma_start3A_191] : memref<1x80xi32, #tpu.memory_space<vmem>> -> memref<1x80xi32, #tpu.memory_space<vmem>>
        %dma_start3A_193 = tpu.memref_squeeze %dma_start3A_192 : memref<1x80xi32, #tpu.memory_space<vmem>> -> memref<80xi32, #tpu.memory_space<vmem>>
        %dma_start3A_194 = tpu.memref_slice %arg3[%add3A_185] : memref<320000xi32, #tpu.memory_space<hbm>> -> memref<80xi32, #tpu.memory_space<hbm>>
        tpu.enqueue_dma source(%dma_start3A_194 : memref<80xi32, #tpu.memory_space<hbm>>) target(%dma_start3A_193 : memref<80xi32, #tpu.memory_space<vmem>>) target_semaphore(%arg11 : memref<!tpu.dma_semaphore, #tpu.memory_space<semaphore_mem>>)
        %dma_start3A_195 = arith.constant 0 : i32
        %dma_start3A_196 = tpu.memref_slice %arg2[%add3A_183, %dma_start3A_195] : memref<320000x128xf32, #tpu.memory_space<hbm>> -> memref<80x128xf32, #tpu.memory_space<hbm>>
        %dma_start3A_197 = arith.constant 0 : i32
        %dma_start3A_198 = tpu.memref_slice %arg2[%add3A_183, %dma_start3A_197] : memref<320000x128xf32, #tpu.memory_space<hbm>> -> memref<80x128xf32, #tpu.memory_space<hbm>>
        tpu.enqueue_dma source(%dma_start3A_198 : memref<80x128xf32, #tpu.memory_space<hbm>>) target(%arg8 : memref<80x128xf32, #tpu.memory_space<vmem>>) target_semaphore(%arg11 : memref<!tpu.dma_semaphore, #tpu.memory_space<semaphore_mem>>)
      } else {
      }
      %mul3A_114 = arith.constant 80 : i32
      %mul3A_115 = arith.muli %mul3A_109, %mul3A_114 : i32
      %add3A_116 = arith.addi %mul3A_35, %mul3A_115 : i32
      %add3A_117 = arith.constant 0 : i32
      %add3A_118 = arith.addi %add3A_117, %add3A_116 : i32
      %dma_wait3A_119 = arith.constant 0 : i32
      %dma_wait3A_120 = arith.constant 0 : i32
      %dma_wait3A_121 = tpu.memref_slice %arg5[%dma_wait3A_119, %dma_wait3A_120] : memref<1x80xi32, #tpu.memory_space<vmem>> -> memref<1x80xi32, #tpu.memory_space<vmem>>
      %dma_wait3A_122 = tpu.memref_squeeze %dma_wait3A_121 : memref<1x80xi32, #tpu.memory_space<vmem>> -> memref<80xi32, #tpu.memory_space<vmem>>
      %dma_wait3A_123 = tpu.memref_slice %arg3[%add3A_118] : memref<320000xi32, #tpu.memory_space<hbm>> -> memref<80xi32, #tpu.memory_space<hbm>>
      %dma_wait3A_124 = arith.constant 0 : i32
      %dma_wait3A_125 = tpu.memref_slice %arg5[%dma_wait3A_119, %dma_wait3A_124] : memref<1x80xi32, #tpu.memory_space<vmem>> -> memref<1x80xi32, #tpu.memory_space<vmem>>
      %dma_wait3A_126 = tpu.memref_squeeze %dma_wait3A_125 : memref<1x80xi32, #tpu.memory_space<vmem>> -> memref<80xi32, #tpu.memory_space<vmem>>
      %dma_wait3A_127 = tpu.memref_slice %arg3[%add3A_118] : memref<320000xi32, #tpu.memory_space<hbm>> -> memref<80xi32, #tpu.memory_space<hbm>>
      tpu.wait_dma2 semaphore(%arg10 : memref<!tpu.dma_semaphore, #tpu.memory_space<semaphore_mem>>) src(%dma_wait3A_127 : memref<80xi32, #tpu.memory_space<hbm>>) dst(%dma_wait3A_126 : memref<80xi32, #tpu.memory_space<vmem>>)
      %dma_wait3A_128 = arith.constant 0 : i32
      %dma_wait3A_129 = tpu.memref_slice %arg2[%add3A_116, %dma_wait3A_128] : memref<320000x128xf32, #tpu.memory_space<hbm>> -> memref<80x128xf32, #tpu.memory_space<hbm>>
      %dma_wait3A_130 = arith.constant 0 : i32
      %dma_wait3A_131 = tpu.memref_slice %arg2[%add3A_116, %dma_wait3A_130] : memref<320000x128xf32, #tpu.memory_space<hbm>> -> memref<80x128xf32, #tpu.memory_space<hbm>>
      tpu.wait_dma2 semaphore(%arg10 : memref<!tpu.dma_semaphore, #tpu.memory_space<semaphore_mem>>) src(%dma_wait3A_131 : memref<80x128xf32, #tpu.memory_space<hbm>>) dst(%arg7 : memref<80x128xf32, #tpu.memory_space<vmem>>)
      %dma_start3A_132 = arith.constant 0 : i32
      %dma_start3A_133 = arith.constant 0 : i32
      %dma_start3A_134 = tpu.memref_slice %arg5[%dma_start3A_132, %dma_start3A_133] : memref<1x80xi32, #tpu.memory_space<vmem>> -> memref<1x80xi32, #tpu.memory_space<vmem>>
      %dma_start3A_135 = tpu.memref_squeeze %dma_start3A_134 : memref<1x80xi32, #tpu.memory_space<vmem>> -> memref<80xi32, #tpu.memory_space<vmem>>
      %dma_start3A_136 = arith.constant 0 : i32
      %dma_start3A_137 = arith.constant 0 : i32
      %dma_start3A_138 = tpu.memref_slice %arg9[%dma_start3A_136, %dma_start3A_137] : memref<10240x128xf32, #tpu.memory_space<vmem_shared>> -> memref<10240x128xf32, #tpu.memory_space<vmem_shared>>
      tpu.enqueue_indirect_dma source(%arg7 : memref<80x128xf32, #tpu.memory_space<vmem>>) target(%dma_start3A_138 : memref<10240x128xf32, #tpu.memory_space<vmem_shared>>) offsets(%dma_start3A_135 : memref<80xi32, #tpu.memory_space<vmem>>) semaphore(%arg12 : memref<!tpu.dma_semaphore, #tpu.memory_space<semaphore_mem>>) {add = true}
      %mul3A_139 = arith.constant 2 : i32
      %mul3A_140 = arith.muli %mul3A_139, %add3A_107 : i32
      %add3A_141 = arith.constant 1 : i32
      %add3A_142 = arith.addi %mul3A_140, %add3A_141 : i32
      %add3A_143 = arith.constant 1 : i32
      %add3A_144 = arith.addi %add3A_142, %add3A_143 : i32
      %lt3A_145 = arith.constant 250 : i32
      %lt3A_146 = arith.cmpi slt, %add3A_144, %lt3A_145 : i32
      %convert_element_type3A_147 = arith.extui %lt3A_146 : i1 to i32
      %cond3A_148 = arith.constant 0 : i32
      %cond3A_149 = arith.cmpi ne, %convert_element_type3A_147, %cond3A_148 : i32
      scf.if %cond3A_149 {
        %ge3A = arith.constant 1 : i32
        %ge3A_175 = arith.cmpi sge, %add3A_142, %ge3A : i32
        %convert_element_type3A_176 = arith.extui %ge3A_175 : i1 to i32
        %cond3A_177 = arith.constant 0 : i32
        %cond3A_178 = arith.cmpi ne, %convert_element_type3A_176, %cond3A_177 : i32
        scf.if %cond3A_178 {
          %dma_wait3A_199 = arith.constant 0 : i32
          %dma_wait3A_200 = arith.constant 0 : i32
          %dma_wait3A_201 = tpu.memref_slice %arg5[%dma_wait3A_199, %dma_wait3A_200] : memref<1x80xi32, #tpu.memory_space<vmem>> -> memref<1x80xi32, #tpu.memory_space<vmem>>
          %dma_wait3A_202 = tpu.memref_squeeze %dma_wait3A_201 : memref<1x80xi32, #tpu.memory_space<vmem>> -> memref<80xi32, #tpu.memory_space<vmem>>
          %dma_wait3A_203 = arith.constant 0 : i32
          %dma_wait3A_204 = arith.constant 0 : i32
          %dma_wait3A_205 = tpu.memref_slice %arg9[%dma_wait3A_203, %dma_wait3A_204] : memref<10240x128xf32, #tpu.memory_space<vmem_shared>> -> memref<10240x128xf32, #tpu.memory_space<vmem_shared>>
          tpu.wait_indirect_dma semaphore(%arg12 : memref<!tpu.dma_semaphore, #tpu.memory_space<semaphore_mem>>) src(%arg7 : memref<80x128xf32, #tpu.memory_space<vmem>>) dst(%dma_wait3A_205 : memref<10240x128xf32, #tpu.memory_space<vmem_shared>>)
        } else {
        }
        %add3A_179 = arith.constant 1 : i32
        %add3A_180 = arith.addi %add3A_142, %add3A_179 : i32
        %mul3A_181 = arith.constant 80 : i32
        %mul3A_182 = arith.muli %add3A_180, %mul3A_181 : i32
        %add3A_183 = arith.addi %mul3A_35, %mul3A_182 : i32
        %add3A_184 = arith.constant 0 : i32
        %add3A_185 = arith.addi %add3A_184, %add3A_183 : i32
        %dma_start3A_186 = arith.constant 0 : i32
        %dma_start3A_187 = arith.constant 0 : i32
        %dma_start3A_188 = tpu.memref_slice %arg5[%dma_start3A_186, %dma_start3A_187] : memref<1x80xi32, #tpu.memory_space<vmem>> -> memref<1x80xi32, #tpu.memory_space<vmem>>
        %dma_start3A_189 = tpu.memref_squeeze %dma_start3A_188 : memref<1x80xi32, #tpu.memory_space<vmem>> -> memref<80xi32, #tpu.memory_space<vmem>>
        %dma_start3A_190 = tpu.memref_slice %arg3[%add3A_185] : memref<320000xi32, #tpu.memory_space<hbm>> -> memref<80xi32, #tpu.memory_space<hbm>>
        %dma_start3A_191 = arith.constant 0 : i32
        %dma_start3A_192 = tpu.memref_slice %arg5[%dma_start3A_186, %dma_start3A_191] : memref<1x80xi32, #tpu.memory_space<vmem>> -> memref<1x80xi32, #tpu.memory_space<vmem>>
        %dma_start3A_193 = tpu.memref_squeeze %dma_start3A_192 : memref<1x80xi32, #tpu.memory_space<vmem>> -> memref<80xi32, #tpu.memory_space<vmem>>
        %dma_start3A_194 = tpu.memref_slice %arg3[%add3A_185] : memref<320000xi32, #tpu.memory_space<hbm>> -> memref<80xi32, #tpu.memory_space<hbm>>
        tpu.enqueue_dma source(%dma_start3A_194 : memref<80xi32, #tpu.memory_space<hbm>>) target(%dma_start3A_193 : memref<80xi32, #tpu.memory_space<vmem>>) target_semaphore(%arg10 : memref<!tpu.dma_semaphore, #tpu.memory_space<semaphore_mem>>)
        %dma_start3A_195 = arith.constant 0 : i32
        %dma_start3A_196 = tpu.memref_slice %arg2[%add3A_183, %dma_start3A_195] : memref<320000x128xf32, #tpu.memory_space<hbm>> -> memref<80x128xf32, #tpu.memory_space<hbm>>
        %dma_start3A_197 = arith.constant 0 : i32
        %dma_start3A_198 = tpu.memref_slice %arg2[%add3A_183, %dma_start3A_197] : memref<320000x128xf32, #tpu.memory_space<hbm>> -> memref<80x128xf32, #tpu.memory_space<hbm>>
        tpu.enqueue_dma source(%dma_start3A_198 : memref<80x128xf32, #tpu.memory_space<hbm>>) target(%arg7 : memref<80x128xf32, #tpu.memory_space<vmem>>) target_semaphore(%arg10 : memref<!tpu.dma_semaphore, #tpu.memory_space<semaphore_mem>>)
      } else {
      }
      %mul3A_150 = arith.constant 80 : i32
      %mul3A_151 = arith.muli %add3A_142, %mul3A_150 : i32
      %add3A_152 = arith.addi %mul3A_35, %mul3A_151 : i32
      %add3A_153 = arith.constant 0 : i32
      %add3A_154 = arith.addi %add3A_153, %add3A_152 : i32
      %dma_wait3A_155 = arith.constant 0 : i32
      %dma_wait3A_156 = arith.constant 0 : i32
      %dma_wait3A_157 = tpu.memref_slice %arg6[%dma_wait3A_155, %dma_wait3A_156] : memref<1x80xi32, #tpu.memory_space<vmem>> -> memref<1x80xi32, #tpu.memory_space<vmem>>
      %dma_wait3A_158 = tpu.memref_squeeze %dma_wait3A_157 : memref<1x80xi32, #tpu.memory_space<vmem>> -> memref<80xi32, #tpu.memory_space<vmem>>
      %dma_wait3A_159 = tpu.memref_slice %arg3[%add3A_154] : memref<320000xi32, #tpu.memory_space<hbm>> -> memref<80xi32, #tpu.memory_space<hbm>>
      %dma_wait3A_160 = arith.constant 0 : i32
      %dma_wait3A_161 = tpu.memref_slice %arg6[%dma_wait3A_155, %dma_wait3A_160] : memref<1x80xi32, #tpu.memory_space<vmem>> -> memref<1x80xi32, #tpu.memory_space<vmem>>
      %dma_wait3A_162 = tpu.memref_squeeze %dma_wait3A_161 : memref<1x80xi32, #tpu.memory_space<vmem>> -> memref<80xi32, #tpu.memory_space<vmem>>
      %dma_wait3A_163 = tpu.memref_slice %arg3[%add3A_154] : memref<320000xi32, #tpu.memory_space<hbm>> -> memref<80xi32, #tpu.memory_space<hbm>>
      tpu.wait_dma2 semaphore(%arg11 : memref<!tpu.dma_semaphore, #tpu.memory_space<semaphore_mem>>) src(%dma_wait3A_163 : memref<80xi32, #tpu.memory_space<hbm>>) dst(%dma_wait3A_162 : memref<80xi32, #tpu.memory_space<vmem>>)
      %dma_wait3A_164 = arith.constant 0 : i32
      %dma_wait3A_165 = tpu.memref_slice %arg2[%add3A_152, %dma_wait3A_164] : memref<320000x128xf32, #tpu.memory_space<hbm>> -> memref<80x128xf32, #tpu.memory_space<hbm>>
      %dma_wait3A_166 = arith.constant 0 : i32
      %dma_wait3A_167 = tpu.memref_slice %arg2[%add3A_152, %dma_wait3A_166] : memref<320000x128xf32, #tpu.memory_space<hbm>> -> memref<80x128xf32, #tpu.memory_space<hbm>>
      tpu.wait_dma2 semaphore(%arg11 : memref<!tpu.dma_semaphore, #tpu.memory_space<semaphore_mem>>) src(%dma_wait3A_167 : memref<80x128xf32, #tpu.memory_space<hbm>>) dst(%arg8 : memref<80x128xf32, #tpu.memory_space<vmem>>)
      %dma_start3A_168 = arith.constant 0 : i32
      %dma_start3A_169 = arith.constant 0 : i32
      %dma_start3A_170 = tpu.memref_slice %arg6[%dma_start3A_168, %dma_start3A_169] : memref<1x80xi32, #tpu.memory_space<vmem>> -> memref<1x80xi32, #tpu.memory_space<vmem>>
      %dma_start3A_171 = tpu.memref_squeeze %dma_start3A_170 : memref<1x80xi32, #tpu.memory_space<vmem>> -> memref<80xi32, #tpu.memory_space<vmem>>
      %dma_start3A_172 = arith.constant 0 : i32
      %dma_start3A_173 = arith.constant 0 : i32
      %dma_start3A_174 = tpu.memref_slice %arg9[%dma_start3A_172, %dma_start3A_173] : memref<10240x128xf32, #tpu.memory_space<vmem_shared>> -> memref<10240x128xf32, #tpu.memory_space<vmem_shared>>
      tpu.enqueue_indirect_dma source(%arg8 : memref<80x128xf32, #tpu.memory_space<vmem>>) target(%dma_start3A_174 : memref<10240x128xf32, #tpu.memory_space<vmem_shared>>) offsets(%dma_start3A_171 : memref<80xi32, #tpu.memory_space<vmem>>) semaphore(%arg13 : memref<!tpu.dma_semaphore, #tpu.memory_space<semaphore_mem>>) {add = true}
    }
    %scan3A_56 = arith.constant 125 : i32
    %dma_wait3A = arith.constant 0 : i32
    %dma_wait3A_57 = arith.constant 0 : i32
    %dma_wait3A_58 = tpu.memref_slice %arg6[%dma_wait3A, %dma_wait3A_57] : memref<1x80xi32, #tpu.memory_space<vmem>> -> memref<1x80xi32, #tpu.memory_space<vmem>>
    %dma_wait3A_59 = tpu.memref_squeeze %dma_wait3A_58 : memref<1x80xi32, #tpu.memory_space<vmem>> -> memref<80xi32, #tpu.memory_space<vmem>>
    %dma_wait3A_60 = arith.constant 0 : i32
    %dma_wait3A_61 = arith.constant 0 : i32
    %dma_wait3A_62 = tpu.memref_slice %arg9[%dma_wait3A_60, %dma_wait3A_61] : memref<10240x128xf32, #tpu.memory_space<vmem_shared>> -> memref<10240x128xf32, #tpu.memory_space<vmem_shared>>
    tpu.wait_indirect_dma semaphore(%arg13 : memref<!tpu.dma_semaphore, #tpu.memory_space<semaphore_mem>>) src(%arg8 : memref<80x128xf32, #tpu.memory_space<vmem>>) dst(%dma_wait3A_62 : memref<10240x128xf32, #tpu.memory_space<vmem_shared>>)
    %dma_wait3A_63 = arith.constant 0 : i32
    %dma_wait3A_64 = arith.constant 0 : i32
    %dma_wait3A_65 = tpu.memref_slice %arg5[%dma_wait3A_63, %dma_wait3A_64] : memref<1x80xi32, #tpu.memory_space<vmem>> -> memref<1x80xi32, #tpu.memory_space<vmem>>
    %dma_wait3A_66 = tpu.memref_squeeze %dma_wait3A_65 : memref<1x80xi32, #tpu.memory_space<vmem>> -> memref<80xi32, #tpu.memory_space<vmem>>
    %dma_wait3A_67 = arith.constant 0 : i32
    %dma_wait3A_68 = arith.constant 0 : i32
    %dma_wait3A_69 = tpu.memref_slice %arg9[%dma_wait3A_67, %dma_wait3A_68] : memref<10240x128xf32, #tpu.memory_space<vmem_shared>> -> memref<10240x128xf32, #tpu.memory_space<vmem_shared>>
    tpu.wait_indirect_dma semaphore(%arg12 : memref<!tpu.dma_semaphore, #tpu.memory_space<semaphore_mem>>) src(%arg7 : memref<80x128xf32, #tpu.memory_space<vmem>>) dst(%dma_wait3A_69 : memref<10240x128xf32, #tpu.memory_space<vmem_shared>>)
    %barrier3A_70 = arith.constant 0 : index
    tpu.barrier barrier_id(%barrier3A_70)
    %mul3A_71 = arith.constant 640 : i32
    %mul3A_72 = arith.muli %arg1, %mul3A_71 : i32
    %add3A_73 = arith.constant 0 : i32
    %add3A_74 = arith.addi %mul3A_72, %add3A_73 : i32
    "tpu.region"() ({
      %run_scoped3A = tpu.sem_alloc : memref<!tpu.dma_semaphore, #tpu.memory_space<semaphore_mem>>
      %dma_start3A_103 = arith.constant 0 : i32
      %dma_start3A_104 = tpu.memref_slice %arg9[%add3A_74, %dma_start3A_103] : memref<10240x128xf32, #tpu.memory_space<vmem_shared>> -> memref<80x128xf32, #tpu.memory_space<vmem_shared>>
      %dma_start3A_105 = arith.constant 0 : i32
      %dma_start3A_106 = tpu.memref_slice %arg9[%add3A_74, %dma_start3A_105] : memref<10240x128xf32, #tpu.memory_space<vmem_shared>> -> memref<80x128xf32, #tpu.memory_space<vmem_shared>>
      tpu.enqueue_dma source(%dma_start3A_106 : memref<80x128xf32, #tpu.memory_space<vmem_shared>>) target(%arg7 : memref<80x128xf32, #tpu.memory_space<vmem>>) target_semaphore(%run_scoped3A : memref<!tpu.dma_semaphore, #tpu.memory_space<semaphore_mem>>)
      %dma_wait3A_107 = arith.constant 0 : i32
      %dma_wait3A_108 = tpu.memref_slice %arg9[%add3A_74, %dma_wait3A_107] : memref<10240x128xf32, #tpu.memory_space<vmem_shared>> -> memref<80x128xf32, #tpu.memory_space<vmem_shared>>
      %dma_wait3A_109 = arith.constant 0 : i32
      %dma_wait3A_110 = tpu.memref_slice %arg9[%add3A_74, %dma_wait3A_109] : memref<10240x128xf32, #tpu.memory_space<vmem_shared>> -> memref<80x128xf32, #tpu.memory_space<vmem_shared>>
      tpu.wait_dma2 semaphore(%run_scoped3A : memref<!tpu.dma_semaphore, #tpu.memory_space<semaphore_mem>>) src(%dma_wait3A_110 : memref<80x128xf32, #tpu.memory_space<vmem_shared>>) dst(%arg7 : memref<80x128xf32, #tpu.memory_space<vmem>>)
      tpu.yield
    }) : () -> ()
    "tpu.region"() ({
      %run_scoped3A = tpu.sem_alloc : memref<!tpu.dma_semaphore, #tpu.memory_space<semaphore_mem>>
      %dma_start3A_103 = arith.constant 0 : i32
      %dma_start3A_104 = tpu.memref_slice %arg4[%add3A_74, %dma_start3A_103] : memref<10240x128xf32, #tpu.memory_space<hbm>> -> memref<80x128xf32, #tpu.memory_space<hbm>>
      %dma_start3A_105 = arith.constant 0 : i32
      %dma_start3A_106 = tpu.memref_slice %arg4[%add3A_74, %dma_start3A_105] : memref<10240x128xf32, #tpu.memory_space<hbm>> -> memref<80x128xf32, #tpu.memory_space<hbm>>
      tpu.enqueue_dma source(%arg7 : memref<80x128xf32, #tpu.memory_space<vmem>>) target(%dma_start3A_106 : memref<80x128xf32, #tpu.memory_space<hbm>>) target_semaphore(%run_scoped3A : memref<!tpu.dma_semaphore, #tpu.memory_space<semaphore_mem>>)
      %dma_wait3A_107 = arith.constant 0 : i32
      %dma_wait3A_108 = tpu.memref_slice %arg4[%add3A_74, %dma_wait3A_107] : memref<10240x128xf32, #tpu.memory_space<hbm>> -> memref<80x128xf32, #tpu.memory_space<hbm>>
      %dma_wait3A_109 = arith.constant 0 : i32
      %dma_wait3A_110 = tpu.memref_slice %arg4[%add3A_74, %dma_wait3A_109] : memref<10240x128xf32, #tpu.memory_space<hbm>> -> memref<80x128xf32, #tpu.memory_space<hbm>>
      tpu.wait_dma2 semaphore(%run_scoped3A : memref<!tpu.dma_semaphore, #tpu.memory_space<semaphore_mem>>) src(%arg7 : memref<80x128xf32, #tpu.memory_space<vmem>>) dst(%dma_wait3A_110 : memref<80x128xf32, #tpu.memory_space<hbm>>)
      tpu.yield
    }) : () -> ()
    %mul3A_75 = arith.constant 640 : i32
    %mul3A_76 = arith.muli %arg1, %mul3A_75 : i32
    %add3A_77 = arith.constant 80 : i32
    %add3A_78 = arith.addi %mul3A_76, %add3A_77 : i32
    "tpu.region"() ({
      %run_scoped3A = tpu.sem_alloc : memref<!tpu.dma_semaphore, #tpu.memory_space<semaphore_mem>>
      %dma_start3A_103 = arith.constant 0 : i32
      %dma_start3A_104 = tpu.memref_slice %arg9[%add3A_78, %dma_start3A_103] : memref<10240x128xf32, #tpu.memory_space<vmem_shared>> -> memref<80x128xf32, #tpu.memory_space<vmem_shared>>
      %dma_start3A_105 = arith.constant 0 : i32
      %dma_start3A_106 = tpu.memref_slice %arg9[%add3A_78, %dma_start3A_105] : memref<10240x128xf32, #tpu.memory_space<vmem_shared>> -> memref<80x128xf32, #tpu.memory_space<vmem_shared>>
      tpu.enqueue_dma source(%dma_start3A_106 : memref<80x128xf32, #tpu.memory_space<vmem_shared>>) target(%arg7 : memref<80x128xf32, #tpu.memory_space<vmem>>) target_semaphore(%run_scoped3A : memref<!tpu.dma_semaphore, #tpu.memory_space<semaphore_mem>>)
      %dma_wait3A_107 = arith.constant 0 : i32
      %dma_wait3A_108 = tpu.memref_slice %arg9[%add3A_78, %dma_wait3A_107] : memref<10240x128xf32, #tpu.memory_space<vmem_shared>> -> memref<80x128xf32, #tpu.memory_space<vmem_shared>>
      %dma_wait3A_109 = arith.constant 0 : i32
      %dma_wait3A_110 = tpu.memref_slice %arg9[%add3A_78, %dma_wait3A_109] : memref<10240x128xf32, #tpu.memory_space<vmem_shared>> -> memref<80x128xf32, #tpu.memory_space<vmem_shared>>
      tpu.wait_dma2 semaphore(%run_scoped3A : memref<!tpu.dma_semaphore, #tpu.memory_space<semaphore_mem>>) src(%dma_wait3A_110 : memref<80x128xf32, #tpu.memory_space<vmem_shared>>) dst(%arg7 : memref<80x128xf32, #tpu.memory_space<vmem>>)
      tpu.yield
    }) : () -> ()
    "tpu.region"() ({
      %run_scoped3A = tpu.sem_alloc : memref<!tpu.dma_semaphore, #tpu.memory_space<semaphore_mem>>
      %dma_start3A_103 = arith.constant 0 : i32
      %dma_start3A_104 = tpu.memref_slice %arg4[%add3A_78, %dma_start3A_103] : memref<10240x128xf32, #tpu.memory_space<hbm>> -> memref<80x128xf32, #tpu.memory_space<hbm>>
      %dma_start3A_105 = arith.constant 0 : i32
      %dma_start3A_106 = tpu.memref_slice %arg4[%add3A_78, %dma_start3A_105] : memref<10240x128xf32, #tpu.memory_space<hbm>> -> memref<80x128xf32, #tpu.memory_space<hbm>>
      tpu.enqueue_dma source(%arg7 : memref<80x128xf32, #tpu.memory_space<vmem>>) target(%dma_start3A_106 : memref<80x128xf32, #tpu.memory_space<hbm>>) target_semaphore(%run_scoped3A : memref<!tpu.dma_semaphore, #tpu.memory_space<semaphore_mem>>)
      %dma_wait3A_107 = arith.constant 0 : i32
      %dma_wait3A_108 = tpu.memref_slice %arg4[%add3A_78, %dma_wait3A_107] : memref<10240x128xf32, #tpu.memory_space<hbm>> -> memref<80x128xf32, #tpu.memory_space<hbm>>
      %dma_wait3A_109 = arith.constant 0 : i32
      %dma_wait3A_110 = tpu.memref_slice %arg4[%add3A_78, %dma_wait3A_109] : memref<10240x128xf32, #tpu.memory_space<hbm>> -> memref<80x128xf32, #tpu.memory_space<hbm>>
      tpu.wait_dma2 semaphore(%run_scoped3A : memref<!tpu.dma_semaphore, #tpu.memory_space<semaphore_mem>>) src(%arg7 : memref<80x128xf32, #tpu.memory_space<vmem>>) dst(%dma_wait3A_110 : memref<80x128xf32, #tpu.memory_space<hbm>>)
      tpu.yield
    }) : () -> ()
    %mul3A_79 = arith.constant 640 : i32
    %mul3A_80 = arith.muli %arg1, %mul3A_79 : i32
    %add3A_81 = arith.constant 160 : i32
    %add3A_82 = arith.addi %mul3A_80, %add3A_81 : i32
    "tpu.region"() ({
      %run_scoped3A = tpu.sem_alloc : memref<!tpu.dma_semaphore, #tpu.memory_space<semaphore_mem>>
      %dma_start3A_103 = arith.constant 0 : i32
      %dma_start3A_104 = tpu.memref_slice %arg9[%add3A_82, %dma_start3A_103] : memref<10240x128xf32, #tpu.memory_space<vmem_shared>> -> memref<80x128xf32, #tpu.memory_space<vmem_shared>>
      %dma_start3A_105 = arith.constant 0 : i32
      %dma_start3A_106 = tpu.memref_slice %arg9[%add3A_82, %dma_start3A_105] : memref<10240x128xf32, #tpu.memory_space<vmem_shared>> -> memref<80x128xf32, #tpu.memory_space<vmem_shared>>
      tpu.enqueue_dma source(%dma_start3A_106 : memref<80x128xf32, #tpu.memory_space<vmem_shared>>) target(%arg7 : memref<80x128xf32, #tpu.memory_space<vmem>>) target_semaphore(%run_scoped3A : memref<!tpu.dma_semaphore, #tpu.memory_space<semaphore_mem>>)
      %dma_wait3A_107 = arith.constant 0 : i32
      %dma_wait3A_108 = tpu.memref_slice %arg9[%add3A_82, %dma_wait3A_107] : memref<10240x128xf32, #tpu.memory_space<vmem_shared>> -> memref<80x128xf32, #tpu.memory_space<vmem_shared>>
      %dma_wait3A_109 = arith.constant 0 : i32
      %dma_wait3A_110 = tpu.memref_slice %arg9[%add3A_82, %dma_wait3A_109] : memref<10240x128xf32, #tpu.memory_space<vmem_shared>> -> memref<80x128xf32, #tpu.memory_space<vmem_shared>>
      tpu.wait_dma2 semaphore(%run_scoped3A : memref<!tpu.dma_semaphore, #tpu.memory_space<semaphore_mem>>) src(%dma_wait3A_110 : memref<80x128xf32, #tpu.memory_space<vmem_shared>>) dst(%arg7 : memref<80x128xf32, #tpu.memory_space<vmem>>)
      tpu.yield
    }) : () -> ()
    "tpu.region"() ({
      %run_scoped3A = tpu.sem_alloc : memref<!tpu.dma_semaphore, #tpu.memory_space<semaphore_mem>>
      %dma_start3A_103 = arith.constant 0 : i32
      %dma_start3A_104 = tpu.memref_slice %arg4[%add3A_82, %dma_start3A_103] : memref<10240x128xf32, #tpu.memory_space<hbm>> -> memref<80x128xf32, #tpu.memory_space<hbm>>
      %dma_start3A_105 = arith.constant 0 : i32
      %dma_start3A_106 = tpu.memref_slice %arg4[%add3A_82, %dma_start3A_105] : memref<10240x128xf32, #tpu.memory_space<hbm>> -> memref<80x128xf32, #tpu.memory_space<hbm>>
      tpu.enqueue_dma source(%arg7 : memref<80x128xf32, #tpu.memory_space<vmem>>) target(%dma_start3A_106 : memref<80x128xf32, #tpu.memory_space<hbm>>) target_semaphore(%run_scoped3A : memref<!tpu.dma_semaphore, #tpu.memory_space<semaphore_mem>>)
      %dma_wait3A_107 = arith.constant 0 : i32
      %dma_wait3A_108 = tpu.memref_slice %arg4[%add3A_82, %dma_wait3A_107] : memref<10240x128xf32, #tpu.memory_space<hbm>> -> memref<80x128xf32, #tpu.memory_space<hbm>>
      %dma_wait3A_109 = arith.constant 0 : i32
      %dma_wait3A_110 = tpu.memref_slice %arg4[%add3A_82, %dma_wait3A_109] : memref<10240x128xf32, #tpu.memory_space<hbm>> -> memref<80x128xf32, #tpu.memory_space<hbm>>
      tpu.wait_dma2 semaphore(%run_scoped3A : memref<!tpu.dma_semaphore, #tpu.memory_space<semaphore_mem>>) src(%arg7 : memref<80x128xf32, #tpu.memory_space<vmem>>) dst(%dma_wait3A_110 : memref<80x128xf32, #tpu.memory_space<hbm>>)
      tpu.yield
    }) : () -> ()
    %mul3A_83 = arith.constant 640 : i32
    %mul3A_84 = arith.muli %arg1, %mul3A_83 : i32
    %add3A_85 = arith.constant 240 : i32
    %add3A_86 = arith.addi %mul3A_84, %add3A_85 : i32
    "tpu.region"() ({
      %run_scoped3A = tpu.sem_alloc : memref<!tpu.dma_semaphore, #tpu.memory_space<semaphore_mem>>
      %dma_start3A_103 = arith.constant 0 : i32
      %dma_start3A_104 = tpu.memref_slice %arg9[%add3A_86, %dma_start3A_103] : memref<10240x128xf32, #tpu.memory_space<vmem_shared>> -> memref<80x128xf32, #tpu.memory_space<vmem_shared>>
      %dma_start3A_105 = arith.constant 0 : i32
      %dma_start3A_106 = tpu.memref_slice %arg9[%add3A_86, %dma_start3A_105] : memref<10240x128xf32, #tpu.memory_space<vmem_shared>> -> memref<80x128xf32, #tpu.memory_space<vmem_shared>>
      tpu.enqueue_dma source(%dma_start3A_106 : memref<80x128xf32, #tpu.memory_space<vmem_shared>>) target(%arg7 : memref<80x128xf32, #tpu.memory_space<vmem>>) target_semaphore(%run_scoped3A : memref<!tpu.dma_semaphore, #tpu.memory_space<semaphore_mem>>)
      %dma_wait3A_107 = arith.constant 0 : i32
      %dma_wait3A_108 = tpu.memref_slice %arg9[%add3A_86, %dma_wait3A_107] : memref<10240x128xf32, #tpu.memory_space<vmem_shared>> -> memref<80x128xf32, #tpu.memory_space<vmem_shared>>
      %dma_wait3A_109 = arith.constant 0 : i32
      %dma_wait3A_110 = tpu.memref_slice %arg9[%add3A_86, %dma_wait3A_109] : memref<10240x128xf32, #tpu.memory_space<vmem_shared>> -> memref<80x128xf32, #tpu.memory_space<vmem_shared>>
      tpu.wait_dma2 semaphore(%run_scoped3A : memref<!tpu.dma_semaphore, #tpu.memory_space<semaphore_mem>>) src(%dma_wait3A_110 : memref<80x128xf32, #tpu.memory_space<vmem_shared>>) dst(%arg7 : memref<80x128xf32, #tpu.memory_space<vmem>>)
      tpu.yield
    }) : () -> ()
    "tpu.region"() ({
      %run_scoped3A = tpu.sem_alloc : memref<!tpu.dma_semaphore, #tpu.memory_space<semaphore_mem>>
      %dma_start3A_103 = arith.constant 0 : i32
      %dma_start3A_104 = tpu.memref_slice %arg4[%add3A_86, %dma_start3A_103] : memref<10240x128xf32, #tpu.memory_space<hbm>> -> memref<80x128xf32, #tpu.memory_space<hbm>>
      %dma_start3A_105 = arith.constant 0 : i32
      %dma_start3A_106 = tpu.memref_slice %arg4[%add3A_86, %dma_start3A_105] : memref<10240x128xf32, #tpu.memory_space<hbm>> -> memref<80x128xf32, #tpu.memory_space<hbm>>
      tpu.enqueue_dma source(%arg7 : memref<80x128xf32, #tpu.memory_space<vmem>>) target(%dma_start3A_106 : memref<80x128xf32, #tpu.memory_space<hbm>>) target_semaphore(%run_scoped3A : memref<!tpu.dma_semaphore, #tpu.memory_space<semaphore_mem>>)
      %dma_wait3A_107 = arith.constant 0 : i32
      %dma_wait3A_108 = tpu.memref_slice %arg4[%add3A_86, %dma_wait3A_107] : memref<10240x128xf32, #tpu.memory_space<hbm>> -> memref<80x128xf32, #tpu.memory_space<hbm>>
      %dma_wait3A_109 = arith.constant 0 : i32
      %dma_wait3A_110 = tpu.memref_slice %arg4[%add3A_86, %dma_wait3A_109] : memref<10240x128xf32, #tpu.memory_space<hbm>> -> memref<80x128xf32, #tpu.memory_space<hbm>>
      tpu.wait_dma2 semaphore(%run_scoped3A : memref<!tpu.dma_semaphore, #tpu.memory_space<semaphore_mem>>) src(%arg7 : memref<80x128xf32, #tpu.memory_space<vmem>>) dst(%dma_wait3A_110 : memref<80x128xf32, #tpu.memory_space<hbm>>)
      tpu.yield
    }) : () -> ()
    %mul3A_87 = arith.constant 640 : i32
    %mul3A_88 = arith.muli %arg1, %mul3A_87 : i32
    %add3A_89 = arith.constant 320 : i32
    %add3A_90 = arith.addi %mul3A_88, %add3A_89 : i32
    "tpu.region"() ({
      %run_scoped3A = tpu.sem_alloc : memref<!tpu.dma_semaphore, #tpu.memory_space<semaphore_mem>>
      %dma_start3A_103 = arith.constant 0 : i32
      %dma_start3A_104 = tpu.memref_slice %arg9[%add3A_90, %dma_start3A_103] : memref<10240x128xf32, #tpu.memory_space<vmem_shared>> -> memref<80x128xf32, #tpu.memory_space<vmem_shared>>
      %dma_start3A_105 = arith.constant 0 : i32
      %dma_start3A_106 = tpu.memref_slice %arg9[%add3A_90, %dma_start3A_105] : memref<10240x128xf32, #tpu.memory_space<vmem_shared>> -> memref<80x128xf32, #tpu.memory_space<vmem_shared>>
      tpu.enqueue_dma source(%dma_start3A_106 : memref<80x128xf32, #tpu.memory_space<vmem_shared>>) target(%arg7 : memref<80x128xf32, #tpu.memory_space<vmem>>) target_semaphore(%run_scoped3A : memref<!tpu.dma_semaphore, #tpu.memory_space<semaphore_mem>>)
      %dma_wait3A_107 = arith.constant 0 : i32
      %dma_wait3A_108 = tpu.memref_slice %arg9[%add3A_90, %dma_wait3A_107] : memref<10240x128xf32, #tpu.memory_space<vmem_shared>> -> memref<80x128xf32, #tpu.memory_space<vmem_shared>>
      %dma_wait3A_109 = arith.constant 0 : i32
      %dma_wait3A_110 = tpu.memref_slice %arg9[%add3A_90, %dma_wait3A_109] : memref<10240x128xf32, #tpu.memory_space<vmem_shared>> -> memref<80x128xf32, #tpu.memory_space<vmem_shared>>
      tpu.wait_dma2 semaphore(%run_scoped3A : memref<!tpu.dma_semaphore, #tpu.memory_space<semaphore_mem>>) src(%dma_wait3A_110 : memref<80x128xf32, #tpu.memory_space<vmem_shared>>) dst(%arg7 : memref<80x128xf32, #tpu.memory_space<vmem>>)
      tpu.yield
    }) : () -> ()
    "tpu.region"() ({
      %run_scoped3A = tpu.sem_alloc : memref<!tpu.dma_semaphore, #tpu.memory_space<semaphore_mem>>
      %dma_start3A_103 = arith.constant 0 : i32
      %dma_start3A_104 = tpu.memref_slice %arg4[%add3A_90, %dma_start3A_103] : memref<10240x128xf32, #tpu.memory_space<hbm>> -> memref<80x128xf32, #tpu.memory_space<hbm>>
      %dma_start3A_105 = arith.constant 0 : i32
      %dma_start3A_106 = tpu.memref_slice %arg4[%add3A_90, %dma_start3A_105] : memref<10240x128xf32, #tpu.memory_space<hbm>> -> memref<80x128xf32, #tpu.memory_space<hbm>>
      tpu.enqueue_dma source(%arg7 : memref<80x128xf32, #tpu.memory_space<vmem>>) target(%dma_start3A_106 : memref<80x128xf32, #tpu.memory_space<hbm>>) target_semaphore(%run_scoped3A : memref<!tpu.dma_semaphore, #tpu.memory_space<semaphore_mem>>)
      %dma_wait3A_107 = arith.constant 0 : i32
      %dma_wait3A_108 = tpu.memref_slice %arg4[%add3A_90, %dma_wait3A_107] : memref<10240x128xf32, #tpu.memory_space<hbm>> -> memref<80x128xf32, #tpu.memory_space<hbm>>
      %dma_wait3A_109 = arith.constant 0 : i32
      %dma_wait3A_110 = tpu.memref_slice %arg4[%add3A_90, %dma_wait3A_109] : memref<10240x128xf32, #tpu.memory_space<hbm>> -> memref<80x128xf32, #tpu.memory_space<hbm>>
      tpu.wait_dma2 semaphore(%run_scoped3A : memref<!tpu.dma_semaphore, #tpu.memory_space<semaphore_mem>>) src(%arg7 : memref<80x128xf32, #tpu.memory_space<vmem>>) dst(%dma_wait3A_110 : memref<80x128xf32, #tpu.memory_space<hbm>>)
      tpu.yield
    }) : () -> ()
    %mul3A_91 = arith.constant 640 : i32
    %mul3A_92 = arith.muli %arg1, %mul3A_91 : i32
    %add3A_93 = arith.constant 400 : i32
    %add3A_94 = arith.addi %mul3A_92, %add3A_93 : i32
    "tpu.region"() ({
      %run_scoped3A = tpu.sem_alloc : memref<!tpu.dma_semaphore, #tpu.memory_space<semaphore_mem>>
      %dma_start3A_103 = arith.constant 0 : i32
      %dma_start3A_104 = tpu.memref_slice %arg9[%add3A_94, %dma_start3A_103] : memref<10240x128xf32, #tpu.memory_space<vmem_shared>> -> memref<80x128xf32, #tpu.memory_space<vmem_shared>>
      %dma_start3A_105 = arith.constant 0 : i32
      %dma_start3A_106 = tpu.memref_slice %arg9[%add3A_94, %dma_start3A_105] : memref<10240x128xf32, #tpu.memory_space<vmem_shared>> -> memref<80x128xf32, #tpu.memory_space<vmem_shared>>
      tpu.enqueue_dma source(%dma_start3A_106 : memref<80x128xf32, #tpu.memory_space<vmem_shared>>) target(%arg7 : memref<80x128xf32, #tpu.memory_space<vmem>>) target_semaphore(%run_scoped3A : memref<!tpu.dma_semaphore, #tpu.memory_space<semaphore_mem>>)
      %dma_wait3A_107 = arith.constant 0 : i32
      %dma_wait3A_108 = tpu.memref_slice %arg9[%add3A_94, %dma_wait3A_107] : memref<10240x128xf32, #tpu.memory_space<vmem_shared>> -> memref<80x128xf32, #tpu.memory_space<vmem_shared>>
      %dma_wait3A_109 = arith.constant 0 : i32
      %dma_wait3A_110 = tpu.memref_slice %arg9[%add3A_94, %dma_wait3A_109] : memref<10240x128xf32, #tpu.memory_space<vmem_shared>> -> memref<80x128xf32, #tpu.memory_space<vmem_shared>>
      tpu.wait_dma2 semaphore(%run_scoped3A : memref<!tpu.dma_semaphore, #tpu.memory_space<semaphore_mem>>) src(%dma_wait3A_110 : memref<80x128xf32, #tpu.memory_space<vmem_shared>>) dst(%arg7 : memref<80x128xf32, #tpu.memory_space<vmem>>)
      tpu.yield
    }) : () -> ()
    "tpu.region"() ({
      %run_scoped3A = tpu.sem_alloc : memref<!tpu.dma_semaphore, #tpu.memory_space<semaphore_mem>>
      %dma_start3A_103 = arith.constant 0 : i32
      %dma_start3A_104 = tpu.memref_slice %arg4[%add3A_94, %dma_start3A_103] : memref<10240x128xf32, #tpu.memory_space<hbm>> -> memref<80x128xf32, #tpu.memory_space<hbm>>
      %dma_start3A_105 = arith.constant 0 : i32
      %dma_start3A_106 = tpu.memref_slice %arg4[%add3A_94, %dma_start3A_105] : memref<10240x128xf32, #tpu.memory_space<hbm>> -> memref<80x128xf32, #tpu.memory_space<hbm>>
      tpu.enqueue_dma source(%arg7 : memref<80x128xf32, #tpu.memory_space<vmem>>) target(%dma_start3A_106 : memref<80x128xf32, #tpu.memory_space<hbm>>) target_semaphore(%run_scoped3A : memref<!tpu.dma_semaphore, #tpu.memory_space<semaphore_mem>>)
      %dma_wait3A_107 = arith.constant 0 : i32
      %dma_wait3A_108 = tpu.memref_slice %arg4[%add3A_94, %dma_wait3A_107] : memref<10240x128xf32, #tpu.memory_space<hbm>> -> memref<80x128xf32, #tpu.memory_space<hbm>>
      %dma_wait3A_109 = arith.constant 0 : i32
      %dma_wait3A_110 = tpu.memref_slice %arg4[%add3A_94, %dma_wait3A_109] : memref<10240x128xf32, #tpu.memory_space<hbm>> -> memref<80x128xf32, #tpu.memory_space<hbm>>
      tpu.wait_dma2 semaphore(%run_scoped3A : memref<!tpu.dma_semaphore, #tpu.memory_space<semaphore_mem>>) src(%arg7 : memref<80x128xf32, #tpu.memory_space<vmem>>) dst(%dma_wait3A_110 : memref<80x128xf32, #tpu.memory_space<hbm>>)
      tpu.yield
    }) : () -> ()
    %mul3A_95 = arith.constant 640 : i32
    %mul3A_96 = arith.muli %arg1, %mul3A_95 : i32
    %add3A_97 = arith.constant 480 : i32
    %add3A_98 = arith.addi %mul3A_96, %add3A_97 : i32
    "tpu.region"() ({
      %run_scoped3A = tpu.sem_alloc : memref<!tpu.dma_semaphore, #tpu.memory_space<semaphore_mem>>
      %dma_start3A_103 = arith.constant 0 : i32
      %dma_start3A_104 = tpu.memref_slice %arg9[%add3A_98, %dma_start3A_103] : memref<10240x128xf32, #tpu.memory_space<vmem_shared>> -> memref<80x128xf32, #tpu.memory_space<vmem_shared>>
      %dma_start3A_105 = arith.constant 0 : i32
      %dma_start3A_106 = tpu.memref_slice %arg9[%add3A_98, %dma_start3A_105] : memref<10240x128xf32, #tpu.memory_space<vmem_shared>> -> memref<80x128xf32, #tpu.memory_space<vmem_shared>>
      tpu.enqueue_dma source(%dma_start3A_106 : memref<80x128xf32, #tpu.memory_space<vmem_shared>>) target(%arg7 : memref<80x128xf32, #tpu.memory_space<vmem>>) target_semaphore(%run_scoped3A : memref<!tpu.dma_semaphore, #tpu.memory_space<semaphore_mem>>)
      %dma_wait3A_107 = arith.constant 0 : i32
      %dma_wait3A_108 = tpu.memref_slice %arg9[%add3A_98, %dma_wait3A_107] : memref<10240x128xf32, #tpu.memory_space<vmem_shared>> -> memref<80x128xf32, #tpu.memory_space<vmem_shared>>
      %dma_wait3A_109 = arith.constant 0 : i32
      %dma_wait3A_110 = tpu.memref_slice %arg9[%add3A_98, %dma_wait3A_109] : memref<10240x128xf32, #tpu.memory_space<vmem_shared>> -> memref<80x128xf32, #tpu.memory_space<vmem_shared>>
      tpu.wait_dma2 semaphore(%run_scoped3A : memref<!tpu.dma_semaphore, #tpu.memory_space<semaphore_mem>>) src(%dma_wait3A_110 : memref<80x128xf32, #tpu.memory_space<vmem_shared>>) dst(%arg7 : memref<80x128xf32, #tpu.memory_space<vmem>>)
      tpu.yield
    }) : () -> ()
    "tpu.region"() ({
      %run_scoped3A = tpu.sem_alloc : memref<!tpu.dma_semaphore, #tpu.memory_space<semaphore_mem>>
      %dma_start3A_103 = arith.constant 0 : i32
      %dma_start3A_104 = tpu.memref_slice %arg4[%add3A_98, %dma_start3A_103] : memref<10240x128xf32, #tpu.memory_space<hbm>> -> memref<80x128xf32, #tpu.memory_space<hbm>>
      %dma_start3A_105 = arith.constant 0 : i32
      %dma_start3A_106 = tpu.memref_slice %arg4[%add3A_98, %dma_start3A_105] : memref<10240x128xf32, #tpu.memory_space<hbm>> -> memref<80x128xf32, #tpu.memory_space<hbm>>
      tpu.enqueue_dma source(%arg7 : memref<80x128xf32, #tpu.memory_space<vmem>>) target(%dma_start3A_106 : memref<80x128xf32, #tpu.memory_space<hbm>>) target_semaphore(%run_scoped3A : memref<!tpu.dma_semaphore, #tpu.memory_space<semaphore_mem>>)
      %dma_wait3A_107 = arith.constant 0 : i32
      %dma_wait3A_108 = tpu.memref_slice %arg4[%add3A_98, %dma_wait3A_107] : memref<10240x128xf32, #tpu.memory_space<hbm>> -> memref<80x128xf32, #tpu.memory_space<hbm>>
      %dma_wait3A_109 = arith.constant 0 : i32
      %dma_wait3A_110 = tpu.memref_slice %arg4[%add3A_98, %dma_wait3A_109] : memref<10240x128xf32, #tpu.memory_space<hbm>> -> memref<80x128xf32, #tpu.memory_space<hbm>>
      tpu.wait_dma2 semaphore(%run_scoped3A : memref<!tpu.dma_semaphore, #tpu.memory_space<semaphore_mem>>) src(%arg7 : memref<80x128xf32, #tpu.memory_space<vmem>>) dst(%dma_wait3A_110 : memref<80x128xf32, #tpu.memory_space<hbm>>)
      tpu.yield
    }) : () -> ()
    %mul3A_99 = arith.constant 640 : i32
    %mul3A_100 = arith.muli %arg1, %mul3A_99 : i32
    %add3A_101 = arith.constant 560 : i32
    %add3A_102 = arith.addi %mul3A_100, %add3A_101 : i32
    "tpu.region"() ({
      %run_scoped3A = tpu.sem_alloc : memref<!tpu.dma_semaphore, #tpu.memory_space<semaphore_mem>>
      %dma_start3A_103 = arith.constant 0 : i32
      %dma_start3A_104 = tpu.memref_slice %arg9[%add3A_102, %dma_start3A_103] : memref<10240x128xf32, #tpu.memory_space<vmem_shared>> -> memref<80x128xf32, #tpu.memory_space<vmem_shared>>
      %dma_start3A_105 = arith.constant 0 : i32
      %dma_start3A_106 = tpu.memref_slice %arg9[%add3A_102, %dma_start3A_105] : memref<10240x128xf32, #tpu.memory_space<vmem_shared>> -> memref<80x128xf32, #tpu.memory_space<vmem_shared>>
      tpu.enqueue_dma source(%dma_start3A_106 : memref<80x128xf32, #tpu.memory_space<vmem_shared>>) target(%arg7 : memref<80x128xf32, #tpu.memory_space<vmem>>) target_semaphore(%run_scoped3A : memref<!tpu.dma_semaphore, #tpu.memory_space<semaphore_mem>>)
      %dma_wait3A_107 = arith.constant 0 : i32
      %dma_wait3A_108 = tpu.memref_slice %arg9[%add3A_102, %dma_wait3A_107] : memref<10240x128xf32, #tpu.memory_space<vmem_shared>> -> memref<80x128xf32, #tpu.memory_space<vmem_shared>>
      %dma_wait3A_109 = arith.constant 0 : i32
      %dma_wait3A_110 = tpu.memref_slice %arg9[%add3A_102, %dma_wait3A_109] : memref<10240x128xf32, #tpu.memory_space<vmem_shared>> -> memref<80x128xf32, #tpu.memory_space<vmem_shared>>
      tpu.wait_dma2 semaphore(%run_scoped3A : memref<!tpu.dma_semaphore, #tpu.memory_space<semaphore_mem>>) src(%dma_wait3A_110 : memref<80x128xf32, #tpu.memory_space<vmem_shared>>) dst(%arg7 : memref<80x128xf32, #tpu.memory_space<vmem>>)
      tpu.yield
    }) : () -> ()
    "tpu.region"() ({
      %run_scoped3A = tpu.sem_alloc : memref<!tpu.dma_semaphore, #tpu.memory_space<semaphore_mem>>
      %dma_start3A_103 = arith.constant 0 : i32
      %dma_start3A_104 = tpu.memref_slice %arg4[%add3A_102, %dma_start3A_103] : memref<10240x128xf32, #tpu.memory_space<hbm>> -> memref<80x128xf32, #tpu.memory_space<hbm>>
      %dma_start3A_105 = arith.constant 0 : i32
      %dma_start3A_106 = tpu.memref_slice %arg4[%add3A_102, %dma_start3A_105] : memref<10240x128xf32, #tpu.memory_space<hbm>> -> memref<80x128xf32, #tpu.memory_space<hbm>>
      tpu.enqueue_dma source(%arg7 : memref<80x128xf32, #tpu.memory_space<vmem>>) target(%dma_start3A_106 : memref<80x128xf32, #tpu.memory_space<hbm>>) target_semaphore(%run_scoped3A : memref<!tpu.dma_semaphore, #tpu.memory_space<semaphore_mem>>)
      %dma_wait3A_107 = arith.constant 0 : i32
      %dma_wait3A_108 = tpu.memref_slice %arg4[%add3A_102, %dma_wait3A_107] : memref<10240x128xf32, #tpu.memory_space<hbm>> -> memref<80x128xf32, #tpu.memory_space<hbm>>
      %dma_wait3A_109 = arith.constant 0 : i32
      %dma_wait3A_110 = tpu.memref_slice %arg4[%add3A_102, %dma_wait3A_109] : memref<10240x128xf32, #tpu.memory_space<hbm>> -> memref<80x128xf32, #tpu.memory_space<hbm>>
      tpu.wait_dma2 semaphore(%run_scoped3A : memref<!tpu.dma_semaphore, #tpu.memory_space<semaphore_mem>>) src(%arg7 : memref<80x128xf32, #tpu.memory_space<vmem>>) dst(%dma_wait3A_110 : memref<80x128xf32, #tpu.memory_space<hbm>>)
      tpu.yield
    }) : () -> ()
    return
  }
}

#map = affine_map<(d0, d1) -> (0, 0)>
#map1 = affine_map<(d0, d1) -> (0)>
module attributes {stable_mosaic.version = 14 : i64} {
  func.func @k(%arg0: i32, %arg1: i32, %arg2: memref<10000x256xf32, #tpu.memory_space<hbm>>, %arg3: memref<10000x128xf32, #tpu.memory_space<hbm>>, %arg4: memref<320000xi32, #tpu.memory_space<hbm>>, %arg5: memref<320000xi32, #tpu.memory_space<hbm>>, %arg6: memref<40000xf32, #tpu.memory_space<hbm>>, %arg7: memref<320000xf32, #tpu.memory_space<hbm>>, %arg8: memref<320000xf32, #tpu.memory_space<hbm>>, %arg9: memref<320000xf32, #tpu.memory_space<hbm>>, %arg10: memref<320000xf32, #tpu.memory_space<hbm>>, %arg11: memref<320000xf32, #tpu.memory_space<hbm>>, %arg12: memref<320000x256xf32, #tpu.memory_space<hbm>>, %arg13: memref<320000x128xf32, #tpu.memory_space<hbm>>, %arg14: memref<320000xf32, #tpu.memory_space<hbm>>, %arg15: memref<10000xi32, #tpu.memory_space<vmem>>, %arg16: memref<10000xi32, #tpu.memory_space<vmem>>, %arg17: memref<80x256xf32, #tpu.memory_space<vmem>>, %arg18: memref<80x256xf32, #tpu.memory_space<vmem>>, %arg19: memref<80x128xf32, #tpu.memory_space<vmem>>, %arg20: memref<80x128xf32, #tpu.memory_space<vmem>>, %arg21: memref<40000xf32, #tpu.memory_space<vmem>>, %arg22: memref<80xf32, #tpu.memory_space<vmem>>, %arg23: memref<80xf32, #tpu.memory_space<vmem>>, %arg24: memref<80xf32, #tpu.memory_space<vmem>>, %arg25: memref<80xf32, #tpu.memory_space<vmem>>, %arg26: memref<80xf32, #tpu.memory_space<vmem>>, %arg27: memref<80xf32, #tpu.memory_space<vmem>>, %arg28: memref<80xf32, #tpu.memory_space<vmem>>, %arg29: memref<80xf32, #tpu.memory_space<vmem>>, %arg30: memref<80xf32, #tpu.memory_space<vmem>>, %arg31: memref<80xf32, #tpu.memory_space<vmem>>, %arg32: memref<80xf32, #tpu.memory_space<vmem>>, %arg33: memref<80xf32, #tpu.memory_space<vmem>>, %arg34: memref<!tpu.dma_semaphore, #tpu.memory_space<semaphore_mem>>, %arg35: memref<!tpu.dma_semaphore, #tpu.memory_space<semaphore_mem>>, %arg36: memref<!tpu.dma_semaphore, #tpu.memory_space<semaphore_mem>>, %arg37: memref<!tpu.dma_semaphore, #tpu.memory_space<semaphore_mem>>) attributes {dimension_semantics = [#tpu.dimension_semantics<core_parallel>, #tpu.dimension_semantics<subcore_parallel>], iteration_bounds = array<i64: 2, 16>, scalar_prefetch = 0 : i64, scratch_operands = 23 : i64, tpu.core_type = #tpu.core_type<sc_vector_subcore>, window_params = [{transform_indices = #map}, {transform_indices = #map}, {transform_indices = #map1}, {transform_indices = #map1}, {transform_indices = #map1}, {transform_indices = #map1}, {transform_indices = #map1}, {transform_indices = #map1}, {transform_indices = #map1}, {transform_indices = #map1}, {transform_indices = #map}, {transform_indices = #map}, {transform_indices = #map1}]} {
    %mul3A = arith.constant 16 : i32
    %mul3A_0 = arith.muli %arg0, %mul3A : i32
    %add3A = arith.addi %mul3A_0, %arg1 : i32
    %mul3A_1 = arith.constant 10000 : i32
    %mul3A_2 = arith.muli %add3A, %mul3A_1 : i32
    %add3A_3 = arith.constant 0 : i32
    %add3A_4 = arith.addi %add3A_3, %mul3A_2 : i32
    "tpu.region"() ({
      %run_scoped3A = tpu.sem_alloc : memref<!tpu.dma_semaphore, #tpu.memory_space<semaphore_mem>>
      %dma_start3A_455 = tpu.memref_slice %arg4[%add3A_4] : memref<320000xi32, #tpu.memory_space<hbm>> -> memref<10000xi32, #tpu.memory_space<hbm>>
      %dma_start3A_456 = tpu.memref_slice %arg4[%add3A_4] : memref<320000xi32, #tpu.memory_space<hbm>> -> memref<10000xi32, #tpu.memory_space<hbm>>
      tpu.enqueue_dma source(%dma_start3A_456 : memref<10000xi32, #tpu.memory_space<hbm>>) target(%arg15 : memref<10000xi32, #tpu.memory_space<vmem>>) target_semaphore(%run_scoped3A : memref<!tpu.dma_semaphore, #tpu.memory_space<semaphore_mem>>)
      %dma_wait3A_457 = tpu.memref_slice %arg4[%add3A_4] : memref<320000xi32, #tpu.memory_space<hbm>> -> memref<10000xi32, #tpu.memory_space<hbm>>
      %dma_wait3A_458 = tpu.memref_slice %arg4[%add3A_4] : memref<320000xi32, #tpu.memory_space<hbm>> -> memref<10000xi32, #tpu.memory_space<hbm>>
      tpu.wait_dma2 semaphore(%run_scoped3A : memref<!tpu.dma_semaphore, #tpu.memory_space<semaphore_mem>>) src(%dma_wait3A_458 : memref<10000xi32, #tpu.memory_space<hbm>>) dst(%arg15 : memref<10000xi32, #tpu.memory_space<vmem>>)
      tpu.yield
    }) : () -> ()
    "tpu.region"() ({
      %run_scoped3A = tpu.sem_alloc : memref<!tpu.dma_semaphore, #tpu.memory_space<semaphore_mem>>
      %dma_start3A_455 = tpu.memref_slice %arg5[%add3A_4] : memref<320000xi32, #tpu.memory_space<hbm>> -> memref<10000xi32, #tpu.memory_space<hbm>>
      %dma_start3A_456 = tpu.memref_slice %arg5[%add3A_4] : memref<320000xi32, #tpu.memory_space<hbm>> -> memref<10000xi32, #tpu.memory_space<hbm>>
      tpu.enqueue_dma source(%dma_start3A_456 : memref<10000xi32, #tpu.memory_space<hbm>>) target(%arg16 : memref<10000xi32, #tpu.memory_space<vmem>>) target_semaphore(%run_scoped3A : memref<!tpu.dma_semaphore, #tpu.memory_space<semaphore_mem>>)
      %dma_wait3A_457 = tpu.memref_slice %arg5[%add3A_4] : memref<320000xi32, #tpu.memory_space<hbm>> -> memref<10000xi32, #tpu.memory_space<hbm>>
      %dma_wait3A_458 = tpu.memref_slice %arg5[%add3A_4] : memref<320000xi32, #tpu.memory_space<hbm>> -> memref<10000xi32, #tpu.memory_space<hbm>>
      tpu.wait_dma2 semaphore(%run_scoped3A : memref<!tpu.dma_semaphore, #tpu.memory_space<semaphore_mem>>) src(%dma_wait3A_458 : memref<10000xi32, #tpu.memory_space<hbm>>) dst(%arg16 : memref<10000xi32, #tpu.memory_space<vmem>>)
      tpu.yield
    }) : () -> ()
    "tpu.region"() ({
      %run_scoped3A = tpu.sem_alloc : memref<!tpu.dma_semaphore, #tpu.memory_space<semaphore_mem>>
      tpu.enqueue_dma source(%arg6 : memref<40000xf32, #tpu.memory_space<hbm>>) target(%arg21 : memref<40000xf32, #tpu.memory_space<vmem>>) target_semaphore(%run_scoped3A : memref<!tpu.dma_semaphore, #tpu.memory_space<semaphore_mem>>)
      tpu.wait_dma2 semaphore(%run_scoped3A : memref<!tpu.dma_semaphore, #tpu.memory_space<semaphore_mem>>) src(%arg6 : memref<40000xf32, #tpu.memory_space<hbm>>) dst(%arg21 : memref<40000xf32, #tpu.memory_space<vmem>>)
      tpu.yield
    }) : () -> ()
    %add3A_5 = arith.constant 0 : i32
    %add3A_6 = arith.addi %add3A_4, %add3A_5 : i32
    %dma_start3A = arith.constant 0 : i32
    %dma_start3A_7 = tpu.memref_slice %arg15[%dma_start3A] : memref<10000xi32, #tpu.memory_space<vmem>> -> memref<80xi32, #tpu.memory_space<vmem>>
    %dma_start3A_8 = arith.constant 0 : i32
    %dma_start3A_9 = arith.constant 0 : i32
    %dma_start3A_10 = tpu.memref_slice %arg2[%dma_start3A_8, %dma_start3A_9] : memref<10000x256xf32, #tpu.memory_space<hbm>> -> memref<10000x256xf32, #tpu.memory_space<hbm>>
    tpu.enqueue_indirect_dma source(%dma_start3A_10 : memref<10000x256xf32, #tpu.memory_space<hbm>>) target(%arg17 : memref<80x256xf32, #tpu.memory_space<vmem>>) offsets(%dma_start3A_7 : memref<80xi32, #tpu.memory_space<vmem>>) semaphore(%arg34 : memref<!tpu.dma_semaphore, #tpu.memory_space<semaphore_mem>>)
    %dma_start3A_11 = arith.constant 0 : i32
    %dma_start3A_12 = tpu.memref_slice %arg16[%dma_start3A_11] : memref<10000xi32, #tpu.memory_space<vmem>> -> memref<80xi32, #tpu.memory_space<vmem>>
    %dma_start3A_13 = arith.constant 0 : i32
    %dma_start3A_14 = arith.constant 0 : i32
    %dma_start3A_15 = tpu.memref_slice %arg3[%dma_start3A_13, %dma_start3A_14] : memref<10000x128xf32, #tpu.memory_space<hbm>> -> memref<10000x128xf32, #tpu.memory_space<hbm>>
    tpu.enqueue_indirect_dma source(%dma_start3A_15 : memref<10000x128xf32, #tpu.memory_space<hbm>>) target(%arg19 : memref<80x128xf32, #tpu.memory_space<vmem>>) offsets(%dma_start3A_12 : memref<80xi32, #tpu.memory_space<vmem>>) semaphore(%arg34 : memref<!tpu.dma_semaphore, #tpu.memory_space<semaphore_mem>>)
    %dma_start3A_16 = tpu.memref_slice %arg7[%add3A_6] : memref<320000xf32, #tpu.memory_space<hbm>> -> memref<80xf32, #tpu.memory_space<hbm>>
    %dma_start3A_17 = tpu.memref_slice %arg7[%add3A_6] : memref<320000xf32, #tpu.memory_space<hbm>> -> memref<80xf32, #tpu.memory_space<hbm>>
    tpu.enqueue_dma source(%dma_start3A_17 : memref<80xf32, #tpu.memory_space<hbm>>) target(%arg22 : memref<80xf32, #tpu.memory_space<vmem>>) target_semaphore(%arg34 : memref<!tpu.dma_semaphore, #tpu.memory_space<semaphore_mem>>)
    %dma_start3A_18 = tpu.memref_slice %arg8[%add3A_6] : memref<320000xf32, #tpu.memory_space<hbm>> -> memref<80xf32, #tpu.memory_space<hbm>>
    %dma_start3A_19 = tpu.memref_slice %arg8[%add3A_6] : memref<320000xf32, #tpu.memory_space<hbm>> -> memref<80xf32, #tpu.memory_space<hbm>>
    tpu.enqueue_dma source(%dma_start3A_19 : memref<80xf32, #tpu.memory_space<hbm>>) target(%arg23 : memref<80xf32, #tpu.memory_space<vmem>>) target_semaphore(%arg34 : memref<!tpu.dma_semaphore, #tpu.memory_space<semaphore_mem>>)
    %dma_start3A_20 = tpu.memref_slice %arg9[%add3A_6] : memref<320000xf32, #tpu.memory_space<hbm>> -> memref<80xf32, #tpu.memory_space<hbm>>
    %dma_start3A_21 = tpu.memref_slice %arg9[%add3A_6] : memref<320000xf32, #tpu.memory_space<hbm>> -> memref<80xf32, #tpu.memory_space<hbm>>
    tpu.enqueue_dma source(%dma_start3A_21 : memref<80xf32, #tpu.memory_space<hbm>>) target(%arg24 : memref<80xf32, #tpu.memory_space<vmem>>) target_semaphore(%arg34 : memref<!tpu.dma_semaphore, #tpu.memory_space<semaphore_mem>>)
    %dma_start3A_22 = tpu.memref_slice %arg10[%add3A_6] : memref<320000xf32, #tpu.memory_space<hbm>> -> memref<80xf32, #tpu.memory_space<hbm>>
    %dma_start3A_23 = tpu.memref_slice %arg10[%add3A_6] : memref<320000xf32, #tpu.memory_space<hbm>> -> memref<80xf32, #tpu.memory_space<hbm>>
    tpu.enqueue_dma source(%dma_start3A_23 : memref<80xf32, #tpu.memory_space<hbm>>) target(%arg25 : memref<80xf32, #tpu.memory_space<vmem>>) target_semaphore(%arg34 : memref<!tpu.dma_semaphore, #tpu.memory_space<semaphore_mem>>)
    %dma_start3A_24 = tpu.memref_slice %arg11[%add3A_6] : memref<320000xf32, #tpu.memory_space<hbm>> -> memref<80xf32, #tpu.memory_space<hbm>>
    %dma_start3A_25 = tpu.memref_slice %arg11[%add3A_6] : memref<320000xf32, #tpu.memory_space<hbm>> -> memref<80xf32, #tpu.memory_space<hbm>>
    tpu.enqueue_dma source(%dma_start3A_25 : memref<80xf32, #tpu.memory_space<hbm>>) target(%arg26 : memref<80xf32, #tpu.memory_space<vmem>>) target_semaphore(%arg34 : memref<!tpu.dma_semaphore, #tpu.memory_space<semaphore_mem>>)
    %scan3A = arith.constant 0 : i32
    %scan3A_26 = arith.constant 62 : i32
    %scan3A_27 = arith.addi %scan3A, %scan3A_26 : i32
    %scan3A_28 = arith.constant 1 : i32
    scf.for %scan3A_455 = %scan3A to %scan3A_27 step %scan3A_28  : i32 {
      %mul3A_456 = arith.constant 1 : i32
      %mul3A_457 = arith.muli %scan3A_455, %mul3A_456 : i32
      %add3A_458 = arith.constant 0 : i32
      %add3A_459 = arith.addi %add3A_458, %mul3A_457 : i32
      %mul3A_460 = arith.constant 2 : i32
      %mul3A_461 = arith.muli %mul3A_460, %add3A_459 : i32
      %add3A_462 = arith.constant 1 : i32
      %add3A_463 = arith.addi %mul3A_461, %add3A_462 : i32
      %lt3A = arith.constant 125 : i32
      %lt3A_464 = arith.cmpi slt, %add3A_463, %lt3A : i32
      %convert_element_type3A = arith.extui %lt3A_464 : i1 to i32
      %cond3A = arith.constant 0 : i32
      %cond3A_465 = arith.cmpi ne, %convert_element_type3A, %cond3A : i32
      scf.if %cond3A_465 {
        %ge3A = arith.constant 1 : i32
        %ge3A_1321 = arith.cmpi sge, %mul3A_461, %ge3A : i32
        %convert_element_type3A_1322 = arith.extui %ge3A_1321 : i1 to i32
        %cond3A_1323 = arith.constant 0 : i32
        %cond3A_1324 = arith.cmpi ne, %convert_element_type3A_1322, %cond3A_1323 : i32
        scf.if %cond3A_1324 {
          %sub3A_1348 = arith.constant 1 : i32
          %sub3A_1349 = arith.subi %mul3A_461, %sub3A_1348 : i32
          %mul3A_1350 = arith.constant 80 : i32
          %mul3A_1351 = arith.muli %sub3A_1349, %mul3A_1350 : i32
          %add3A_1352 = arith.addi %add3A_4, %mul3A_1351 : i32
          %sub3A_1353 = arith.constant 0 : i32
          %sub3A_1354 = arith.subi %add3A_1352, %sub3A_1353 : i32
          %sub3A_1355 = arith.constant 0 : i32
          %sub3A_1356 = arith.subi %add3A_1352, %sub3A_1355 : i32
          %sub3A_1357 = arith.constant 0 : i32
          %sub3A_1358 = arith.subi %add3A_1352, %sub3A_1357 : i32
          %dma_wait3A_1359 = arith.constant 0 : i32
          %dma_wait3A_1360 = tpu.memref_slice %arg12[%sub3A_1354, %dma_wait3A_1359] : memref<320000x256xf32, #tpu.memory_space<hbm>> -> memref<80x256xf32, #tpu.memory_space<hbm>>
          %dma_wait3A_1361 = arith.constant 0 : i32
          %dma_wait3A_1362 = tpu.memref_slice %arg12[%sub3A_1354, %dma_wait3A_1361] : memref<320000x256xf32, #tpu.memory_space<hbm>> -> memref<80x256xf32, #tpu.memory_space<hbm>>
          tpu.wait_dma2 semaphore(%arg37 : memref<!tpu.dma_semaphore, #tpu.memory_space<semaphore_mem>>) src(%arg18 : memref<80x256xf32, #tpu.memory_space<vmem>>) dst(%dma_wait3A_1362 : memref<80x256xf32, #tpu.memory_space<hbm>>)
          %dma_wait3A_1363 = arith.constant 0 : i32
          %dma_wait3A_1364 = tpu.memref_slice %arg13[%sub3A_1356, %dma_wait3A_1363] : memref<320000x128xf32, #tpu.memory_space<hbm>> -> memref<80x128xf32, #tpu.memory_space<hbm>>
          %dma_wait3A_1365 = arith.constant 0 : i32
          %dma_wait3A_1366 = tpu.memref_slice %arg13[%sub3A_1356, %dma_wait3A_1365] : memref<320000x128xf32, #tpu.memory_space<hbm>> -> memref<80x128xf32, #tpu.memory_space<hbm>>
          tpu.wait_dma2 semaphore(%arg37 : memref<!tpu.dma_semaphore, #tpu.memory_space<semaphore_mem>>) src(%arg20 : memref<80x128xf32, #tpu.memory_space<vmem>>) dst(%dma_wait3A_1366 : memref<80x128xf32, #tpu.memory_space<hbm>>)
          %dma_wait3A_1367 = tpu.memref_slice %arg14[%sub3A_1358] : memref<320000xf32, #tpu.memory_space<hbm>> -> memref<80xf32, #tpu.memory_space<hbm>>
          %dma_wait3A_1368 = tpu.memref_slice %arg14[%sub3A_1358] : memref<320000xf32, #tpu.memory_space<hbm>> -> memref<80xf32, #tpu.memory_space<hbm>>
          tpu.wait_dma2 semaphore(%arg37 : memref<!tpu.dma_semaphore, #tpu.memory_space<semaphore_mem>>) src(%arg33 : memref<80xf32, #tpu.memory_space<vmem>>) dst(%dma_wait3A_1368 : memref<80xf32, #tpu.memory_space<hbm>>)
        } else {
        }
        %add3A_1325 = arith.constant 1 : i32
        %add3A_1326 = arith.addi %mul3A_461, %add3A_1325 : i32
        %mul3A_1327 = arith.constant 80 : i32
        %mul3A_1328 = arith.muli %add3A_1326, %mul3A_1327 : i32
        %add3A_1329 = arith.addi %add3A_4, %mul3A_1328 : i32
        %dma_start3A_1330 = tpu.memref_slice %arg15[%mul3A_1328] : memref<10000xi32, #tpu.memory_space<vmem>> -> memref<80xi32, #tpu.memory_space<vmem>>
        %dma_start3A_1331 = arith.constant 0 : i32
        %dma_start3A_1332 = arith.constant 0 : i32
        %dma_start3A_1333 = tpu.memref_slice %arg2[%dma_start3A_1331, %dma_start3A_1332] : memref<10000x256xf32, #tpu.memory_space<hbm>> -> memref<10000x256xf32, #tpu.memory_space<hbm>>
        tpu.enqueue_indirect_dma source(%dma_start3A_1333 : memref<10000x256xf32, #tpu.memory_space<hbm>>) target(%arg18 : memref<80x256xf32, #tpu.memory_space<vmem>>) offsets(%dma_start3A_1330 : memref<80xi32, #tpu.memory_space<vmem>>) semaphore(%arg35 : memref<!tpu.dma_semaphore, #tpu.memory_space<semaphore_mem>>)
        %dma_start3A_1334 = tpu.memref_slice %arg16[%mul3A_1328] : memref<10000xi32, #tpu.memory_space<vmem>> -> memref<80xi32, #tpu.memory_space<vmem>>
        %dma_start3A_1335 = arith.constant 0 : i32
        %dma_start3A_1336 = arith.constant 0 : i32
        %dma_start3A_1337 = tpu.memref_slice %arg3[%dma_start3A_1335, %dma_start3A_1336] : memref<10000x128xf32, #tpu.memory_space<hbm>> -> memref<10000x128xf32, #tpu.memory_space<hbm>>
        tpu.enqueue_indirect_dma source(%dma_start3A_1337 : memref<10000x128xf32, #tpu.memory_space<hbm>>) target(%arg20 : memref<80x128xf32, #tpu.memory_space<vmem>>) offsets(%dma_start3A_1334 : memref<80xi32, #tpu.memory_space<vmem>>) semaphore(%arg35 : memref<!tpu.dma_semaphore, #tpu.memory_space<semaphore_mem>>)
        %dma_start3A_1338 = tpu.memref_slice %arg7[%add3A_1329] : memref<320000xf32, #tpu.memory_space<hbm>> -> memref<80xf32, #tpu.memory_space<hbm>>
        %dma_start3A_1339 = tpu.memref_slice %arg7[%add3A_1329] : memref<320000xf32, #tpu.memory_space<hbm>> -> memref<80xf32, #tpu.memory_space<hbm>>
        tpu.enqueue_dma source(%dma_start3A_1339 : memref<80xf32, #tpu.memory_space<hbm>>) target(%arg28 : memref<80xf32, #tpu.memory_space<vmem>>) target_semaphore(%arg35 : memref<!tpu.dma_semaphore, #tpu.memory_space<semaphore_mem>>)
        %dma_start3A_1340 = tpu.memref_slice %arg8[%add3A_1329] : memref<320000xf32, #tpu.memory_space<hbm>> -> memref<80xf32, #tpu.memory_space<hbm>>
        %dma_start3A_1341 = tpu.memref_slice %arg8[%add3A_1329] : memref<320000xf32, #tpu.memory_space<hbm>> -> memref<80xf32, #tpu.memory_space<hbm>>
        tpu.enqueue_dma source(%dma_start3A_1341 : memref<80xf32, #tpu.memory_space<hbm>>) target(%arg29 : memref<80xf32, #tpu.memory_space<vmem>>) target_semaphore(%arg35 : memref<!tpu.dma_semaphore, #tpu.memory_space<semaphore_mem>>)
        %dma_start3A_1342 = tpu.memref_slice %arg9[%add3A_1329] : memref<320000xf32, #tpu.memory_space<hbm>> -> memref<80xf32, #tpu.memory_space<hbm>>
        %dma_start3A_1343 = tpu.memref_slice %arg9[%add3A_1329] : memref<320000xf32, #tpu.memory_space<hbm>> -> memref<80xf32, #tpu.memory_space<hbm>>
        tpu.enqueue_dma source(%dma_start3A_1343 : memref<80xf32, #tpu.memory_space<hbm>>) target(%arg30 : memref<80xf32, #tpu.memory_space<vmem>>) target_semaphore(%arg35 : memref<!tpu.dma_semaphore, #tpu.memory_space<semaphore_mem>>)
        %dma_start3A_1344 = tpu.memref_slice %arg10[%add3A_1329] : memref<320000xf32, #tpu.memory_space<hbm>> -> memref<80xf32, #tpu.memory_space<hbm>>
        %dma_start3A_1345 = tpu.memref_slice %arg10[%add3A_1329] : memref<320000xf32, #tpu.memory_space<hbm>> -> memref<80xf32, #tpu.memory_space<hbm>>
        tpu.enqueue_dma source(%dma_start3A_1345 : memref<80xf32, #tpu.memory_space<hbm>>) target(%arg31 : memref<80xf32, #tpu.memory_space<vmem>>) target_semaphore(%arg35 : memref<!tpu.dma_semaphore, #tpu.memory_space<semaphore_mem>>)
        %dma_start3A_1346 = tpu.memref_slice %arg11[%add3A_1329] : memref<320000xf32, #tpu.memory_space<hbm>> -> memref<80xf32, #tpu.memory_space<hbm>>
        %dma_start3A_1347 = tpu.memref_slice %arg11[%add3A_1329] : memref<320000xf32, #tpu.memory_space<hbm>> -> memref<80xf32, #tpu.memory_space<hbm>>
        tpu.enqueue_dma source(%dma_start3A_1347 : memref<80xf32, #tpu.memory_space<hbm>>) target(%arg32 : memref<80xf32, #tpu.memory_space<vmem>>) target_semaphore(%arg35 : memref<!tpu.dma_semaphore, #tpu.memory_space<semaphore_mem>>)
      } else {
      }
      %mul3A_466 = arith.constant 80 : i32
      %mul3A_467 = arith.muli %mul3A_461, %mul3A_466 : i32
      %add3A_468 = arith.addi %add3A_4, %mul3A_467 : i32
      %dma_wait3A_469 = tpu.memref_slice %arg15[%mul3A_467] : memref<10000xi32, #tpu.memory_space<vmem>> -> memref<80xi32, #tpu.memory_space<vmem>>
      %dma_wait3A_470 = arith.constant 0 : i32
      %dma_wait3A_471 = arith.constant 0 : i32
      %dma_wait3A_472 = tpu.memref_slice %arg2[%dma_wait3A_470, %dma_wait3A_471] : memref<10000x256xf32, #tpu.memory_space<hbm>> -> memref<10000x256xf32, #tpu.memory_space<hbm>>
      tpu.wait_indirect_dma semaphore(%arg34 : memref<!tpu.dma_semaphore, #tpu.memory_space<semaphore_mem>>) src(%dma_wait3A_472 : memref<10000x256xf32, #tpu.memory_space<hbm>>) dst(%arg17 : memref<80x256xf32, #tpu.memory_space<vmem>>)
      %dma_wait3A_473 = tpu.memref_slice %arg16[%mul3A_467] : memref<10000xi32, #tpu.memory_space<vmem>> -> memref<80xi32, #tpu.memory_space<vmem>>
      %dma_wait3A_474 = arith.constant 0 : i32
      %dma_wait3A_475 = arith.constant 0 : i32
      %dma_wait3A_476 = tpu.memref_slice %arg3[%dma_wait3A_474, %dma_wait3A_475] : memref<10000x128xf32, #tpu.memory_space<hbm>> -> memref<10000x128xf32, #tpu.memory_space<hbm>>
      tpu.wait_indirect_dma semaphore(%arg34 : memref<!tpu.dma_semaphore, #tpu.memory_space<semaphore_mem>>) src(%dma_wait3A_476 : memref<10000x128xf32, #tpu.memory_space<hbm>>) dst(%arg19 : memref<80x128xf32, #tpu.memory_space<vmem>>)
      %dma_wait3A_477 = tpu.memref_slice %arg7[%add3A_468] : memref<320000xf32, #tpu.memory_space<hbm>> -> memref<80xf32, #tpu.memory_space<hbm>>
      %dma_wait3A_478 = tpu.memref_slice %arg7[%add3A_468] : memref<320000xf32, #tpu.memory_space<hbm>> -> memref<80xf32, #tpu.memory_space<hbm>>
      tpu.wait_dma2 semaphore(%arg34 : memref<!tpu.dma_semaphore, #tpu.memory_space<semaphore_mem>>) src(%dma_wait3A_478 : memref<80xf32, #tpu.memory_space<hbm>>) dst(%arg22 : memref<80xf32, #tpu.memory_space<vmem>>)
      %dma_wait3A_479 = tpu.memref_slice %arg8[%add3A_468] : memref<320000xf32, #tpu.memory_space<hbm>> -> memref<80xf32, #tpu.memory_space<hbm>>
      %dma_wait3A_480 = tpu.memref_slice %arg8[%add3A_468] : memref<320000xf32, #tpu.memory_space<hbm>> -> memref<80xf32, #tpu.memory_space<hbm>>
      tpu.wait_dma2 semaphore(%arg34 : memref<!tpu.dma_semaphore, #tpu.memory_space<semaphore_mem>>) src(%dma_wait3A_480 : memref<80xf32, #tpu.memory_space<hbm>>) dst(%arg23 : memref<80xf32, #tpu.memory_space<vmem>>)
      %dma_wait3A_481 = tpu.memref_slice %arg9[%add3A_468] : memref<320000xf32, #tpu.memory_space<hbm>> -> memref<80xf32, #tpu.memory_space<hbm>>
      %dma_wait3A_482 = tpu.memref_slice %arg9[%add3A_468] : memref<320000xf32, #tpu.memory_space<hbm>> -> memref<80xf32, #tpu.memory_space<hbm>>
      tpu.wait_dma2 semaphore(%arg34 : memref<!tpu.dma_semaphore, #tpu.memory_space<semaphore_mem>>) src(%dma_wait3A_482 : memref<80xf32, #tpu.memory_space<hbm>>) dst(%arg24 : memref<80xf32, #tpu.memory_space<vmem>>)
      %dma_wait3A_483 = tpu.memref_slice %arg10[%add3A_468] : memref<320000xf32, #tpu.memory_space<hbm>> -> memref<80xf32, #tpu.memory_space<hbm>>
      %dma_wait3A_484 = tpu.memref_slice %arg10[%add3A_468] : memref<320000xf32, #tpu.memory_space<hbm>> -> memref<80xf32, #tpu.memory_space<hbm>>
      tpu.wait_dma2 semaphore(%arg34 : memref<!tpu.dma_semaphore, #tpu.memory_space<semaphore_mem>>) src(%dma_wait3A_484 : memref<80xf32, #tpu.memory_space<hbm>>) dst(%arg25 : memref<80xf32, #tpu.memory_space<vmem>>)
      %dma_wait3A_485 = tpu.memref_slice %arg11[%add3A_468] : memref<320000xf32, #tpu.memory_space<hbm>> -> memref<80xf32, #tpu.memory_space<hbm>>
      %dma_wait3A_486 = tpu.memref_slice %arg11[%add3A_468] : memref<320000xf32, #tpu.memory_space<hbm>> -> memref<80xf32, #tpu.memory_space<hbm>>
      tpu.wait_dma2 semaphore(%arg34 : memref<!tpu.dma_semaphore, #tpu.memory_space<semaphore_mem>>) src(%dma_wait3A_486 : memref<80xf32, #tpu.memory_space<hbm>>) dst(%arg26 : memref<80xf32, #tpu.memory_space<vmem>>)
      %mul3A_487 = arith.constant 80 : i32
      %mul3A_488 = arith.muli %mul3A_461, %mul3A_487 : i32
      %add3A_489 = arith.constant 0 : i32
      %add3A_490 = arith.addi %mul3A_488, %add3A_489 : i32
      %get3A_491 = arith.index_cast %add3A_490 : i32 to index
      %get3A_492 = tpu.vector_load %arg15[%get3A_491] {strides = array<i32>} : memref<10000xi32, #tpu.memory_space<vmem>>, vector<16xi32>,
      %mul3A_493 = arith.constant 4 : i32
      %mul3A_494 = vector.broadcast %mul3A_493 : i32 to vector<16xi32>
      %mul3A_495 = arith.muli %get3A_492, %mul3A_494 : vector<16xi32>
      %add3A_496 = arith.constant 0 : i32
      %add3A_497 = arith.addi %mul3A_488, %add3A_496 : i32
      %get3A_498 = arith.index_cast %add3A_497 : i32 to index
      %get3A_499 = tpu.vector_load %arg16[%get3A_498] {strides = array<i32>} : memref<10000xi32, #tpu.memory_space<vmem>>, vector<16xi32>,
      %mul3A_500 = arith.constant 4 : i32
      %mul3A_501 = vector.broadcast %mul3A_500 : i32 to vector<16xi32>
      %mul3A_502 = arith.muli %get3A_499, %mul3A_501 : vector<16xi32>
      %gather3A_503 = tpu.vector_load_idx %arg21[%mul3A_495] : memref<40000xf32, #tpu.memory_space<vmem>>[vector<16xi32>], vector<16xf32>,
      %add3A_504 = arith.constant 1 : i32
      %add3A_505 = vector.broadcast %add3A_504 : i32 to vector<16xi32>
      %add3A_506 = arith.addi %mul3A_495, %add3A_505 : vector<16xi32>
      %gather3A_507 = tpu.vector_load_idx %arg21[%add3A_506] : memref<40000xf32, #tpu.memory_space<vmem>>[vector<16xi32>], vector<16xf32>,
      %add3A_508 = arith.constant 2 : i32
      %add3A_509 = vector.broadcast %add3A_508 : i32 to vector<16xi32>
      %add3A_510 = arith.addi %mul3A_495, %add3A_509 : vector<16xi32>
      %gather3A_511 = tpu.vector_load_idx %arg21[%add3A_510] : memref<40000xf32, #tpu.memory_space<vmem>>[vector<16xi32>], vector<16xf32>,
      %gather3A_512 = tpu.vector_load_idx %arg21[%mul3A_502] : memref<40000xf32, #tpu.memory_space<vmem>>[vector<16xi32>], vector<16xf32>,
      %add3A_513 = arith.constant 1 : i32
      %add3A_514 = vector.broadcast %add3A_513 : i32 to vector<16xi32>
      %add3A_515 = arith.addi %mul3A_502, %add3A_514 : vector<16xi32>
      %gather3A_516 = tpu.vector_load_idx %arg21[%add3A_515] : memref<40000xf32, #tpu.memory_space<vmem>>[vector<16xi32>], vector<16xf32>,
      %add3A_517 = arith.constant 2 : i32
      %add3A_518 = vector.broadcast %add3A_517 : i32 to vector<16xi32>
      %add3A_519 = arith.addi %mul3A_502, %add3A_518 : vector<16xi32>
      %gather3A_520 = tpu.vector_load_idx %arg21[%add3A_519] : memref<40000xf32, #tpu.memory_space<vmem>>[vector<16xi32>], vector<16xf32>,
      %get3A_521 = arith.constant 0 : index
      %get3A_522 = tpu.vector_load %arg22[%get3A_521] {strides = array<i32>} : memref<80xf32, #tpu.memory_space<vmem>>, vector<16xf32>,
      %get3A_523 = arith.constant 0 : index
      %get3A_524 = tpu.vector_load %arg23[%get3A_523] {strides = array<i32>} : memref<80xf32, #tpu.memory_space<vmem>>, vector<16xf32>,
      %get3A_525 = arith.constant 0 : index
      %get3A_526 = tpu.vector_load %arg24[%get3A_525] {strides = array<i32>} : memref<80xf32, #tpu.memory_space<vmem>>, vector<16xf32>,
      %get3A_527 = arith.constant 0 : index
      %get3A_528 = tpu.vector_load %arg25[%get3A_527] {strides = array<i32>} : memref<80xf32, #tpu.memory_space<vmem>>, vector<16xf32>,
      %get3A_529 = arith.constant 0 : index
      %get3A_530 = tpu.vector_load %arg26[%get3A_529] {strides = array<i32>} : memref<80xf32, #tpu.memory_space<vmem>>, vector<16xf32>,
      %gt3A_531 = arith.constant 0.000000e+00 : f32
      %gt3A_532 = vector.broadcast %gt3A_531 : f32 to vector<16xf32>
      %gt3A_533 = arith.cmpf ogt, %get3A_528, %gt3A_532 : vector<16xf32>
      %div3A_534 = arith.divf %get3A_522, %get3A_528 : vector<16xf32>
      %select_n3A_535 = arith.select %gt3A_533, %div3A_534, %get3A_522 : vector<16xi1>, vector<16xf32>
      %div3A_536 = arith.divf %get3A_524, %get3A_528 : vector<16xf32>
      %select_n3A_537 = arith.select %gt3A_533, %div3A_536, %get3A_524 : vector<16xi1>, vector<16xf32>
      %div3A_538 = arith.divf %get3A_526, %get3A_528 : vector<16xf32>
      %select_n3A_539 = arith.select %gt3A_533, %div3A_538, %get3A_526 : vector<16xi1>, vector<16xf32>
      %mul3A_540 = arith.mulf %gather3A_503, %gather3A_512 : vector<16xf32>
      %mul3A_541 = arith.mulf %gather3A_507, %gather3A_516 : vector<16xf32>
      %add3A_542 = arith.addf %mul3A_540, %mul3A_541 : vector<16xf32>
      %mul3A_543 = arith.mulf %gather3A_511, %gather3A_520 : vector<16xf32>
      %add3A_544 = arith.addf %add3A_542, %mul3A_543 : vector<16xf32>
      %mul3A_545 = arith.mulf %select_n3A_535, %gather3A_512 : vector<16xf32>
      %mul3A_546 = arith.mulf %select_n3A_537, %gather3A_516 : vector<16xf32>
      %add3A_547 = arith.addf %mul3A_545, %mul3A_546 : vector<16xf32>
      %mul3A_548 = arith.mulf %select_n3A_539, %gather3A_520 : vector<16xf32>
      %add3A_549 = arith.addf %add3A_547, %mul3A_548 : vector<16xf32>
      %sub3A_550 = arith.constant 1.000000e+00 : f32
      %sub3A_551 = vector.broadcast %sub3A_550 : f32 to vector<16xf32>
      %sub3A_552 = arith.subf %sub3A_551, %add3A_549 : vector<16xf32>
      %mul3A_553 = arith.constant 5.000000e-01 : f32
      %mul3A_554 = vector.broadcast %mul3A_553 : f32 to vector<16xf32>
      %mul3A_555 = arith.mulf %mul3A_554, %sub3A_552 : vector<16xf32>
      %mul3A_556 = arith.mulf %mul3A_555, %add3A_544 : vector<16xf32>
      %eq3A_557 = arith.constant 1.000000e+00 : f32
      %eq3A_558 = vector.broadcast %eq3A_557 : f32 to vector<16xf32>
      %eq3A_559 = arith.cmpf oeq, %get3A_530, %eq3A_558 : vector<16xf32>
      %jit3A_560 = arith.constant 1.000000e+00 : f32
      %broadcast_in_dim3A_561 = vector.broadcast %jit3A_560 : f32 to vector<16xf32>
      %select_n3A_562 = arith.select %eq3A_559, %mul3A_556, %broadcast_in_dim3A_561 : vector<16xi1>, vector<16xf32>
      %swap3A_563 = arith.constant 0 : index
      %swap3A_564 = tpu.vector_load %arg27[%swap3A_563] {strides = array<i32>} : memref<80xf32, #tpu.memory_space<vmem>>, vector<16xf32>,
      tpu.vector_store %arg27[%swap3A_563], %select_n3A_562 {strides = array<i32>} : memref<80xf32, #tpu.memory_space<vmem>>, vector<16xf32>,
      %add3A_565 = arith.constant 16 : i32
      %add3A_566 = arith.addi %mul3A_488, %add3A_565 : i32
      %get3A_567 = arith.index_cast %add3A_566 : i32 to index
      %get3A_568 = tpu.vector_load %arg15[%get3A_567] {strides = array<i32>} : memref<10000xi32, #tpu.memory_space<vmem>>, vector<16xi32>,
      %mul3A_569 = arith.constant 4 : i32
      %mul3A_570 = vector.broadcast %mul3A_569 : i32 to vector<16xi32>
      %mul3A_571 = arith.muli %get3A_568, %mul3A_570 : vector<16xi32>
      %add3A_572 = arith.constant 16 : i32
      %add3A_573 = arith.addi %mul3A_488, %add3A_572 : i32
      %get3A_574 = arith.index_cast %add3A_573 : i32 to index
      %get3A_575 = tpu.vector_load %arg16[%get3A_574] {strides = array<i32>} : memref<10000xi32, #tpu.memory_space<vmem>>, vector<16xi32>,
      %mul3A_576 = arith.constant 4 : i32
      %mul3A_577 = vector.broadcast %mul3A_576 : i32 to vector<16xi32>
      %mul3A_578 = arith.muli %get3A_575, %mul3A_577 : vector<16xi32>
      %gather3A_579 = tpu.vector_load_idx %arg21[%mul3A_571] : memref<40000xf32, #tpu.memory_space<vmem>>[vector<16xi32>], vector<16xf32>,
      %add3A_580 = arith.constant 1 : i32
      %add3A_581 = vector.broadcast %add3A_580 : i32 to vector<16xi32>
      %add3A_582 = arith.addi %mul3A_571, %add3A_581 : vector<16xi32>
      %gather3A_583 = tpu.vector_load_idx %arg21[%add3A_582] : memref<40000xf32, #tpu.memory_space<vmem>>[vector<16xi32>], vector<16xf32>,
      %add3A_584 = arith.constant 2 : i32
      %add3A_585 = vector.broadcast %add3A_584 : i32 to vector<16xi32>
      %add3A_586 = arith.addi %mul3A_571, %add3A_585 : vector<16xi32>
      %gather3A_587 = tpu.vector_load_idx %arg21[%add3A_586] : memref<40000xf32, #tpu.memory_space<vmem>>[vector<16xi32>], vector<16xf32>,
      %gather3A_588 = tpu.vector_load_idx %arg21[%mul3A_578] : memref<40000xf32, #tpu.memory_space<vmem>>[vector<16xi32>], vector<16xf32>,
      %add3A_589 = arith.constant 1 : i32
      %add3A_590 = vector.broadcast %add3A_589 : i32 to vector<16xi32>
      %add3A_591 = arith.addi %mul3A_578, %add3A_590 : vector<16xi32>
      %gather3A_592 = tpu.vector_load_idx %arg21[%add3A_591] : memref<40000xf32, #tpu.memory_space<vmem>>[vector<16xi32>], vector<16xf32>,
      %add3A_593 = arith.constant 2 : i32
      %add3A_594 = vector.broadcast %add3A_593 : i32 to vector<16xi32>
      %add3A_595 = arith.addi %mul3A_578, %add3A_594 : vector<16xi32>
      %gather3A_596 = tpu.vector_load_idx %arg21[%add3A_595] : memref<40000xf32, #tpu.memory_space<vmem>>[vector<16xi32>], vector<16xf32>,
      %get3A_597 = arith.constant 16 : index
      %get3A_598 = tpu.vector_load %arg22[%get3A_597] {strides = array<i32>} : memref<80xf32, #tpu.memory_space<vmem>>, vector<16xf32>,
      %get3A_599 = arith.constant 16 : index
      %get3A_600 = tpu.vector_load %arg23[%get3A_599] {strides = array<i32>} : memref<80xf32, #tpu.memory_space<vmem>>, vector<16xf32>,
      %get3A_601 = arith.constant 16 : index
      %get3A_602 = tpu.vector_load %arg24[%get3A_601] {strides = array<i32>} : memref<80xf32, #tpu.memory_space<vmem>>, vector<16xf32>,
      %get3A_603 = arith.constant 16 : index
      %get3A_604 = tpu.vector_load %arg25[%get3A_603] {strides = array<i32>} : memref<80xf32, #tpu.memory_space<vmem>>, vector<16xf32>,
      %get3A_605 = arith.constant 16 : index
      %get3A_606 = tpu.vector_load %arg26[%get3A_605] {strides = array<i32>} : memref<80xf32, #tpu.memory_space<vmem>>, vector<16xf32>,
      %gt3A_607 = arith.constant 0.000000e+00 : f32
      %gt3A_608 = vector.broadcast %gt3A_607 : f32 to vector<16xf32>
      %gt3A_609 = arith.cmpf ogt, %get3A_604, %gt3A_608 : vector<16xf32>
      %div3A_610 = arith.divf %get3A_598, %get3A_604 : vector<16xf32>
      %select_n3A_611 = arith.select %gt3A_609, %div3A_610, %get3A_598 : vector<16xi1>, vector<16xf32>
      %div3A_612 = arith.divf %get3A_600, %get3A_604 : vector<16xf32>
      %select_n3A_613 = arith.select %gt3A_609, %div3A_612, %get3A_600 : vector<16xi1>, vector<16xf32>
      %div3A_614 = arith.divf %get3A_602, %get3A_604 : vector<16xf32>
      %select_n3A_615 = arith.select %gt3A_609, %div3A_614, %get3A_602 : vector<16xi1>, vector<16xf32>
      %mul3A_616 = arith.mulf %gather3A_579, %gather3A_588 : vector<16xf32>
      %mul3A_617 = arith.mulf %gather3A_583, %gather3A_592 : vector<16xf32>
      %add3A_618 = arith.addf %mul3A_616, %mul3A_617 : vector<16xf32>
      %mul3A_619 = arith.mulf %gather3A_587, %gather3A_596 : vector<16xf32>
      %add3A_620 = arith.addf %add3A_618, %mul3A_619 : vector<16xf32>
      %mul3A_621 = arith.mulf %select_n3A_611, %gather3A_588 : vector<16xf32>
      %mul3A_622 = arith.mulf %select_n3A_613, %gather3A_592 : vector<16xf32>
      %add3A_623 = arith.addf %mul3A_621, %mul3A_622 : vector<16xf32>
      %mul3A_624 = arith.mulf %select_n3A_615, %gather3A_596 : vector<16xf32>
      %add3A_625 = arith.addf %add3A_623, %mul3A_624 : vector<16xf32>
      %sub3A_626 = arith.constant 1.000000e+00 : f32
      %sub3A_627 = vector.broadcast %sub3A_626 : f32 to vector<16xf32>
      %sub3A_628 = arith.subf %sub3A_627, %add3A_625 : vector<16xf32>
      %mul3A_629 = arith.constant 5.000000e-01 : f32
      %mul3A_630 = vector.broadcast %mul3A_629 : f32 to vector<16xf32>
      %mul3A_631 = arith.mulf %mul3A_630, %sub3A_628 : vector<16xf32>
      %mul3A_632 = arith.mulf %mul3A_631, %add3A_620 : vector<16xf32>
      %eq3A_633 = arith.constant 1.000000e+00 : f32
      %eq3A_634 = vector.broadcast %eq3A_633 : f32 to vector<16xf32>
      %eq3A_635 = arith.cmpf oeq, %get3A_606, %eq3A_634 : vector<16xf32>
      %jit3A_636 = arith.constant 1.000000e+00 : f32
      %broadcast_in_dim3A_637 = vector.broadcast %jit3A_636 : f32 to vector<16xf32>
      %select_n3A_638 = arith.select %eq3A_635, %mul3A_632, %broadcast_in_dim3A_637 : vector<16xi1>, vector<16xf32>
      %swap3A_639 = arith.constant 16 : index
      %swap3A_640 = tpu.vector_load %arg27[%swap3A_639] {strides = array<i32>} : memref<80xf32, #tpu.memory_space<vmem>>, vector<16xf32>,
      tpu.vector_store %arg27[%swap3A_639], %select_n3A_638 {strides = array<i32>} : memref<80xf32, #tpu.memory_space<vmem>>, vector<16xf32>,
      %add3A_641 = arith.constant 32 : i32
      %add3A_642 = arith.addi %mul3A_488, %add3A_641 : i32
      %get3A_643 = arith.index_cast %add3A_642 : i32 to index
      %get3A_644 = tpu.vector_load %arg15[%get3A_643] {strides = array<i32>} : memref<10000xi32, #tpu.memory_space<vmem>>, vector<16xi32>,
      %mul3A_645 = arith.constant 4 : i32
      %mul3A_646 = vector.broadcast %mul3A_645 : i32 to vector<16xi32>
      %mul3A_647 = arith.muli %get3A_644, %mul3A_646 : vector<16xi32>
      %add3A_648 = arith.constant 32 : i32
      %add3A_649 = arith.addi %mul3A_488, %add3A_648 : i32
      %get3A_650 = arith.index_cast %add3A_649 : i32 to index
      %get3A_651 = tpu.vector_load %arg16[%get3A_650] {strides = array<i32>} : memref<10000xi32, #tpu.memory_space<vmem>>, vector<16xi32>,
      %mul3A_652 = arith.constant 4 : i32
      %mul3A_653 = vector.broadcast %mul3A_652 : i32 to vector<16xi32>
      %mul3A_654 = arith.muli %get3A_651, %mul3A_653 : vector<16xi32>
      %gather3A_655 = tpu.vector_load_idx %arg21[%mul3A_647] : memref<40000xf32, #tpu.memory_space<vmem>>[vector<16xi32>], vector<16xf32>,
      %add3A_656 = arith.constant 1 : i32
      %add3A_657 = vector.broadcast %add3A_656 : i32 to vector<16xi32>
      %add3A_658 = arith.addi %mul3A_647, %add3A_657 : vector<16xi32>
      %gather3A_659 = tpu.vector_load_idx %arg21[%add3A_658] : memref<40000xf32, #tpu.memory_space<vmem>>[vector<16xi32>], vector<16xf32>,
      %add3A_660 = arith.constant 2 : i32
      %add3A_661 = vector.broadcast %add3A_660 : i32 to vector<16xi32>
      %add3A_662 = arith.addi %mul3A_647, %add3A_661 : vector<16xi32>
      %gather3A_663 = tpu.vector_load_idx %arg21[%add3A_662] : memref<40000xf32, #tpu.memory_space<vmem>>[vector<16xi32>], vector<16xf32>,
      %gather3A_664 = tpu.vector_load_idx %arg21[%mul3A_654] : memref<40000xf32, #tpu.memory_space<vmem>>[vector<16xi32>], vector<16xf32>,
      %add3A_665 = arith.constant 1 : i32
      %add3A_666 = vector.broadcast %add3A_665 : i32 to vector<16xi32>
      %add3A_667 = arith.addi %mul3A_654, %add3A_666 : vector<16xi32>
      %gather3A_668 = tpu.vector_load_idx %arg21[%add3A_667] : memref<40000xf32, #tpu.memory_space<vmem>>[vector<16xi32>], vector<16xf32>,
      %add3A_669 = arith.constant 2 : i32
      %add3A_670 = vector.broadcast %add3A_669 : i32 to vector<16xi32>
      %add3A_671 = arith.addi %mul3A_654, %add3A_670 : vector<16xi32>
      %gather3A_672 = tpu.vector_load_idx %arg21[%add3A_671] : memref<40000xf32, #tpu.memory_space<vmem>>[vector<16xi32>], vector<16xf32>,
      %get3A_673 = arith.constant 32 : index
      %get3A_674 = tpu.vector_load %arg22[%get3A_673] {strides = array<i32>} : memref<80xf32, #tpu.memory_space<vmem>>, vector<16xf32>,
      %get3A_675 = arith.constant 32 : index
      %get3A_676 = tpu.vector_load %arg23[%get3A_675] {strides = array<i32>} : memref<80xf32, #tpu.memory_space<vmem>>, vector<16xf32>,
      %get3A_677 = arith.constant 32 : index
      %get3A_678 = tpu.vector_load %arg24[%get3A_677] {strides = array<i32>} : memref<80xf32, #tpu.memory_space<vmem>>, vector<16xf32>,
      %get3A_679 = arith.constant 32 : index
      %get3A_680 = tpu.vector_load %arg25[%get3A_679] {strides = array<i32>} : memref<80xf32, #tpu.memory_space<vmem>>, vector<16xf32>,
      %get3A_681 = arith.constant 32 : index
      %get3A_682 = tpu.vector_load %arg26[%get3A_681] {strides = array<i32>} : memref<80xf32, #tpu.memory_space<vmem>>, vector<16xf32>,
      %gt3A_683 = arith.constant 0.000000e+00 : f32
      %gt3A_684 = vector.broadcast %gt3A_683 : f32 to vector<16xf32>
      %gt3A_685 = arith.cmpf ogt, %get3A_680, %gt3A_684 : vector<16xf32>
      %div3A_686 = arith.divf %get3A_674, %get3A_680 : vector<16xf32>
      %select_n3A_687 = arith.select %gt3A_685, %div3A_686, %get3A_674 : vector<16xi1>, vector<16xf32>
      %div3A_688 = arith.divf %get3A_676, %get3A_680 : vector<16xf32>
      %select_n3A_689 = arith.select %gt3A_685, %div3A_688, %get3A_676 : vector<16xi1>, vector<16xf32>
      %div3A_690 = arith.divf %get3A_678, %get3A_680 : vector<16xf32>
      %select_n3A_691 = arith.select %gt3A_685, %div3A_690, %get3A_678 : vector<16xi1>, vector<16xf32>
      %mul3A_692 = arith.mulf %gather3A_655, %gather3A_664 : vector<16xf32>
      %mul3A_693 = arith.mulf %gather3A_659, %gather3A_668 : vector<16xf32>
      %add3A_694 = arith.addf %mul3A_692, %mul3A_693 : vector<16xf32>
      %mul3A_695 = arith.mulf %gather3A_663, %gather3A_672 : vector<16xf32>
      %add3A_696 = arith.addf %add3A_694, %mul3A_695 : vector<16xf32>
      %mul3A_697 = arith.mulf %select_n3A_687, %gather3A_664 : vector<16xf32>
      %mul3A_698 = arith.mulf %select_n3A_689, %gather3A_668 : vector<16xf32>
      %add3A_699 = arith.addf %mul3A_697, %mul3A_698 : vector<16xf32>
      %mul3A_700 = arith.mulf %select_n3A_691, %gather3A_672 : vector<16xf32>
      %add3A_701 = arith.addf %add3A_699, %mul3A_700 : vector<16xf32>
      %sub3A_702 = arith.constant 1.000000e+00 : f32
      %sub3A_703 = vector.broadcast %sub3A_702 : f32 to vector<16xf32>
      %sub3A_704 = arith.subf %sub3A_703, %add3A_701 : vector<16xf32>
      %mul3A_705 = arith.constant 5.000000e-01 : f32
      %mul3A_706 = vector.broadcast %mul3A_705 : f32 to vector<16xf32>
      %mul3A_707 = arith.mulf %mul3A_706, %sub3A_704 : vector<16xf32>
      %mul3A_708 = arith.mulf %mul3A_707, %add3A_696 : vector<16xf32>
      %eq3A_709 = arith.constant 1.000000e+00 : f32
      %eq3A_710 = vector.broadcast %eq3A_709 : f32 to vector<16xf32>
      %eq3A_711 = arith.cmpf oeq, %get3A_682, %eq3A_710 : vector<16xf32>
      %jit3A_712 = arith.constant 1.000000e+00 : f32
      %broadcast_in_dim3A_713 = vector.broadcast %jit3A_712 : f32 to vector<16xf32>
      %select_n3A_714 = arith.select %eq3A_711, %mul3A_708, %broadcast_in_dim3A_713 : vector<16xi1>, vector<16xf32>
      %swap3A_715 = arith.constant 32 : index
      %swap3A_716 = tpu.vector_load %arg27[%swap3A_715] {strides = array<i32>} : memref<80xf32, #tpu.memory_space<vmem>>, vector<16xf32>,
      tpu.vector_store %arg27[%swap3A_715], %select_n3A_714 {strides = array<i32>} : memref<80xf32, #tpu.memory_space<vmem>>, vector<16xf32>,
      %add3A_717 = arith.constant 48 : i32
      %add3A_718 = arith.addi %mul3A_488, %add3A_717 : i32
      %get3A_719 = arith.index_cast %add3A_718 : i32 to index
      %get3A_720 = tpu.vector_load %arg15[%get3A_719] {strides = array<i32>} : memref<10000xi32, #tpu.memory_space<vmem>>, vector<16xi32>,
      %mul3A_721 = arith.constant 4 : i32
      %mul3A_722 = vector.broadcast %mul3A_721 : i32 to vector<16xi32>
      %mul3A_723 = arith.muli %get3A_720, %mul3A_722 : vector<16xi32>
      %add3A_724 = arith.constant 48 : i32
      %add3A_725 = arith.addi %mul3A_488, %add3A_724 : i32
      %get3A_726 = arith.index_cast %add3A_725 : i32 to index
      %get3A_727 = tpu.vector_load %arg16[%get3A_726] {strides = array<i32>} : memref<10000xi32, #tpu.memory_space<vmem>>, vector<16xi32>,
      %mul3A_728 = arith.constant 4 : i32
      %mul3A_729 = vector.broadcast %mul3A_728 : i32 to vector<16xi32>
      %mul3A_730 = arith.muli %get3A_727, %mul3A_729 : vector<16xi32>
      %gather3A_731 = tpu.vector_load_idx %arg21[%mul3A_723] : memref<40000xf32, #tpu.memory_space<vmem>>[vector<16xi32>], vector<16xf32>,
      %add3A_732 = arith.constant 1 : i32
      %add3A_733 = vector.broadcast %add3A_732 : i32 to vector<16xi32>
      %add3A_734 = arith.addi %mul3A_723, %add3A_733 : vector<16xi32>
      %gather3A_735 = tpu.vector_load_idx %arg21[%add3A_734] : memref<40000xf32, #tpu.memory_space<vmem>>[vector<16xi32>], vector<16xf32>,
      %add3A_736 = arith.constant 2 : i32
      %add3A_737 = vector.broadcast %add3A_736 : i32 to vector<16xi32>
      %add3A_738 = arith.addi %mul3A_723, %add3A_737 : vector<16xi32>
      %gather3A_739 = tpu.vector_load_idx %arg21[%add3A_738] : memref<40000xf32, #tpu.memory_space<vmem>>[vector<16xi32>], vector<16xf32>,
      %gather3A_740 = tpu.vector_load_idx %arg21[%mul3A_730] : memref<40000xf32, #tpu.memory_space<vmem>>[vector<16xi32>], vector<16xf32>,
      %add3A_741 = arith.constant 1 : i32
      %add3A_742 = vector.broadcast %add3A_741 : i32 to vector<16xi32>
      %add3A_743 = arith.addi %mul3A_730, %add3A_742 : vector<16xi32>
      %gather3A_744 = tpu.vector_load_idx %arg21[%add3A_743] : memref<40000xf32, #tpu.memory_space<vmem>>[vector<16xi32>], vector<16xf32>,
      %add3A_745 = arith.constant 2 : i32
      %add3A_746 = vector.broadcast %add3A_745 : i32 to vector<16xi32>
      %add3A_747 = arith.addi %mul3A_730, %add3A_746 : vector<16xi32>
      %gather3A_748 = tpu.vector_load_idx %arg21[%add3A_747] : memref<40000xf32, #tpu.memory_space<vmem>>[vector<16xi32>], vector<16xf32>,
      %get3A_749 = arith.constant 48 : index
      %get3A_750 = tpu.vector_load %arg22[%get3A_749] {strides = array<i32>} : memref<80xf32, #tpu.memory_space<vmem>>, vector<16xf32>,
      %get3A_751 = arith.constant 48 : index
      %get3A_752 = tpu.vector_load %arg23[%get3A_751] {strides = array<i32>} : memref<80xf32, #tpu.memory_space<vmem>>, vector<16xf32>,
      %get3A_753 = arith.constant 48 : index
      %get3A_754 = tpu.vector_load %arg24[%get3A_753] {strides = array<i32>} : memref<80xf32, #tpu.memory_space<vmem>>, vector<16xf32>,
      %get3A_755 = arith.constant 48 : index
      %get3A_756 = tpu.vector_load %arg25[%get3A_755] {strides = array<i32>} : memref<80xf32, #tpu.memory_space<vmem>>, vector<16xf32>,
      %get3A_757 = arith.constant 48 : index
      %get3A_758 = tpu.vector_load %arg26[%get3A_757] {strides = array<i32>} : memref<80xf32, #tpu.memory_space<vmem>>, vector<16xf32>,
      %gt3A_759 = arith.constant 0.000000e+00 : f32
      %gt3A_760 = vector.broadcast %gt3A_759 : f32 to vector<16xf32>
      %gt3A_761 = arith.cmpf ogt, %get3A_756, %gt3A_760 : vector<16xf32>
      %div3A_762 = arith.divf %get3A_750, %get3A_756 : vector<16xf32>
      %select_n3A_763 = arith.select %gt3A_761, %div3A_762, %get3A_750 : vector<16xi1>, vector<16xf32>
      %div3A_764 = arith.divf %get3A_752, %get3A_756 : vector<16xf32>
      %select_n3A_765 = arith.select %gt3A_761, %div3A_764, %get3A_752 : vector<16xi1>, vector<16xf32>
      %div3A_766 = arith.divf %get3A_754, %get3A_756 : vector<16xf32>
      %select_n3A_767 = arith.select %gt3A_761, %div3A_766, %get3A_754 : vector<16xi1>, vector<16xf32>
      %mul3A_768 = arith.mulf %gather3A_731, %gather3A_740 : vector<16xf32>
      %mul3A_769 = arith.mulf %gather3A_735, %gather3A_744 : vector<16xf32>
      %add3A_770 = arith.addf %mul3A_768, %mul3A_769 : vector<16xf32>
      %mul3A_771 = arith.mulf %gather3A_739, %gather3A_748 : vector<16xf32>
      %add3A_772 = arith.addf %add3A_770, %mul3A_771 : vector<16xf32>
      %mul3A_773 = arith.mulf %select_n3A_763, %gather3A_740 : vector<16xf32>
      %mul3A_774 = arith.mulf %select_n3A_765, %gather3A_744 : vector<16xf32>
      %add3A_775 = arith.addf %mul3A_773, %mul3A_774 : vector<16xf32>
      %mul3A_776 = arith.mulf %select_n3A_767, %gather3A_748 : vector<16xf32>
      %add3A_777 = arith.addf %add3A_775, %mul3A_776 : vector<16xf32>
      %sub3A_778 = arith.constant 1.000000e+00 : f32
      %sub3A_779 = vector.broadcast %sub3A_778 : f32 to vector<16xf32>
      %sub3A_780 = arith.subf %sub3A_779, %add3A_777 : vector<16xf32>
      %mul3A_781 = arith.constant 5.000000e-01 : f32
      %mul3A_782 = vector.broadcast %mul3A_781 : f32 to vector<16xf32>
      %mul3A_783 = arith.mulf %mul3A_782, %sub3A_780 : vector<16xf32>
      %mul3A_784 = arith.mulf %mul3A_783, %add3A_772 : vector<16xf32>
      %eq3A_785 = arith.constant 1.000000e+00 : f32
      %eq3A_786 = vector.broadcast %eq3A_785 : f32 to vector<16xf32>
      %eq3A_787 = arith.cmpf oeq, %get3A_758, %eq3A_786 : vector<16xf32>
      %jit3A_788 = arith.constant 1.000000e+00 : f32
      %broadcast_in_dim3A_789 = vector.broadcast %jit3A_788 : f32 to vector<16xf32>
      %select_n3A_790 = arith.select %eq3A_787, %mul3A_784, %broadcast_in_dim3A_789 : vector<16xi1>, vector<16xf32>
      %swap3A_791 = arith.constant 48 : index
      %swap3A_792 = tpu.vector_load %arg27[%swap3A_791] {strides = array<i32>} : memref<80xf32, #tpu.memory_space<vmem>>, vector<16xf32>,
      tpu.vector_store %arg27[%swap3A_791], %select_n3A_790 {strides = array<i32>} : memref<80xf32, #tpu.memory_space<vmem>>, vector<16xf32>,
      %add3A_793 = arith.constant 64 : i32
      %add3A_794 = arith.addi %mul3A_488, %add3A_793 : i32
      %get3A_795 = arith.index_cast %add3A_794 : i32 to index
      %get3A_796 = tpu.vector_load %arg15[%get3A_795] {strides = array<i32>} : memref<10000xi32, #tpu.memory_space<vmem>>, vector<16xi32>,
      %mul3A_797 = arith.constant 4 : i32
      %mul3A_798 = vector.broadcast %mul3A_797 : i32 to vector<16xi32>
      %mul3A_799 = arith.muli %get3A_796, %mul3A_798 : vector<16xi32>
      %add3A_800 = arith.constant 64 : i32
      %add3A_801 = arith.addi %mul3A_488, %add3A_800 : i32
      %get3A_802 = arith.index_cast %add3A_801 : i32 to index
      %get3A_803 = tpu.vector_load %arg16[%get3A_802] {strides = array<i32>} : memref<10000xi32, #tpu.memory_space<vmem>>, vector<16xi32>,
      %mul3A_804 = arith.constant 4 : i32
      %mul3A_805 = vector.broadcast %mul3A_804 : i32 to vector<16xi32>
      %mul3A_806 = arith.muli %get3A_803, %mul3A_805 : vector<16xi32>
      %gather3A_807 = tpu.vector_load_idx %arg21[%mul3A_799] : memref<40000xf32, #tpu.memory_space<vmem>>[vector<16xi32>], vector<16xf32>,
      %add3A_808 = arith.constant 1 : i32
      %add3A_809 = vector.broadcast %add3A_808 : i32 to vector<16xi32>
      %add3A_810 = arith.addi %mul3A_799, %add3A_809 : vector<16xi32>
      %gather3A_811 = tpu.vector_load_idx %arg21[%add3A_810] : memref<40000xf32, #tpu.memory_space<vmem>>[vector<16xi32>], vector<16xf32>,
      %add3A_812 = arith.constant 2 : i32
      %add3A_813 = vector.broadcast %add3A_812 : i32 to vector<16xi32>
      %add3A_814 = arith.addi %mul3A_799, %add3A_813 : vector<16xi32>
      %gather3A_815 = tpu.vector_load_idx %arg21[%add3A_814] : memref<40000xf32, #tpu.memory_space<vmem>>[vector<16xi32>], vector<16xf32>,
      %gather3A_816 = tpu.vector_load_idx %arg21[%mul3A_806] : memref<40000xf32, #tpu.memory_space<vmem>>[vector<16xi32>], vector<16xf32>,
      %add3A_817 = arith.constant 1 : i32
      %add3A_818 = vector.broadcast %add3A_817 : i32 to vector<16xi32>
      %add3A_819 = arith.addi %mul3A_806, %add3A_818 : vector<16xi32>
      %gather3A_820 = tpu.vector_load_idx %arg21[%add3A_819] : memref<40000xf32, #tpu.memory_space<vmem>>[vector<16xi32>], vector<16xf32>,
      %add3A_821 = arith.constant 2 : i32
      %add3A_822 = vector.broadcast %add3A_821 : i32 to vector<16xi32>
      %add3A_823 = arith.addi %mul3A_806, %add3A_822 : vector<16xi32>
      %gather3A_824 = tpu.vector_load_idx %arg21[%add3A_823] : memref<40000xf32, #tpu.memory_space<vmem>>[vector<16xi32>], vector<16xf32>,
      %get3A_825 = arith.constant 64 : index
      %get3A_826 = tpu.vector_load %arg22[%get3A_825] {strides = array<i32>} : memref<80xf32, #tpu.memory_space<vmem>>, vector<16xf32>,
      %get3A_827 = arith.constant 64 : index
      %get3A_828 = tpu.vector_load %arg23[%get3A_827] {strides = array<i32>} : memref<80xf32, #tpu.memory_space<vmem>>, vector<16xf32>,
      %get3A_829 = arith.constant 64 : index
      %get3A_830 = tpu.vector_load %arg24[%get3A_829] {strides = array<i32>} : memref<80xf32, #tpu.memory_space<vmem>>, vector<16xf32>,
      %get3A_831 = arith.constant 64 : index
      %get3A_832 = tpu.vector_load %arg25[%get3A_831] {strides = array<i32>} : memref<80xf32, #tpu.memory_space<vmem>>, vector<16xf32>,
      %get3A_833 = arith.constant 64 : index
      %get3A_834 = tpu.vector_load %arg26[%get3A_833] {strides = array<i32>} : memref<80xf32, #tpu.memory_space<vmem>>, vector<16xf32>,
      %gt3A_835 = arith.constant 0.000000e+00 : f32
      %gt3A_836 = vector.broadcast %gt3A_835 : f32 to vector<16xf32>
      %gt3A_837 = arith.cmpf ogt, %get3A_832, %gt3A_836 : vector<16xf32>
      %div3A_838 = arith.divf %get3A_826, %get3A_832 : vector<16xf32>
      %select_n3A_839 = arith.select %gt3A_837, %div3A_838, %get3A_826 : vector<16xi1>, vector<16xf32>
      %div3A_840 = arith.divf %get3A_828, %get3A_832 : vector<16xf32>
      %select_n3A_841 = arith.select %gt3A_837, %div3A_840, %get3A_828 : vector<16xi1>, vector<16xf32>
      %div3A_842 = arith.divf %get3A_830, %get3A_832 : vector<16xf32>
      %select_n3A_843 = arith.select %gt3A_837, %div3A_842, %get3A_830 : vector<16xi1>, vector<16xf32>
      %mul3A_844 = arith.mulf %gather3A_807, %gather3A_816 : vector<16xf32>
      %mul3A_845 = arith.mulf %gather3A_811, %gather3A_820 : vector<16xf32>
      %add3A_846 = arith.addf %mul3A_844, %mul3A_845 : vector<16xf32>
      %mul3A_847 = arith.mulf %gather3A_815, %gather3A_824 : vector<16xf32>
      %add3A_848 = arith.addf %add3A_846, %mul3A_847 : vector<16xf32>
      %mul3A_849 = arith.mulf %select_n3A_839, %gather3A_816 : vector<16xf32>
      %mul3A_850 = arith.mulf %select_n3A_841, %gather3A_820 : vector<16xf32>
      %add3A_851 = arith.addf %mul3A_849, %mul3A_850 : vector<16xf32>
      %mul3A_852 = arith.mulf %select_n3A_843, %gather3A_824 : vector<16xf32>
      %add3A_853 = arith.addf %add3A_851, %mul3A_852 : vector<16xf32>
      %sub3A_854 = arith.constant 1.000000e+00 : f32
      %sub3A_855 = vector.broadcast %sub3A_854 : f32 to vector<16xf32>
      %sub3A_856 = arith.subf %sub3A_855, %add3A_853 : vector<16xf32>
      %mul3A_857 = arith.constant 5.000000e-01 : f32
      %mul3A_858 = vector.broadcast %mul3A_857 : f32 to vector<16xf32>
      %mul3A_859 = arith.mulf %mul3A_858, %sub3A_856 : vector<16xf32>
      %mul3A_860 = arith.mulf %mul3A_859, %add3A_848 : vector<16xf32>
      %eq3A_861 = arith.constant 1.000000e+00 : f32
      %eq3A_862 = vector.broadcast %eq3A_861 : f32 to vector<16xf32>
      %eq3A_863 = arith.cmpf oeq, %get3A_834, %eq3A_862 : vector<16xf32>
      %jit3A_864 = arith.constant 1.000000e+00 : f32
      %broadcast_in_dim3A_865 = vector.broadcast %jit3A_864 : f32 to vector<16xf32>
      %select_n3A_866 = arith.select %eq3A_863, %mul3A_860, %broadcast_in_dim3A_865 : vector<16xi1>, vector<16xf32>
      %swap3A_867 = arith.constant 64 : index
      %swap3A_868 = tpu.vector_load %arg27[%swap3A_867] {strides = array<i32>} : memref<80xf32, #tpu.memory_space<vmem>>, vector<16xf32>,
      tpu.vector_store %arg27[%swap3A_867], %select_n3A_866 {strides = array<i32>} : memref<80xf32, #tpu.memory_space<vmem>>, vector<16xf32>,
      %mul3A_869 = arith.constant 80 : i32
      %mul3A_870 = arith.muli %mul3A_461, %mul3A_869 : i32
      %add3A_871 = arith.addi %add3A_4, %mul3A_870 : i32
      %sub3A_872 = arith.constant 0 : i32
      %sub3A_873 = arith.subi %add3A_871, %sub3A_872 : i32
      %sub3A_874 = arith.constant 0 : i32
      %sub3A_875 = arith.subi %add3A_871, %sub3A_874 : i32
      %sub3A_876 = arith.constant 0 : i32
      %sub3A_877 = arith.subi %add3A_871, %sub3A_876 : i32
      %dma_start3A_878 = arith.constant 0 : i32
      %dma_start3A_879 = tpu.memref_slice %arg12[%sub3A_873, %dma_start3A_878] : memref<320000x256xf32, #tpu.memory_space<hbm>> -> memref<80x256xf32, #tpu.memory_space<hbm>>
      %dma_start3A_880 = arith.constant 0 : i32
      %dma_start3A_881 = tpu.memref_slice %arg12[%sub3A_873, %dma_start3A_880] : memref<320000x256xf32, #tpu.memory_space<hbm>> -> memref<80x256xf32, #tpu.memory_space<hbm>>
      tpu.enqueue_dma source(%arg17 : memref<80x256xf32, #tpu.memory_space<vmem>>) target(%dma_start3A_881 : memref<80x256xf32, #tpu.memory_space<hbm>>) target_semaphore(%arg36 : memref<!tpu.dma_semaphore, #tpu.memory_space<semaphore_mem>>)
      %dma_start3A_882 = arith.constant 0 : i32
      %dma_start3A_883 = tpu.memref_slice %arg13[%sub3A_875, %dma_start3A_882] : memref<320000x128xf32, #tpu.memory_space<hbm>> -> memref<80x128xf32, #tpu.memory_space<hbm>>
      %dma_start3A_884 = arith.constant 0 : i32
      %dma_start3A_885 = tpu.memref_slice %arg13[%sub3A_875, %dma_start3A_884] : memref<320000x128xf32, #tpu.memory_space<hbm>> -> memref<80x128xf32, #tpu.memory_space<hbm>>
      tpu.enqueue_dma source(%arg19 : memref<80x128xf32, #tpu.memory_space<vmem>>) target(%dma_start3A_885 : memref<80x128xf32, #tpu.memory_space<hbm>>) target_semaphore(%arg36 : memref<!tpu.dma_semaphore, #tpu.memory_space<semaphore_mem>>)
      %dma_start3A_886 = tpu.memref_slice %arg14[%sub3A_877] : memref<320000xf32, #tpu.memory_space<hbm>> -> memref<80xf32, #tpu.memory_space<hbm>>
      %dma_start3A_887 = tpu.memref_slice %arg14[%sub3A_877] : memref<320000xf32, #tpu.memory_space<hbm>> -> memref<80xf32, #tpu.memory_space<hbm>>
      tpu.enqueue_dma source(%arg27 : memref<80xf32, #tpu.memory_space<vmem>>) target(%dma_start3A_887 : memref<80xf32, #tpu.memory_space<hbm>>) target_semaphore(%arg36 : memref<!tpu.dma_semaphore, #tpu.memory_space<semaphore_mem>>)
      %mul3A_888 = arith.constant 2 : i32
      %mul3A_889 = arith.muli %mul3A_888, %add3A_459 : i32
      %add3A_890 = arith.constant 1 : i32
      %add3A_891 = arith.addi %mul3A_889, %add3A_890 : i32
      %add3A_892 = arith.constant 1 : i32
      %add3A_893 = arith.addi %add3A_891, %add3A_892 : i32
      %lt3A_894 = arith.constant 125 : i32
      %lt3A_895 = arith.cmpi slt, %add3A_893, %lt3A_894 : i32
      %convert_element_type3A_896 = arith.extui %lt3A_895 : i1 to i32
      %cond3A_897 = arith.constant 0 : i32
      %cond3A_898 = arith.cmpi ne, %convert_element_type3A_896, %cond3A_897 : i32
      scf.if %cond3A_898 {
        %ge3A = arith.constant 1 : i32
        %ge3A_1321 = arith.cmpi sge, %add3A_891, %ge3A : i32
        %convert_element_type3A_1322 = arith.extui %ge3A_1321 : i1 to i32
        %cond3A_1323 = arith.constant 0 : i32
        %cond3A_1324 = arith.cmpi ne, %convert_element_type3A_1322, %cond3A_1323 : i32
        scf.if %cond3A_1324 {
          %sub3A_1348 = arith.constant 1 : i32
          %sub3A_1349 = arith.subi %add3A_891, %sub3A_1348 : i32
          %mul3A_1350 = arith.constant 80 : i32
          %mul3A_1351 = arith.muli %sub3A_1349, %mul3A_1350 : i32
          %add3A_1352 = arith.addi %add3A_4, %mul3A_1351 : i32
          %sub3A_1353 = arith.constant 0 : i32
          %sub3A_1354 = arith.subi %add3A_1352, %sub3A_1353 : i32
          %sub3A_1355 = arith.constant 0 : i32
          %sub3A_1356 = arith.subi %add3A_1352, %sub3A_1355 : i32
          %sub3A_1357 = arith.constant 0 : i32
          %sub3A_1358 = arith.subi %add3A_1352, %sub3A_1357 : i32
          %dma_wait3A_1359 = arith.constant 0 : i32
          %dma_wait3A_1360 = tpu.memref_slice %arg12[%sub3A_1354, %dma_wait3A_1359] : memref<320000x256xf32, #tpu.memory_space<hbm>> -> memref<80x256xf32, #tpu.memory_space<hbm>>
          %dma_wait3A_1361 = arith.constant 0 : i32
          %dma_wait3A_1362 = tpu.memref_slice %arg12[%sub3A_1354, %dma_wait3A_1361] : memref<320000x256xf32, #tpu.memory_space<hbm>> -> memref<80x256xf32, #tpu.memory_space<hbm>>
          tpu.wait_dma2 semaphore(%arg36 : memref<!tpu.dma_semaphore, #tpu.memory_space<semaphore_mem>>) src(%arg17 : memref<80x256xf32, #tpu.memory_space<vmem>>) dst(%dma_wait3A_1362 : memref<80x256xf32, #tpu.memory_space<hbm>>)
          %dma_wait3A_1363 = arith.constant 0 : i32
          %dma_wait3A_1364 = tpu.memref_slice %arg13[%sub3A_1356, %dma_wait3A_1363] : memref<320000x128xf32, #tpu.memory_space<hbm>> -> memref<80x128xf32, #tpu.memory_space<hbm>>
          %dma_wait3A_1365 = arith.constant 0 : i32
          %dma_wait3A_1366 = tpu.memref_slice %arg13[%sub3A_1356, %dma_wait3A_1365] : memref<320000x128xf32, #tpu.memory_space<hbm>> -> memref<80x128xf32, #tpu.memory_space<hbm>>
          tpu.wait_dma2 semaphore(%arg36 : memref<!tpu.dma_semaphore, #tpu.memory_space<semaphore_mem>>) src(%arg19 : memref<80x128xf32, #tpu.memory_space<vmem>>) dst(%dma_wait3A_1366 : memref<80x128xf32, #tpu.memory_space<hbm>>)
          %dma_wait3A_1367 = tpu.memref_slice %arg14[%sub3A_1358] : memref<320000xf32, #tpu.memory_space<hbm>> -> memref<80xf32, #tpu.memory_space<hbm>>
          %dma_wait3A_1368 = tpu.memref_slice %arg14[%sub3A_1358] : memref<320000xf32, #tpu.memory_space<hbm>> -> memref<80xf32, #tpu.memory_space<hbm>>
          tpu.wait_dma2 semaphore(%arg36 : memref<!tpu.dma_semaphore, #tpu.memory_space<semaphore_mem>>) src(%arg27 : memref<80xf32, #tpu.memory_space<vmem>>) dst(%dma_wait3A_1368 : memref<80xf32, #tpu.memory_space<hbm>>)
        } else {
        }
        %add3A_1325 = arith.constant 1 : i32
        %add3A_1326 = arith.addi %add3A_891, %add3A_1325 : i32
        %mul3A_1327 = arith.constant 80 : i32
        %mul3A_1328 = arith.muli %add3A_1326, %mul3A_1327 : i32
        %add3A_1329 = arith.addi %add3A_4, %mul3A_1328 : i32
        %dma_start3A_1330 = tpu.memref_slice %arg15[%mul3A_1328] : memref<10000xi32, #tpu.memory_space<vmem>> -> memref<80xi32, #tpu.memory_space<vmem>>
        %dma_start3A_1331 = arith.constant 0 : i32
        %dma_start3A_1332 = arith.constant 0 : i32
        %dma_start3A_1333 = tpu.memref_slice %arg2[%dma_start3A_1331, %dma_start3A_1332] : memref<10000x256xf32, #tpu.memory_space<hbm>> -> memref<10000x256xf32, #tpu.memory_space<hbm>>
        tpu.enqueue_indirect_dma source(%dma_start3A_1333 : memref<10000x256xf32, #tpu.memory_space<hbm>>) target(%arg17 : memref<80x256xf32, #tpu.memory_space<vmem>>) offsets(%dma_start3A_1330 : memref<80xi32, #tpu.memory_space<vmem>>) semaphore(%arg34 : memref<!tpu.dma_semaphore, #tpu.memory_space<semaphore_mem>>)
        %dma_start3A_1334 = tpu.memref_slice %arg16[%mul3A_1328] : memref<10000xi32, #tpu.memory_space<vmem>> -> memref<80xi32, #tpu.memory_space<vmem>>
        %dma_start3A_1335 = arith.constant 0 : i32
        %dma_start3A_1336 = arith.constant 0 : i32
        %dma_start3A_1337 = tpu.memref_slice %arg3[%dma_start3A_1335, %dma_start3A_1336] : memref<10000x128xf32, #tpu.memory_space<hbm>> -> memref<10000x128xf32, #tpu.memory_space<hbm>>
        tpu.enqueue_indirect_dma source(%dma_start3A_1337 : memref<10000x128xf32, #tpu.memory_space<hbm>>) target(%arg19 : memref<80x128xf32, #tpu.memory_space<vmem>>) offsets(%dma_start3A_1334 : memref<80xi32, #tpu.memory_space<vmem>>) semaphore(%arg34 : memref<!tpu.dma_semaphore, #tpu.memory_space<semaphore_mem>>)
        %dma_start3A_1338 = tpu.memref_slice %arg7[%add3A_1329] : memref<320000xf32, #tpu.memory_space<hbm>> -> memref<80xf32, #tpu.memory_space<hbm>>
        %dma_start3A_1339 = tpu.memref_slice %arg7[%add3A_1329] : memref<320000xf32, #tpu.memory_space<hbm>> -> memref<80xf32, #tpu.memory_space<hbm>>
        tpu.enqueue_dma source(%dma_start3A_1339 : memref<80xf32, #tpu.memory_space<hbm>>) target(%arg22 : memref<80xf32, #tpu.memory_space<vmem>>) target_semaphore(%arg34 : memref<!tpu.dma_semaphore, #tpu.memory_space<semaphore_mem>>)
        %dma_start3A_1340 = tpu.memref_slice %arg8[%add3A_1329] : memref<320000xf32, #tpu.memory_space<hbm>> -> memref<80xf32, #tpu.memory_space<hbm>>
        %dma_start3A_1341 = tpu.memref_slice %arg8[%add3A_1329] : memref<320000xf32, #tpu.memory_space<hbm>> -> memref<80xf32, #tpu.memory_space<hbm>>
        tpu.enqueue_dma source(%dma_start3A_1341 : memref<80xf32, #tpu.memory_space<hbm>>) target(%arg23 : memref<80xf32, #tpu.memory_space<vmem>>) target_semaphore(%arg34 : memref<!tpu.dma_semaphore, #tpu.memory_space<semaphore_mem>>)
        %dma_start3A_1342 = tpu.memref_slice %arg9[%add3A_1329] : memref<320000xf32, #tpu.memory_space<hbm>> -> memref<80xf32, #tpu.memory_space<hbm>>
        %dma_start3A_1343 = tpu.memref_slice %arg9[%add3A_1329] : memref<320000xf32, #tpu.memory_space<hbm>> -> memref<80xf32, #tpu.memory_space<hbm>>
        tpu.enqueue_dma source(%dma_start3A_1343 : memref<80xf32, #tpu.memory_space<hbm>>) target(%arg24 : memref<80xf32, #tpu.memory_space<vmem>>) target_semaphore(%arg34 : memref<!tpu.dma_semaphore, #tpu.memory_space<semaphore_mem>>)
        %dma_start3A_1344 = tpu.memref_slice %arg10[%add3A_1329] : memref<320000xf32, #tpu.memory_space<hbm>> -> memref<80xf32, #tpu.memory_space<hbm>>
        %dma_start3A_1345 = tpu.memref_slice %arg10[%add3A_1329] : memref<320000xf32, #tpu.memory_space<hbm>> -> memref<80xf32, #tpu.memory_space<hbm>>
        tpu.enqueue_dma source(%dma_start3A_1345 : memref<80xf32, #tpu.memory_space<hbm>>) target(%arg25 : memref<80xf32, #tpu.memory_space<vmem>>) target_semaphore(%arg34 : memref<!tpu.dma_semaphore, #tpu.memory_space<semaphore_mem>>)
        %dma_start3A_1346 = tpu.memref_slice %arg11[%add3A_1329] : memref<320000xf32, #tpu.memory_space<hbm>> -> memref<80xf32, #tpu.memory_space<hbm>>
        %dma_start3A_1347 = tpu.memref_slice %arg11[%add3A_1329] : memref<320000xf32, #tpu.memory_space<hbm>> -> memref<80xf32, #tpu.memory_space<hbm>>
        tpu.enqueue_dma source(%dma_start3A_1347 : memref<80xf32, #tpu.memory_space<hbm>>) target(%arg26 : memref<80xf32, #tpu.memory_space<vmem>>) target_semaphore(%arg34 : memref<!tpu.dma_semaphore, #tpu.memory_space<semaphore_mem>>)
      } else {
      }
      %mul3A_899 = arith.constant 80 : i32
      %mul3A_900 = arith.muli %add3A_891, %mul3A_899 : i32
      %add3A_901 = arith.addi %add3A_4, %mul3A_900 : i32
      %dma_wait3A_902 = tpu.memref_slice %arg15[%mul3A_900] : memref<10000xi32, #tpu.memory_space<vmem>> -> memref<80xi32, #tpu.memory_space<vmem>>
      %dma_wait3A_903 = arith.constant 0 : i32
      %dma_wait3A_904 = arith.constant 0 : i32
      %dma_wait3A_905 = tpu.memref_slice %arg2[%dma_wait3A_903, %dma_wait3A_904] : memref<10000x256xf32, #tpu.memory_space<hbm>> -> memref<10000x256xf32, #tpu.memory_space<hbm>>
      tpu.wait_indirect_dma semaphore(%arg35 : memref<!tpu.dma_semaphore, #tpu.memory_space<semaphore_mem>>) src(%dma_wait3A_905 : memref<10000x256xf32, #tpu.memory_space<hbm>>) dst(%arg18 : memref<80x256xf32, #tpu.memory_space<vmem>>)
      %dma_wait3A_906 = tpu.memref_slice %arg16[%mul3A_900] : memref<10000xi32, #tpu.memory_space<vmem>> -> memref<80xi32, #tpu.memory_space<vmem>>
      %dma_wait3A_907 = arith.constant 0 : i32
      %dma_wait3A_908 = arith.constant 0 : i32
      %dma_wait3A_909 = tpu.memref_slice %arg3[%dma_wait3A_907, %dma_wait3A_908] : memref<10000x128xf32, #tpu.memory_space<hbm>> -> memref<10000x128xf32, #tpu.memory_space<hbm>>
      tpu.wait_indirect_dma semaphore(%arg35 : memref<!tpu.dma_semaphore, #tpu.memory_space<semaphore_mem>>) src(%dma_wait3A_909 : memref<10000x128xf32, #tpu.memory_space<hbm>>) dst(%arg20 : memref<80x128xf32, #tpu.memory_space<vmem>>)
      %dma_wait3A_910 = tpu.memref_slice %arg7[%add3A_901] : memref<320000xf32, #tpu.memory_space<hbm>> -> memref<80xf32, #tpu.memory_space<hbm>>
      %dma_wait3A_911 = tpu.memref_slice %arg7[%add3A_901] : memref<320000xf32, #tpu.memory_space<hbm>> -> memref<80xf32, #tpu.memory_space<hbm>>
      tpu.wait_dma2 semaphore(%arg35 : memref<!tpu.dma_semaphore, #tpu.memory_space<semaphore_mem>>) src(%dma_wait3A_911 : memref<80xf32, #tpu.memory_space<hbm>>) dst(%arg28 : memref<80xf32, #tpu.memory_space<vmem>>)
      %dma_wait3A_912 = tpu.memref_slice %arg8[%add3A_901] : memref<320000xf32, #tpu.memory_space<hbm>> -> memref<80xf32, #tpu.memory_space<hbm>>
      %dma_wait3A_913 = tpu.memref_slice %arg8[%add3A_901] : memref<320000xf32, #tpu.memory_space<hbm>> -> memref<80xf32, #tpu.memory_space<hbm>>
      tpu.wait_dma2 semaphore(%arg35 : memref<!tpu.dma_semaphore, #tpu.memory_space<semaphore_mem>>) src(%dma_wait3A_913 : memref<80xf32, #tpu.memory_space<hbm>>) dst(%arg29 : memref<80xf32, #tpu.memory_space<vmem>>)
      %dma_wait3A_914 = tpu.memref_slice %arg9[%add3A_901] : memref<320000xf32, #tpu.memory_space<hbm>> -> memref<80xf32, #tpu.memory_space<hbm>>
      %dma_wait3A_915 = tpu.memref_slice %arg9[%add3A_901] : memref<320000xf32, #tpu.memory_space<hbm>> -> memref<80xf32, #tpu.memory_space<hbm>>
      tpu.wait_dma2 semaphore(%arg35 : memref<!tpu.dma_semaphore, #tpu.memory_space<semaphore_mem>>) src(%dma_wait3A_915 : memref<80xf32, #tpu.memory_space<hbm>>) dst(%arg30 : memref<80xf32, #tpu.memory_space<vmem>>)
      %dma_wait3A_916 = tpu.memref_slice %arg10[%add3A_901] : memref<320000xf32, #tpu.memory_space<hbm>> -> memref<80xf32, #tpu.memory_space<hbm>>
      %dma_wait3A_917 = tpu.memref_slice %arg10[%add3A_901] : memref<320000xf32, #tpu.memory_space<hbm>> -> memref<80xf32, #tpu.memory_space<hbm>>
      tpu.wait_dma2 semaphore(%arg35 : memref<!tpu.dma_semaphore, #tpu.memory_space<semaphore_mem>>) src(%dma_wait3A_917 : memref<80xf32, #tpu.memory_space<hbm>>) dst(%arg31 : memref<80xf32, #tpu.memory_space<vmem>>)
      %dma_wait3A_918 = tpu.memref_slice %arg11[%add3A_901] : memref<320000xf32, #tpu.memory_space<hbm>> -> memref<80xf32, #tpu.memory_space<hbm>>
      %dma_wait3A_919 = tpu.memref_slice %arg11[%add3A_901] : memref<320000xf32, #tpu.memory_space<hbm>> -> memref<80xf32, #tpu.memory_space<hbm>>
      tpu.wait_dma2 semaphore(%arg35 : memref<!tpu.dma_semaphore, #tpu.memory_space<semaphore_mem>>) src(%dma_wait3A_919 : memref<80xf32, #tpu.memory_space<hbm>>) dst(%arg32 : memref<80xf32, #tpu.memory_space<vmem>>)
      %mul3A_920 = arith.constant 80 : i32
      %mul3A_921 = arith.muli %add3A_891, %mul3A_920 : i32
      %add3A_922 = arith.constant 0 : i32
      %add3A_923 = arith.addi %mul3A_921, %add3A_922 : i32
      %get3A_924 = arith.index_cast %add3A_923 : i32 to index
      %get3A_925 = tpu.vector_load %arg15[%get3A_924] {strides = array<i32>} : memref<10000xi32, #tpu.memory_space<vmem>>, vector<16xi32>,
      %mul3A_926 = arith.constant 4 : i32
      %mul3A_927 = vector.broadcast %mul3A_926 : i32 to vector<16xi32>
      %mul3A_928 = arith.muli %get3A_925, %mul3A_927 : vector<16xi32>
      %add3A_929 = arith.constant 0 : i32
      %add3A_930 = arith.addi %mul3A_921, %add3A_929 : i32
      %get3A_931 = arith.index_cast %add3A_930 : i32 to index
      %get3A_932 = tpu.vector_load %arg16[%get3A_931] {strides = array<i32>} : memref<10000xi32, #tpu.memory_space<vmem>>, vector<16xi32>,
      %mul3A_933 = arith.constant 4 : i32
      %mul3A_934 = vector.broadcast %mul3A_933 : i32 to vector<16xi32>
      %mul3A_935 = arith.muli %get3A_932, %mul3A_934 : vector<16xi32>
      %gather3A_936 = tpu.vector_load_idx %arg21[%mul3A_928] : memref<40000xf32, #tpu.memory_space<vmem>>[vector<16xi32>], vector<16xf32>,
      %add3A_937 = arith.constant 1 : i32
      %add3A_938 = vector.broadcast %add3A_937 : i32 to vector<16xi32>
      %add3A_939 = arith.addi %mul3A_928, %add3A_938 : vector<16xi32>
      %gather3A_940 = tpu.vector_load_idx %arg21[%add3A_939] : memref<40000xf32, #tpu.memory_space<vmem>>[vector<16xi32>], vector<16xf32>,
      %add3A_941 = arith.constant 2 : i32
      %add3A_942 = vector.broadcast %add3A_941 : i32 to vector<16xi32>
      %add3A_943 = arith.addi %mul3A_928, %add3A_942 : vector<16xi32>
      %gather3A_944 = tpu.vector_load_idx %arg21[%add3A_943] : memref<40000xf32, #tpu.memory_space<vmem>>[vector<16xi32>], vector<16xf32>,
      %gather3A_945 = tpu.vector_load_idx %arg21[%mul3A_935] : memref<40000xf32, #tpu.memory_space<vmem>>[vector<16xi32>], vector<16xf32>,
      %add3A_946 = arith.constant 1 : i32
      %add3A_947 = vector.broadcast %add3A_946 : i32 to vector<16xi32>
      %add3A_948 = arith.addi %mul3A_935, %add3A_947 : vector<16xi32>
      %gather3A_949 = tpu.vector_load_idx %arg21[%add3A_948] : memref<40000xf32, #tpu.memory_space<vmem>>[vector<16xi32>], vector<16xf32>,
      %add3A_950 = arith.constant 2 : i32
      %add3A_951 = vector.broadcast %add3A_950 : i32 to vector<16xi32>
      %add3A_952 = arith.addi %mul3A_935, %add3A_951 : vector<16xi32>
      %gather3A_953 = tpu.vector_load_idx %arg21[%add3A_952] : memref<40000xf32, #tpu.memory_space<vmem>>[vector<16xi32>], vector<16xf32>,
      %get3A_954 = arith.constant 0 : index
      %get3A_955 = tpu.vector_load %arg28[%get3A_954] {strides = array<i32>} : memref<80xf32, #tpu.memory_space<vmem>>, vector<16xf32>,
      %get3A_956 = arith.constant 0 : index
      %get3A_957 = tpu.vector_load %arg29[%get3A_956] {strides = array<i32>} : memref<80xf32, #tpu.memory_space<vmem>>, vector<16xf32>,
      %get3A_958 = arith.constant 0 : index
      %get3A_959 = tpu.vector_load %arg30[%get3A_958] {strides = array<i32>} : memref<80xf32, #tpu.memory_space<vmem>>, vector<16xf32>,
      %get3A_960 = arith.constant 0 : index
      %get3A_961 = tpu.vector_load %arg31[%get3A_960] {strides = array<i32>} : memref<80xf32, #tpu.memory_space<vmem>>, vector<16xf32>,
      %get3A_962 = arith.constant 0 : index
      %get3A_963 = tpu.vector_load %arg32[%get3A_962] {strides = array<i32>} : memref<80xf32, #tpu.memory_space<vmem>>, vector<16xf32>,
      %gt3A_964 = arith.constant 0.000000e+00 : f32
      %gt3A_965 = vector.broadcast %gt3A_964 : f32 to vector<16xf32>
      %gt3A_966 = arith.cmpf ogt, %get3A_961, %gt3A_965 : vector<16xf32>
      %div3A_967 = arith.divf %get3A_955, %get3A_961 : vector<16xf32>
      %select_n3A_968 = arith.select %gt3A_966, %div3A_967, %get3A_955 : vector<16xi1>, vector<16xf32>
      %div3A_969 = arith.divf %get3A_957, %get3A_961 : vector<16xf32>
      %select_n3A_970 = arith.select %gt3A_966, %div3A_969, %get3A_957 : vector<16xi1>, vector<16xf32>
      %div3A_971 = arith.divf %get3A_959, %get3A_961 : vector<16xf32>
      %select_n3A_972 = arith.select %gt3A_966, %div3A_971, %get3A_959 : vector<16xi1>, vector<16xf32>
      %mul3A_973 = arith.mulf %gather3A_936, %gather3A_945 : vector<16xf32>
      %mul3A_974 = arith.mulf %gather3A_940, %gather3A_949 : vector<16xf32>
      %add3A_975 = arith.addf %mul3A_973, %mul3A_974 : vector<16xf32>
      %mul3A_976 = arith.mulf %gather3A_944, %gather3A_953 : vector<16xf32>
      %add3A_977 = arith.addf %add3A_975, %mul3A_976 : vector<16xf32>
      %mul3A_978 = arith.mulf %select_n3A_968, %gather3A_945 : vector<16xf32>
      %mul3A_979 = arith.mulf %select_n3A_970, %gather3A_949 : vector<16xf32>
      %add3A_980 = arith.addf %mul3A_978, %mul3A_979 : vector<16xf32>
      %mul3A_981 = arith.mulf %select_n3A_972, %gather3A_953 : vector<16xf32>
      %add3A_982 = arith.addf %add3A_980, %mul3A_981 : vector<16xf32>
      %sub3A_983 = arith.constant 1.000000e+00 : f32
      %sub3A_984 = vector.broadcast %sub3A_983 : f32 to vector<16xf32>
      %sub3A_985 = arith.subf %sub3A_984, %add3A_982 : vector<16xf32>
      %mul3A_986 = arith.constant 5.000000e-01 : f32
      %mul3A_987 = vector.broadcast %mul3A_986 : f32 to vector<16xf32>
      %mul3A_988 = arith.mulf %mul3A_987, %sub3A_985 : vector<16xf32>
      %mul3A_989 = arith.mulf %mul3A_988, %add3A_977 : vector<16xf32>
      %eq3A_990 = arith.constant 1.000000e+00 : f32
      %eq3A_991 = vector.broadcast %eq3A_990 : f32 to vector<16xf32>
      %eq3A_992 = arith.cmpf oeq, %get3A_963, %eq3A_991 : vector<16xf32>
      %jit3A_993 = arith.constant 1.000000e+00 : f32
      %broadcast_in_dim3A_994 = vector.broadcast %jit3A_993 : f32 to vector<16xf32>
      %select_n3A_995 = arith.select %eq3A_992, %mul3A_989, %broadcast_in_dim3A_994 : vector<16xi1>, vector<16xf32>
      %swap3A_996 = arith.constant 0 : index
      %swap3A_997 = tpu.vector_load %arg33[%swap3A_996] {strides = array<i32>} : memref<80xf32, #tpu.memory_space<vmem>>, vector<16xf32>,
      tpu.vector_store %arg33[%swap3A_996], %select_n3A_995 {strides = array<i32>} : memref<80xf32, #tpu.memory_space<vmem>>, vector<16xf32>,
      %add3A_998 = arith.constant 16 : i32
      %add3A_999 = arith.addi %mul3A_921, %add3A_998 : i32
      %get3A_1000 = arith.index_cast %add3A_999 : i32 to index
      %get3A_1001 = tpu.vector_load %arg15[%get3A_1000] {strides = array<i32>} : memref<10000xi32, #tpu.memory_space<vmem>>, vector<16xi32>,
      %mul3A_1002 = arith.constant 4 : i32
      %mul3A_1003 = vector.broadcast %mul3A_1002 : i32 to vector<16xi32>
      %mul3A_1004 = arith.muli %get3A_1001, %mul3A_1003 : vector<16xi32>
      %add3A_1005 = arith.constant 16 : i32
      %add3A_1006 = arith.addi %mul3A_921, %add3A_1005 : i32
      %get3A_1007 = arith.index_cast %add3A_1006 : i32 to index
      %get3A_1008 = tpu.vector_load %arg16[%get3A_1007] {strides = array<i32>} : memref<10000xi32, #tpu.memory_space<vmem>>, vector<16xi32>,
      %mul3A_1009 = arith.constant 4 : i32
      %mul3A_1010 = vector.broadcast %mul3A_1009 : i32 to vector<16xi32>
      %mul3A_1011 = arith.muli %get3A_1008, %mul3A_1010 : vector<16xi32>
      %gather3A_1012 = tpu.vector_load_idx %arg21[%mul3A_1004] : memref<40000xf32, #tpu.memory_space<vmem>>[vector<16xi32>], vector<16xf32>,
      %add3A_1013 = arith.constant 1 : i32
      %add3A_1014 = vector.broadcast %add3A_1013 : i32 to vector<16xi32>
      %add3A_1015 = arith.addi %mul3A_1004, %add3A_1014 : vector<16xi32>
      %gather3A_1016 = tpu.vector_load_idx %arg21[%add3A_1015] : memref<40000xf32, #tpu.memory_space<vmem>>[vector<16xi32>], vector<16xf32>,
      %add3A_1017 = arith.constant 2 : i32
      %add3A_1018 = vector.broadcast %add3A_1017 : i32 to vector<16xi32>
      %add3A_1019 = arith.addi %mul3A_1004, %add3A_1018 : vector<16xi32>
      %gather3A_1020 = tpu.vector_load_idx %arg21[%add3A_1019] : memref<40000xf32, #tpu.memory_space<vmem>>[vector<16xi32>], vector<16xf32>,
      %gather3A_1021 = tpu.vector_load_idx %arg21[%mul3A_1011] : memref<40000xf32, #tpu.memory_space<vmem>>[vector<16xi32>], vector<16xf32>,
      %add3A_1022 = arith.constant 1 : i32
      %add3A_1023 = vector.broadcast %add3A_1022 : i32 to vector<16xi32>
      %add3A_1024 = arith.addi %mul3A_1011, %add3A_1023 : vector<16xi32>
      %gather3A_1025 = tpu.vector_load_idx %arg21[%add3A_1024] : memref<40000xf32, #tpu.memory_space<vmem>>[vector<16xi32>], vector<16xf32>,
      %add3A_1026 = arith.constant 2 : i32
      %add3A_1027 = vector.broadcast %add3A_1026 : i32 to vector<16xi32>
      %add3A_1028 = arith.addi %mul3A_1011, %add3A_1027 : vector<16xi32>
      %gather3A_1029 = tpu.vector_load_idx %arg21[%add3A_1028] : memref<40000xf32, #tpu.memory_space<vmem>>[vector<16xi32>], vector<16xf32>,
      %get3A_1030 = arith.constant 16 : index
      %get3A_1031 = tpu.vector_load %arg28[%get3A_1030] {strides = array<i32>} : memref<80xf32, #tpu.memory_space<vmem>>, vector<16xf32>,
      %get3A_1032 = arith.constant 16 : index
      %get3A_1033 = tpu.vector_load %arg29[%get3A_1032] {strides = array<i32>} : memref<80xf32, #tpu.memory_space<vmem>>, vector<16xf32>,
      %get3A_1034 = arith.constant 16 : index
      %get3A_1035 = tpu.vector_load %arg30[%get3A_1034] {strides = array<i32>} : memref<80xf32, #tpu.memory_space<vmem>>, vector<16xf32>,
      %get3A_1036 = arith.constant 16 : index
      %get3A_1037 = tpu.vector_load %arg31[%get3A_1036] {strides = array<i32>} : memref<80xf32, #tpu.memory_space<vmem>>, vector<16xf32>,
      %get3A_1038 = arith.constant 16 : index
      %get3A_1039 = tpu.vector_load %arg32[%get3A_1038] {strides = array<i32>} : memref<80xf32, #tpu.memory_space<vmem>>, vector<16xf32>,
      %gt3A_1040 = arith.constant 0.000000e+00 : f32
      %gt3A_1041 = vector.broadcast %gt3A_1040 : f32 to vector<16xf32>
      %gt3A_1042 = arith.cmpf ogt, %get3A_1037, %gt3A_1041 : vector<16xf32>
      %div3A_1043 = arith.divf %get3A_1031, %get3A_1037 : vector<16xf32>
      %select_n3A_1044 = arith.select %gt3A_1042, %div3A_1043, %get3A_1031 : vector<16xi1>, vector<16xf32>
      %div3A_1045 = arith.divf %get3A_1033, %get3A_1037 : vector<16xf32>
      %select_n3A_1046 = arith.select %gt3A_1042, %div3A_1045, %get3A_1033 : vector<16xi1>, vector<16xf32>
      %div3A_1047 = arith.divf %get3A_1035, %get3A_1037 : vector<16xf32>
      %select_n3A_1048 = arith.select %gt3A_1042, %div3A_1047, %get3A_1035 : vector<16xi1>, vector<16xf32>
      %mul3A_1049 = arith.mulf %gather3A_1012, %gather3A_1021 : vector<16xf32>
      %mul3A_1050 = arith.mulf %gather3A_1016, %gather3A_1025 : vector<16xf32>
      %add3A_1051 = arith.addf %mul3A_1049, %mul3A_1050 : vector<16xf32>
      %mul3A_1052 = arith.mulf %gather3A_1020, %gather3A_1029 : vector<16xf32>
      %add3A_1053 = arith.addf %add3A_1051, %mul3A_1052 : vector<16xf32>
      %mul3A_1054 = arith.mulf %select_n3A_1044, %gather3A_1021 : vector<16xf32>
      %mul3A_1055 = arith.mulf %select_n3A_1046, %gather3A_1025 : vector<16xf32>
      %add3A_1056 = arith.addf %mul3A_1054, %mul3A_1055 : vector<16xf32>
      %mul3A_1057 = arith.mulf %select_n3A_1048, %gather3A_1029 : vector<16xf32>
      %add3A_1058 = arith.addf %add3A_1056, %mul3A_1057 : vector<16xf32>
      %sub3A_1059 = arith.constant 1.000000e+00 : f32
      %sub3A_1060 = vector.broadcast %sub3A_1059 : f32 to vector<16xf32>
      %sub3A_1061 = arith.subf %sub3A_1060, %add3A_1058 : vector<16xf32>
      %mul3A_1062 = arith.constant 5.000000e-01 : f32
      %mul3A_1063 = vector.broadcast %mul3A_1062 : f32 to vector<16xf32>
      %mul3A_1064 = arith.mulf %mul3A_1063, %sub3A_1061 : vector<16xf32>
      %mul3A_1065 = arith.mulf %mul3A_1064, %add3A_1053 : vector<16xf32>
      %eq3A_1066 = arith.constant 1.000000e+00 : f32
      %eq3A_1067 = vector.broadcast %eq3A_1066 : f32 to vector<16xf32>
      %eq3A_1068 = arith.cmpf oeq, %get3A_1039, %eq3A_1067 : vector<16xf32>
      %jit3A_1069 = arith.constant 1.000000e+00 : f32
      %broadcast_in_dim3A_1070 = vector.broadcast %jit3A_1069 : f32 to vector<16xf32>
      %select_n3A_1071 = arith.select %eq3A_1068, %mul3A_1065, %broadcast_in_dim3A_1070 : vector<16xi1>, vector<16xf32>
      %swap3A_1072 = arith.constant 16 : index
      %swap3A_1073 = tpu.vector_load %arg33[%swap3A_1072] {strides = array<i32>} : memref<80xf32, #tpu.memory_space<vmem>>, vector<16xf32>,
      tpu.vector_store %arg33[%swap3A_1072], %select_n3A_1071 {strides = array<i32>} : memref<80xf32, #tpu.memory_space<vmem>>, vector<16xf32>,
      %add3A_1074 = arith.constant 32 : i32
      %add3A_1075 = arith.addi %mul3A_921, %add3A_1074 : i32
      %get3A_1076 = arith.index_cast %add3A_1075 : i32 to index
      %get3A_1077 = tpu.vector_load %arg15[%get3A_1076] {strides = array<i32>} : memref<10000xi32, #tpu.memory_space<vmem>>, vector<16xi32>,
      %mul3A_1078 = arith.constant 4 : i32
      %mul3A_1079 = vector.broadcast %mul3A_1078 : i32 to vector<16xi32>
      %mul3A_1080 = arith.muli %get3A_1077, %mul3A_1079 : vector<16xi32>
      %add3A_1081 = arith.constant 32 : i32
      %add3A_1082 = arith.addi %mul3A_921, %add3A_1081 : i32
      %get3A_1083 = arith.index_cast %add3A_1082 : i32 to index
      %get3A_1084 = tpu.vector_load %arg16[%get3A_1083] {strides = array<i32>} : memref<10000xi32, #tpu.memory_space<vmem>>, vector<16xi32>,
      %mul3A_1085 = arith.constant 4 : i32
      %mul3A_1086 = vector.broadcast %mul3A_1085 : i32 to vector<16xi32>
      %mul3A_1087 = arith.muli %get3A_1084, %mul3A_1086 : vector<16xi32>
      %gather3A_1088 = tpu.vector_load_idx %arg21[%mul3A_1080] : memref<40000xf32, #tpu.memory_space<vmem>>[vector<16xi32>], vector<16xf32>,
      %add3A_1089 = arith.constant 1 : i32
      %add3A_1090 = vector.broadcast %add3A_1089 : i32 to vector<16xi32>
      %add3A_1091 = arith.addi %mul3A_1080, %add3A_1090 : vector<16xi32>
      %gather3A_1092 = tpu.vector_load_idx %arg21[%add3A_1091] : memref<40000xf32, #tpu.memory_space<vmem>>[vector<16xi32>], vector<16xf32>,
      %add3A_1093 = arith.constant 2 : i32
      %add3A_1094 = vector.broadcast %add3A_1093 : i32 to vector<16xi32>
      %add3A_1095 = arith.addi %mul3A_1080, %add3A_1094 : vector<16xi32>
      %gather3A_1096 = tpu.vector_load_idx %arg21[%add3A_1095] : memref<40000xf32, #tpu.memory_space<vmem>>[vector<16xi32>], vector<16xf32>,
      %gather3A_1097 = tpu.vector_load_idx %arg21[%mul3A_1087] : memref<40000xf32, #tpu.memory_space<vmem>>[vector<16xi32>], vector<16xf32>,
      %add3A_1098 = arith.constant 1 : i32
      %add3A_1099 = vector.broadcast %add3A_1098 : i32 to vector<16xi32>
      %add3A_1100 = arith.addi %mul3A_1087, %add3A_1099 : vector<16xi32>
      %gather3A_1101 = tpu.vector_load_idx %arg21[%add3A_1100] : memref<40000xf32, #tpu.memory_space<vmem>>[vector<16xi32>], vector<16xf32>,
      %add3A_1102 = arith.constant 2 : i32
      %add3A_1103 = vector.broadcast %add3A_1102 : i32 to vector<16xi32>
      %add3A_1104 = arith.addi %mul3A_1087, %add3A_1103 : vector<16xi32>
      %gather3A_1105 = tpu.vector_load_idx %arg21[%add3A_1104] : memref<40000xf32, #tpu.memory_space<vmem>>[vector<16xi32>], vector<16xf32>,
      %get3A_1106 = arith.constant 32 : index
      %get3A_1107 = tpu.vector_load %arg28[%get3A_1106] {strides = array<i32>} : memref<80xf32, #tpu.memory_space<vmem>>, vector<16xf32>,
      %get3A_1108 = arith.constant 32 : index
      %get3A_1109 = tpu.vector_load %arg29[%get3A_1108] {strides = array<i32>} : memref<80xf32, #tpu.memory_space<vmem>>, vector<16xf32>,
      %get3A_1110 = arith.constant 32 : index
      %get3A_1111 = tpu.vector_load %arg30[%get3A_1110] {strides = array<i32>} : memref<80xf32, #tpu.memory_space<vmem>>, vector<16xf32>,
      %get3A_1112 = arith.constant 32 : index
      %get3A_1113 = tpu.vector_load %arg31[%get3A_1112] {strides = array<i32>} : memref<80xf32, #tpu.memory_space<vmem>>, vector<16xf32>,
      %get3A_1114 = arith.constant 32 : index
      %get3A_1115 = tpu.vector_load %arg32[%get3A_1114] {strides = array<i32>} : memref<80xf32, #tpu.memory_space<vmem>>, vector<16xf32>,
      %gt3A_1116 = arith.constant 0.000000e+00 : f32
      %gt3A_1117 = vector.broadcast %gt3A_1116 : f32 to vector<16xf32>
      %gt3A_1118 = arith.cmpf ogt, %get3A_1113, %gt3A_1117 : vector<16xf32>
      %div3A_1119 = arith.divf %get3A_1107, %get3A_1113 : vector<16xf32>
      %select_n3A_1120 = arith.select %gt3A_1118, %div3A_1119, %get3A_1107 : vector<16xi1>, vector<16xf32>
      %div3A_1121 = arith.divf %get3A_1109, %get3A_1113 : vector<16xf32>
      %select_n3A_1122 = arith.select %gt3A_1118, %div3A_1121, %get3A_1109 : vector<16xi1>, vector<16xf32>
      %div3A_1123 = arith.divf %get3A_1111, %get3A_1113 : vector<16xf32>
      %select_n3A_1124 = arith.select %gt3A_1118, %div3A_1123, %get3A_1111 : vector<16xi1>, vector<16xf32>
      %mul3A_1125 = arith.mulf %gather3A_1088, %gather3A_1097 : vector<16xf32>
      %mul3A_1126 = arith.mulf %gather3A_1092, %gather3A_1101 : vector<16xf32>
      %add3A_1127 = arith.addf %mul3A_1125, %mul3A_1126 : vector<16xf32>
      %mul3A_1128 = arith.mulf %gather3A_1096, %gather3A_1105 : vector<16xf32>
      %add3A_1129 = arith.addf %add3A_1127, %mul3A_1128 : vector<16xf32>
      %mul3A_1130 = arith.mulf %select_n3A_1120, %gather3A_1097 : vector<16xf32>
      %mul3A_1131 = arith.mulf %select_n3A_1122, %gather3A_1101 : vector<16xf32>
      %add3A_1132 = arith.addf %mul3A_1130, %mul3A_1131 : vector<16xf32>
      %mul3A_1133 = arith.mulf %select_n3A_1124, %gather3A_1105 : vector<16xf32>
      %add3A_1134 = arith.addf %add3A_1132, %mul3A_1133 : vector<16xf32>
      %sub3A_1135 = arith.constant 1.000000e+00 : f32
      %sub3A_1136 = vector.broadcast %sub3A_1135 : f32 to vector<16xf32>
      %sub3A_1137 = arith.subf %sub3A_1136, %add3A_1134 : vector<16xf32>
      %mul3A_1138 = arith.constant 5.000000e-01 : f32
      %mul3A_1139 = vector.broadcast %mul3A_1138 : f32 to vector<16xf32>
      %mul3A_1140 = arith.mulf %mul3A_1139, %sub3A_1137 : vector<16xf32>
      %mul3A_1141 = arith.mulf %mul3A_1140, %add3A_1129 : vector<16xf32>
      %eq3A_1142 = arith.constant 1.000000e+00 : f32
      %eq3A_1143 = vector.broadcast %eq3A_1142 : f32 to vector<16xf32>
      %eq3A_1144 = arith.cmpf oeq, %get3A_1115, %eq3A_1143 : vector<16xf32>
      %jit3A_1145 = arith.constant 1.000000e+00 : f32
      %broadcast_in_dim3A_1146 = vector.broadcast %jit3A_1145 : f32 to vector<16xf32>
      %select_n3A_1147 = arith.select %eq3A_1144, %mul3A_1141, %broadcast_in_dim3A_1146 : vector<16xi1>, vector<16xf32>
      %swap3A_1148 = arith.constant 32 : index
      %swap3A_1149 = tpu.vector_load %arg33[%swap3A_1148] {strides = array<i32>} : memref<80xf32, #tpu.memory_space<vmem>>, vector<16xf32>,
      tpu.vector_store %arg33[%swap3A_1148], %select_n3A_1147 {strides = array<i32>} : memref<80xf32, #tpu.memory_space<vmem>>, vector<16xf32>,
      %add3A_1150 = arith.constant 48 : i32
      %add3A_1151 = arith.addi %mul3A_921, %add3A_1150 : i32
      %get3A_1152 = arith.index_cast %add3A_1151 : i32 to index
      %get3A_1153 = tpu.vector_load %arg15[%get3A_1152] {strides = array<i32>} : memref<10000xi32, #tpu.memory_space<vmem>>, vector<16xi32>,
      %mul3A_1154 = arith.constant 4 : i32
      %mul3A_1155 = vector.broadcast %mul3A_1154 : i32 to vector<16xi32>
      %mul3A_1156 = arith.muli %get3A_1153, %mul3A_1155 : vector<16xi32>
      %add3A_1157 = arith.constant 48 : i32
      %add3A_1158 = arith.addi %mul3A_921, %add3A_1157 : i32
      %get3A_1159 = arith.index_cast %add3A_1158 : i32 to index
      %get3A_1160 = tpu.vector_load %arg16[%get3A_1159] {strides = array<i32>} : memref<10000xi32, #tpu.memory_space<vmem>>, vector<16xi32>,
      %mul3A_1161 = arith.constant 4 : i32
      %mul3A_1162 = vector.broadcast %mul3A_1161 : i32 to vector<16xi32>
      %mul3A_1163 = arith.muli %get3A_1160, %mul3A_1162 : vector<16xi32>
      %gather3A_1164 = tpu.vector_load_idx %arg21[%mul3A_1156] : memref<40000xf32, #tpu.memory_space<vmem>>[vector<16xi32>], vector<16xf32>,
      %add3A_1165 = arith.constant 1 : i32
      %add3A_1166 = vector.broadcast %add3A_1165 : i32 to vector<16xi32>
      %add3A_1167 = arith.addi %mul3A_1156, %add3A_1166 : vector<16xi32>
      %gather3A_1168 = tpu.vector_load_idx %arg21[%add3A_1167] : memref<40000xf32, #tpu.memory_space<vmem>>[vector<16xi32>], vector<16xf32>,
      %add3A_1169 = arith.constant 2 : i32
      %add3A_1170 = vector.broadcast %add3A_1169 : i32 to vector<16xi32>
      %add3A_1171 = arith.addi %mul3A_1156, %add3A_1170 : vector<16xi32>
      %gather3A_1172 = tpu.vector_load_idx %arg21[%add3A_1171] : memref<40000xf32, #tpu.memory_space<vmem>>[vector<16xi32>], vector<16xf32>,
      %gather3A_1173 = tpu.vector_load_idx %arg21[%mul3A_1163] : memref<40000xf32, #tpu.memory_space<vmem>>[vector<16xi32>], vector<16xf32>,
      %add3A_1174 = arith.constant 1 : i32
      %add3A_1175 = vector.broadcast %add3A_1174 : i32 to vector<16xi32>
      %add3A_1176 = arith.addi %mul3A_1163, %add3A_1175 : vector<16xi32>
      %gather3A_1177 = tpu.vector_load_idx %arg21[%add3A_1176] : memref<40000xf32, #tpu.memory_space<vmem>>[vector<16xi32>], vector<16xf32>,
      %add3A_1178 = arith.constant 2 : i32
      %add3A_1179 = vector.broadcast %add3A_1178 : i32 to vector<16xi32>
      %add3A_1180 = arith.addi %mul3A_1163, %add3A_1179 : vector<16xi32>
      %gather3A_1181 = tpu.vector_load_idx %arg21[%add3A_1180] : memref<40000xf32, #tpu.memory_space<vmem>>[vector<16xi32>], vector<16xf32>,
      %get3A_1182 = arith.constant 48 : index
      %get3A_1183 = tpu.vector_load %arg28[%get3A_1182] {strides = array<i32>} : memref<80xf32, #tpu.memory_space<vmem>>, vector<16xf32>,
      %get3A_1184 = arith.constant 48 : index
      %get3A_1185 = tpu.vector_load %arg29[%get3A_1184] {strides = array<i32>} : memref<80xf32, #tpu.memory_space<vmem>>, vector<16xf32>,
      %get3A_1186 = arith.constant 48 : index
      %get3A_1187 = tpu.vector_load %arg30[%get3A_1186] {strides = array<i32>} : memref<80xf32, #tpu.memory_space<vmem>>, vector<16xf32>,
      %get3A_1188 = arith.constant 48 : index
      %get3A_1189 = tpu.vector_load %arg31[%get3A_1188] {strides = array<i32>} : memref<80xf32, #tpu.memory_space<vmem>>, vector<16xf32>,
      %get3A_1190 = arith.constant 48 : index
      %get3A_1191 = tpu.vector_load %arg32[%get3A_1190] {strides = array<i32>} : memref<80xf32, #tpu.memory_space<vmem>>, vector<16xf32>,
      %gt3A_1192 = arith.constant 0.000000e+00 : f32
      %gt3A_1193 = vector.broadcast %gt3A_1192 : f32 to vector<16xf32>
      %gt3A_1194 = arith.cmpf ogt, %get3A_1189, %gt3A_1193 : vector<16xf32>
      %div3A_1195 = arith.divf %get3A_1183, %get3A_1189 : vector<16xf32>
      %select_n3A_1196 = arith.select %gt3A_1194, %div3A_1195, %get3A_1183 : vector<16xi1>, vector<16xf32>
      %div3A_1197 = arith.divf %get3A_1185, %get3A_1189 : vector<16xf32>
      %select_n3A_1198 = arith.select %gt3A_1194, %div3A_1197, %get3A_1185 : vector<16xi1>, vector<16xf32>
      %div3A_1199 = arith.divf %get3A_1187, %get3A_1189 : vector<16xf32>
      %select_n3A_1200 = arith.select %gt3A_1194, %div3A_1199, %get3A_1187 : vector<16xi1>, vector<16xf32>
      %mul3A_1201 = arith.mulf %gather3A_1164, %gather3A_1173 : vector<16xf32>
      %mul3A_1202 = arith.mulf %gather3A_1168, %gather3A_1177 : vector<16xf32>
      %add3A_1203 = arith.addf %mul3A_1201, %mul3A_1202 : vector<16xf32>
      %mul3A_1204 = arith.mulf %gather3A_1172, %gather3A_1181 : vector<16xf32>
      %add3A_1205 = arith.addf %add3A_1203, %mul3A_1204 : vector<16xf32>
      %mul3A_1206 = arith.mulf %select_n3A_1196, %gather3A_1173 : vector<16xf32>
      %mul3A_1207 = arith.mulf %select_n3A_1198, %gather3A_1177 : vector<16xf32>
      %add3A_1208 = arith.addf %mul3A_1206, %mul3A_1207 : vector<16xf32>
      %mul3A_1209 = arith.mulf %select_n3A_1200, %gather3A_1181 : vector<16xf32>
      %add3A_1210 = arith.addf %add3A_1208, %mul3A_1209 : vector<16xf32>
      %sub3A_1211 = arith.constant 1.000000e+00 : f32
      %sub3A_1212 = vector.broadcast %sub3A_1211 : f32 to vector<16xf32>
      %sub3A_1213 = arith.subf %sub3A_1212, %add3A_1210 : vector<16xf32>
      %mul3A_1214 = arith.constant 5.000000e-01 : f32
      %mul3A_1215 = vector.broadcast %mul3A_1214 : f32 to vector<16xf32>
      %mul3A_1216 = arith.mulf %mul3A_1215, %sub3A_1213 : vector<16xf32>
      %mul3A_1217 = arith.mulf %mul3A_1216, %add3A_1205 : vector<16xf32>
      %eq3A_1218 = arith.constant 1.000000e+00 : f32
      %eq3A_1219 = vector.broadcast %eq3A_1218 : f32 to vector<16xf32>
      %eq3A_1220 = arith.cmpf oeq, %get3A_1191, %eq3A_1219 : vector<16xf32>
      %jit3A_1221 = arith.constant 1.000000e+00 : f32
      %broadcast_in_dim3A_1222 = vector.broadcast %jit3A_1221 : f32 to vector<16xf32>
      %select_n3A_1223 = arith.select %eq3A_1220, %mul3A_1217, %broadcast_in_dim3A_1222 : vector<16xi1>, vector<16xf32>
      %swap3A_1224 = arith.constant 48 : index
      %swap3A_1225 = tpu.vector_load %arg33[%swap3A_1224] {strides = array<i32>} : memref<80xf32, #tpu.memory_space<vmem>>, vector<16xf32>,
      tpu.vector_store %arg33[%swap3A_1224], %select_n3A_1223 {strides = array<i32>} : memref<80xf32, #tpu.memory_space<vmem>>, vector<16xf32>,
      %add3A_1226 = arith.constant 64 : i32
      %add3A_1227 = arith.addi %mul3A_921, %add3A_1226 : i32
      %get3A_1228 = arith.index_cast %add3A_1227 : i32 to index
      %get3A_1229 = tpu.vector_load %arg15[%get3A_1228] {strides = array<i32>} : memref<10000xi32, #tpu.memory_space<vmem>>, vector<16xi32>,
      %mul3A_1230 = arith.constant 4 : i32
      %mul3A_1231 = vector.broadcast %mul3A_1230 : i32 to vector<16xi32>
      %mul3A_1232 = arith.muli %get3A_1229, %mul3A_1231 : vector<16xi32>
      %add3A_1233 = arith.constant 64 : i32
      %add3A_1234 = arith.addi %mul3A_921, %add3A_1233 : i32
      %get3A_1235 = arith.index_cast %add3A_1234 : i32 to index
      %get3A_1236 = tpu.vector_load %arg16[%get3A_1235] {strides = array<i32>} : memref<10000xi32, #tpu.memory_space<vmem>>, vector<16xi32>,
      %mul3A_1237 = arith.constant 4 : i32
      %mul3A_1238 = vector.broadcast %mul3A_1237 : i32 to vector<16xi32>
      %mul3A_1239 = arith.muli %get3A_1236, %mul3A_1238 : vector<16xi32>
      %gather3A_1240 = tpu.vector_load_idx %arg21[%mul3A_1232] : memref<40000xf32, #tpu.memory_space<vmem>>[vector<16xi32>], vector<16xf32>,
      %add3A_1241 = arith.constant 1 : i32
      %add3A_1242 = vector.broadcast %add3A_1241 : i32 to vector<16xi32>
      %add3A_1243 = arith.addi %mul3A_1232, %add3A_1242 : vector<16xi32>
      %gather3A_1244 = tpu.vector_load_idx %arg21[%add3A_1243] : memref<40000xf32, #tpu.memory_space<vmem>>[vector<16xi32>], vector<16xf32>,
      %add3A_1245 = arith.constant 2 : i32
      %add3A_1246 = vector.broadcast %add3A_1245 : i32 to vector<16xi32>
      %add3A_1247 = arith.addi %mul3A_1232, %add3A_1246 : vector<16xi32>
      %gather3A_1248 = tpu.vector_load_idx %arg21[%add3A_1247] : memref<40000xf32, #tpu.memory_space<vmem>>[vector<16xi32>], vector<16xf32>,
      %gather3A_1249 = tpu.vector_load_idx %arg21[%mul3A_1239] : memref<40000xf32, #tpu.memory_space<vmem>>[vector<16xi32>], vector<16xf32>,
      %add3A_1250 = arith.constant 1 : i32
      %add3A_1251 = vector.broadcast %add3A_1250 : i32 to vector<16xi32>
      %add3A_1252 = arith.addi %mul3A_1239, %add3A_1251 : vector<16xi32>
      %gather3A_1253 = tpu.vector_load_idx %arg21[%add3A_1252] : memref<40000xf32, #tpu.memory_space<vmem>>[vector<16xi32>], vector<16xf32>,
      %add3A_1254 = arith.constant 2 : i32
      %add3A_1255 = vector.broadcast %add3A_1254 : i32 to vector<16xi32>
      %add3A_1256 = arith.addi %mul3A_1239, %add3A_1255 : vector<16xi32>
      %gather3A_1257 = tpu.vector_load_idx %arg21[%add3A_1256] : memref<40000xf32, #tpu.memory_space<vmem>>[vector<16xi32>], vector<16xf32>,
      %get3A_1258 = arith.constant 64 : index
      %get3A_1259 = tpu.vector_load %arg28[%get3A_1258] {strides = array<i32>} : memref<80xf32, #tpu.memory_space<vmem>>, vector<16xf32>,
      %get3A_1260 = arith.constant 64 : index
      %get3A_1261 = tpu.vector_load %arg29[%get3A_1260] {strides = array<i32>} : memref<80xf32, #tpu.memory_space<vmem>>, vector<16xf32>,
      %get3A_1262 = arith.constant 64 : index
      %get3A_1263 = tpu.vector_load %arg30[%get3A_1262] {strides = array<i32>} : memref<80xf32, #tpu.memory_space<vmem>>, vector<16xf32>,
      %get3A_1264 = arith.constant 64 : index
      %get3A_1265 = tpu.vector_load %arg31[%get3A_1264] {strides = array<i32>} : memref<80xf32, #tpu.memory_space<vmem>>, vector<16xf32>,
      %get3A_1266 = arith.constant 64 : index
      %get3A_1267 = tpu.vector_load %arg32[%get3A_1266] {strides = array<i32>} : memref<80xf32, #tpu.memory_space<vmem>>, vector<16xf32>,
      %gt3A_1268 = arith.constant 0.000000e+00 : f32
      %gt3A_1269 = vector.broadcast %gt3A_1268 : f32 to vector<16xf32>
      %gt3A_1270 = arith.cmpf ogt, %get3A_1265, %gt3A_1269 : vector<16xf32>
      %div3A_1271 = arith.divf %get3A_1259, %get3A_1265 : vector<16xf32>
      %select_n3A_1272 = arith.select %gt3A_1270, %div3A_1271, %get3A_1259 : vector<16xi1>, vector<16xf32>
      %div3A_1273 = arith.divf %get3A_1261, %get3A_1265 : vector<16xf32>
      %select_n3A_1274 = arith.select %gt3A_1270, %div3A_1273, %get3A_1261 : vector<16xi1>, vector<16xf32>
      %div3A_1275 = arith.divf %get3A_1263, %get3A_1265 : vector<16xf32>
      %select_n3A_1276 = arith.select %gt3A_1270, %div3A_1275, %get3A_1263 : vector<16xi1>, vector<16xf32>
      %mul3A_1277 = arith.mulf %gather3A_1240, %gather3A_1249 : vector<16xf32>
      %mul3A_1278 = arith.mulf %gather3A_1244, %gather3A_1253 : vector<16xf32>
      %add3A_1279 = arith.addf %mul3A_1277, %mul3A_1278 : vector<16xf32>
      %mul3A_1280 = arith.mulf %gather3A_1248, %gather3A_1257 : vector<16xf32>
      %add3A_1281 = arith.addf %add3A_1279, %mul3A_1280 : vector<16xf32>
      %mul3A_1282 = arith.mulf %select_n3A_1272, %gather3A_1249 : vector<16xf32>
      %mul3A_1283 = arith.mulf %select_n3A_1274, %gather3A_1253 : vector<16xf32>
      %add3A_1284 = arith.addf %mul3A_1282, %mul3A_1283 : vector<16xf32>
      %mul3A_1285 = arith.mulf %select_n3A_1276, %gather3A_1257 : vector<16xf32>
      %add3A_1286 = arith.addf %add3A_1284, %mul3A_1285 : vector<16xf32>
      %sub3A_1287 = arith.constant 1.000000e+00 : f32
      %sub3A_1288 = vector.broadcast %sub3A_1287 : f32 to vector<16xf32>
      %sub3A_1289 = arith.subf %sub3A_1288, %add3A_1286 : vector<16xf32>
      %mul3A_1290 = arith.constant 5.000000e-01 : f32
      %mul3A_1291 = vector.broadcast %mul3A_1290 : f32 to vector<16xf32>
      %mul3A_1292 = arith.mulf %mul3A_1291, %sub3A_1289 : vector<16xf32>
      %mul3A_1293 = arith.mulf %mul3A_1292, %add3A_1281 : vector<16xf32>
      %eq3A_1294 = arith.constant 1.000000e+00 : f32
      %eq3A_1295 = vector.broadcast %eq3A_1294 : f32 to vector<16xf32>
      %eq3A_1296 = arith.cmpf oeq, %get3A_1267, %eq3A_1295 : vector<16xf32>
      %jit3A_1297 = arith.constant 1.000000e+00 : f32
      %broadcast_in_dim3A_1298 = vector.broadcast %jit3A_1297 : f32 to vector<16xf32>
      %select_n3A_1299 = arith.select %eq3A_1296, %mul3A_1293, %broadcast_in_dim3A_1298 : vector<16xi1>, vector<16xf32>
      %swap3A_1300 = arith.constant 64 : index
      %swap3A_1301 = tpu.vector_load %arg33[%swap3A_1300] {strides = array<i32>} : memref<80xf32, #tpu.memory_space<vmem>>, vector<16xf32>,
      tpu.vector_store %arg33[%swap3A_1300], %select_n3A_1299 {strides = array<i32>} : memref<80xf32, #tpu.memory_space<vmem>>, vector<16xf32>,
      %mul3A_1302 = arith.constant 80 : i32
      %mul3A_1303 = arith.muli %add3A_891, %mul3A_1302 : i32
      %add3A_1304 = arith.addi %add3A_4, %mul3A_1303 : i32
      %sub3A_1305 = arith.constant 0 : i32
      %sub3A_1306 = arith.subi %add3A_1304, %sub3A_1305 : i32
      %sub3A_1307 = arith.constant 0 : i32
      %sub3A_1308 = arith.subi %add3A_1304, %sub3A_1307 : i32
      %sub3A_1309 = arith.constant 0 : i32
      %sub3A_1310 = arith.subi %add3A_1304, %sub3A_1309 : i32
      %dma_start3A_1311 = arith.constant 0 : i32
      %dma_start3A_1312 = tpu.memref_slice %arg12[%sub3A_1306, %dma_start3A_1311] : memref<320000x256xf32, #tpu.memory_space<hbm>> -> memref<80x256xf32, #tpu.memory_space<hbm>>
      %dma_start3A_1313 = arith.constant 0 : i32
      %dma_start3A_1314 = tpu.memref_slice %arg12[%sub3A_1306, %dma_start3A_1313] : memref<320000x256xf32, #tpu.memory_space<hbm>> -> memref<80x256xf32, #tpu.memory_space<hbm>>
      tpu.enqueue_dma source(%arg18 : memref<80x256xf32, #tpu.memory_space<vmem>>) target(%dma_start3A_1314 : memref<80x256xf32, #tpu.memory_space<hbm>>) target_semaphore(%arg37 : memref<!tpu.dma_semaphore, #tpu.memory_space<semaphore_mem>>)
      %dma_start3A_1315 = arith.constant 0 : i32
      %dma_start3A_1316 = tpu.memref_slice %arg13[%sub3A_1308, %dma_start3A_1315] : memref<320000x128xf32, #tpu.memory_space<hbm>> -> memref<80x128xf32, #tpu.memory_space<hbm>>
      %dma_start3A_1317 = arith.constant 0 : i32
      %dma_start3A_1318 = tpu.memref_slice %arg13[%sub3A_1308, %dma_start3A_1317] : memref<320000x128xf32, #tpu.memory_space<hbm>> -> memref<80x128xf32, #tpu.memory_space<hbm>>
      tpu.enqueue_dma source(%arg20 : memref<80x128xf32, #tpu.memory_space<vmem>>) target(%dma_start3A_1318 : memref<80x128xf32, #tpu.memory_space<hbm>>) target_semaphore(%arg37 : memref<!tpu.dma_semaphore, #tpu.memory_space<semaphore_mem>>)
      %dma_start3A_1319 = tpu.memref_slice %arg14[%sub3A_1310] : memref<320000xf32, #tpu.memory_space<hbm>> -> memref<80xf32, #tpu.memory_space<hbm>>
      %dma_start3A_1320 = tpu.memref_slice %arg14[%sub3A_1310] : memref<320000xf32, #tpu.memory_space<hbm>> -> memref<80xf32, #tpu.memory_space<hbm>>
      tpu.enqueue_dma source(%arg33 : memref<80xf32, #tpu.memory_space<vmem>>) target(%dma_start3A_1320 : memref<80xf32, #tpu.memory_space<hbm>>) target_semaphore(%arg37 : memref<!tpu.dma_semaphore, #tpu.memory_space<semaphore_mem>>)
    }
    %scan3A_29 = arith.constant 62 : i32
    %add3A_30 = arith.constant 9920 : i32
    %add3A_31 = arith.addi %add3A_4, %add3A_30 : i32
    %dma_wait3A = arith.constant 9920 : i32
    %dma_wait3A_32 = tpu.memref_slice %arg15[%dma_wait3A] : memref<10000xi32, #tpu.memory_space<vmem>> -> memref<80xi32, #tpu.memory_space<vmem>>
    %dma_wait3A_33 = arith.constant 0 : i32
    %dma_wait3A_34 = arith.constant 0 : i32
    %dma_wait3A_35 = tpu.memref_slice %arg2[%dma_wait3A_33, %dma_wait3A_34] : memref<10000x256xf32, #tpu.memory_space<hbm>> -> memref<10000x256xf32, #tpu.memory_space<hbm>>
    tpu.wait_indirect_dma semaphore(%arg34 : memref<!tpu.dma_semaphore, #tpu.memory_space<semaphore_mem>>) src(%dma_wait3A_35 : memref<10000x256xf32, #tpu.memory_space<hbm>>) dst(%arg17 : memref<80x256xf32, #tpu.memory_space<vmem>>)
    %dma_wait3A_36 = arith.constant 9920 : i32
    %dma_wait3A_37 = tpu.memref_slice %arg16[%dma_wait3A_36] : memref<10000xi32, #tpu.memory_space<vmem>> -> memref<80xi32, #tpu.memory_space<vmem>>
    %dma_wait3A_38 = arith.constant 0 : i32
    %dma_wait3A_39 = arith.constant 0 : i32
    %dma_wait3A_40 = tpu.memref_slice %arg3[%dma_wait3A_38, %dma_wait3A_39] : memref<10000x128xf32, #tpu.memory_space<hbm>> -> memref<10000x128xf32, #tpu.memory_space<hbm>>
    tpu.wait_indirect_dma semaphore(%arg34 : memref<!tpu.dma_semaphore, #tpu.memory_space<semaphore_mem>>) src(%dma_wait3A_40 : memref<10000x128xf32, #tpu.memory_space<hbm>>) dst(%arg19 : memref<80x128xf32, #tpu.memory_space<vmem>>)
    %dma_wait3A_41 = tpu.memref_slice %arg7[%add3A_31] : memref<320000xf32, #tpu.memory_space<hbm>> -> memref<80xf32, #tpu.memory_space<hbm>>
    %dma_wait3A_42 = tpu.memref_slice %arg7[%add3A_31] : memref<320000xf32, #tpu.memory_space<hbm>> -> memref<80xf32, #tpu.memory_space<hbm>>
    tpu.wait_dma2 semaphore(%arg34 : memref<!tpu.dma_semaphore, #tpu.memory_space<semaphore_mem>>) src(%dma_wait3A_42 : memref<80xf32, #tpu.memory_space<hbm>>) dst(%arg22 : memref<80xf32, #tpu.memory_space<vmem>>)
    %dma_wait3A_43 = tpu.memref_slice %arg8[%add3A_31] : memref<320000xf32, #tpu.memory_space<hbm>> -> memref<80xf32, #tpu.memory_space<hbm>>
    %dma_wait3A_44 = tpu.memref_slice %arg8[%add3A_31] : memref<320000xf32, #tpu.memory_space<hbm>> -> memref<80xf32, #tpu.memory_space<hbm>>
    tpu.wait_dma2 semaphore(%arg34 : memref<!tpu.dma_semaphore, #tpu.memory_space<semaphore_mem>>) src(%dma_wait3A_44 : memref<80xf32, #tpu.memory_space<hbm>>) dst(%arg23 : memref<80xf32, #tpu.memory_space<vmem>>)
    %dma_wait3A_45 = tpu.memref_slice %arg9[%add3A_31] : memref<320000xf32, #tpu.memory_space<hbm>> -> memref<80xf32, #tpu.memory_space<hbm>>
    %dma_wait3A_46 = tpu.memref_slice %arg9[%add3A_31] : memref<320000xf32, #tpu.memory_space<hbm>> -> memref<80xf32, #tpu.memory_space<hbm>>
    tpu.wait_dma2 semaphore(%arg34 : memref<!tpu.dma_semaphore, #tpu.memory_space<semaphore_mem>>) src(%dma_wait3A_46 : memref<80xf32, #tpu.memory_space<hbm>>) dst(%arg24 : memref<80xf32, #tpu.memory_space<vmem>>)
    %dma_wait3A_47 = tpu.memref_slice %arg10[%add3A_31] : memref<320000xf32, #tpu.memory_space<hbm>> -> memref<80xf32, #tpu.memory_space<hbm>>
    %dma_wait3A_48 = tpu.memref_slice %arg10[%add3A_31] : memref<320000xf32, #tpu.memory_space<hbm>> -> memref<80xf32, #tpu.memory_space<hbm>>
    tpu.wait_dma2 semaphore(%arg34 : memref<!tpu.dma_semaphore, #tpu.memory_space<semaphore_mem>>) src(%dma_wait3A_48 : memref<80xf32, #tpu.memory_space<hbm>>) dst(%arg25 : memref<80xf32, #tpu.memory_space<vmem>>)
    %dma_wait3A_49 = tpu.memref_slice %arg11[%add3A_31] : memref<320000xf32, #tpu.memory_space<hbm>> -> memref<80xf32, #tpu.memory_space<hbm>>
    %dma_wait3A_50 = tpu.memref_slice %arg11[%add3A_31] : memref<320000xf32, #tpu.memory_space<hbm>> -> memref<80xf32, #tpu.memory_space<hbm>>
    tpu.wait_dma2 semaphore(%arg34 : memref<!tpu.dma_semaphore, #tpu.memory_space<semaphore_mem>>) src(%dma_wait3A_50 : memref<80xf32, #tpu.memory_space<hbm>>) dst(%arg26 : memref<80xf32, #tpu.memory_space<vmem>>)
    %get3A = arith.constant 9920 : index
    %get3A_51 = tpu.vector_load %arg15[%get3A] {strides = array<i32>} : memref<10000xi32, #tpu.memory_space<vmem>>, vector<16xi32>,
    %mul3A_52 = arith.constant 4 : i32
    %mul3A_53 = vector.broadcast %mul3A_52 : i32 to vector<16xi32>
    %mul3A_54 = arith.muli %get3A_51, %mul3A_53 : vector<16xi32>
    %get3A_55 = arith.constant 9920 : index
    %get3A_56 = tpu.vector_load %arg16[%get3A_55] {strides = array<i32>} : memref<10000xi32, #tpu.memory_space<vmem>>, vector<16xi32>,
    %mul3A_57 = arith.constant 4 : i32
    %mul3A_58 = vector.broadcast %mul3A_57 : i32 to vector<16xi32>
    %mul3A_59 = arith.muli %get3A_56, %mul3A_58 : vector<16xi32>
    %gather3A = tpu.vector_load_idx %arg21[%mul3A_54] : memref<40000xf32, #tpu.memory_space<vmem>>[vector<16xi32>], vector<16xf32>,
    %add3A_60 = arith.constant 1 : i32
    %add3A_61 = vector.broadcast %add3A_60 : i32 to vector<16xi32>
    %add3A_62 = arith.addi %mul3A_54, %add3A_61 : vector<16xi32>
    %gather3A_63 = tpu.vector_load_idx %arg21[%add3A_62] : memref<40000xf32, #tpu.memory_space<vmem>>[vector<16xi32>], vector<16xf32>,
    %add3A_64 = arith.constant 2 : i32
    %add3A_65 = vector.broadcast %add3A_64 : i32 to vector<16xi32>
    %add3A_66 = arith.addi %mul3A_54, %add3A_65 : vector<16xi32>
    %gather3A_67 = tpu.vector_load_idx %arg21[%add3A_66] : memref<40000xf32, #tpu.memory_space<vmem>>[vector<16xi32>], vector<16xf32>,
    %gather3A_68 = tpu.vector_load_idx %arg21[%mul3A_59] : memref<40000xf32, #tpu.memory_space<vmem>>[vector<16xi32>], vector<16xf32>,
    %add3A_69 = arith.constant 1 : i32
    %add3A_70 = vector.broadcast %add3A_69 : i32 to vector<16xi32>
    %add3A_71 = arith.addi %mul3A_59, %add3A_70 : vector<16xi32>
    %gather3A_72 = tpu.vector_load_idx %arg21[%add3A_71] : memref<40000xf32, #tpu.memory_space<vmem>>[vector<16xi32>], vector<16xf32>,
    %add3A_73 = arith.constant 2 : i32
    %add3A_74 = vector.broadcast %add3A_73 : i32 to vector<16xi32>
    %add3A_75 = arith.addi %mul3A_59, %add3A_74 : vector<16xi32>
    %gather3A_76 = tpu.vector_load_idx %arg21[%add3A_75] : memref<40000xf32, #tpu.memory_space<vmem>>[vector<16xi32>], vector<16xf32>,
    %get3A_77 = arith.constant 0 : index
    %get3A_78 = tpu.vector_load %arg22[%get3A_77] {strides = array<i32>} : memref<80xf32, #tpu.memory_space<vmem>>, vector<16xf32>,
    %get3A_79 = arith.constant 0 : index
    %get3A_80 = tpu.vector_load %arg23[%get3A_79] {strides = array<i32>} : memref<80xf32, #tpu.memory_space<vmem>>, vector<16xf32>,
    %get3A_81 = arith.constant 0 : index
    %get3A_82 = tpu.vector_load %arg24[%get3A_81] {strides = array<i32>} : memref<80xf32, #tpu.memory_space<vmem>>, vector<16xf32>,
    %get3A_83 = arith.constant 0 : index
    %get3A_84 = tpu.vector_load %arg25[%get3A_83] {strides = array<i32>} : memref<80xf32, #tpu.memory_space<vmem>>, vector<16xf32>,
    %get3A_85 = arith.constant 0 : index
    %get3A_86 = tpu.vector_load %arg26[%get3A_85] {strides = array<i32>} : memref<80xf32, #tpu.memory_space<vmem>>, vector<16xf32>,
    %gt3A = arith.constant 0.000000e+00 : f32
    %gt3A_87 = vector.broadcast %gt3A : f32 to vector<16xf32>
    %gt3A_88 = arith.cmpf ogt, %get3A_84, %gt3A_87 : vector<16xf32>
    %div3A = arith.divf %get3A_78, %get3A_84 : vector<16xf32>
    %select_n3A = arith.select %gt3A_88, %div3A, %get3A_78 : vector<16xi1>, vector<16xf32>
    %div3A_89 = arith.divf %get3A_80, %get3A_84 : vector<16xf32>
    %select_n3A_90 = arith.select %gt3A_88, %div3A_89, %get3A_80 : vector<16xi1>, vector<16xf32>
    %div3A_91 = arith.divf %get3A_82, %get3A_84 : vector<16xf32>
    %select_n3A_92 = arith.select %gt3A_88, %div3A_91, %get3A_82 : vector<16xi1>, vector<16xf32>
    %mul3A_93 = arith.mulf %gather3A, %gather3A_68 : vector<16xf32>
    %mul3A_94 = arith.mulf %gather3A_63, %gather3A_72 : vector<16xf32>
    %add3A_95 = arith.addf %mul3A_93, %mul3A_94 : vector<16xf32>
    %mul3A_96 = arith.mulf %gather3A_67, %gather3A_76 : vector<16xf32>
    %add3A_97 = arith.addf %add3A_95, %mul3A_96 : vector<16xf32>
    %mul3A_98 = arith.mulf %select_n3A, %gather3A_68 : vector<16xf32>
    %mul3A_99 = arith.mulf %select_n3A_90, %gather3A_72 : vector<16xf32>
    %add3A_100 = arith.addf %mul3A_98, %mul3A_99 : vector<16xf32>
    %mul3A_101 = arith.mulf %select_n3A_92, %gather3A_76 : vector<16xf32>
    %add3A_102 = arith.addf %add3A_100, %mul3A_101 : vector<16xf32>
    %sub3A = arith.constant 1.000000e+00 : f32
    %sub3A_103 = vector.broadcast %sub3A : f32 to vector<16xf32>
    %sub3A_104 = arith.subf %sub3A_103, %add3A_102 : vector<16xf32>
    %mul3A_105 = arith.constant 5.000000e-01 : f32
    %mul3A_106 = vector.broadcast %mul3A_105 : f32 to vector<16xf32>
    %mul3A_107 = arith.mulf %mul3A_106, %sub3A_104 : vector<16xf32>
    %mul3A_108 = arith.mulf %mul3A_107, %add3A_97 : vector<16xf32>
    %eq3A = arith.constant 1.000000e+00 : f32
    %eq3A_109 = vector.broadcast %eq3A : f32 to vector<16xf32>
    %eq3A_110 = arith.cmpf oeq, %get3A_86, %eq3A_109 : vector<16xf32>
    %jit3A = arith.constant 1.000000e+00 : f32
    %broadcast_in_dim3A = vector.broadcast %jit3A : f32 to vector<16xf32>
    %select_n3A_111 = arith.select %eq3A_110, %mul3A_108, %broadcast_in_dim3A : vector<16xi1>, vector<16xf32>
    %swap3A = arith.constant 0 : index
    %swap3A_112 = tpu.vector_load %arg27[%swap3A] {strides = array<i32>} : memref<80xf32, #tpu.memory_space<vmem>>, vector<16xf32>,
    tpu.vector_store %arg27[%swap3A], %select_n3A_111 {strides = array<i32>} : memref<80xf32, #tpu.memory_space<vmem>>, vector<16xf32>,
    %get3A_113 = arith.constant 9936 : index
    %get3A_114 = tpu.vector_load %arg15[%get3A_113] {strides = array<i32>} : memref<10000xi32, #tpu.memory_space<vmem>>, vector<16xi32>,
    %mul3A_115 = arith.constant 4 : i32
    %mul3A_116 = vector.broadcast %mul3A_115 : i32 to vector<16xi32>
    %mul3A_117 = arith.muli %get3A_114, %mul3A_116 : vector<16xi32>
    %get3A_118 = arith.constant 9936 : index
    %get3A_119 = tpu.vector_load %arg16[%get3A_118] {strides = array<i32>} : memref<10000xi32, #tpu.memory_space<vmem>>, vector<16xi32>,
    %mul3A_120 = arith.constant 4 : i32
    %mul3A_121 = vector.broadcast %mul3A_120 : i32 to vector<16xi32>
    %mul3A_122 = arith.muli %get3A_119, %mul3A_121 : vector<16xi32>
    %gather3A_123 = tpu.vector_load_idx %arg21[%mul3A_117] : memref<40000xf32, #tpu.memory_space<vmem>>[vector<16xi32>], vector<16xf32>,
    %add3A_124 = arith.constant 1 : i32
    %add3A_125 = vector.broadcast %add3A_124 : i32 to vector<16xi32>
    %add3A_126 = arith.addi %mul3A_117, %add3A_125 : vector<16xi32>
    %gather3A_127 = tpu.vector_load_idx %arg21[%add3A_126] : memref<40000xf32, #tpu.memory_space<vmem>>[vector<16xi32>], vector<16xf32>,
    %add3A_128 = arith.constant 2 : i32
    %add3A_129 = vector.broadcast %add3A_128 : i32 to vector<16xi32>
    %add3A_130 = arith.addi %mul3A_117, %add3A_129 : vector<16xi32>
    %gather3A_131 = tpu.vector_load_idx %arg21[%add3A_130] : memref<40000xf32, #tpu.memory_space<vmem>>[vector<16xi32>], vector<16xf32>,
    %gather3A_132 = tpu.vector_load_idx %arg21[%mul3A_122] : memref<40000xf32, #tpu.memory_space<vmem>>[vector<16xi32>], vector<16xf32>,
    %add3A_133 = arith.constant 1 : i32
    %add3A_134 = vector.broadcast %add3A_133 : i32 to vector<16xi32>
    %add3A_135 = arith.addi %mul3A_122, %add3A_134 : vector<16xi32>
    %gather3A_136 = tpu.vector_load_idx %arg21[%add3A_135] : memref<40000xf32, #tpu.memory_space<vmem>>[vector<16xi32>], vector<16xf32>,
    %add3A_137 = arith.constant 2 : i32
    %add3A_138 = vector.broadcast %add3A_137 : i32 to vector<16xi32>
    %add3A_139 = arith.addi %mul3A_122, %add3A_138 : vector<16xi32>
    %gather3A_140 = tpu.vector_load_idx %arg21[%add3A_139] : memref<40000xf32, #tpu.memory_space<vmem>>[vector<16xi32>], vector<16xf32>,
    %get3A_141 = arith.constant 16 : index
    %get3A_142 = tpu.vector_load %arg22[%get3A_141] {strides = array<i32>} : memref<80xf32, #tpu.memory_space<vmem>>, vector<16xf32>,
    %get3A_143 = arith.constant 16 : index
    %get3A_144 = tpu.vector_load %arg23[%get3A_143] {strides = array<i32>} : memref<80xf32, #tpu.memory_space<vmem>>, vector<16xf32>,
    %get3A_145 = arith.constant 16 : index
    %get3A_146 = tpu.vector_load %arg24[%get3A_145] {strides = array<i32>} : memref<80xf32, #tpu.memory_space<vmem>>, vector<16xf32>,
    %get3A_147 = arith.constant 16 : index
    %get3A_148 = tpu.vector_load %arg25[%get3A_147] {strides = array<i32>} : memref<80xf32, #tpu.memory_space<vmem>>, vector<16xf32>,
    %get3A_149 = arith.constant 16 : index
    %get3A_150 = tpu.vector_load %arg26[%get3A_149] {strides = array<i32>} : memref<80xf32, #tpu.memory_space<vmem>>, vector<16xf32>,
    %gt3A_151 = arith.constant 0.000000e+00 : f32
    %gt3A_152 = vector.broadcast %gt3A_151 : f32 to vector<16xf32>
    %gt3A_153 = arith.cmpf ogt, %get3A_148, %gt3A_152 : vector<16xf32>
    %div3A_154 = arith.divf %get3A_142, %get3A_148 : vector<16xf32>
    %select_n3A_155 = arith.select %gt3A_153, %div3A_154, %get3A_142 : vector<16xi1>, vector<16xf32>
    %div3A_156 = arith.divf %get3A_144, %get3A_148 : vector<16xf32>
    %select_n3A_157 = arith.select %gt3A_153, %div3A_156, %get3A_144 : vector<16xi1>, vector<16xf32>
    %div3A_158 = arith.divf %get3A_146, %get3A_148 : vector<16xf32>
    %select_n3A_159 = arith.select %gt3A_153, %div3A_158, %get3A_146 : vector<16xi1>, vector<16xf32>
    %mul3A_160 = arith.mulf %gather3A_123, %gather3A_132 : vector<16xf32>
    %mul3A_161 = arith.mulf %gather3A_127, %gather3A_136 : vector<16xf32>
    %add3A_162 = arith.addf %mul3A_160, %mul3A_161 : vector<16xf32>
    %mul3A_163 = arith.mulf %gather3A_131, %gather3A_140 : vector<16xf32>
    %add3A_164 = arith.addf %add3A_162, %mul3A_163 : vector<16xf32>
    %mul3A_165 = arith.mulf %select_n3A_155, %gather3A_132 : vector<16xf32>
    %mul3A_166 = arith.mulf %select_n3A_157, %gather3A_136 : vector<16xf32>
    %add3A_167 = arith.addf %mul3A_165, %mul3A_166 : vector<16xf32>
    %mul3A_168 = arith.mulf %select_n3A_159, %gather3A_140 : vector<16xf32>
    %add3A_169 = arith.addf %add3A_167, %mul3A_168 : vector<16xf32>
    %sub3A_170 = arith.constant 1.000000e+00 : f32
    %sub3A_171 = vector.broadcast %sub3A_170 : f32 to vector<16xf32>
    %sub3A_172 = arith.subf %sub3A_171, %add3A_169 : vector<16xf32>
    %mul3A_173 = arith.constant 5.000000e-01 : f32
    %mul3A_174 = vector.broadcast %mul3A_173 : f32 to vector<16xf32>
    %mul3A_175 = arith.mulf %mul3A_174, %sub3A_172 : vector<16xf32>
    %mul3A_176 = arith.mulf %mul3A_175, %add3A_164 : vector<16xf32>
    %eq3A_177 = arith.constant 1.000000e+00 : f32
    %eq3A_178 = vector.broadcast %eq3A_177 : f32 to vector<16xf32>
    %eq3A_179 = arith.cmpf oeq, %get3A_150, %eq3A_178 : vector<16xf32>
    %jit3A_180 = arith.constant 1.000000e+00 : f32
    %broadcast_in_dim3A_181 = vector.broadcast %jit3A_180 : f32 to vector<16xf32>
    %select_n3A_182 = arith.select %eq3A_179, %mul3A_176, %broadcast_in_dim3A_181 : vector<16xi1>, vector<16xf32>
    %swap3A_183 = arith.constant 16 : index
    %swap3A_184 = tpu.vector_load %arg27[%swap3A_183] {strides = array<i32>} : memref<80xf32, #tpu.memory_space<vmem>>, vector<16xf32>,
    tpu.vector_store %arg27[%swap3A_183], %select_n3A_182 {strides = array<i32>} : memref<80xf32, #tpu.memory_space<vmem>>, vector<16xf32>,
    %get3A_185 = arith.constant 9952 : index
    %get3A_186 = tpu.vector_load %arg15[%get3A_185] {strides = array<i32>} : memref<10000xi32, #tpu.memory_space<vmem>>, vector<16xi32>,
    %mul3A_187 = arith.constant 4 : i32
    %mul3A_188 = vector.broadcast %mul3A_187 : i32 to vector<16xi32>
    %mul3A_189 = arith.muli %get3A_186, %mul3A_188 : vector<16xi32>
    %get3A_190 = arith.constant 9952 : index
    %get3A_191 = tpu.vector_load %arg16[%get3A_190] {strides = array<i32>} : memref<10000xi32, #tpu.memory_space<vmem>>, vector<16xi32>,
    %mul3A_192 = arith.constant 4 : i32
    %mul3A_193 = vector.broadcast %mul3A_192 : i32 to vector<16xi32>
    %mul3A_194 = arith.muli %get3A_191, %mul3A_193 : vector<16xi32>
    %gather3A_195 = tpu.vector_load_idx %arg21[%mul3A_189] : memref<40000xf32, #tpu.memory_space<vmem>>[vector<16xi32>], vector<16xf32>,
    %add3A_196 = arith.constant 1 : i32
    %add3A_197 = vector.broadcast %add3A_196 : i32 to vector<16xi32>
    %add3A_198 = arith.addi %mul3A_189, %add3A_197 : vector<16xi32>
    %gather3A_199 = tpu.vector_load_idx %arg21[%add3A_198] : memref<40000xf32, #tpu.memory_space<vmem>>[vector<16xi32>], vector<16xf32>,
    %add3A_200 = arith.constant 2 : i32
    %add3A_201 = vector.broadcast %add3A_200 : i32 to vector<16xi32>
    %add3A_202 = arith.addi %mul3A_189, %add3A_201 : vector<16xi32>
    %gather3A_203 = tpu.vector_load_idx %arg21[%add3A_202] : memref<40000xf32, #tpu.memory_space<vmem>>[vector<16xi32>], vector<16xf32>,
    %gather3A_204 = tpu.vector_load_idx %arg21[%mul3A_194] : memref<40000xf32, #tpu.memory_space<vmem>>[vector<16xi32>], vector<16xf32>,
    %add3A_205 = arith.constant 1 : i32
    %add3A_206 = vector.broadcast %add3A_205 : i32 to vector<16xi32>
    %add3A_207 = arith.addi %mul3A_194, %add3A_206 : vector<16xi32>
    %gather3A_208 = tpu.vector_load_idx %arg21[%add3A_207] : memref<40000xf32, #tpu.memory_space<vmem>>[vector<16xi32>], vector<16xf32>,
    %add3A_209 = arith.constant 2 : i32
    %add3A_210 = vector.broadcast %add3A_209 : i32 to vector<16xi32>
    %add3A_211 = arith.addi %mul3A_194, %add3A_210 : vector<16xi32>
    %gather3A_212 = tpu.vector_load_idx %arg21[%add3A_211] : memref<40000xf32, #tpu.memory_space<vmem>>[vector<16xi32>], vector<16xf32>,
    %get3A_213 = arith.constant 32 : index
    %get3A_214 = tpu.vector_load %arg22[%get3A_213] {strides = array<i32>} : memref<80xf32, #tpu.memory_space<vmem>>, vector<16xf32>,
    %get3A_215 = arith.constant 32 : index
    %get3A_216 = tpu.vector_load %arg23[%get3A_215] {strides = array<i32>} : memref<80xf32, #tpu.memory_space<vmem>>, vector<16xf32>,
    %get3A_217 = arith.constant 32 : index
    %get3A_218 = tpu.vector_load %arg24[%get3A_217] {strides = array<i32>} : memref<80xf32, #tpu.memory_space<vmem>>, vector<16xf32>,
    %get3A_219 = arith.constant 32 : index
    %get3A_220 = tpu.vector_load %arg25[%get3A_219] {strides = array<i32>} : memref<80xf32, #tpu.memory_space<vmem>>, vector<16xf32>,
    %get3A_221 = arith.constant 32 : index
    %get3A_222 = tpu.vector_load %arg26[%get3A_221] {strides = array<i32>} : memref<80xf32, #tpu.memory_space<vmem>>, vector<16xf32>,
    %gt3A_223 = arith.constant 0.000000e+00 : f32
    %gt3A_224 = vector.broadcast %gt3A_223 : f32 to vector<16xf32>
    %gt3A_225 = arith.cmpf ogt, %get3A_220, %gt3A_224 : vector<16xf32>
    %div3A_226 = arith.divf %get3A_214, %get3A_220 : vector<16xf32>
    %select_n3A_227 = arith.select %gt3A_225, %div3A_226, %get3A_214 : vector<16xi1>, vector<16xf32>
    %div3A_228 = arith.divf %get3A_216, %get3A_220 : vector<16xf32>
    %select_n3A_229 = arith.select %gt3A_225, %div3A_228, %get3A_216 : vector<16xi1>, vector<16xf32>
    %div3A_230 = arith.divf %get3A_218, %get3A_220 : vector<16xf32>
    %select_n3A_231 = arith.select %gt3A_225, %div3A_230, %get3A_218 : vector<16xi1>, vector<16xf32>
    %mul3A_232 = arith.mulf %gather3A_195, %gather3A_204 : vector<16xf32>
    %mul3A_233 = arith.mulf %gather3A_199, %gather3A_208 : vector<16xf32>
    %add3A_234 = arith.addf %mul3A_232, %mul3A_233 : vector<16xf32>
    %mul3A_235 = arith.mulf %gather3A_203, %gather3A_212 : vector<16xf32>
    %add3A_236 = arith.addf %add3A_234, %mul3A_235 : vector<16xf32>
    %mul3A_237 = arith.mulf %select_n3A_227, %gather3A_204 : vector<16xf32>
    %mul3A_238 = arith.mulf %select_n3A_229, %gather3A_208 : vector<16xf32>
    %add3A_239 = arith.addf %mul3A_237, %mul3A_238 : vector<16xf32>
    %mul3A_240 = arith.mulf %select_n3A_231, %gather3A_212 : vector<16xf32>
    %add3A_241 = arith.addf %add3A_239, %mul3A_240 : vector<16xf32>
    %sub3A_242 = arith.constant 1.000000e+00 : f32
    %sub3A_243 = vector.broadcast %sub3A_242 : f32 to vector<16xf32>
    %sub3A_244 = arith.subf %sub3A_243, %add3A_241 : vector<16xf32>
    %mul3A_245 = arith.constant 5.000000e-01 : f32
    %mul3A_246 = vector.broadcast %mul3A_245 : f32 to vector<16xf32>
    %mul3A_247 = arith.mulf %mul3A_246, %sub3A_244 : vector<16xf32>
    %mul3A_248 = arith.mulf %mul3A_247, %add3A_236 : vector<16xf32>
    %eq3A_249 = arith.constant 1.000000e+00 : f32
    %eq3A_250 = vector.broadcast %eq3A_249 : f32 to vector<16xf32>
    %eq3A_251 = arith.cmpf oeq, %get3A_222, %eq3A_250 : vector<16xf32>
    %jit3A_252 = arith.constant 1.000000e+00 : f32
    %broadcast_in_dim3A_253 = vector.broadcast %jit3A_252 : f32 to vector<16xf32>
    %select_n3A_254 = arith.select %eq3A_251, %mul3A_248, %broadcast_in_dim3A_253 : vector<16xi1>, vector<16xf32>
    %swap3A_255 = arith.constant 32 : index
    %swap3A_256 = tpu.vector_load %arg27[%swap3A_255] {strides = array<i32>} : memref<80xf32, #tpu.memory_space<vmem>>, vector<16xf32>,
    tpu.vector_store %arg27[%swap3A_255], %select_n3A_254 {strides = array<i32>} : memref<80xf32, #tpu.memory_space<vmem>>, vector<16xf32>,
    %get3A_257 = arith.constant 9968 : index
    %get3A_258 = tpu.vector_load %arg15[%get3A_257] {strides = array<i32>} : memref<10000xi32, #tpu.memory_space<vmem>>, vector<16xi32>,
    %mul3A_259 = arith.constant 4 : i32
    %mul3A_260 = vector.broadcast %mul3A_259 : i32 to vector<16xi32>
    %mul3A_261 = arith.muli %get3A_258, %mul3A_260 : vector<16xi32>
    %get3A_262 = arith.constant 9968 : index
    %get3A_263 = tpu.vector_load %arg16[%get3A_262] {strides = array<i32>} : memref<10000xi32, #tpu.memory_space<vmem>>, vector<16xi32>,
    %mul3A_264 = arith.constant 4 : i32
    %mul3A_265 = vector.broadcast %mul3A_264 : i32 to vector<16xi32>
    %mul3A_266 = arith.muli %get3A_263, %mul3A_265 : vector<16xi32>
    %gather3A_267 = tpu.vector_load_idx %arg21[%mul3A_261] : memref<40000xf32, #tpu.memory_space<vmem>>[vector<16xi32>], vector<16xf32>,
    %add3A_268 = arith.constant 1 : i32
    %add3A_269 = vector.broadcast %add3A_268 : i32 to vector<16xi32>
    %add3A_270 = arith.addi %mul3A_261, %add3A_269 : vector<16xi32>
    %gather3A_271 = tpu.vector_load_idx %arg21[%add3A_270] : memref<40000xf32, #tpu.memory_space<vmem>>[vector<16xi32>], vector<16xf32>,
    %add3A_272 = arith.constant 2 : i32
    %add3A_273 = vector.broadcast %add3A_272 : i32 to vector<16xi32>
    %add3A_274 = arith.addi %mul3A_261, %add3A_273 : vector<16xi32>
    %gather3A_275 = tpu.vector_load_idx %arg21[%add3A_274] : memref<40000xf32, #tpu.memory_space<vmem>>[vector<16xi32>], vector<16xf32>,
    %gather3A_276 = tpu.vector_load_idx %arg21[%mul3A_266] : memref<40000xf32, #tpu.memory_space<vmem>>[vector<16xi32>], vector<16xf32>,
    %add3A_277 = arith.constant 1 : i32
    %add3A_278 = vector.broadcast %add3A_277 : i32 to vector<16xi32>
    %add3A_279 = arith.addi %mul3A_266, %add3A_278 : vector<16xi32>
    %gather3A_280 = tpu.vector_load_idx %arg21[%add3A_279] : memref<40000xf32, #tpu.memory_space<vmem>>[vector<16xi32>], vector<16xf32>,
    %add3A_281 = arith.constant 2 : i32
    %add3A_282 = vector.broadcast %add3A_281 : i32 to vector<16xi32>
    %add3A_283 = arith.addi %mul3A_266, %add3A_282 : vector<16xi32>
    %gather3A_284 = tpu.vector_load_idx %arg21[%add3A_283] : memref<40000xf32, #tpu.memory_space<vmem>>[vector<16xi32>], vector<16xf32>,
    %get3A_285 = arith.constant 48 : index
    %get3A_286 = tpu.vector_load %arg22[%get3A_285] {strides = array<i32>} : memref<80xf32, #tpu.memory_space<vmem>>, vector<16xf32>,
    %get3A_287 = arith.constant 48 : index
    %get3A_288 = tpu.vector_load %arg23[%get3A_287] {strides = array<i32>} : memref<80xf32, #tpu.memory_space<vmem>>, vector<16xf32>,
    %get3A_289 = arith.constant 48 : index
    %get3A_290 = tpu.vector_load %arg24[%get3A_289] {strides = array<i32>} : memref<80xf32, #tpu.memory_space<vmem>>, vector<16xf32>,
    %get3A_291 = arith.constant 48 : index
    %get3A_292 = tpu.vector_load %arg25[%get3A_291] {strides = array<i32>} : memref<80xf32, #tpu.memory_space<vmem>>, vector<16xf32>,
    %get3A_293 = arith.constant 48 : index
    %get3A_294 = tpu.vector_load %arg26[%get3A_293] {strides = array<i32>} : memref<80xf32, #tpu.memory_space<vmem>>, vector<16xf32>,
    %gt3A_295 = arith.constant 0.000000e+00 : f32
    %gt3A_296 = vector.broadcast %gt3A_295 : f32 to vector<16xf32>
    %gt3A_297 = arith.cmpf ogt, %get3A_292, %gt3A_296 : vector<16xf32>
    %div3A_298 = arith.divf %get3A_286, %get3A_292 : vector<16xf32>
    %select_n3A_299 = arith.select %gt3A_297, %div3A_298, %get3A_286 : vector<16xi1>, vector<16xf32>
    %div3A_300 = arith.divf %get3A_288, %get3A_292 : vector<16xf32>
    %select_n3A_301 = arith.select %gt3A_297, %div3A_300, %get3A_288 : vector<16xi1>, vector<16xf32>
    %div3A_302 = arith.divf %get3A_290, %get3A_292 : vector<16xf32>
    %select_n3A_303 = arith.select %gt3A_297, %div3A_302, %get3A_290 : vector<16xi1>, vector<16xf32>
    %mul3A_304 = arith.mulf %gather3A_267, %gather3A_276 : vector<16xf32>
    %mul3A_305 = arith.mulf %gather3A_271, %gather3A_280 : vector<16xf32>
    %add3A_306 = arith.addf %mul3A_304, %mul3A_305 : vector<16xf32>
    %mul3A_307 = arith.mulf %gather3A_275, %gather3A_284 : vector<16xf32>
    %add3A_308 = arith.addf %add3A_306, %mul3A_307 : vector<16xf32>
    %mul3A_309 = arith.mulf %select_n3A_299, %gather3A_276 : vector<16xf32>
    %mul3A_310 = arith.mulf %select_n3A_301, %gather3A_280 : vector<16xf32>
    %add3A_311 = arith.addf %mul3A_309, %mul3A_310 : vector<16xf32>
    %mul3A_312 = arith.mulf %select_n3A_303, %gather3A_284 : vector<16xf32>
    %add3A_313 = arith.addf %add3A_311, %mul3A_312 : vector<16xf32>
    %sub3A_314 = arith.constant 1.000000e+00 : f32
    %sub3A_315 = vector.broadcast %sub3A_314 : f32 to vector<16xf32>
    %sub3A_316 = arith.subf %sub3A_315, %add3A_313 : vector<16xf32>
    %mul3A_317 = arith.constant 5.000000e-01 : f32
    %mul3A_318 = vector.broadcast %mul3A_317 : f32 to vector<16xf32>
    %mul3A_319 = arith.mulf %mul3A_318, %sub3A_316 : vector<16xf32>
    %mul3A_320 = arith.mulf %mul3A_319, %add3A_308 : vector<16xf32>
    %eq3A_321 = arith.constant 1.000000e+00 : f32
    %eq3A_322 = vector.broadcast %eq3A_321 : f32 to vector<16xf32>
    %eq3A_323 = arith.cmpf oeq, %get3A_294, %eq3A_322 : vector<16xf32>
    %jit3A_324 = arith.constant 1.000000e+00 : f32
    %broadcast_in_dim3A_325 = vector.broadcast %jit3A_324 : f32 to vector<16xf32>
    %select_n3A_326 = arith.select %eq3A_323, %mul3A_320, %broadcast_in_dim3A_325 : vector<16xi1>, vector<16xf32>
    %swap3A_327 = arith.constant 48 : index
    %swap3A_328 = tpu.vector_load %arg27[%swap3A_327] {strides = array<i32>} : memref<80xf32, #tpu.memory_space<vmem>>, vector<16xf32>,
    tpu.vector_store %arg27[%swap3A_327], %select_n3A_326 {strides = array<i32>} : memref<80xf32, #tpu.memory_space<vmem>>, vector<16xf32>,
    %get3A_329 = arith.constant 9984 : index
    %get3A_330 = tpu.vector_load %arg15[%get3A_329] {strides = array<i32>} : memref<10000xi32, #tpu.memory_space<vmem>>, vector<16xi32>,
    %mul3A_331 = arith.constant 4 : i32
    %mul3A_332 = vector.broadcast %mul3A_331 : i32 to vector<16xi32>
    %mul3A_333 = arith.muli %get3A_330, %mul3A_332 : vector<16xi32>
    %get3A_334 = arith.constant 9984 : index
    %get3A_335 = tpu.vector_load %arg16[%get3A_334] {strides = array<i32>} : memref<10000xi32, #tpu.memory_space<vmem>>, vector<16xi32>,
    %mul3A_336 = arith.constant 4 : i32
    %mul3A_337 = vector.broadcast %mul3A_336 : i32 to vector<16xi32>
    %mul3A_338 = arith.muli %get3A_335, %mul3A_337 : vector<16xi32>
    %gather3A_339 = tpu.vector_load_idx %arg21[%mul3A_333] : memref<40000xf32, #tpu.memory_space<vmem>>[vector<16xi32>], vector<16xf32>,
    %add3A_340 = arith.constant 1 : i32
    %add3A_341 = vector.broadcast %add3A_340 : i32 to vector<16xi32>
    %add3A_342 = arith.addi %mul3A_333, %add3A_341 : vector<16xi32>
    %gather3A_343 = tpu.vector_load_idx %arg21[%add3A_342] : memref<40000xf32, #tpu.memory_space<vmem>>[vector<16xi32>], vector<16xf32>,
    %add3A_344 = arith.constant 2 : i32
    %add3A_345 = vector.broadcast %add3A_344 : i32 to vector<16xi32>
    %add3A_346 = arith.addi %mul3A_333, %add3A_345 : vector<16xi32>
    %gather3A_347 = tpu.vector_load_idx %arg21[%add3A_346] : memref<40000xf32, #tpu.memory_space<vmem>>[vector<16xi32>], vector<16xf32>,
    %gather3A_348 = tpu.vector_load_idx %arg21[%mul3A_338] : memref<40000xf32, #tpu.memory_space<vmem>>[vector<16xi32>], vector<16xf32>,
    %add3A_349 = arith.constant 1 : i32
    %add3A_350 = vector.broadcast %add3A_349 : i32 to vector<16xi32>
    %add3A_351 = arith.addi %mul3A_338, %add3A_350 : vector<16xi32>
    %gather3A_352 = tpu.vector_load_idx %arg21[%add3A_351] : memref<40000xf32, #tpu.memory_space<vmem>>[vector<16xi32>], vector<16xf32>,
    %add3A_353 = arith.constant 2 : i32
    %add3A_354 = vector.broadcast %add3A_353 : i32 to vector<16xi32>
    %add3A_355 = arith.addi %mul3A_338, %add3A_354 : vector<16xi32>
    %gather3A_356 = tpu.vector_load_idx %arg21[%add3A_355] : memref<40000xf32, #tpu.memory_space<vmem>>[vector<16xi32>], vector<16xf32>,
    %get3A_357 = arith.constant 64 : index
    %get3A_358 = tpu.vector_load %arg22[%get3A_357] {strides = array<i32>} : memref<80xf32, #tpu.memory_space<vmem>>, vector<16xf32>,
    %get3A_359 = arith.constant 64 : index
    %get3A_360 = tpu.vector_load %arg23[%get3A_359] {strides = array<i32>} : memref<80xf32, #tpu.memory_space<vmem>>, vector<16xf32>,
    %get3A_361 = arith.constant 64 : index
    %get3A_362 = tpu.vector_load %arg24[%get3A_361] {strides = array<i32>} : memref<80xf32, #tpu.memory_space<vmem>>, vector<16xf32>,
    %get3A_363 = arith.constant 64 : index
    %get3A_364 = tpu.vector_load %arg25[%get3A_363] {strides = array<i32>} : memref<80xf32, #tpu.memory_space<vmem>>, vector<16xf32>,
    %get3A_365 = arith.constant 64 : index
    %get3A_366 = tpu.vector_load %arg26[%get3A_365] {strides = array<i32>} : memref<80xf32, #tpu.memory_space<vmem>>, vector<16xf32>,
    %gt3A_367 = arith.constant 0.000000e+00 : f32
    %gt3A_368 = vector.broadcast %gt3A_367 : f32 to vector<16xf32>
    %gt3A_369 = arith.cmpf ogt, %get3A_364, %gt3A_368 : vector<16xf32>
    %div3A_370 = arith.divf %get3A_358, %get3A_364 : vector<16xf32>
    %select_n3A_371 = arith.select %gt3A_369, %div3A_370, %get3A_358 : vector<16xi1>, vector<16xf32>
    %div3A_372 = arith.divf %get3A_360, %get3A_364 : vector<16xf32>
    %select_n3A_373 = arith.select %gt3A_369, %div3A_372, %get3A_360 : vector<16xi1>, vector<16xf32>
    %div3A_374 = arith.divf %get3A_362, %get3A_364 : vector<16xf32>
    %select_n3A_375 = arith.select %gt3A_369, %div3A_374, %get3A_362 : vector<16xi1>, vector<16xf32>
    %mul3A_376 = arith.mulf %gather3A_339, %gather3A_348 : vector<16xf32>
    %mul3A_377 = arith.mulf %gather3A_343, %gather3A_352 : vector<16xf32>
    %add3A_378 = arith.addf %mul3A_376, %mul3A_377 : vector<16xf32>
    %mul3A_379 = arith.mulf %gather3A_347, %gather3A_356 : vector<16xf32>
    %add3A_380 = arith.addf %add3A_378, %mul3A_379 : vector<16xf32>
    %mul3A_381 = arith.mulf %select_n3A_371, %gather3A_348 : vector<16xf32>
    %mul3A_382 = arith.mulf %select_n3A_373, %gather3A_352 : vector<16xf32>
    %add3A_383 = arith.addf %mul3A_381, %mul3A_382 : vector<16xf32>
    %mul3A_384 = arith.mulf %select_n3A_375, %gather3A_356 : vector<16xf32>
    %add3A_385 = arith.addf %add3A_383, %mul3A_384 : vector<16xf32>
    %sub3A_386 = arith.constant 1.000000e+00 : f32
    %sub3A_387 = vector.broadcast %sub3A_386 : f32 to vector<16xf32>
    %sub3A_388 = arith.subf %sub3A_387, %add3A_385 : vector<16xf32>
    %mul3A_389 = arith.constant 5.000000e-01 : f32
    %mul3A_390 = vector.broadcast %mul3A_389 : f32 to vector<16xf32>
    %mul3A_391 = arith.mulf %mul3A_390, %sub3A_388 : vector<16xf32>
    %mul3A_392 = arith.mulf %mul3A_391, %add3A_380 : vector<16xf32>
    %eq3A_393 = arith.constant 1.000000e+00 : f32
    %eq3A_394 = vector.broadcast %eq3A_393 : f32 to vector<16xf32>
    %eq3A_395 = arith.cmpf oeq, %get3A_366, %eq3A_394 : vector<16xf32>
    %jit3A_396 = arith.constant 1.000000e+00 : f32
    %broadcast_in_dim3A_397 = vector.broadcast %jit3A_396 : f32 to vector<16xf32>
    %select_n3A_398 = arith.select %eq3A_395, %mul3A_392, %broadcast_in_dim3A_397 : vector<16xi1>, vector<16xf32>
    %swap3A_399 = arith.constant 64 : index
    %swap3A_400 = tpu.vector_load %arg27[%swap3A_399] {strides = array<i32>} : memref<80xf32, #tpu.memory_space<vmem>>, vector<16xf32>,
    tpu.vector_store %arg27[%swap3A_399], %select_n3A_398 {strides = array<i32>} : memref<80xf32, #tpu.memory_space<vmem>>, vector<16xf32>,
    %add3A_401 = arith.constant 9920 : i32
    %add3A_402 = arith.addi %add3A_4, %add3A_401 : i32
    %sub3A_403 = arith.constant 0 : i32
    %sub3A_404 = arith.subi %add3A_402, %sub3A_403 : i32
    %sub3A_405 = arith.constant 0 : i32
    %sub3A_406 = arith.subi %add3A_402, %sub3A_405 : i32
    %sub3A_407 = arith.constant 0 : i32
    %sub3A_408 = arith.subi %add3A_402, %sub3A_407 : i32
    %dma_start3A_409 = arith.constant 0 : i32
    %dma_start3A_410 = tpu.memref_slice %arg12[%sub3A_404, %dma_start3A_409] : memref<320000x256xf32, #tpu.memory_space<hbm>> -> memref<80x256xf32, #tpu.memory_space<hbm>>
    %dma_start3A_411 = arith.constant 0 : i32
    %dma_start3A_412 = tpu.memref_slice %arg12[%sub3A_404, %dma_start3A_411] : memref<320000x256xf32, #tpu.memory_space<hbm>> -> memref<80x256xf32, #tpu.memory_space<hbm>>
    tpu.enqueue_dma source(%arg17 : memref<80x256xf32, #tpu.memory_space<vmem>>) target(%dma_start3A_412 : memref<80x256xf32, #tpu.memory_space<hbm>>) target_semaphore(%arg36 : memref<!tpu.dma_semaphore, #tpu.memory_space<semaphore_mem>>)
    %dma_start3A_413 = arith.constant 0 : i32
    %dma_start3A_414 = tpu.memref_slice %arg13[%sub3A_406, %dma_start3A_413] : memref<320000x128xf32, #tpu.memory_space<hbm>> -> memref<80x128xf32, #tpu.memory_space<hbm>>
    %dma_start3A_415 = arith.constant 0 : i32
    %dma_start3A_416 = tpu.memref_slice %arg13[%sub3A_406, %dma_start3A_415] : memref<320000x128xf32, #tpu.memory_space<hbm>> -> memref<80x128xf32, #tpu.memory_space<hbm>>
    tpu.enqueue_dma source(%arg19 : memref<80x128xf32, #tpu.memory_space<vmem>>) target(%dma_start3A_416 : memref<80x128xf32, #tpu.memory_space<hbm>>) target_semaphore(%arg36 : memref<!tpu.dma_semaphore, #tpu.memory_space<semaphore_mem>>)
    %dma_start3A_417 = tpu.memref_slice %arg14[%sub3A_408] : memref<320000xf32, #tpu.memory_space<hbm>> -> memref<80xf32, #tpu.memory_space<hbm>>
    %dma_start3A_418 = tpu.memref_slice %arg14[%sub3A_408] : memref<320000xf32, #tpu.memory_space<hbm>> -> memref<80xf32, #tpu.memory_space<hbm>>
    tpu.enqueue_dma source(%arg27 : memref<80xf32, #tpu.memory_space<vmem>>) target(%dma_start3A_418 : memref<80xf32, #tpu.memory_space<hbm>>) target_semaphore(%arg36 : memref<!tpu.dma_semaphore, #tpu.memory_space<semaphore_mem>>)
    %add3A_419 = arith.constant 9920 : i32
    %add3A_420 = arith.addi %add3A_4, %add3A_419 : i32
    %sub3A_421 = arith.constant 0 : i32
    %sub3A_422 = arith.subi %add3A_420, %sub3A_421 : i32
    %sub3A_423 = arith.constant 0 : i32
    %sub3A_424 = arith.subi %add3A_420, %sub3A_423 : i32
    %sub3A_425 = arith.constant 0 : i32
    %sub3A_426 = arith.subi %add3A_420, %sub3A_425 : i32
    %dma_wait3A_427 = arith.constant 0 : i32
    %dma_wait3A_428 = tpu.memref_slice %arg12[%sub3A_422, %dma_wait3A_427] : memref<320000x256xf32, #tpu.memory_space<hbm>> -> memref<80x256xf32, #tpu.memory_space<hbm>>
    %dma_wait3A_429 = arith.constant 0 : i32
    %dma_wait3A_430 = tpu.memref_slice %arg12[%sub3A_422, %dma_wait3A_429] : memref<320000x256xf32, #tpu.memory_space<hbm>> -> memref<80x256xf32, #tpu.memory_space<hbm>>
    tpu.wait_dma2 semaphore(%arg36 : memref<!tpu.dma_semaphore, #tpu.memory_space<semaphore_mem>>) src(%arg17 : memref<80x256xf32, #tpu.memory_space<vmem>>) dst(%dma_wait3A_430 : memref<80x256xf32, #tpu.memory_space<hbm>>)
    %dma_wait3A_431 = arith.constant 0 : i32
    %dma_wait3A_432 = tpu.memref_slice %arg13[%sub3A_424, %dma_wait3A_431] : memref<320000x128xf32, #tpu.memory_space<hbm>> -> memref<80x128xf32, #tpu.memory_space<hbm>>
    %dma_wait3A_433 = arith.constant 0 : i32
    %dma_wait3A_434 = tpu.memref_slice %arg13[%sub3A_424, %dma_wait3A_433] : memref<320000x128xf32, #tpu.memory_space<hbm>> -> memref<80x128xf32, #tpu.memory_space<hbm>>
    tpu.wait_dma2 semaphore(%arg36 : memref<!tpu.dma_semaphore, #tpu.memory_space<semaphore_mem>>) src(%arg19 : memref<80x128xf32, #tpu.memory_space<vmem>>) dst(%dma_wait3A_434 : memref<80x128xf32, #tpu.memory_space<hbm>>)
    %dma_wait3A_435 = tpu.memref_slice %arg14[%sub3A_426] : memref<320000xf32, #tpu.memory_space<hbm>> -> memref<80xf32, #tpu.memory_space<hbm>>
    %dma_wait3A_436 = tpu.memref_slice %arg14[%sub3A_426] : memref<320000xf32, #tpu.memory_space<hbm>> -> memref<80xf32, #tpu.memory_space<hbm>>
    tpu.wait_dma2 semaphore(%arg36 : memref<!tpu.dma_semaphore, #tpu.memory_space<semaphore_mem>>) src(%arg27 : memref<80xf32, #tpu.memory_space<vmem>>) dst(%dma_wait3A_436 : memref<80xf32, #tpu.memory_space<hbm>>)
    %add3A_437 = arith.constant 9840 : i32
    %add3A_438 = arith.addi %add3A_4, %add3A_437 : i32
    %sub3A_439 = arith.constant 0 : i32
    %sub3A_440 = arith.subi %add3A_438, %sub3A_439 : i32
    %sub3A_441 = arith.constant 0 : i32
    %sub3A_442 = arith.subi %add3A_438, %sub3A_441 : i32
    %sub3A_443 = arith.constant 0 : i32
    %sub3A_444 = arith.subi %add3A_438, %sub3A_443 : i32
    %dma_wait3A_445 = arith.constant 0 : i32
    %dma_wait3A_446 = tpu.memref_slice %arg12[%sub3A_440, %dma_wait3A_445] : memref<320000x256xf32, #tpu.memory_space<hbm>> -> memref<80x256xf32, #tpu.memory_space<hbm>>
    %dma_wait3A_447 = arith.constant 0 : i32
    %dma_wait3A_448 = tpu.memref_slice %arg12[%sub3A_440, %dma_wait3A_447] : memref<320000x256xf32, #tpu.memory_space<hbm>> -> memref<80x256xf32, #tpu.memory_space<hbm>>
    tpu.wait_dma2 semaphore(%arg37 : memref<!tpu.dma_semaphore, #tpu.memory_space<semaphore_mem>>) src(%arg18 : memref<80x256xf32, #tpu.memory_space<vmem>>) dst(%dma_wait3A_448 : memref<80x256xf32, #tpu.memory_space<hbm>>)
    %dma_wait3A_449 = arith.constant 0 : i32
    %dma_wait3A_450 = tpu.memref_slice %arg13[%sub3A_442, %dma_wait3A_449] : memref<320000x128xf32, #tpu.memory_space<hbm>> -> memref<80x128xf32, #tpu.memory_space<hbm>>
    %dma_wait3A_451 = arith.constant 0 : i32
    %dma_wait3A_452 = tpu.memref_slice %arg13[%sub3A_442, %dma_wait3A_451] : memref<320000x128xf32, #tpu.memory_space<hbm>> -> memref<80x128xf32, #tpu.memory_space<hbm>>
    tpu.wait_dma2 semaphore(%arg37 : memref<!tpu.dma_semaphore, #tpu.memory_space<semaphore_mem>>) src(%arg20 : memref<80x128xf32, #tpu.memory_space<vmem>>) dst(%dma_wait3A_452 : memref<80x128xf32, #tpu.memory_space<hbm>>)
    %dma_wait3A_453 = tpu.memref_slice %arg14[%sub3A_444] : memref<320000xf32, #tpu.memory_space<hbm>> -> memref<80xf32, #tpu.memory_space<hbm>>
    %dma_wait3A_454 = tpu.memref_slice %arg14[%sub3A_444] : memref<320000xf32, #tpu.memory_space<hbm>> -> memref<80xf32, #tpu.memory_space<hbm>>
    tpu.wait_dma2 semaphore(%arg37 : memref<!tpu.dma_semaphore, #tpu.memory_space<semaphore_mem>>) src(%arg33 : memref<80xf32, #tpu.memory_space<vmem>>) dst(%dma_wait3A_454 : memref<80xf32, #tpu.memory_space<hbm>>)
    return
  }
}

module attributes {stable_mosaic.version = 14 : i64} {
  func.func @_tables_body(%arg0: i32, %arg1: memref<1000x128xf32, #tpu.memory_space<vmem>>, %arg2: memref<128x128xf32, #tpu.memory_space<vmem>>, %arg3: memref<128xf32, #tpu.memory_space<vmem>>, %arg4: memref<128x128xf32, #tpu.memory_space<vmem>>, %arg5: memref<128xf32, #tpu.memory_space<vmem>>, %arg6: memref<128x128xf32, #tpu.memory_space<vmem>>, %arg7: memref<128xf32, #tpu.memory_space<vmem>>, %arg8: memref<128x128xf32, #tpu.memory_space<vmem>>, %arg9: memref<128xf32, #tpu.memory_space<vmem>>, %arg10: memref<1000x128xf32, #tpu.memory_space<vmem>>, %arg11: memref<1000x256xf32, #tpu.memory_space<vmem>>, %arg12: memref<1000x128xf32, #tpu.memory_space<vmem>>) attributes {dimension_semantics = [#tpu.dimension_semantics<arbitrary>], iteration_bounds = array<i64: 10>, scalar_prefetch = 0 : i64, scratch_operands = 0 : i64, tpu.core_type = #tpu.core_type<tc>, window_params = [{transform_indices = @transform_0, window_bounds = array<i64: 1000, 128>}, {pipeline_mode = #tpu.pipeline_mode<synchronous>, transform_indices = @transform_1, window_bounds = array<i64: 128, 128>}, {pipeline_mode = #tpu.pipeline_mode<synchronous>, transform_indices = @transform_2, window_bounds = array<i64: 128>}, {pipeline_mode = #tpu.pipeline_mode<synchronous>, transform_indices = @transform_3, window_bounds = array<i64: 128, 128>}, {pipeline_mode = #tpu.pipeline_mode<synchronous>, transform_indices = @transform_4, window_bounds = array<i64: 128>}, {pipeline_mode = #tpu.pipeline_mode<synchronous>, transform_indices = @transform_5, window_bounds = array<i64: 128, 128>}, {pipeline_mode = #tpu.pipeline_mode<synchronous>, transform_indices = @transform_6, window_bounds = array<i64: 128>}, {pipeline_mode = #tpu.pipeline_mode<synchronous>, transform_indices = @transform_7, window_bounds = array<i64: 128, 128>}, {pipeline_mode = #tpu.pipeline_mode<synchronous>, transform_indices = @transform_8, window_bounds = array<i64: 128>}, {transform_indices = @transform_9, window_bounds = array<i64: 1000, 128>}, {transform_indices = @transform_10, window_bounds = array<i64: 1000, 256>}, {transform_indices = @transform_11, window_bounds = array<i64: 1000, 128>}]} {
    %get3A = arith.constant 0 : index
    %get3A_0 = arith.constant 0 : index
    %get3A_1 = vector.load %arg1[%get3A, %get3A_0] : memref<1000x128xf32, #tpu.memory_space<vmem>>, vector<1000x128xf32>
    %get3A_2 = arith.constant 0 : index
    %get3A_3 = arith.constant 0 : index
    %get3A_4 = vector.load %arg2[%get3A_2, %get3A_3] : memref<128x128xf32, #tpu.memory_space<vmem>>, vector<128x128xf32>
    %dot_general3A = arith.constant dense<0.000000e+00> : vector<1000x128xf32>
    %dot_general3A_5 = tpu.matmul %get3A_1, %get3A_4, %dot_general3A {dimension_numbers = #tpu.dot_dimension_numbers<[1], [1], [0], [0], [0, 0, 1, 0], [], []>, transpose_lhs_hint = false} : vector<1000x128xf32>, vector<128x128xf32>, vector<1000x128xf32> -> vector<1000x128xf32>
    %get3A_6 = arith.constant 0 : index
    %get3A_7 = vector.load %arg3[%get3A_6] : memref<128xf32, #tpu.memory_space<vmem>>, vector<128xf32>
    %broadcast_in_dim3A = vector.shape_cast %get3A_7 : vector<128xf32> to vector<1x128xf32>
    %add3A = vector.broadcast %broadcast_in_dim3A : vector<1x128xf32> to vector<1000x128xf32>
    %add3A_8 = arith.addf %dot_general3A_5, %add3A : vector<1000x128xf32>
    %swap3A = arith.constant 0 : index
    %swap3A_9 = arith.constant 0 : index
    %swap3A_10 = vector.load %arg10[%swap3A, %swap3A_9] : memref<1000x128xf32, #tpu.memory_space<vmem>>, vector<1000x128xf32>
    tpu.vector_store %arg10[%swap3A, %swap3A_9], %add3A_8 {strides = array<i32>} : memref<1000x128xf32, #tpu.memory_space<vmem>>, vector<1000x128xf32>,
    %get3A_11 = arith.constant 0 : index
    %get3A_12 = arith.constant 0 : index
    %get3A_13 = vector.load %arg4[%get3A_11, %get3A_12] : memref<128x128xf32, #tpu.memory_space<vmem>>, vector<128x128xf32>
    %dot_general3A_14 = arith.constant dense<0.000000e+00> : vector<1000x128xf32>
    %dot_general3A_15 = tpu.matmul %get3A_1, %get3A_13, %dot_general3A_14 {dimension_numbers = #tpu.dot_dimension_numbers<[1], [1], [0], [0], [0, 0, 1, 0], [], []>, transpose_lhs_hint = false} : vector<1000x128xf32>, vector<128x128xf32>, vector<1000x128xf32> -> vector<1000x128xf32>
    %get3A_16 = arith.constant 0 : index
    %get3A_17 = vector.load %arg5[%get3A_16] : memref<128xf32, #tpu.memory_space<vmem>>, vector<128xf32>
    %broadcast_in_dim3A_18 = vector.shape_cast %get3A_17 : vector<128xf32> to vector<1x128xf32>
    %add3A_19 = vector.broadcast %broadcast_in_dim3A_18 : vector<1x128xf32> to vector<1000x128xf32>
    %add3A_20 = arith.addf %dot_general3A_15, %add3A_19 : vector<1000x128xf32>
    %get3A_21 = arith.constant 0 : index
    %get3A_22 = arith.constant 0 : index
    %get3A_23 = vector.load %arg8[%get3A_21, %get3A_22] : memref<128x128xf32, #tpu.memory_space<vmem>>, vector<128x128xf32>
    %dot_general3A_24 = arith.constant dense<0.000000e+00> : vector<1000x128xf32>
    %dot_general3A_25 = tpu.matmul %get3A_1, %get3A_23, %dot_general3A_24 {dimension_numbers = #tpu.dot_dimension_numbers<[1], [1], [0], [0], [0, 0, 1, 0], [], []>, transpose_lhs_hint = false} : vector<1000x128xf32>, vector<128x128xf32>, vector<1000x128xf32> -> vector<1000x128xf32>
    %get3A_26 = arith.constant 0 : index
    %get3A_27 = vector.load %arg9[%get3A_26] : memref<128xf32, #tpu.memory_space<vmem>>, vector<128xf32>
    %broadcast_in_dim3A_28 = vector.shape_cast %get3A_27 : vector<128xf32> to vector<1x128xf32>
    %add3A_29 = vector.broadcast %broadcast_in_dim3A_28 : vector<1x128xf32> to vector<1000x128xf32>
    %add3A_30 = arith.addf %dot_general3A_25, %add3A_29 : vector<1000x128xf32>
    %get3A_31 = arith.constant 0 : index
    %get3A_32 = arith.constant 0 : index
    %get3A_33 = vector.load %arg6[%get3A_31, %get3A_32] : memref<128x128xf32, #tpu.memory_space<vmem>>, vector<128x128xf32>
    %dot_general3A_34 = arith.constant dense<0.000000e+00> : vector<1000x128xf32>
    %dot_general3A_35 = tpu.matmul %get3A_1, %get3A_33, %dot_general3A_34 {dimension_numbers = #tpu.dot_dimension_numbers<[1], [1], [0], [0], [0, 0, 1, 0], [], []>, transpose_lhs_hint = false} : vector<1000x128xf32>, vector<128x128xf32>, vector<1000x128xf32> -> vector<1000x128xf32>
    %get3A_36 = arith.constant 0 : index
    %get3A_37 = vector.load %arg7[%get3A_36] : memref<128xf32, #tpu.memory_space<vmem>>, vector<128xf32>
    %broadcast_in_dim3A_38 = vector.shape_cast %get3A_37 : vector<128xf32> to vector<1x128xf32>
    %add3A_39 = vector.broadcast %broadcast_in_dim3A_38 : vector<1x128xf32> to vector<1000x128xf32>
    %add3A_40 = arith.addf %dot_general3A_35, %add3A_39 : vector<1000x128xf32>
    %swap3A_41 = arith.constant 0 : index
    %swap3A_42 = arith.constant 0 : index
    %swap3A_43 = vector.load %arg12[%swap3A_41, %swap3A_42] : memref<1000x128xf32, #tpu.memory_space<vmem>>, vector<1000x128xf32>
    tpu.vector_store %arg12[%swap3A_41, %swap3A_42], %add3A_40 {strides = array<i32>} : memref<1000x128xf32, #tpu.memory_space<vmem>>, vector<1000x128xf32>,
    %concatenate3A = tpu.concatenate %add3A_20, %add3A_30 in 1 : vector<1000x128xf32>, vector<1000x128xf32> -> vector<1000x256xf32>
    %swap3A_44 = arith.constant 0 : index
    %swap3A_45 = arith.constant 0 : index
    %swap3A_46 = vector.load %arg11[%swap3A_44, %swap3A_45] : memref<1000x256xf32, #tpu.memory_space<vmem>>, vector<1000x256xf32>
    tpu.vector_store %arg11[%swap3A_44, %swap3A_45], %concatenate3A {strides = array<i32>} : memref<1000x256xf32, #tpu.memory_space<vmem>>, vector<1000x256xf32>,
    return
  }
  func.func @transform_0(%arg0: i32) -> (i32, i32) {
    %c0_i32 = arith.constant 0 : i32
    %c0_i32_0 = arith.constant 0 : i32
    return %arg0, %c0_i32 : i32, i32
  }
  func.func @transform_1(%arg0: i32) -> (i32, i32) {
    %c0_i32 = arith.constant 0 : i32
    %c0_i32_0 = arith.constant 0 : i32
    %c0_i32_1 = arith.constant 0 : i32
    return %c0_i32, %c0_i32_0 : i32, i32
  }
  func.func @transform_2(%arg0: i32) -> i32 {
    %c0_i32 = arith.constant 0 : i32
    %c0_i32_0 = arith.constant 0 : i32
    return %c0_i32 : i32
  }
  func.func @transform_3(%arg0: i32) -> (i32, i32) {
    %c0_i32 = arith.constant 0 : i32
    %c0_i32_0 = arith.constant 0 : i32
    %c0_i32_1 = arith.constant 0 : i32
    return %c0_i32, %c0_i32_0 : i32, i32
  }
  func.func @transform_4(%arg0: i32) -> i32 {
    %c0_i32 = arith.constant 0 : i32
    %c0_i32_0 = arith.constant 0 : i32
    return %c0_i32 : i32
  }
  func.func @transform_5(%arg0: i32) -> (i32, i32) {
    %c0_i32 = arith.constant 0 : i32
    %c0_i32_0 = arith.constant 0 : i32
    %c0_i32_1 = arith.constant 0 : i32
    return %c0_i32, %c0_i32_0 : i32, i32
  }
  func.func @transform_6(%arg0: i32) -> i32 {
    %c0_i32 = arith.constant 0 : i32
    %c0_i32_0 = arith.constant 0 : i32
    return %c0_i32 : i32
  }
  func.func @transform_7(%arg0: i32) -> (i32, i32) {
    %c0_i32 = arith.constant 0 : i32
    %c0_i32_0 = arith.constant 0 : i32
    %c0_i32_1 = arith.constant 0 : i32
    return %c0_i32, %c0_i32_0 : i32, i32
  }
  func.func @transform_8(%arg0: i32) -> i32 {
    %c0_i32 = arith.constant 0 : i32
    %c0_i32_0 = arith.constant 0 : i32
    return %c0_i32 : i32
  }
  func.func @transform_9(%arg0: i32) -> (i32, i32) {
    %c0_i32 = arith.constant 0 : i32
    %c0_i32_0 = arith.constant 0 : i32
    return %arg0, %c0_i32 : i32, i32
  }
  func.func @transform_10(%arg0: i32) -> (i32, i32) {
    %c0_i32 = arith.constant 0 : i32
    %c0_i32_0 = arith.constant 0 : i32
    return %arg0, %c0_i32 : i32, i32
  }
  func.func @transform_11(%arg0: i32) -> (i32, i32) {
    %c0_i32 = arith.constant 0 : i32
    %c0_i32_0 = arith.constant 0 : i32
    return %arg0, %c0_i32 : i32, i32
  }
}

module attributes {stable_mosaic.version = 14 : i64} {
  func.func @_edge_body(%arg0: i32, %arg1: memref<512x128xf32, #tpu.memory_space<vmem>>, %arg2: memref<512x256xf32, #tpu.memory_space<vmem>>, %arg3: memref<512x128xf32, #tpu.memory_space<vmem>>, %arg4: memref<1x1x512xf32, #tpu.memory_space<vmem>>, %arg5: memref<128x128xf32, #tpu.memory_space<vmem>>, %arg6: memref<128xf32, #tpu.memory_space<vmem>>, %arg7: memref<512x128xf32, #tpu.memory_space<vmem>>, %arg8: memref<512x128xf32, #tpu.memory_space<vmem>>, %arg9: memref<8x128xf32, #tpu.memory_space<vmem>>) attributes {dimension_semantics = [#tpu.dimension_semantics<arbitrary>], iteration_bounds = array<i64: 625>, scalar_prefetch = 0 : i64, scratch_operands = 0 : i64, tpu.core_type = #tpu.core_type<tc>, window_params = [{transform_indices = @transform_0, window_bounds = array<i64: 512, 128>}, {transform_indices = @transform_1, window_bounds = array<i64: 512, 256>}, {transform_indices = @transform_2, window_bounds = array<i64: 512, 128>}, {transform_indices = @transform_3, window_bounds = array<i64: 1, 1, 512>}, {pipeline_mode = #tpu.pipeline_mode<synchronous>, transform_indices = @transform_4, window_bounds = array<i64: 128, 128>}, {pipeline_mode = #tpu.pipeline_mode<synchronous>, transform_indices = @transform_5, window_bounds = array<i64: 128>}, {transform_indices = @transform_6, window_bounds = array<i64: 512, 128>}, {transform_indices = @transform_7, window_bounds = array<i64: 512, 128>}, {pipeline_mode = #tpu.pipeline_mode<synchronous>, transform_indices = @transform_8, window_bounds = array<i64: 8, 128>}]} {
    %get3A = arith.constant 0 : index
    %get3A_0 = arith.constant 0 : index
    %get3A_1 = vector.load %arg1[%get3A, %get3A_0] : memref<512x128xf32, #tpu.memory_space<vmem>>, vector<512x128xf32>
    %get3A_2 = arith.constant 0 : index
    %get3A_3 = arith.constant 0 : index
    %get3A_4 = vector.load %arg5[%get3A_2, %get3A_3] : memref<128x128xf32, #tpu.memory_space<vmem>>, vector<128x128xf32>
    %dot_general3A = arith.constant dense<0.000000e+00> : vector<512x128xf32>
    %dot_general3A_5 = tpu.matmul %get3A_1, %get3A_4, %dot_general3A {dimension_numbers = #tpu.dot_dimension_numbers<[1], [1], [0], [0], [0, 0, 1, 0], [], []>, transpose_lhs_hint = false} : vector<512x128xf32>, vector<128x128xf32>, vector<512x128xf32> -> vector<512x128xf32>
    %get3A_6 = arith.constant 0 : index
    %get3A_7 = vector.load %arg6[%get3A_6] : memref<128xf32, #tpu.memory_space<vmem>>, vector<128xf32>
    %broadcast_in_dim3A = vector.shape_cast %get3A_7 : vector<128xf32> to vector<1x128xf32>
    %add3A = vector.broadcast %broadcast_in_dim3A : vector<1x128xf32> to vector<512x128xf32>
    %add3A_8 = arith.addf %dot_general3A_5, %add3A : vector<512x128xf32>
    %get3A_9 = arith.constant 0 : index
    %get3A_10 = arith.constant 0 : index
    %get3A_11 = vector.load %arg2[%get3A_9, %get3A_10] : memref<512x256xf32, #tpu.memory_space<vmem>>, vector<512x256xf32>
    %slice3A = vector.extract_strided_slice %get3A_11 {offsets = [0, 0], sizes = [512, 128], strides = [1, 1]} : vector<512x256xf32> to vector<512x128xf32>
    %slice3A_12 = vector.extract_strided_slice %get3A_11 {offsets = [0, 128], sizes = [512, 128], strides = [1, 1]} : vector<512x256xf32> to vector<512x128xf32>
    %get3A_13 = arith.constant 0 : index
    %get3A_14 = arith.constant 0 : index
    %get3A_15 = vector.load %arg3[%get3A_13, %get3A_14] : memref<512x128xf32, #tpu.memory_space<vmem>>, vector<512x128xf32>
    %sub3A = arith.subf %get3A_15, %slice3A_12 : vector<512x128xf32>
    %add3A_16 = arith.addf %sub3A, %add3A_8 : vector<512x128xf32>
    %add3A_17 = arith.addf %slice3A, %sub3A : vector<512x128xf32>
    %mul3A = arith.mulf %add3A_16, %add3A_16 : vector<512x128xf32>
    %reduce_sum3A = arith.constant dense<0.000000e+00> : vector<512xf32>
    %reduce_sum3A_18 = vector.multi_reduction <add>, %mul3A, %reduce_sum3A [1] : vector<512x128xf32> to vector<512xf32>
    %broadcast_in_dim3A_19 = vector.shape_cast %reduce_sum3A_18 : vector<512xf32> to vector<512x1xf32>
    %sqrt3A = math.sqrt %broadcast_in_dim3A_19 : vector<512x1xf32>
    %mul3A_20 = arith.constant -5.000000e-01 : f32
    %mul3A_21 = vector.broadcast %mul3A_20 : f32 to vector<512x1xf32>
    %mul3A_22 = arith.mulf %mul3A_21, %sqrt3A : vector<512x1xf32>
    %exp3A = math.exp %mul3A_22 : vector<512x1xf32>
    %get3A_23 = arith.constant 0 : index
    %get3A_24 = arith.constant 0 : index
    %get3A_25 = arith.constant 0 : index
    %get3A_26 = vector.load %arg4[%get3A_23, %get3A_24, %get3A_25] : memref<1x1x512xf32, #tpu.memory_space<vmem>>, vector<1x1x512xf32>
    %reshape3A = vector.shape_cast %get3A_26 : vector<1x1x512xf32> to vector<1x512xf32>
    %transpose3A = tpu.transpose %reshape3A, [1, 0] : vector<1x512xf32> -> vector<512x1xf32>
    %mul3A_27 = arith.mulf %transpose3A, %exp3A : vector<512x1xf32>
    %swap3A = arith.constant 0 : index
    %swap3A_28 = arith.constant 0 : index
    %swap3A_29 = vector.load %arg7[%swap3A, %swap3A_28] : memref<512x128xf32, #tpu.memory_space<vmem>>, vector<512x128xf32>
    tpu.vector_store %arg7[%swap3A, %swap3A_28], %add3A_16 {strides = array<i32>} : memref<512x128xf32, #tpu.memory_space<vmem>>, vector<512x128xf32>,
    %mul3A_30 = vector.broadcast %mul3A_27 : vector<512x1xf32> to vector<512x128xf32>
    %mul3A_31 = arith.mulf %add3A_17, %mul3A_30 : vector<512x128xf32>
    %swap3A_32 = arith.constant 0 : index
    %swap3A_33 = arith.constant 0 : index
    %swap3A_34 = vector.load %arg8[%swap3A_32, %swap3A_33] : memref<512x128xf32, #tpu.memory_space<vmem>>, vector<512x128xf32>
    tpu.vector_store %arg8[%swap3A_32, %swap3A_33], %mul3A_31 {strides = array<i32>} : memref<512x128xf32, #tpu.memory_space<vmem>>, vector<512x128xf32>,
    %reduce_sum3A_35 = arith.constant dense<0.000000e+00> : vector<128xf32>
    %reduce_sum3A_36 = vector.multi_reduction <add>, %add3A_16, %reduce_sum3A_35 [0] : vector<512x128xf32> to vector<128xf32>
    %broadcast_in_dim3A_37 = vector.shape_cast %reduce_sum3A_36 : vector<128xf32> to vector<1x128xf32>
    %mul3A_38 = arith.mulf %add3A_16, %add3A_16 : vector<512x128xf32>
    %reduce_sum3A_39 = arith.constant dense<0.000000e+00> : vector<128xf32>
    %reduce_sum3A_40 = vector.multi_reduction <add>, %mul3A_38, %reduce_sum3A_39 [0] : vector<512x128xf32> to vector<128xf32>
    %broadcast_in_dim3A_41 = vector.shape_cast %reduce_sum3A_40 : vector<128xf32> to vector<1x128xf32>
    %broadcast_in_dim3A_42 = arith.constant 0.000000e+00 : f32
    %broadcast_in_dim3A_43 = vector.broadcast %broadcast_in_dim3A_42 : f32 to vector<6x128xf32>
    %concatenate3A = tpu.concatenate %broadcast_in_dim3A_37, %broadcast_in_dim3A_41, %broadcast_in_dim3A_43 in 0 : vector<1x128xf32>, vector<1x128xf32>, vector<6x128xf32> -> vector<8x128xf32>
    %eq3A = arith.constant 0 : i32
    %eq3A_44 = arith.cmpi eq, %arg0, %eq3A : i32
    %convert_element_type3A = arith.extui %eq3A_44 : i1 to i32
    %cond3A = arith.constant 0 : i32
    %cond3A_45 = arith.cmpi ne, %convert_element_type3A, %cond3A : i32
    scf.if %cond3A_45 {
      %broadcast_in_dim3A_53 = arith.constant 0.000000e+00 : f32
      %broadcast_in_dim3A_54 = vector.broadcast %broadcast_in_dim3A_53 : f32 to vector<8x128xf32>
      %swap3A_55 = arith.constant 0 : index
      %swap3A_56 = arith.constant 0 : index
      %swap3A_57 = vector.load %arg9[%swap3A_55, %swap3A_56] : memref<8x128xf32, #tpu.memory_space<vmem>>, vector<8x128xf32>
      tpu.vector_store %arg9[%swap3A_55, %swap3A_56], %broadcast_in_dim3A_54 {strides = array<i32>} : memref<8x128xf32, #tpu.memory_space<vmem>>, vector<8x128xf32>,
    } else {
    }
    %get3A_46 = arith.constant 0 : index
    %get3A_47 = arith.constant 0 : index
    %get3A_48 = vector.load %arg9[%get3A_46, %get3A_47] : memref<8x128xf32, #tpu.memory_space<vmem>>, vector<8x128xf32>
    %add3A_49 = arith.addf %get3A_48, %concatenate3A : vector<8x128xf32>
    %swap3A_50 = arith.constant 0 : index
    %swap3A_51 = arith.constant 0 : index
    %swap3A_52 = vector.load %arg9[%swap3A_50, %swap3A_51] : memref<8x128xf32, #tpu.memory_space<vmem>>, vector<8x128xf32>
    tpu.vector_store %arg9[%swap3A_50, %swap3A_51], %add3A_49 {strides = array<i32>} : memref<8x128xf32, #tpu.memory_space<vmem>>, vector<8x128xf32>,
    return
  }
  func.func @transform_0(%arg0: i32) -> (i32, i32) {
    %add3A = arith.constant 0 : i32
    %add3A_0 = arith.addi %arg0, %add3A : i32
    %c0_i32 = arith.constant 0 : i32
    %c0_i32_1 = arith.constant 0 : i32
    return %add3A_0, %c0_i32 : i32, i32
  }
  func.func @transform_1(%arg0: i32) -> (i32, i32) {
    %c0_i32 = arith.constant 0 : i32
    %c0_i32_0 = arith.constant 0 : i32
    return %arg0, %c0_i32 : i32, i32
  }
  func.func @transform_2(%arg0: i32) -> (i32, i32) {
    %c0_i32 = arith.constant 0 : i32
    %c0_i32_0 = arith.constant 0 : i32
    return %arg0, %c0_i32 : i32, i32
  }
  func.func @transform_3(%arg0: i32) -> (i32, i32, i32) {
    %c0_i32 = arith.constant 0 : i32
    %c0_i32_0 = arith.constant 0 : i32
    %c0_i32_1 = arith.constant 0 : i32
    return %arg0, %c0_i32, %c0_i32_0 : i32, i32, i32
  }
  func.func @transform_4(%arg0: i32) -> (i32, i32) {
    %c0_i32 = arith.constant 0 : i32
    %c0_i32_0 = arith.constant 0 : i32
    %c0_i32_1 = arith.constant 0 : i32
    return %c0_i32, %c0_i32_0 : i32, i32
  }
  func.func @transform_5(%arg0: i32) -> i32 {
    %c0_i32 = arith.constant 0 : i32
    %c0_i32_0 = arith.constant 0 : i32
    return %c0_i32 : i32
  }
  func.func @transform_6(%arg0: i32) -> (i32, i32) {
    %c0_i32 = arith.constant 0 : i32
    %c0_i32_0 = arith.constant 0 : i32
    return %arg0, %c0_i32 : i32, i32
  }
  func.func @transform_7(%arg0: i32) -> (i32, i32) {
    %c0_i32 = arith.constant 0 : i32
    %c0_i32_0 = arith.constant 0 : i32
    return %arg0, %c0_i32 : i32, i32
  }
  func.func @transform_8(%arg0: i32) -> (i32, i32) {
    %c0_i32 = arith.constant 0 : i32
    %c0_i32_0 = arith.constant 0 : i32
    %c0_i32_1 = arith.constant 0 : i32
    return %c0_i32, %c0_i32_0 : i32, i32
  }
}

module attributes {stable_mosaic.version = 14 : i64} {
  func.func @_efin_body_first(%arg0: i32, %arg1: memref<512x128xf32, #tpu.memory_space<vmem>>, %arg2: memref<512x128xf32, #tpu.memory_space<vmem>>, %arg3: memref<8x128xf32, #tpu.memory_space<vmem>>, %arg4: memref<8x128xf32, #tpu.memory_space<vmem>>, %arg5: memref<128xf32, #tpu.memory_space<vmem>>, %arg6: memref<128xf32, #tpu.memory_space<vmem>>, %arg7: memref<512x128xf32, #tpu.memory_space<vmem>>) attributes {dimension_semantics = [#tpu.dimension_semantics<arbitrary>], iteration_bounds = array<i64: 625>, scalar_prefetch = 0 : i64, scratch_operands = 0 : i64, tpu.core_type = #tpu.core_type<tc>, window_params = [{transform_indices = @transform_0, window_bounds = array<i64: 512, 128>}, {transform_indices = @transform_1, window_bounds = array<i64: 512, 128>}, {pipeline_mode = #tpu.pipeline_mode<synchronous>, transform_indices = @transform_2, window_bounds = array<i64: 8, 128>}, {pipeline_mode = #tpu.pipeline_mode<synchronous>, transform_indices = @transform_3, window_bounds = array<i64: 8, 128>}, {pipeline_mode = #tpu.pipeline_mode<synchronous>, transform_indices = @transform_4, window_bounds = array<i64: 128>}, {pipeline_mode = #tpu.pipeline_mode<synchronous>, transform_indices = @transform_5, window_bounds = array<i64: 128>}, {transform_indices = @transform_6, window_bounds = array<i64: 512, 128>}]} {
    %get3A = arith.constant 0 : index
    %get3A_0 = arith.constant 0 : index
    %get3A_1 = vector.load %arg3[%get3A, %get3A_0] : memref<8x128xf32, #tpu.memory_space<vmem>>, vector<1x128xf32>
    %get3A_2 = arith.constant 0 : index
    %get3A_3 = arith.constant 0 : index
    %get3A_4 = vector.load %arg4[%get3A_2, %get3A_3] : memref<8x128xf32, #tpu.memory_space<vmem>>, vector<1x128xf32>
    %add3A = arith.addf %get3A_1, %get3A_4 : vector<1x128xf32>
    %get3A_5 = arith.constant 1 : index
    %get3A_6 = arith.constant 0 : index
    %get3A_7 = vector.load %arg3[%get3A_5, %get3A_6] : memref<8x128xf32, #tpu.memory_space<vmem>>, vector<1x128xf32>
    %get3A_8 = arith.constant 1 : index
    %get3A_9 = arith.constant 0 : index
    %get3A_10 = vector.load %arg4[%get3A_8, %get3A_9] : memref<8x128xf32, #tpu.memory_space<vmem>>, vector<1x128xf32>
    %add3A_11 = arith.addf %get3A_7, %get3A_10 : vector<1x128xf32>
    %div3A = arith.constant 3.200000e+05 : f32
    %div3A_12 = vector.broadcast %div3A : f32 to vector<1x128xf32>
    %div3A_13 = arith.divf %add3A, %div3A_12 : vector<1x128xf32>
    %div3A_14 = arith.constant 3.200000e+05 : f32
    %div3A_15 = vector.broadcast %div3A_14 : f32 to vector<1x128xf32>
    %div3A_16 = arith.divf %add3A_11, %div3A_15 : vector<1x128xf32>
    %mul3A = arith.mulf %div3A_13, %div3A_13 : vector<1x128xf32>
    %sub3A = arith.subf %div3A_16, %mul3A : vector<1x128xf32>
    %get3A_17 = arith.constant 0 : index
    %get3A_18 = vector.load %arg5[%get3A_17] : memref<128xf32, #tpu.memory_space<vmem>>, vector<128xf32>
    %broadcast_in_dim3A = vector.shape_cast %get3A_18 : vector<128xf32> to vector<1x128xf32>
    %add3A_19 = arith.constant 9.99999974E-6 : f32
    %add3A_20 = vector.broadcast %add3A_19 : f32 to vector<1x128xf32>
    %add3A_21 = arith.addf %sub3A, %add3A_20 : vector<1x128xf32>
    %rsqrt3A = math.rsqrt %add3A_21 : vector<1x128xf32>
    %mul3A_22 = arith.mulf %broadcast_in_dim3A, %rsqrt3A : vector<1x128xf32>
    %get3A_23 = arith.constant 0 : index
    %get3A_24 = vector.load %arg6[%get3A_23] : memref<128xf32, #tpu.memory_space<vmem>>, vector<128xf32>
    %broadcast_in_dim3A_25 = vector.shape_cast %get3A_24 : vector<128xf32> to vector<1x128xf32>
    %mul3A_26 = arith.mulf %div3A_13, %mul3A_22 : vector<1x128xf32>
    %sub3A_27 = arith.subf %broadcast_in_dim3A_25, %mul3A_26 : vector<1x128xf32>
    %get3A_28 = arith.constant 0 : index
    %get3A_29 = arith.constant 0 : index
    %get3A_30 = vector.load %arg2[%get3A_28, %get3A_29] : memref<512x128xf32, #tpu.memory_space<vmem>>, vector<512x128xf32>
    %mul3A_31 = vector.broadcast %mul3A_22 : vector<1x128xf32> to vector<512x128xf32>
    %mul3A_32 = arith.mulf %get3A_30, %mul3A_31 : vector<512x128xf32>
    %add3A_33 = vector.broadcast %sub3A_27 : vector<1x128xf32> to vector<512x128xf32>
    %add3A_34 = arith.addf %mul3A_32, %add3A_33 : vector<512x128xf32>
    %get3A_35 = arith.constant 0 : index
    %get3A_36 = arith.constant 0 : index
    %get3A_37 = vector.load %arg1[%get3A_35, %get3A_36] : memref<512x128xf32, #tpu.memory_space<vmem>>, vector<512x128xf32>
    %max3A = arith.constant 0.000000e+00 : f32
    %max3A_38 = vector.broadcast %max3A : f32 to vector<512x128xf32>
    %max3A_39 = arith.maximumf %add3A_34, %max3A_38 : vector<512x128xf32>
    %add3A_40 = arith.addf %get3A_37, %max3A_39 : vector<512x128xf32>
    %swap3A = arith.constant 0 : index
    %swap3A_41 = arith.constant 0 : index
    %swap3A_42 = vector.load %arg7[%swap3A, %swap3A_41] : memref<512x128xf32, #tpu.memory_space<vmem>>, vector<512x128xf32>
    tpu.vector_store %arg7[%swap3A, %swap3A_41], %add3A_40 {strides = array<i32>} : memref<512x128xf32, #tpu.memory_space<vmem>>, vector<512x128xf32>,
    return
  }
  func.func @transform_0(%arg0: i32) -> (i32, i32) {
    %add3A = arith.constant 0 : i32
    %add3A_0 = arith.addi %arg0, %add3A : i32
    %c0_i32 = arith.constant 0 : i32
    %c0_i32_1 = arith.constant 0 : i32
    return %add3A_0, %c0_i32 : i32, i32
  }
  func.func @transform_1(%arg0: i32) -> (i32, i32) {
    %c0_i32 = arith.constant 0 : i32
    %c0_i32_0 = arith.constant 0 : i32
    return %arg0, %c0_i32 : i32, i32
  }
  func.func @transform_2(%arg0: i32) -> (i32, i32) {
    %c0_i32 = arith.constant 0 : i32
    %c0_i32_0 = arith.constant 0 : i32
    %c0_i32_1 = arith.constant 0 : i32
    return %c0_i32, %c0_i32_0 : i32, i32
  }
  func.func @transform_3(%arg0: i32) -> (i32, i32) {
    %c0_i32 = arith.constant 0 : i32
    %c0_i32_0 = arith.constant 0 : i32
    %c0_i32_1 = arith.constant 0 : i32
    return %c0_i32, %c0_i32_0 : i32, i32
  }
  func.func @transform_4(%arg0: i32) -> i32 {
    %c0_i32 = arith.constant 0 : i32
    %c0_i32_0 = arith.constant 0 : i32
    return %c0_i32 : i32
  }
  func.func @transform_5(%arg0: i32) -> i32 {
    %c0_i32 = arith.constant 0 : i32
    %c0_i32_0 = arith.constant 0 : i32
    return %c0_i32 : i32
  }
  func.func @transform_6(%arg0: i32) -> (i32, i32) {
    %add3A = arith.constant 0 : i32
    %add3A_0 = arith.addi %arg0, %add3A : i32
    %c0_i32 = arith.constant 0 : i32
    %c0_i32_1 = arith.constant 0 : i32
    return %add3A_0, %c0_i32 : i32, i32
  }
}

module attributes {stable_mosaic.version = 14 : i64} {
  func.func @_hfin_body(%arg0: memref<10000x128xf32, #tpu.memory_space<vmem>>, %arg1: memref<10000x128xf32, #tpu.memory_space<vmem>>, %arg2: memref<10240x128xf32, #tpu.memory_space<vmem>>, %arg3: memref<10240x128xf32, #tpu.memory_space<vmem>>, %arg4: memref<128xf32, #tpu.memory_space<vmem>>, %arg5: memref<128xf32, #tpu.memory_space<vmem>>, %arg6: memref<10000x128xf32, #tpu.memory_space<vmem>>) attributes {dimension_semantics = [], scalar_prefetch = 0 : i64, scratch_operands = 0 : i64, tpu.core_type = #tpu.core_type<tc>} {
    %get3A = arith.constant 0 : index
    %get3A_0 = arith.constant 0 : index
    %get3A_1 = vector.load %arg1[%get3A, %get3A_0] : memref<10000x128xf32, #tpu.memory_space<vmem>>, vector<10000x128xf32>
    %get3A_2 = arith.constant 0 : index
    %get3A_3 = arith.constant 0 : index
    %get3A_4 = vector.load %arg2[%get3A_2, %get3A_3] : memref<10240x128xf32, #tpu.memory_space<vmem>>, vector<10000x128xf32>
    %add3A = arith.addf %get3A_1, %get3A_4 : vector<10000x128xf32>
    %get3A_5 = arith.constant 0 : index
    %get3A_6 = arith.constant 0 : index
    %get3A_7 = vector.load %arg3[%get3A_5, %get3A_6] : memref<10240x128xf32, #tpu.memory_space<vmem>>, vector<10000x128xf32>
    %add3A_8 = arith.addf %add3A, %get3A_7 : vector<10000x128xf32>
    %reduce_sum3A = arith.constant dense<0.000000e+00> : vector<128xf32>
    %reduce_sum3A_9 = vector.multi_reduction <add>, %add3A_8, %reduce_sum3A [0] : vector<10000x128xf32> to vector<128xf32>
    %broadcast_in_dim3A = vector.shape_cast %reduce_sum3A_9 : vector<128xf32> to vector<1x128xf32>
    %div3A = arith.constant 1.000000e+04 : f32
    %div3A_10 = vector.broadcast %div3A : f32 to vector<1x128xf32>
    %div3A_11 = arith.divf %broadcast_in_dim3A, %div3A_10 : vector<1x128xf32>
    %sub3A = vector.broadcast %div3A_11 : vector<1x128xf32> to vector<10000x128xf32>
    %sub3A_12 = arith.subf %add3A_8, %sub3A : vector<10000x128xf32>
    %mul3A = arith.mulf %sub3A_12, %sub3A_12 : vector<10000x128xf32>
    %reduce_sum3A_13 = arith.constant dense<0.000000e+00> : vector<128xf32>
    %reduce_sum3A_14 = vector.multi_reduction <add>, %mul3A, %reduce_sum3A_13 [0] : vector<10000x128xf32> to vector<128xf32>
    %broadcast_in_dim3A_15 = vector.shape_cast %reduce_sum3A_14 : vector<128xf32> to vector<1x128xf32>
    %div3A_16 = arith.constant 1.000000e+04 : f32
    %div3A_17 = vector.broadcast %div3A_16 : f32 to vector<1x128xf32>
    %div3A_18 = arith.divf %broadcast_in_dim3A_15, %div3A_17 : vector<1x128xf32>
    %add3A_19 = arith.constant 9.99999974E-6 : f32
    %add3A_20 = vector.broadcast %add3A_19 : f32 to vector<1x128xf32>
    %add3A_21 = arith.addf %div3A_18, %add3A_20 : vector<1x128xf32>
    %rsqrt3A = math.rsqrt %add3A_21 : vector<1x128xf32>
    %mul3A_22 = vector.broadcast %rsqrt3A : vector<1x128xf32> to vector<10000x128xf32>
    %mul3A_23 = arith.mulf %sub3A_12, %mul3A_22 : vector<10000x128xf32>
    %get3A_24 = arith.constant 0 : index
    %get3A_25 = vector.load %arg4[%get3A_24] : memref<128xf32, #tpu.memory_space<vmem>>, vector<128xf32>
    %broadcast_in_dim3A_26 = vector.shape_cast %get3A_25 : vector<128xf32> to vector<1x128xf32>
    %mul3A_27 = vector.broadcast %broadcast_in_dim3A_26 : vector<1x128xf32> to vector<10000x128xf32>
    %mul3A_28 = arith.mulf %mul3A_23, %mul3A_27 : vector<10000x128xf32>
    %get3A_29 = arith.constant 0 : index
    %get3A_30 = vector.load %arg5[%get3A_29] : memref<128xf32, #tpu.memory_space<vmem>>, vector<128xf32>
    %broadcast_in_dim3A_31 = vector.shape_cast %get3A_30 : vector<128xf32> to vector<1x128xf32>
    %add3A_32 = vector.broadcast %broadcast_in_dim3A_31 : vector<1x128xf32> to vector<10000x128xf32>
    %add3A_33 = arith.addf %mul3A_28, %add3A_32 : vector<10000x128xf32>
    %get3A_34 = arith.constant 0 : index
    %get3A_35 = arith.constant 0 : index
    %get3A_36 = vector.load %arg0[%get3A_34, %get3A_35] : memref<10000x128xf32, #tpu.memory_space<vmem>>, vector<10000x128xf32>
    %max3A = arith.constant 0.000000e+00 : f32
    %max3A_37 = vector.broadcast %max3A : f32 to vector<10000x128xf32>
    %max3A_38 = arith.maximumf %add3A_33, %max3A_37 : vector<10000x128xf32>
    %add3A_39 = arith.addf %get3A_36, %max3A_38 : vector<10000x128xf32>
    %swap3A = arith.constant 0 : index
    %swap3A_40 = arith.constant 0 : index
    %swap3A_41 = vector.load %arg6[%swap3A, %swap3A_40] : memref<10000x128xf32, #tpu.memory_space<vmem>>, vector<10000x128xf32>
    tpu.vector_store %arg6[%swap3A, %swap3A_40], %add3A_39 {strides = array<i32>} : memref<10000x128xf32, #tpu.memory_space<vmem>>, vector<10000x128xf32>,
    return
  }
}

</mosaic_0001>

<sc_bundles>
// kernel: kernel.11.cloned.1.call-start
scs
__scs_entry_jumppad:
0x0: {  	(pc) =	sbr.rel $0x88, $3  }
0x1: {  	(tag) =	ssettag $0x0;
	lr =	simm.s32 $0x1  }
0x2: {  	[smem:$0x3F8C] =	sst lr;
	_ =	strace $0xD0000000  }
0x3: {  	_ = 	snop  }
0x4: {  	_ = 	snop  }
0x5: {  	_ = 	snop  }
0x6: {  	_ = 	snop  }
0x7: {  	_ = 	snop  }
__scs_overlays_trampoline_lowered:
0x8: {  	[smem:$0x3F9B] =	sst s0  }
0x9: {  	[smem:$0x3F9C] =	sst s1  }
0xa: {  	[smem:$0x3F9D] =	sst s2  }
0xb: {  	[smem:$0x3F9E] =	sst s3  }
0xc: {  	[smem:$0x3F9F] =	sst s4  }
0xd: {  	[smem:$0x3FA0] =	sst s5  }
0xe: {  	[smem:$0x3FA1] =	sst s6  }
0xf: {  	[smem:$0x3FA2] =	sst s7  }
0x10: {  	[smem:$0x3FA3] =	sst s8  }
0x11: {  	[smem:$0x3FA4] =	sst s9;
	s0 =	simm.s32 @!p0 $0x0  }
0x12: {  	s1 =	sld [smem:$0x3F8A];
	s0 =	simm.s32 @p0 $0x1  }
0x13: {  	[smem:$0x3FA5] =	sst s0;
	s0 =	simm.s32 @!p1 $0x0  }
0x14: {  	s2 =	sld [smem:$0x3F89];
	s0 =	simm.s32 @p1 $0x1  }
0x15: {  	[smem:$0x3FA6] =	sst s0;
	s0 =	simm.s32 @!p2 $0x0  }
0x16: {  	s3 =	sld [smem:$0x3FDB];
	s0 =	simm.s32 @p2 $0x1  }
0x17: {  	s4 =	simm.s32 $0x1BF5;
	[smem:$0x3FA8] =	sst s0  }
0x18: {  	s0 =	sld [smem:$0x3F8B];
	_ =	swait.ge [sflag:s4], $0x0  }
0x19: {  	s7 =	sld [smem:$0x3F8C]  }
0x1a: {  	s8 =	sadd.s32 $0xFFFFE003, lr  }
0x1b: {  	s9 =	sadd.s32 $0xFFFFFEF7, lr;
	s5 =	simm.s32 $0xFFFFFFFF;
	p2 =	slt.u32 s8, $0xFFFFF086  }
0x1c: {  	p1 =	slt.u32 s9, $0xF7A;
	s5 =	simm.s32 @!p2 $0x0  }
0x1d: {  	s5 =	simm.s32 @p1 $0x1;
	p0 =	seq.s32 s7, s2  }
0x1e: {  	s7 =	smul.u32 @!p0 $0xF7A, s2;
	p2 =	seq.s32 @!p0 s5, $0x0  }
0x1f: {  	s9 =	smul.u32 $0xF7A, s1;
	s8 =	simm.s32 @!p0 $0x1BF5;
	p2 =	por !p2, p0  }
0x20: {  	[sflag:s8] =	ssyncset.s32 @!p0 $0xFFFFF086;
	s6 =	sadd.s32 @!p0 s3, s7;
	s7 =	simm.s32 @!p0 $0x108  }
0x21: {  	s3 =	sadd.s32 s3, s9;
	s6 =	sadd.s32 @!p0 $0x88, s6;
	s7 =	simm.s32 @p2 $0x1082  }
0x22: {  	[simem:s7], [sflag:s8] =	dma.local @!p0 [hbm:s6], $0xF7A  }
0x23: {  	s9 =	sor.u32 $0xD0000000, s2;
	s6 =	simm.s32 $0x108;
	_ =	swait.ge @!p0 [sflag:s8], $0x0  }
0x24: {  	s3 =	sadd.s32 $0x88, s3;
	s6 =	simm.s32 @!p1 $0x1082;
	[sflag:s4] =	ssyncset.s32 $0xFFFFF086  }
0x25: {  	[simem:s6], [sflag:s4] =	dma.local [hbm:s3], $0xF7A  }
0x26: {  	[smem:$0x3F8C] =	sst s1;
	(tag) =	ssettag s2;
	_ =	strace s9  }
0x27: {  	s1 =	sld [smem:$0x3F9C]  }
0x28: {  	s2 =	sld [smem:$0x3F9D]  }
0x29: {  	s4 =	sld [smem:$0x3F9F]  }
0x2a: {  	p0 =	seq.s32 s5, $0x0;
	s5 =	sld [smem:$0x3FA0]  }
0x2b: {  	s6 =	sld [smem:$0x3FA1]  }
0x2c: {  	s7 =	sld [smem:$0x3FA2]  }
0x2d: {  	s3 =	simm.s32 $0x108;
	s8 =	sld [smem:$0x3FA3]  }
0x2e: {  	s3 =	simm.s32 @!p0 $0x1082;
	s9 =	sld [smem:$0x3FA4]  }
0x2f: {  	lr =	sadd.s32 s0, s3;
	s0 =	sld [smem:$0x3F9B]  }
0x30: {  	s3 =	sld [smem:$0x3F9E]  }
0x31: {  	[smem:$0x3FA7] =	sst s10  }
0x32: {  	s10 =	sld [smem:$0x3FA5];
	_ =	sdelay $0x3  }
0x33: {  	p0 =	seq.s32 s10, $0x1;
	s10 =	sld [smem:$0x3FA7];
	_ =	sdelay $0x3  }
0x34: {  	[smem:$0x3FA7] =	sst s10  }
0x35: {  	s10 =	sld [smem:$0x3FA6];
	_ =	sdelay $0x3  }
0x36: {  	p1 =	seq.s32 s10, $0x1;
	s10 =	sld [smem:$0x3FA7];
	_ =	sdelay $0x3  }
0x37: {  	[smem:$0x3FA7] =	sst s10  }
0x38: {  	s10 =	sld [smem:$0x3FA8]  }
0x39: {  	_ = 	snop;
	(pc) =	sbr.ind lr, $3  }
0x3a: {  	_ = 	snop  }
0x3b: {  	_ = 	snop  }
0x3c: {  	p2 =	seq.s32 s10, $0x1;
	s10 =	sld [smem:$0x3FA7]  }
0x3d: {  	_ =	shalt  }
0x3e: {  	_ =	shalt  }
0x3f: {  	_ =	shalt  }
0x40: {  	_ =	shalt  }
0x41: {  	_ =	shalt  }
0x42: {  	_ =	shalt  }
0x43: {  	_ =	shalt  }
0x44: {  	_ =	shalt  }
0x45: {  	_ =	shalt  }
0x46: {  	_ =	shalt  }
0x47: {  	_ =	shalt  }
0x48: {  	_ =	shalt  }
0x49: {  	_ =	shalt  }
0x4a: {  	_ =	shalt  }
0x4b: {  	_ =	shalt  }
0x4c: {  	_ =	shalt  }
0x4d: {  	_ =	shalt  }
0x4e: {  	_ =	shalt  }
0x4f: {  	_ =	shalt  }
0x50: {  	_ =	shalt  }
0x51: {  	_ =	shalt  }
0x52: {  	_ =	shalt  }
0x53: {  	_ =	shalt  }
0x54: {  	_ =	shalt  }
0x55: {  	_ =	shalt  }
0x56: {  	_ =	shalt  }
0x57: {  	_ =	shalt  }
0x58: {  	_ =	shalt  }
0x59: {  	_ =	shalt  }
0x5a: {  	_ =	shalt  }
0x5b: {  	_ =	shalt  }
0x5c: {  	_ =	shalt  }
0x5d: {  	_ =	shalt  }
0x5e: {  	_ =	shalt  }
0x5f: {  	_ =	shalt  }
0x60: {  	_ =	shalt  }
0x61: {  	_ =	shalt  }
0x62: {  	_ =	shalt  }
0x63: {  	_ =	shalt  }
0x64: {  	_ =	shalt  }
0x65: {  	_ =	shalt  }
0x66: {  	_ =	shalt  }
0x67: {  	_ =	shalt  }
0x68: {  	_ =	shalt  }
0x69: {  	_ =	shalt  }
0x6a: {  	_ =	shalt  }
0x6b: {  	_ =	shalt  }
0x6c: {  	_ =	shalt  }
0x6d: {  	_ =	shalt  }
0x6e: {  	_ =	shalt  }
0x6f: {  	_ =	shalt  }
0x70: {  	_ =	shalt  }
0x71: {  	_ =	shalt  }
0x72: {  	_ =	shalt  }
0x73: {  	_ =	shalt  }
0x74: {  	_ =	shalt  }
0x75: {  	_ =	shalt  }
0x76: {  	_ =	shalt  }
0x77: {  	_ =	shalt  }
0x78: {  	_ =	shalt  }
0x79: {  	_ =	shalt  }
0x7a: {  	_ =	shalt  }
0x7b: {  	_ =	shalt  }
0x7c: {  	_ =	shalt  }
0x7d: {  	_ =	shalt  }
0x7e: {  	_ =	shalt  }
0x7f: {  	_ =	shalt  }
0x80: {  	_ =	shalt  }
0x81: {  	_ =	shalt  }
0x82: {  	_ =	shalt  }
0x83: {  	_ =	shalt  }
0x84: {  	_ =	shalt  }
0x85: {  	_ =	shalt  }
0x86: {  	_ =	shalt  }
0x87: {  	_ =	shalt  }
.Lfunc_end0:
.L_simem_size_0:
called_computation.1_lowered:
.L_overlay_start_0:
0x88: {  	s0 =	sld [smem:$0x3FD9]  }
0x89: {  	s1 =	sld [smem:$0x3FFE];
	_ =	sdelay $0x3  }
0x8a: {  	s0 =	sadd.s32 s1, s0  }
0x8b: {  	[smem:$0x3FB3] =	sst s0  }
0x8c: {  	_ = 	snop  }
0x8d: {  	(tm) =	ssettm $0x1  }
0x8e: {  	s15 =	sld [smem:$0x3FFB];
	_ =	sdelay $0x3  }
0x8f: {  	_ =	strace s15  }
0x90: {  	s0 =	sld [smem:$0x3FFC];
	_ =	sdelay $0x3  }
0x91: {  	_ =	strace s0  }
0x92: {  	s0 =	sld [smem:$0x3FFD];
	_ =	sdelay $0x3  }
0x93: {  	_ =	strace s0  }
0x94: {  	_ =	strace $0x8FFFFFFF  }
0x95: {  	s16 =	sld [smem:$0x3FDB];
	_ =	sdelay $0x1  }
0x96: {  	s17 =	simm.s32 $_scs_section_size  }
0x97: {  	s2 =	simm.s32 $_size__tile_overlayer_lowered;
	s3 =	simm.s32 $_tile_overlayer_lowered  }
0x98: {  	s20 =	simm.s32 $0x1BFF;
	s19 =	sshll.u32 s3, $0x1;
	s0 =	sadd.s32 s17, s16  }
0x99: {  	s4 =	simm.s32 $0x0;
	s18 =	sshll.u32 s2, $0x1;
	s2 =	sadd.s32 s19, s0  }
0x9a: {  	[timem:s4], [sflag:s20] =	dma.local [hbm:s2], s18  }
0x9b: {  	_ =	swait.ge [sflag:s20], s18  }
0x9c: {  	s1 =	ssub.s32 $0x0, s18;
	[sflag:s20] =	ssyncset.done $0x0  }
0x9d: {  	[sflag:s20] =	ssyncadd.s32 s1;
	_ =	sdelay $0x1  }
0x9e: {  	s21 =	simm.s32 $0x1B8B  }
0x9f: {  	_ =	swait.ge [sflag:s21], $0x1  }
0xa0: {  	[sflag:s21] =	ssyncset.done $0x0  }
0xa1: {  	s23 =	simm.s32 $0x1B8E;
	s22 =	sld [smem:$0x3FFE];
	[sflag:s21] =	ssyncadd.s32 $0xFFFFFFFF  }
0xa2: {  	s24 =	simm.s32 $execute0_lowered;
	[smem:$0x3FD2] =	sst s23  }
0xa3: {  	s2 =	sshll.u32 s24, $0x1;
	_ =	strace $0x80000049;
	[dreg:$0x1] =	wrdreg $0xFFFFFFFF  }
0xa4: {  	s25 =	simm.s32 $_size_execute0_lowered;
	s0 =	sadd.s32 s0, s2;
	[dreg:$0x0] =	wrdreg $0x0  }
0xa5: {  	s2 =	sshll.u32 s25, $0x1;
	[dreg:$0x2] =	wrdreg s0  }
0xa6: {  	[dreg:$0x3] =	wrdreg s2  }
0xa7: {  	[dreg:$0x4] =	wrdreg $0xC0  }
0xa8: {  	_ =	task [dreg:s4], $0x5FFFF  }
0xa9: {  	[dreg:$0x1] =	wrdreg $0xFFFFFFFF  }
0xaa: {  	[dreg:$0x0] =	wrdreg $0x60  }
0xab: {  	[dreg:$0x2] =	wrdreg s22  }
0xac: {  	[dreg:$0x3] =	wrdreg $0x51000  }
0xad: {  	[dreg:$0x4] =	wrdreg $0x9  }
0xae: {  	_ =	task.clear_ibuf [dreg:s4], $0x5FFFF;
	_ =	strace $0x90000049  }
0xaf: {  	s26 =	simm.s32 $0x9;
	_ =	strace $0x8000004B  }
0xb0: {  	_ =	swait.ge [sflag:s26], $0x1  }
0xb1: {  	[sflag:s26] =	ssyncadd.s32 $0xFFFFFFFF  }
0xb2: {  	_ =	strace $0x9000004B  }
0xb3: {  	_ =	sfence  }
0xb4: {  	s28 =	sld [smem:$0x0];
	_ =	sdelay $0x1  }
0xb5: {  	s29 =	srdreg.scid  }
0xb6: {  	s30 =	sshll.u32 s29, $0xD;
	s31 =	sshrl.u32 s29, $0x2  }
0xb7: {  	s1 =	sand.u32 $0x1, s29;
	s2 =	sand.u32 $0x4000, s30;
	s0 =	sadd.s32 s31, s28  }
0xb8: {  	s1 =	sor.u32 s2, s1;
	s0 =	sshll.u32 s0, $0x11  }
0xb9: {  	s0 =	sor.u32 s0, s1  }
0xba: {  	s0 =	sadd.s32 $0x8F2B, s0  }
0xbb: {  	[sflag:s0] =	ssyncadd.remote.s32 $0x1  }
0xbc: {  	_ =	sfence.sel $0xFFFF  }
0xbd: {  	[dreg:$0x0] =	wrdreg $0xFFFFFFFF;
	(pc) =	sbr.abs _section_cstart, $3  }
0xbe: {  	[dreg:$0x1] =	wrdreg $0xFFFFFFFF  }
0xbf: {  	_ =	task.clear_ibuf [dreg:s4], $0x2FFFF;
	_ =	strace $0x9FFFFFFF  }
0xc0: {  	(tm) =	ssettm $0x7FFFFFFF  }
0xc1: {  	_ =	shalt  }
tec
execute0_lowered:
.L_overlay_start_1:
0x0: {  	(tag) =	ssettag $0x1  }
0x1: {  	s0 =	rddreg [dreg:$0x0]  }
0x2: {  	s3 =	rddreg [dreg:$0x1];
	s1 =	simm.s32 $0x0  }
0x3: {  	s4 =	simm.s32 $0x200;
	[smem:$0x7FF] =	sst s1  }
0x4: {  	s14 =	sadd.s32 $0xF6E000, s0;
	s22 =	sadd.s32 $0xC600, s0;
	s2 =	sadd.s32 $0x16400, s0  }
0x5: {  	v0 =	vimm.f32 $0.0e+00;
	s1 =	stileid.u32;
	s0 =	simm.s32 $0x0;
	_ =	strace $0x8000004A  }
.LBB2_1:
0x6: {  	p0 =	sne.s32 s4, $0x9E00;
	[tilespmem:s0+$0x170] =	vst v0  }
0x7: {  	[tilespmem:s0+$0x100] =	vst v0  }
0x8: {  	[tilespmem:s0+$0x110] =	vst v0  }
.Ltmp0:
0x9: {  	[tilespmem:s0+$0x120] =	vst v0;
	(pc) =	sbr.rel @p0 .LBB2_1-.Ltmp0, $4  }
0xa: {  	[tilespmem:s0+$0x130] =	vst v0  }
0xb: {  	[tilespmem:s0+$0x140] =	vst v0  }
0xc: {  	[tilespmem:s0+$0x150] =	vst v0  }
0xd: {  	[tilespmem:s0+$0x160] =	vst v0;
	s0 =	sshra.s32 s4, $0x2;
	s4 =	sadd.s32 $0x200, s4  }
0xe: {  	[tilespmem:s0+$0x170] =	vst v0  }
0xf: {  	[tilespmem:s0+$0x100] =	vst v0  }
0x10: {  	[tilespmem:s0+$0x110] =	vst v0  }
0x11: {  	[tilespmem:s0+$0x120] =	vst v0  }
0x12: {  	[tilespmem:s0+$0x130] =	vst v0  }
0x13: {  	s4 =	smul.u32 $0x50000, s1;
	[tilespmem:s0+$0x140] =	vst v0  }
0x14: {  	[tilespmem:s0+$0x150] =	vst v0  }
0x15: {  	[tilespmem:s0+$0x160] =	vst v0;
	s0 =	smul.u32 $0x280, s1;
	s4 =	sshrl.u32 s4, $0x2  }
0x16: {  	s20 =	simm.s32 $0x100;
	s19 =	sadd.s32 s4, s3;
	s4 =	simm.s32 $0x5  }
0x17: {  	[spmem:s19] =	stream.linear.scatter [tilespmem:s20], [sflag:$0x5], $0x2800, $0x38;
	[tilespmem:$0x19100] =	vst v63  }
0x18: {  	s15 =	sor.u32 $0x50, s0;
	_ =	swait.ge [sflag:s4], $0x2800  }
0x19: {  	s5 =	sshll.u32 s15, $0x7;
	[sflag:s4] =	ssyncset.done $0x0  }
0x1a: {  	s18 =	sadd.s32 s5, s3;
	[sflag:s4] =	ssyncadd.s32 $0xFFFFD800  }
0x1b: {  	[spmem:s18] =	stream.linear.scatter [tilespmem:s20], [sflag:$0x5], $0x2800, $0x38;
	[tilespmem:$0x19100] =	vst v63  }
0x1c: {  	s12 =	sadd.s32 $0xA0, s0;
	_ =	swait.ge [sflag:s4], $0x2800  }
0x1d: {  	s21 =	sshll.u32 s12, $0x7;
	[sflag:s4] =	ssyncset.done $0x0  }
0x1e: {  	s17 =	sadd.s32 s21, s3;
	[sflag:s4] =	ssyncadd.s32 $0xFFFFD800  }
0x1f: {  	[spmem:s17] =	stream.linear.scatter [tilespmem:s20], [sflag:$0x5], $0x2800, $0x38;
	[tilespmem:$0x19100] =	vst v63  }
0x20: {  	s10 =	sadd.s32 $0xF0, s0;
	_ =	swait.ge [sflag:s4], $0x2800  }
0x21: {  	s23 =	sshll.u32 s10, $0x7;
	[sflag:s4] =	ssyncset.done $0x0  }
0x22: {  	s16 =	sadd.s32 s23, s3;
	[sflag:s4] =	ssyncadd.s32 $0xFFFFD800  }
0x23: {  	[spmem:s16] =	stream.linear.scatter [tilespmem:s20], [sflag:$0x5], $0x2800, $0x38;
	[tilespmem:$0x19100] =	vst v63  }
0x24: {  	s8 =	sadd.s32 $0x140, s0;
	_ =	swait.ge [sflag:s4], $0x2800  }
0x25: {  	s24 =	sshll.u32 s8, $0x7;
	[sflag:s4] =	ssyncset.done $0x0  }
0x26: {  	s13 =	sadd.s32 s24, s3;
	[sflag:s4] =	ssyncadd.s32 $0xFFFFD800  }
0x27: {  	[spmem:s13] =	stream.linear.scatter [tilespmem:s20], [sflag:$0x5], $0x2800, $0x38;
	[tilespmem:$0x19100] =	vst v63  }
0x28: {  	s6 =	sadd.s32 $0x190, s0;
	_ =	swait.ge [sflag:s4], $0x2800  }
0x29: {  	s25 =	sshll.u32 s6, $0x7;
	[sflag:s4] =	ssyncset.done $0x0  }
0x2a: {  	s11 =	sadd.s32 s25, s3;
	[sflag:s4] =	ssyncadd.s32 $0xFFFFD800  }
0x2b: {  	[spmem:s11] =	stream.linear.scatter [tilespmem:s20], [sflag:$0x5], $0x2800, $0x38;
	[tilespmem:$0x19100] =	vst v63  }
0x2c: {  	s26 =	sadd.s32 $0x1E0, s0;
	_ =	swait.ge [sflag:s4], $0x2800  }
0x2d: {  	s7 =	sshll.u32 s26, $0x7;
	[sflag:s4] =	ssyncset.done $0x0  }
0x2e: {  	s9 =	sadd.s32 s7, s3;
	[dreg:$0x4] =	wrdreg s26;
	[sflag:s4] =	ssyncadd.s32 $0xFFFFD800  }
0x2f: {  	[spmem:s9] =	stream.linear.scatter [tilespmem:s20], [sflag:$0x5], $0x2800, $0x38;
	[tilespmem:$0x19100] =	vst v63  }
0x30: {  	s0 =	sadd.s32 $0x230, s0;
	_ =	swait.ge [sflag:s4], $0x2800  }
0x31: {  	[dreg:$0x3] =	wrdreg s0;
	s0 =	sshll.u32 s0, $0x7;
	[sflag:s4] =	ssyncset.done $0x0  }
0x32: {  	s7 =	sadd.s32 s0, s3;
	[sflag:s4] =	ssyncadd.s32 $0xFFFFD800  }
0x33: {  	[spmem:s7] =	stream.linear.scatter [tilespmem:s20], [sflag:$0x5], $0x2800, $0x38;
	[tilespmem:$0x19100] =	vst v63  }
0x34: {  	s0 =	smul.u32 $0x4E20, s1;
	_ =	swait.ge [sflag:s4], $0x2800  }
0x35: {  	s23 =	simm.s32 $0x0;
	[sflag:s4] =	ssyncset.done $0x0  }
0x36: {  	s21 =	sshrl.u32 s0, $0x3;
	s5 =	sadd.s32 $0x50, s0;
	[sflag:s4] =	ssyncadd.s32 $0xFFFFD800  }
0x37: {  	s24 =	sadd.s32 s22, s21;
	s21 =	smul.u32 $0x4E200, s1;
	[bflag:$0x0] =	sbarrier.arrive $0xFFFF  }
0x38: {  	[tilespmem:s23], [sflag:$0x1] =	stream.linear.gather [hbm4b:s24+s23], $0x50, $0x38;
	[tilespmem:$0x19100] =	vst v63  }
0x39: {  	s25 =	sshrl.u32 s5, $0x3;
	s24 =	sadd.s32 s14, s21  }
0x3a: {  	[tilespmem:s20], [sflag:$0x1] =	stream.linear.gather [hbm4b:s24+s23], $0x2800, $0x38;
	[tilespmem:$0x19100] =	vst v63  }
0x3b: {  	s26 =	sadd.s32 s22, s25;
	s25 =	simm.s32 $0x80;
	s4 =	sshll.u32 s5, $0x4  }
0x3c: {  	[tilespmem:s25], [sflag:$0x2] =	stream.linear.gather [hbm4b:s26+s23], $0x50, $0x38;
	[tilespmem:$0x19100] =	vst v63  }
0x3d: {  	s28 =	simm.s32 $0x1;
	s4 =	sadd.s32 s14, s4;
	s26 =	simm.s32 $0x2900  }
0x3e: {  	[tilespmem:s26], [sflag:$0x2] =	stream.linear.gather [hbm4b:s4+s23], $0x2800, $0x38;
	[tilespmem:$0x19100] =	vst v63  }
0x3f: {  	_ =	swait.ge [sflag:s28], $0x50  }
0x40: {  	[sflag:s28] =	ssyncset.done $0x0  }
0x41: {  	[sflag:s28] =	ssyncadd.s32 $0xFFFFFFB0  }
0x42: {  	_ =	swait.ge [sflag:s28], $0x2800  }
0x43: {  	[sflag:s28] =	ssyncset.done $0x0  }
0x44: {  	s29 =	simm.s32 $0x50;
	s30 =	simm.s32 $0x3;
	[sflag:s28] =	ssyncadd.s32 $0xFFFFD800  }
0x45: {  	[spmem:s3] =	stream.indirect.scatter.add.f32 [tilespmem:s20], [sflag:$0x3], $0x80, s23, s29, $0xb8;
	[tilespmem:$0x19100] =	vst v63  }
0x46: {  	s0 =	sadd.s32 $0xA0, s0;
	_ =	swait.ge [sflag:s30], $0x2800  }
0x47: {  	s5 =	sshrl.u32 s0, $0x3;
	[sflag:s30] =	ssyncset.done $0x0  }
0x48: {  	s0 =	sshll.u32 s0, $0x4;
	s4 =	sadd.s32 s22, s5;
	[sflag:s30] =	ssyncadd.s32 $0xFFFFD800  }
0x49: {  	[tilespmem:s23], [sflag:$0x1] =	stream.linear.gather [hbm4b:s4+s23], $0x50, $0x38;
	[tilespmem:$0x19100] =	vst v63  }
0x4a: {  	s31 =	simm.s32 $0x2;
	s0 =	sadd.s32 s14, s0  }
0x4b: {  	[tilespmem:s20], [sflag:$0x1] =	stream.linear.gather [hbm4b:s0+s23], $0x2800, $0x38;
	[tilespmem:$0x19100] =	vst v63  }
0x4c: {  	_ =	swait.ge [sflag:s31], $0x50  }
0x4d: {  	[sflag:s31] =	ssyncset.done $0x0  }
0x4e: {  	[sflag:s31] =	ssyncadd.s32 $0xFFFFFFB0  }
0x4f: {  	_ =	swait.ge [sflag:s31], $0x2800  }
0x50: {  	[sflag:s31] =	ssyncset.done $0x0  }
0x51: {  	s1 =	smul.u32 $0x9C4, s1;
	s0 =	simm.s32 $0x4;
	[sflag:s31] =	ssyncadd.s32 $0xFFFFD800  }
0x52: {  	[spmem:s3] =	stream.indirect.scatter.add.f32 [tilespmem:s26], [sflag:$0x4], $0x80, s25, s29, $0xb8;
	[tilespmem:$0x19100] =	vst v63  }
0x53: {  	_ =	swait.ge [sflag:s0], $0x2800  }
0x54: {  	s4 =	sadd.s32 s1, s22;
	[sflag:s0] =	ssyncset.done $0x0  }
0x55: {  	s22 =	sadd.s32 $0x0, s24;
	s4 =	sadd.s32 $0x1E, s4;
	[sflag:s0] =	ssyncadd.s32 $0xFFFFD800  }
0x56: {  	[tilespmem:s25], [sflag:$0x2] =	stream.linear.gather [hbm4b:s4+s23], $0x50, $0x38;
	[tilespmem:$0x19100] =	vst v63  }
0x57: {  	s5 =	sadd.s32 $0xF00, s22  }
0x58: {  	[tilespmem:s26], [sflag:$0x2] =	stream.linear.gather [hbm4b:s5+s23], $0x2800, $0x38;
	[tilespmem:$0x19100] =	vst v63  }
0x59: {  	_ =	swait.ge [sflag:s28], $0x50  }
0x5a: {  	[sflag:s28] =	ssyncset.done $0x0  }
0x5b: {  	[sflag:s28] =	ssyncadd.s32 $0xFFFFFFB0  }
0x5c: {  	_ =	swait.ge [sflag:s28], $0x2800  }
0x5d: {  	[sflag:s28] =	ssyncset.done $0x0  }
0x5e: {  	[sflag:s28] =	ssyncadd.s32 $0xFFFFD800  }
0x5f: {  	[spmem:s3] =	stream.indirect.scatter.add.f32 [tilespmem:s20], [sflag:$0x3], $0x80, s23, s29, $0xb8;
	[tilespmem:$0x19100] =	vst v63  }
0x60: {  	_ =	swait.ge [sflag:s30], $0x2800  }
0x61: {  	[sflag:s30] =	ssyncset.done $0x0  }
0x62: {  	s5 =	sadd.s32 $0xA, s4;
	[sflag:s30] =	ssyncadd.s32 $0xFFFFD800  }
0x63: {  	[tilespmem:s23], [sflag:$0x1] =	stream.linear.gather [hbm4b:s5+s23], $0x50, $0x38;
	[tilespmem:$0x19100] =	vst v63  }
0x64: {  	s22 =	sadd.s32 $0x1400, s22  }
0x65: {  	[tilespmem:s20], [sflag:$0x1] =	stream.linear.gather [hbm4b:s22+s23], $0x2800, $0x38;
	[tilespmem:$0x19100] =	vst v63  }
0x66: {  	_ =	swait.ge [sflag:s31], $0x50  }
0x67: {  	[sflag:s31] =	ssyncset.done $0x0  }
0x68: {  	[sflag:s31] =	ssyncadd.s32 $0xFFFFFFB0  }
0x69: {  	_ =	swait.ge [sflag:s31], $0x2800  }
0x6a: {  	[sflag:s31] =	ssyncset.done $0x0  }
0x6b: {  	s4 =	sadd.s32 $0x14, s4;
	s22 =	simm.s32 $0xA00;
	[sflag:s31] =	ssyncadd.s32 $0xFFFFD800  }
.LBB2_3:
0x6c: {  	[spmem:s3] =	stream.indirect.scatter.add.f32 [tilespmem:s26], [sflag:$0x4], $0x80, s25, s29, $0xb8;
	[tilespmem:$0x19100] =	vst v63  }
0x6d: {  	s1 =	smov.u32 s22;
	s22 =	sadd.s32 $0xA00, s22;
	_ =	swait.ge [sflag:s0], $0x2800  }
0x6e: {  	p0 =	sne.s32 s22, $0x4CE00;
	[sflag:s0] =	ssyncset.done $0x0  }
0x6f: {  	s1 =	sadd.s32 s1, s24;
	[sflag:s0] =	ssyncadd.s32 $0xFFFFD800  }
0x70: {  	[tilespmem:s25], [sflag:$0x2] =	stream.linear.gather [hbm4b:s4+s23], $0x50, $0x38;
	[tilespmem:$0x19100] =	vst v63  }
0x71: {  	s5 =	sadd.s32 $0xF00, s1  }
0x72: {  	[tilespmem:s26], [sflag:$0x2] =	stream.linear.gather [hbm4b:s5+s23], $0x2800, $0x38;
	[tilespmem:$0x19100] =	vst v63  }
0x73: {  	_ =	swait.ge [sflag:s28], $0x50  }
0x74: {  	[sflag:s28] =	ssyncset.done $0x0  }
0x75: {  	[sflag:s28] =	ssyncadd.s32 $0xFFFFFFB0  }
0x76: {  	_ =	swait.ge [sflag:s28], $0x2800  }
0x77: {  	[sflag:s28] =	ssyncset.done $0x0  }
0x78: {  	[sflag:s28] =	ssyncadd.s32 $0xFFFFD800  }
0x79: {  	[spmem:s3] =	stream.indirect.scatter.add.f32 [tilespmem:s20], [sflag:$0x3], $0x80, s23, s29, $0xb8;
	[tilespmem:$0x19100] =	vst v63  }
0x7a: {  	_ =	swait.ge [sflag:s30], $0x2800  }
0x7b: {  	[sflag:s30] =	ssyncset.done $0x0  }
0x7c: {  	s5 =	sadd.s32 $0xA, s4;
	[sflag:s30] =	ssyncadd.s32 $0xFFFFD800  }
0x7d: {  	[tilespmem:s23], [sflag:$0x1] =	stream.linear.gather [hbm4b:s5+s23], $0x50, $0x38;
	[tilespmem:$0x19100] =	vst v63  }
0x7e: {  	s1 =	sadd.s32 $0x1400, s1  }
0x7f: {  	[tilespmem:s20], [sflag:$0x1] =	stream.linear.gather [hbm4b:s1+s23], $0x2800, $0x38;
	[tilespmem:$0x19100] =	vst v63  }
0x80: {  	_ =	swait.ge [sflag:s31], $0x50  }
.Ltmp1:
0x81: {  	[sflag:s31] =	ssyncset.done $0x0;
	(pc) =	sbr.rel @p0 .LBB2_3-.Ltmp1, $4  }
0x82: {  	[sflag:s31] =	ssyncadd.s32 $0xFFFFFFB0  }
0x83: {  	_ =	swait.ge [sflag:s31], $0x2800  }
0x84: {  	[sflag:s31] =	ssyncset.done $0x0  }
0x85: {  	s4 =	sadd.s32 $0x14, s4;
	[sflag:s31] =	ssyncadd.s32 $0xFFFFD800  }
0x86: {  	[spmem:s3] =	stream.indirect.scatter.add.f32 [tilespmem:s26], [sflag:$0x4], $0x80, s25, s29, $0xb8;
	[tilespmem:$0x19100] =	vst v63  }
0x87: {  	s0 =	simm.s32 $0x4  }
0x88: {  	_ =	swait.ge [sflag:s0], $0x2800  }
0x89: {  	s20 =	simm.s32 $0x0;
	[sflag:s0] =	ssyncset.done $0x0  }
0x8a: {  	s1 =	simm.s32 $0x80;
	s28 =	sadd.s32 s21, s14;
	[sflag:s0] =	ssyncadd.s32 $0xFFFFD800  }
0x8b: {  	[tilespmem:s1], [sflag:$0x2] =	stream.linear.gather [hbm4b:s4+s20], $0x50, $0x38;
	[tilespmem:$0x19100] =	vst v63  }
0x8c: {  	s4 =	sadd.s32 s22, s28  }
0x8d: {  	s5 =	simm.s32 $0x2900;
	s29 =	simm.s32 $0x1;
	s4 =	sadd.s32 $0xF00, s4  }
0x8e: {  	[tilespmem:s5], [sflag:$0x2] =	stream.linear.gather [hbm4b:s4+s20], $0x2800, $0x38;
	[tilespmem:$0x19100] =	vst v63  }
0x8f: {  	_ =	swait.ge [sflag:s29], $0x50  }
0x90: {  	[sflag:s29] =	ssyncset.done $0x0  }
0x91: {  	[sflag:s29] =	ssyncadd.s32 $0xFFFFFFB0  }
0x92: {  	_ =	swait.ge [sflag:s29], $0x2800  }
0x93: {  	s30 =	simm.s32 $0x50;
	[sflag:s29] =	ssyncset.done $0x0  }
0x94: {  	s14 =	simm.s32 $0x100;
	s31 =	simm.s32 $0x2;
	[sflag:s29] =	ssyncadd.s32 $0xFFFFD800  }
0x95: {  	[spmem:s3] =	stream.indirect.scatter.add.f32 [tilespmem:s14], [sflag:$0x3], $0x80, s20, s30, $0xb8;
	[tilespmem:$0x19100] =	vst v63  }
0x96: {  	_ =	swait.ge [sflag:s31], $0x50  }
0x97: {  	[sflag:s31] =	ssyncset.done $0x0  }
0x98: {  	[sflag:s31] =	ssyncadd.s32 $0xFFFFFFB0  }
0x99: {  	_ =	swait.ge [sflag:s31], $0x2800  }
0x9a: {  	[sflag:s31] =	ssyncset.done $0x0  }
0x9b: {  	[sflag:s31] =	ssyncadd.s32 $0xFFFFD800  }
0x9c: {  	[spmem:s3] =	stream.indirect.scatter.add.f32 [tilespmem:s5], [sflag:$0x4], $0x80, s1, s30, $0xb8;
	[tilespmem:$0x19100] =	vst v63  }
0x9d: {  	_ =	swait.ge [sflag:s0], $0x2800  }
0x9e: {  	[sflag:s0] =	ssyncset.done $0x0  }
0x9f: {  	s5 =	simm.s32 $0x3;
	[sflag:s0] =	ssyncadd.s32 $0xFFFFD800  }
0xa0: {  	_ =	swait.ge [sflag:s5], $0x2800  }
0xa1: {  	[sflag:s5] =	ssyncset.done $0x0  }
0xa2: {  	[sflag:s5] =	ssyncadd.s32 $0xFFFFD800  }
0xa3: {  	s21 =	simm.s32 $0x5;
	s22 =	stileid.u32;
	[bflag:$0x0] =	sbarrier.arrive $0xFFFF  }
0xa4: {  	[tilespmem:s14], [sflag:$0x5] =	stream.linear.gather [spmem:s19], $0x2800, $0x38;
	[tilespmem:$0x19100] =	vst v63  }
0xa5: {  	s23 =	smul.u32 $0x2800, s22;
	_ =	swait.ge [sflag:s21], $0x2800  }
0xa6: {  	[sflag:s21] =	ssyncset.done $0x0  }
0xa7: {  	s1 =	sadd.s32 s2, s23;
	[sflag:s21] =	ssyncadd.s32 $0xFFFFD800  }
0xa8: {  	[hbm4b:s1+s20] =	stream.linear.scatter [tilespmem:s14], [sflag:$0x5], $0x2800, $0x38;
	[tilespmem:$0x19100] =	vst v63  }
0xa9: {  	_ =	swait.ge [sflag:s21], $0x2800  }
0xaa: {  	[sflag:s21] =	ssyncset.done $0x0  }
0xab: {  	[sflag:s21] =	ssyncadd.s32 $0xFFFFD800  }
0xac: {  	[tilespmem:s14], [sflag:$0x5] =	stream.linear.gather [spmem:s18], $0x2800, $0x38;
	[tilespmem:$0x19100] =	vst v63  }
0xad: {  	_ =	swait.ge [sflag:s21], $0x2800  }
0xae: {  	s24 =	sshll.u32 s15, $0x4;
	[sflag:s21] =	ssyncset.done $0x0  }
0xaf: {  	s1 =	sadd.s32 s2, s24;
	[sflag:s21] =	ssyncadd.s32 $0xFFFFD800  }
0xb0: {  	[hbm4b:s1+s20] =	stream.linear.scatter [tilespmem:s14], [sflag:$0x5], $0x2800, $0x38;
	[tilespmem:$0x19100] =	vst v63  }
0xb1: {  	_ =	swait.ge [sflag:s21], $0x2800  }
0xb2: {  	[sflag:s21] =	ssyncset.done $0x0  }
0xb3: {  	[sflag:s21] =	ssyncadd.s32 $0xFFFFD800  }
0xb4: {  	[tilespmem:s14], [sflag:$0x5] =	stream.linear.gather [spmem:s17], $0x2800, $0x38;
	[tilespmem:$0x19100] =	vst v63  }
0xb5: {  	_ =	swait.ge [sflag:s21], $0x2800  }
0xb6: {  	s25 =	sshll.u32 s12, $0x4;
	[sflag:s21] =	ssyncset.done $0x0  }
0xb7: {  	s1 =	sadd.s32 s2, s25;
	[sflag:s21] =	ssyncadd.s32 $0xFFFFD800  }
0xb8: {  	[hbm4b:s1+s20] =	stream.linear.scatter [tilespmem:s14], [sflag:$0x5], $0x2800, $0x38;
	[tilespmem:$0x19100] =	vst v63  }
0xb9: {  	_ =	swait.ge [sflag:s21], $0x2800  }
0xba: {  	[sflag:s21] =	ssyncset.done $0x0  }
0xbb: {  	[sflag:s21] =	ssyncadd.s32 $0xFFFFD800  }
0xbc: {  	[tilespmem:s14], [sflag:$0x5] =	stream.linear.gather [spmem:s16], $0x2800, $0x38;
	[tilespmem:$0x19100] =	vst v63  }
0xbd: {  	_ =	swait.ge [sflag:s21], $0x2800  }
0xbe: {  	s26 =	sshll.u32 s10, $0x4;
	[sflag:s21] =	ssyncset.done $0x0  }
0xbf: {  	s1 =	sadd.s32 s2, s26;
	[sflag:s21] =	ssyncadd.s32 $0xFFFFD800  }
0xc0: {  	[hbm4b:s1+s20] =	stream.linear.scatter [tilespmem:s14], [sflag:$0x5], $0x2800, $0x38;
	[tilespmem:$0x19100] =	vst v63  }
0xc1: {  	_ =	swait.ge [sflag:s21], $0x2800  }
0xc2: {  	[sflag:s21] =	ssyncset.done $0x0  }
0xc3: {  	[sflag:s21] =	ssyncadd.s32 $0xFFFFD800  }
0xc4: {  	[tilespmem:s14], [sflag:$0x5] =	stream.linear.gather [spmem:s13], $0x2800, $0x38;
	[tilespmem:$0x19100] =	vst v63  }
0xc5: {  	_ =	swait.ge [sflag:s21], $0x2800  }
0xc6: {  	s28 =	sshll.u32 s8, $0x4;
	[sflag:s21] =	ssyncset.done $0x0  }
0xc7: {  	s1 =	sadd.s32 s2, s28;
	[sflag:s21] =	ssyncadd.s32 $0xFFFFD800  }
0xc8: {  	[hbm4b:s1+s20] =	stream.linear.scatter [tilespmem:s14], [sflag:$0x5], $0x2800, $0x38;
	[tilespmem:$0x19100] =	vst v63  }
0xc9: {  	_ =	swait.ge [sflag:s21], $0x2800  }
0xca: {  	[sflag:s21] =	ssyncset.done $0x0  }
0xcb: {  	[sflag:s21] =	ssyncadd.s32 $0xFFFFD800  }
0xcc: {  	[tilespmem:s14], [sflag:$0x5] =	stream.linear.gather [spmem:s11], $0x2800, $0x38;
	[tilespmem:$0x19100] =	vst v63  }
0xcd: {  	_ =	swait.ge [sflag:s21], $0x2800  }
0xce: {  	s29 =	sshll.u32 s6, $0x4;
	[sflag:s21] =	ssyncset.done $0x0  }
0xcf: {  	s1 =	sadd.s32 s2, s29;
	[sflag:s21] =	ssyncadd.s32 $0xFFFFD800  }
0xd0: {  	[hbm4b:s1+s20] =	stream.linear.scatter [tilespmem:s14], [sflag:$0x5], $0x2800, $0x38;
	[tilespmem:$0x19100] =	vst v63  }
0xd1: {  	_ =	swait.ge [sflag:s21], $0x2800  }
0xd2: {  	[sflag:s21] =	ssyncset.done $0x0  }
0xd3: {  	[sflag:s21] =	ssyncadd.s32 $0xFFFFD800  }
0xd4: {  	[tilespmem:s14], [sflag:$0x5] =	stream.linear.gather [spmem:s9], $0x2800, $0x38;
	[tilespmem:$0x19100] =	vst v63  }
0xd5: {  	_ =	swait.ge [sflag:s21], $0x2800  }
0xd6: {  	s30 =	rddreg [dreg:$0x4]  }
0xd7: {  	[sflag:s21] =	ssyncset.done $0x0;
	s1 =	sshll.u32 s30, $0x4  }
0xd8: {  	[sflag:s21] =	ssyncadd.s32 $0xFFFFD800;
	s1 =	sadd.s32 s2, s1  }
0xd9: {  	[hbm4b:s1+s20] =	stream.linear.scatter [tilespmem:s14], [sflag:$0x5], $0x2800, $0x38;
	[tilespmem:$0x19100] =	vst v63  }
0xda: {  	_ =	swait.ge [sflag:s21], $0x2800  }
0xdb: {  	[sflag:s21] =	ssyncset.done $0x0  }
0xdc: {  	[sflag:s21] =	ssyncadd.s32 $0xFFFFD800  }
0xdd: {  	[tilespmem:s14], [sflag:$0x5] =	stream.linear.gather [spmem:s7], $0x2800, $0x38;
	[tilespmem:$0x19100] =	vst v63  }
0xde: {  	_ =	swait.ge [sflag:s21], $0x2800  }
0xdf: {  	s31 =	rddreg [dreg:$0x3]  }
0xe0: {  	[sflag:s21] =	ssyncset.done $0x0;
	s1 =	sshll.u32 s31, $0x4  }
0xe1: {  	[sflag:s21] =	ssyncadd.s32 $0xFFFFD800;
	s1 =	sadd.s32 s2, s1  }
0xe2: {  	[hbm4b:s1+s20] =	stream.linear.scatter [tilespmem:s14], [sflag:$0x5], $0x2800, $0x38;
	[tilespmem:$0x19100] =	vst v63  }
0xe3: {  	_ =	swait.ge [sflag:s21], $0x2800  }
0xe4: {  	[sflag:s21] =	ssyncset.done $0x0  }
0xe5: {  	[sflag:s21] =	ssyncadd.s32 $0xFFFFD800  }
0xe6: {  	_ =	sfence.sel $0x180000  }
0xe7: {  	[bflag:$0x0] =	sbarrier.arrive $0xFFFF  }
0xe8: {  	_ =	strace $0x9000004A  }
0xe9: {  	[bflag:$0x2] =	sbarrier.arrive $0xFFFF  }
0xea: {  	p0 =	sne.s32 s22, $0x0;
	s0 =	rddreg [dreg:$0x2]  }
0xeb: {  	s0 =	sadd.s32 @!p0 $0x100000, s0  }
0xec: {  	[sflag:s0] =	ssyncadd.tile.s32 @!p0 $0x1;
	_ =	shalt  }
.Lfunc_end2:
_tile_overlayer_lowered:
.L_overlay_start_2:
0xed: {  	(tag) =	ssettag $0x2  }
0xee: {  	s0 =	rddreg [dreg:$0x0];
	s2 =	stileid.u32  }
0xef: {  	s1 =	rddreg [dreg:$0x1];
	p0 =	sne.s32 s2, $0x0  }
0xf0: {  	s3 =	rddreg [dreg:$0x2];
	[bflag:$0x3] =	sbarrier.arrive $0xFFFF;
	s2 =	simm.s32 @!p0 $0x1C05  }
0xf1: {  	[timem:s3], [sflag:s2] =	dma.local @!p0 [hbm:s0], s1  }
0xf2: {  	s0 =	simm.s32 @!p0 $0x5  }
0xf3: {  	_ =	swait.ge @!p0 [sflag:s0], s1  }
0xf4: {  	s1 =	ssub.s32 @!p0 $0x0, s1;
	[sflag:s0] =	ssyncset.done @!p0 $0x0  }
0xf5: {  	[sflag:s0] =	ssyncadd.s32 @!p0 s1  }
0xf6: {  	[bflag:$0x3] =	sbarrier.arrive $0xFFFF  }
0xf7: {  	_ =	shalt  }

// kernel: kernel.8.cloned.1.call-start
scs
__scs_entry_jumppad:
0x0: {  	(pc) =	sbr.rel $0x88, $3  }
0x1: {  	(tag) =	ssettag $0x0;
	lr =	simm.s32 $0x1  }
0x2: {  	[smem:$0x3F8C] =	sst lr;
	_ =	strace $0xD0000000  }
0x3: {  	_ = 	snop  }
0x4: {  	_ = 	snop  }
0x5: {  	_ = 	snop  }
0x6: {  	_ = 	snop  }
0x7: {  	_ = 	snop  }
__scs_overlays_trampoline_lowered:
0x8: {  	[smem:$0x3F9B] =	sst s0  }
0x9: {  	[smem:$0x3F9C] =	sst s1  }
0xa: {  	[smem:$0x3F9D] =	sst s2  }
0xb: {  	[smem:$0x3F9E] =	sst s3  }
0xc: {  	[smem:$0x3F9F] =	sst s4  }
0xd: {  	[smem:$0x3FA0] =	sst s5  }
0xe: {  	[smem:$0x3FA1] =	sst s6  }
0xf: {  	[smem:$0x3FA2] =	sst s7  }
0x10: {  	[smem:$0x3FA3] =	sst s8  }
0x11: {  	[smem:$0x3FA4] =	sst s9;
	s0 =	simm.s32 @!p0 $0x0  }
0x12: {  	s1 =	sld [smem:$0x3F8A];
	s0 =	simm.s32 @p0 $0x1  }
0x13: {  	[smem:$0x3FA5] =	sst s0;
	s0 =	simm.s32 @!p1 $0x0  }
0x14: {  	s2 =	sld [smem:$0x3F89];
	s0 =	simm.s32 @p1 $0x1  }
0x15: {  	[smem:$0x3FA6] =	sst s0;
	s0 =	simm.s32 @!p2 $0x0  }
0x16: {  	s3 =	sld [smem:$0x3FDB];
	s0 =	simm.s32 @p2 $0x1  }
0x17: {  	s4 =	simm.s32 $0x1BF5;
	[smem:$0x3FA8] =	sst s0  }
0x18: {  	s0 =	sld [smem:$0x3F8B];
	_ =	swait.ge [sflag:s4], $0x0  }
0x19: {  	s7 =	sld [smem:$0x3F8C]  }
0x1a: {  	s8 =	sadd.s32 $0xFFFFE003, lr  }
0x1b: {  	s9 =	sadd.s32 $0xFFFFFEF7, lr;
	s5 =	simm.s32 $0xFFFFFFFF;
	p2 =	slt.u32 s8, $0xFFFFF086  }
0x1c: {  	p1 =	slt.u32 s9, $0xF7A;
	s5 =	simm.s32 @!p2 $0x0  }
0x1d: {  	s5 =	simm.s32 @p1 $0x1;
	p0 =	seq.s32 s7, s2  }
0x1e: {  	s7 =	smul.u32 @!p0 $0xF7A, s2;
	p2 =	seq.s32 @!p0 s5, $0x0  }
0x1f: {  	s9 =	smul.u32 $0xF7A, s1;
	s8 =	simm.s32 @!p0 $0x1BF5;
	p2 =	por !p2, p0  }
0x20: {  	[sflag:s8] =	ssyncset.s32 @!p0 $0xFFFFF086;
	s6 =	sadd.s32 @!p0 s3, s7;
	s7 =	simm.s32 @!p0 $0x108  }
0x21: {  	s3 =	sadd.s32 s3, s9;
	s6 =	sadd.s32 @!p0 $0x88, s6;
	s7 =	simm.s32 @p2 $0x1082  }
0x22: {  	[simem:s7], [sflag:s8] =	dma.local @!p0 [hbm:s6], $0xF7A  }
0x23: {  	s9 =	sor.u32 $0xD0000000, s2;
	s6 =	simm.s32 $0x108;
	_ =	swait.ge @!p0 [sflag:s8], $0x0  }
0x24: {  	s3 =	sadd.s32 $0x88, s3;
	s6 =	simm.s32 @!p1 $0x1082;
	[sflag:s4] =	ssyncset.s32 $0xFFFFF086  }
0x25: {  	[simem:s6], [sflag:s4] =	dma.local [hbm:s3], $0xF7A  }
0x26: {  	[smem:$0x3F8C] =	sst s1;
	(tag) =	ssettag s2;
	_ =	strace s9  }
0x27: {  	s1 =	sld [smem:$0x3F9C]  }
0x28: {  	s2 =	sld [smem:$0x3F9D]  }
0x29: {  	s4 =	sld [smem:$0x3F9F]  }
0x2a: {  	p0 =	seq.s32 s5, $0x0;
	s5 =	sld [smem:$0x3FA0]  }
0x2b: {  	s6 =	sld [smem:$0x3FA1]  }
0x2c: {  	s7 =	sld [smem:$0x3FA2]  }
0x2d: {  	s3 =	simm.s32 $0x108;
	s8 =	sld [smem:$0x3FA3]  }
0x2e: {  	s3 =	simm.s32 @!p0 $0x1082;
	s9 =	sld [smem:$0x3FA4]  }
0x2f: {  	lr =	sadd.s32 s0, s3;
	s0 =	sld [smem:$0x3F9B]  }
0x30: {  	s3 =	sld [smem:$0x3F9E]  }
0x31: {  	[smem:$0x3FA7] =	sst s10  }
0x32: {  	s10 =	sld [smem:$0x3FA5];
	_ =	sdelay $0x3  }
0x33: {  	p0 =	seq.s32 s10, $0x1;
	s10 =	sld [smem:$0x3FA7];
	_ =	sdelay $0x3  }
0x34: {  	[smem:$0x3FA7] =	sst s10  }
0x35: {  	s10 =	sld [smem:$0x3FA6];
	_ =	sdelay $0x3  }
0x36: {  	p1 =	seq.s32 s10, $0x1;
	s10 =	sld [smem:$0x3FA7];
	_ =	sdelay $0x3  }
0x37: {  	[smem:$0x3FA7] =	sst s10  }
0x38: {  	s10 =	sld [smem:$0x3FA8]  }
0x39: {  	_ = 	snop;
	(pc) =	sbr.ind lr, $3  }
0x3a: {  	_ = 	snop  }
0x3b: {  	_ = 	snop  }
0x3c: {  	p2 =	seq.s32 s10, $0x1;
	s10 =	sld [smem:$0x3FA7]  }
0x3d: {  	_ =	shalt  }
0x3e: {  	_ =	shalt  }
0x3f: {  	_ =	shalt  }
0x40: {  	_ =	shalt  }
0x41: {  	_ =	shalt  }
0x42: {  	_ =	shalt  }
0x43: {  	_ =	shalt  }
0x44: {  	_ =	shalt  }
0x45: {  	_ =	shalt  }
0x46: {  	_ =	shalt  }
0x47: {  	_ =	shalt  }
0x48: {  	_ =	shalt  }
0x49: {  	_ =	shalt  }
0x4a: {  	_ =	shalt  }
0x4b: {  	_ =	shalt  }
0x4c: {  	_ =	shalt  }
0x4d: {  	_ =	shalt  }
0x4e: {  	_ =	shalt  }
0x4f: {  	_ =	shalt  }
0x50: {  	_ =	shalt  }
0x51: {  	_ =	shalt  }
0x52: {  	_ =	shalt  }
0x53: {  	_ =	shalt  }
0x54: {  	_ =	shalt  }
0x55: {  	_ =	shalt  }
0x56: {  	_ =	shalt  }
0x57: {  	_ =	shalt  }
0x58: {  	_ =	shalt  }
0x59: {  	_ =	shalt  }
0x5a: {  	_ =	shalt  }
0x5b: {  	_ =	shalt  }
0x5c: {  	_ =	shalt  }
0x5d: {  	_ =	shalt  }
0x5e: {  	_ =	shalt  }
0x5f: {  	_ =	shalt  }
0x60: {  	_ =	shalt  }
0x61: {  	_ =	shalt  }
0x62: {  	_ =	shalt  }
0x63: {  	_ =	shalt  }
0x64: {  	_ =	shalt  }
0x65: {  	_ =	shalt  }
0x66: {  	_ =	shalt  }
0x67: {  	_ =	shalt  }
0x68: {  	_ =	shalt  }
0x69: {  	_ =	shalt  }
0x6a: {  	_ =	shalt  }
0x6b: {  	_ =	shalt  }
0x6c: {  	_ =	shalt  }
0x6d: {  	_ =	shalt  }
0x6e: {  	_ =	shalt  }
0x6f: {  	_ =	shalt  }
0x70: {  	_ =	shalt  }
0x71: {  	_ =	shalt  }
0x72: {  	_ =	shalt  }
0x73: {  	_ =	shalt  }
0x74: {  	_ =	shalt  }
0x75: {  	_ =	shalt  }
0x76: {  	_ =	shalt  }
0x77: {  	_ =	shalt  }
0x78: {  	_ =	shalt  }
0x79: {  	_ =	shalt  }
0x7a: {  	_ =	shalt  }
0x7b: {  	_ =	shalt  }
0x7c: {  	_ =	shalt  }
0x7d: {  	_ =	shalt  }
0x7e: {  	_ =	shalt  }
0x7f: {  	_ =	shalt  }
0x80: {  	_ =	shalt  }
0x81: {  	_ =	shalt  }
0x82: {  	_ =	shalt  }
0x83: {  	_ =	shalt  }
0x84: {  	_ =	shalt  }
0x85: {  	_ =	shalt  }
0x86: {  	_ =	shalt  }
0x87: {  	_ =	shalt  }
.Lfunc_end0:
.L_simem_size_0:
called_computation_lowered:
.L_overlay_start_0:
0x88: {  	s2 =	sld [smem:$0x3FD9]  }
0x89: {  	s3 =	sld [smem:$0x3FFE];
	_ =	sdelay $0x1  }
0x8a: {  	s1 =	srdreg.scid  }
0x8b: {  	s0 =	sand.u32 $0x1, s1  }
0x8c: {  	s14 =	sshll.u32 s0, $0xA;
	s2 =	sadd.s32 s3, s2  }
0x8d: {  	s2 =	sadd.s32 s2, s14  }
0x8e: {  	[smem:$0x3FB3] =	sst s2  }
0x8f: {  	_ = 	snop  }
0x90: {  	s2 =	sld [smem:$0x3FD0];
	_ =	sdelay $0x2  }
0x91: {  	s15 =	simm.s32 $0xA;
	s4 =	simm.s32 $0x10  }
0x92: {  	[smem:s4], [sflag:s15] =	dma.local [hbm:s2], $0x1  }
0x93: {  	_ =	swait.eq [sflag:s15], $0x1  }
0x94: {  	[sflag:s15] =	ssyncset.done $0x0  }
0x95: {  	[sflag:s15] =	ssyncadd.s32 $0xFFFFFFFF  }
0x96: {  	s16 =	sld [smem:$0x11];
	(tm) =	ssettm $0x1  }
0x97: {  	s17 =	sld [smem:$0x3FFB];
	_ =	sdelay $0x3  }
0x98: {  	_ =	strace s17  }
0x99: {  	s3 =	sld [smem:$0x3FFC];
	_ =	sdelay $0x3  }
0x9a: {  	_ =	strace s3  }
0x9b: {  	s3 =	sld [smem:$0x3FFD];
	_ =	sdelay $0x3  }
0x9c: {  	_ =	strace s3  }
0x9d: {  	_ =	strace $0x8FFFFFFF  }
0x9e: {  	s18 =	sld [smem:$0x3FDB];
	_ =	sdelay $0x1  }
0x9f: {  	s19 =	simm.s32 $_scs_section_size  }
0xa0: {  	s5 =	simm.s32 $_size__tile_overlayer_lowered;
	s6 =	simm.s32 $_tile_overlayer_lowered  }
0xa1: {  	s22 =	simm.s32 $0x1BFF;
	s21 =	sshll.u32 s6, $0x1;
	s3 =	sadd.s32 s19, s18  }
0xa2: {  	s7 =	simm.s32 $0x0;
	s20 =	sshll.u32 s5, $0x1;
	s5 =	sadd.s32 s21, s3  }
0xa3: {  	[timem:s7], [sflag:s22] =	dma.local [hbm:s5], s20  }
0xa4: {  	_ =	swait.ge [sflag:s22], s20  }
0xa5: {  	s4 =	ssub.s32 $0x0, s20;
	[sflag:s22] =	ssyncset.done $0x0  }
0xa6: {  	[sflag:s22] =	ssyncadd.s32 s4;
	_ =	sdelay $0x1  }
0xa7: {  	s23 =	simm.s32 $0x1B8B  }
0xa8: {  	_ =	swait.ge [sflag:s23], $0x1  }
0xa9: {  	[sflag:s23] =	ssyncset.done $0x0  }
0xaa: {  	s25 =	simm.s32 $0x1B8E;
	s24 =	sld [smem:$0x3FFE];
	[sflag:s23] =	ssyncadd.s32 $0xFFFFFFFF  }
0xab: {  	s26 =	simm.s32 $execute0_lowered;
	[smem:$0x3FD2] =	sst s25  }
0xac: {  	s5 =	sshll.u32 s26, $0x1;
	_ =	strace $0x80000046;
	[dreg:$0x1] =	wrdreg $0xFFFFFFFF  }
0xad: {  	s28 =	simm.s32 $_size_execute0_lowered;
	s3 =	sadd.s32 s3, s5;
	[dreg:$0x0] =	wrdreg $0x0  }
0xae: {  	s5 =	sshll.u32 s28, $0x1;
	[dreg:$0x2] =	wrdreg s3  }
0xaf: {  	[dreg:$0x3] =	wrdreg s5  }
0xb0: {  	[dreg:$0x4] =	wrdreg $0xC0  }
0xb1: {  	_ =	task [dreg:s7], $0x5FFFF  }
0xb2: {  	[dreg:$0x1] =	wrdreg $0xFFFFFFFF  }
0xb3: {  	[dreg:$0x0] =	wrdreg $0x60  }
0xb4: {  	[dreg:$0x2] =	wrdreg s24  }
0xb5: {  	[dreg:$0x3] =	wrdreg s16  }
0xb6: {  	[dreg:$0x4] =	wrdreg $0x9  }
0xb7: {  	_ =	task.clear_ibuf [dreg:s7], $0x5FFFF;
	_ =	strace $0x90000046  }
0xb8: {  	s29 =	simm.s32 $0x9;
	_ =	strace $0x80000048  }
0xb9: {  	_ =	swait.ge [sflag:s29], $0x1  }
0xba: {  	[sflag:s29] =	ssyncadd.s32 $0xFFFFFFFF  }
0xbb: {  	_ =	strace $0x90000048  }
0xbc: {  	_ =	sfence  }
0xbd: {  	s30 =	sld [smem:$0x0];
	_ =	sdelay $0x2  }
0xbe: {  	s31 =	sshll.u32 s1, $0xD;
	s1 =	sshrl.u32 s1, $0x2  }
0xbf: {  	s3 =	sand.u32 $0x4000, s31;
	s1 =	sadd.s32 s1, s30  }
0xc0: {  	s0 =	sor.u32 s3, s0;
	s1 =	sshll.u32 s1, $0x11  }
0xc1: {  	s0 =	sor.u32 s1, s0  }
0xc2: {  	s0 =	sadd.s32 $0x8F2B, s0  }
0xc3: {  	[sflag:s0] =	ssyncadd.remote.s32 $0x1  }
0xc4: {  	_ =	sfence.sel $0xFFFF  }
0xc5: {  	[dreg:$0x0] =	wrdreg $0xFFFFFFFF;
	(pc) =	sbr.abs _section_cstart, $3  }
0xc6: {  	[dreg:$0x1] =	wrdreg $0xFFFFFFFF  }
0xc7: {  	_ =	task.clear_ibuf [dreg:s7], $0x2FFFF;
	_ =	strace $0x9FFFFFFF  }
0xc8: {  	(tm) =	ssettm $0x7FFFFFFF  }
0xc9: {  	_ =	shalt  }
tec
execute0_lowered:
.L_overlay_start_1:
0x0: {  	(tag) =	ssettag $0x1  }
0x1: {  	s5 =	rddreg [dreg:$0x0]  }
0x2: {  	s0 =	srdreg.scid;
	s12 =	rddreg [dreg:$0x1];
	s2 =	simm.s32 $0x0  }
0x3: {  	s20 =	stileid.u32;
	s1 =	sand.u32 $0x1, s0;
	[smem:$0x7FF] =	sst s2  }
0x4: {  	s3 =	sadd.s32 $0x48E00, s5;
	s4 =	sadd.s32 $0x97000, s5;
	s6 =	sadd.s32 $0x16400, s5  }
0x5: {  	s7 =	sadd.s32 $0x21600, s5;
	s8 =	sadd.s32 $0x17800, s5;
	s0 =	sshll.u32 s1, $0x4  }
0x6: {  	s9 =	sadd.s32 $0x3F000, s5;
	s16 =	smul.u32 $0x2710, s20;
	s0 =	sor.u32 s20, s0  }
0x7: {  	s10 =	sadd.s32 $0x35200, s5;
	s17 =	sadd.s32 $0xC8000, s5;
	s13 =	smul.u32 $0x2710, s0  }
0x8: {  	_ =	strace $0x80000047;
	[dreg:$0x19] =	wrdreg s6;
	s11 =	ssub.s32 $0x2, s1  }
0x9: {  	s6 =	sadd.s32 $0x2B400, s5;
	s18 =	sshrl.u32 s11, $0x1;
	s0 =	sshrl.u32 s13, $0x3  }
0xa: {  	s15 =	smul.u32 $0x27100, s1;
	s11 =	ssub.s32 s11, s18;
	s25 =	sadd.s32 s6, s0  }
0xb: {  	s14 =	sadd.s32 s0, s5;
	s18 =	sadd.s32 s7, s0;
	[dreg:$0x1c] =	wrdreg s25  }
0xc: {  	s19 =	sadd.s32 $0xBE200, s5;
	s22 =	sadd.s32 $0x2800, s14;
	[dreg:$0x1d] =	wrdreg s18  }
0xd: {  	s5 =	sadd.s32 s16, s15;
	s14 =	sadd.s32 $0xC600, s14;
	[dreg:$0x1a] =	wrdreg s22  }
0xe: {  	s23 =	sshrl.u32 s5, $0x3;
	s18 =	simm.s32 $0xAF00;
	[dreg:$0x1b] =	wrdreg s14  }
0xf: {  	s16 =	sadd.s32 $0x50, s5;
	s24 =	sadd.s32 s23, s19;
	[dreg:$0xb] =	wrdreg s18  }
0x10: {  	s15 =	sshrl.u32 s16, $0x3;
	s18 =	sadd.s32 s8, s0;
	[dreg:$0x3] =	wrdreg s24  }
0x11: {  	s26 =	sadd.s32 s15, s6;
	[smem:$0x7F8] =	sst s18  }
0x12: {  	s13 =	sadd.s32 $0x26C0, s13;
	s21 =	sadd.s32 s15, s7;
	[dreg:$0x4] =	wrdreg s26  }
0x13: {  	s23 =	sshll.u32 s13, $0x5;
	s22 =	sadd.s32 s15, s8;
	[dreg:$0x5] =	wrdreg s21  }
0x14: {  	s16 =	sadd.s32 s17, s23;
	[dreg:$0x6] =	wrdreg s22  }
0x15: {  	s24 =	sadd.s32 s15, s9;
	[dreg:$0x1e] =	wrdreg s16  }
0x16: {  	s25 =	sadd.s32 s15, s10;
	[dreg:$0x7] =	wrdreg s24  }
0x17: {  	s15 =	sadd.s32 s15, s19;
	[dreg:$0x8] =	wrdreg s25  }
0x18: {  	s23 =	simm.s32 $0xC700;
	[dreg:$0x9] =	wrdreg s15  }
0x19: {  	s28 =	simm.s32 $0x13F00;
	s16 =	simm.s32 $0xA700;
	[dreg:$0xe] =	wrdreg s23  }
0x1a: {  	s29 =	simm.s32 $0x4F00;
	s21 =	simm.s32 $0xB700;
	[dreg:$0xa] =	wrdreg s16  }
0x1b: {  	s31 =	simm.s32 $0x1DC00;
	s22 =	simm.s32 $0xBF00;
	[dreg:$0xc] =	wrdreg s21  }
0x1c: {  	s30 =	simm.s32 $0x2;
	s25 =	simm.s32 $0xCF00;
	[dreg:$0xd] =	wrdreg s22  }
0x1d: {  	s26 =	sshll.u32 s13, $0x4;
	s15 =	simm.s32 $0xE700;
	[dreg:$0xf] =	wrdreg s25  }
0x1e: {  	s13 =	sshrl.u32 s13, $0x3;
	s23 =	simm.s32 $0x1E080;
	[dreg:$0x12] =	wrdreg s15  }
0x1f: {  	s18 =	simm.s32 $0x8700;
	s13 =	sadd.s32 s19, s13;
	[dreg:$0x17] =	wrdreg s23  }
0x20: {  	s24 =	smul.u32 $0x27100, s20;
	s14 =	sadd.s32 s12, s26;
	[dreg:$0x1f] =	wrdreg s13  }
0x21: {  	s19 =	smul.u32 $0x271000, s1;
	s26 =	simm.s32 $0xD700;
	[smem:$0x7F6] =	sst s14  }
0x22: {  	s1 =	smul.u32 $0x4E2000, s1;
	s21 =	sadd.s32 s9, s0;
	[dreg:$0x10] =	wrdreg s26  }
0x23: {  	s16 =	smul.u32 $0x4E200, s20;
	s20 =	simm.s32 $0x1DF80;
	[smem:$0x7FA] =	sst s21  }
0x24: {  	s22 =	simm.s32 $0x1E000;
	s0 =	sadd.s32 s10, s0;
	[dreg:$0x15] =	wrdreg s20  }
0x25: {  	s25 =	simm.s32 $0x1E100;
	s15 =	simm.s32 $0x50;
	[smem:$0x7FB] =	sst s0  }
0x26: {  	s23 =	simm.s32 $0x11700;
	s14 =	simm.s32 $0xDF00;
	[dreg:$0x16] =	wrdreg s22  }
0x27: {  	s26 =	sadd.s32 $0xA0, s5;
	[dreg:$0x18] =	wrdreg s25;
	s13 =	simm.s32 $0x7700  }
0x28: {  	s21 =	simm.s32 $0x8F00;
	s22 =	simm.s32 $0x9F00;
	s20 =	simm.s32 $0x1  }
0x29: {  	s25 =	simm.s32 $0x3;
	s5 =	simm.s32 $0x0;
	s12 =	sadd.s32 s19, s12  }
0x2a: {  	s1 =	sadd.s32 s1, s17;
	[dreg:$0x11] =	wrdreg s14;
	s17 =	simm.s32 $0x1DE80  }
0x2b: {  	s19 =	simm.s32 $0x1DF00;
	[smem:$0x7FD] =	sst s26;
	s14 =	simm.s32 $0x7F00  }
0x2c: {  	s26 =	simm.s32 $0x1DB80;
	s12 =	sadd.s32 s24, s12;
	[dreg:$0x13] =	wrdreg s17  }
0x2d: {  	s1 =	sadd.s32 s16, s1;
	[dreg:$0x14] =	wrdreg s19;
	s24 =	smax.u32 s11, $0x1  }
0x2e: {  	v2 =	vlaneseq.u32;
	s17 =	simm.s32 $0x5700;
	s19 =	simm.s32 $0x5F00;
	[smem:$0x7F7] =	sst s12  }
0x2f: {  	vm0 =	vmmov $0xffff;
	v1 =	vshrl.u32 v2, $0x3;
	s11 =	simm.s32 $0x6700;
	s16 =	simm.s32 $0xEF00;
	[smem:$0x7F9] =	sst s1  }
0x30: {  	v0 =	vand.u32 $0x7, v2;
	v2 =	vor.u32 $0x8, v2;
	v1 =	vmul.u32 $0x8, v1;
	[smem:$0x7FC] =	sst s24;
	s12 =	simm.s32 $0x6F00;
	s24 =	simm.s32 $0x9700  }
.LBB2_1:
0x31: {  	[smem:$0x7F5] =	sst s5  }
0x32: {  	s0 =	rddreg [dreg:$0x1a];
	s1 =	simm.s32 $0x5  }
0x33: {  	[tilespmem:s2], [sflag:$0x5] =	stream.linear.gather [hbm4b:s0+s2], $0x2710, $0x38;
	[tilespmem:$0x1E180] =	vst v63  }
0x34: {  	_ =	swait.ge [sflag:s1], $0x2710  }
0x35: {  	[sflag:s1] =	ssyncset.done $0x0  }
0x36: {  	s5 =	simm.s32 $0x2780;
	s0 =	rddreg [dreg:$0x1b];
	[sflag:s1] =	ssyncadd.s32 $0xFFFFD8F0  }
0x37: {  	[tilespmem:s5], [sflag:$0x5] =	stream.linear.gather [hbm4b:s0+s2], $0x2710, $0x38;
	[tilespmem:$0x1E180] =	vst v63  }
0x38: {  	_ =	swait.ge [sflag:s1], $0x2710  }
0x39: {  	[sflag:s1] =	ssyncset.done $0x0  }
0x3a: {  	s0 =	rddreg [dreg:$0x19];
	[sflag:s1] =	ssyncadd.s32 $0xFFFFD8F0  }
0x3b: {  	[tilespmem:s28], [sflag:$0x5] =	stream.linear.gather [hbm4b:s0+s2], $0x9C80, $0x38;
	[tilespmem:$0x1E180] =	vst v63  }
0x3c: {  	_ =	swait.ge [sflag:s1], $0x9C80  }
0x3d: {  	[sflag:s1] =	ssyncset.done $0x0  }
0x3e: {  	[sflag:s1] =	ssyncadd.s32 $0xFFFF6380  }
0x3f: {  	v3 =	vld [tilespmem:$0x0];
	_ =	sdelay $0x4  }
0x40: {  	v4 =	vshll.u32 v3, $0x1  }
0x41: {  	v3 =	vand.u32 $0x7, v3;
	v4 =	vand.u32 $0xFFFFFFF0, v4  }
0x42: {  	v3 =	vor.u32 v3, v4  }
0x43: {  	v4 =	vperm.xlane v3, v0;
	_ =	sdelay $0x1  }
0x44: {  	v3 =	vperm.xlane v3, v2;
	v4 =	vadd.s32 v1, v4;
	_ =	sdelay $0x1  }
0x45: {  	v3 =	vadd.s32 v1, v3;
	_ =	sdelay $0x2  }
0x46: {  	[tilespmem:s29], [sflag:$0x1] =	stream.indirect_vreg.gather [hbm4b:s3+s2], $0x80, v4, vm0, $0xb8;
	[tilespmem:$0x1E180] =	vst v63  }
0x47: {  	_ = 	snop  }
0x48: {  	[tilespmem:s17], [sflag:$0x1] =	stream.indirect_vreg.gather [hbm4b:s3+s2], $0x80, v3, vm0, $0xb8;
	[tilespmem:$0x1E180] =	vst v63  }
0x49: {  	v3 =	vld [tilespmem:$0x10];
	_ =	sdelay $0x4  }
0x4a: {  	v60 =	vshll.u32 v3, $0x1  }
0x4b: {  	v3 =	vand.u32 $0x7, v3;
	v4 =	vand.u32 $0xFFFFFFF0, v60  }
0x4c: {  	v3 =	vor.u32 v3, v4  }
0x4d: {  	v4 =	vperm.xlane v3, v0;
	_ =	sdelay $0x1  }
0x4e: {  	v3 =	vperm.xlane v3, v2;
	v4 =	vadd.s32 v1, v4;
	_ =	sdelay $0x1  }
0x4f: {  	v3 =	vadd.s32 v1, v3;
	_ =	sdelay $0x2  }
0x50: {  	[tilespmem:s19], [sflag:$0x1] =	stream.indirect_vreg.gather [hbm4b:s3+s2], $0x80, v4, vm0, $0xb8;
	[tilespmem:$0x1E180] =	vst v63  }
0x51: {  	_ = 	snop  }
0x52: {  	[tilespmem:s11], [sflag:$0x1] =	stream.indirect_vreg.gather [hbm4b:s3+s2], $0x80, v3, vm0, $0xb8;
	[tilespmem:$0x1E180] =	vst v63  }
0x53: {  	v3 =	vld [tilespmem:$0x20];
	_ =	sdelay $0x4  }
0x54: {  	v61 =	vshll.u32 v3, $0x1  }
0x55: {  	v3 =	vand.u32 $0x7, v3;
	v4 =	vand.u32 $0xFFFFFFF0, v61  }
0x56: {  	v3 =	vor.u32 v3, v4  }
0x57: {  	v4 =	vperm.xlane v3, v0;
	_ =	sdelay $0x1  }
0x58: {  	v3 =	vperm.xlane v3, v2;
	v4 =	vadd.s32 v1, v4;
	_ =	sdelay $0x1  }
0x59: {  	v3 =	vadd.s32 v1, v3;
	_ =	sdelay $0x2  }
0x5a: {  	[tilespmem:s12], [sflag:$0x1] =	stream.indirect_vreg.gather [hbm4b:s3+s2], $0x80, v4, vm0, $0xb8;
	[tilespmem:$0x1E180] =	vst v63  }
0x5b: {  	_ = 	snop  }
0x5c: {  	[tilespmem:s13], [sflag:$0x1] =	stream.indirect_vreg.gather [hbm4b:s3+s2], $0x80, v3, vm0, $0xb8;
	[tilespmem:$0x1E180] =	vst v63  }
0x5d: {  	v3 =	vld [tilespmem:$0x30];
	_ =	sdelay $0x4  }
0x5e: {  	v62 =	vshll.u32 v3, $0x1  }
0x5f: {  	v3 =	vand.u32 $0x7, v3;
	v4 =	vand.u32 $0xFFFFFFF0, v62  }
0x60: {  	v3 =	vor.u32 v3, v4  }
0x61: {  	v4 =	vperm.xlane v3, v0;
	_ =	sdelay $0x1  }
0x62: {  	v3 =	vperm.xlane v3, v2;
	v4 =	vadd.s32 v1, v4;
	_ =	sdelay $0x1  }
0x63: {  	v3 =	vadd.s32 v1, v3;
	_ =	sdelay $0x2  }
0x64: {  	[tilespmem:s14], [sflag:$0x1] =	stream.indirect_vreg.gather [hbm4b:s3+s2], $0x80, v4, vm0, $0xb8;
	[tilespmem:$0x1E180] =	vst v63  }
0x65: {  	_ = 	snop  }
0x66: {  	[tilespmem:s18], [sflag:$0x1] =	stream.indirect_vreg.gather [hbm4b:s3+s2], $0x80, v3, vm0, $0xb8;
	[tilespmem:$0x1E180] =	vst v63  }
0x67: {  	v3 =	vld [tilespmem:$0x40];
	_ =	sdelay $0x4  }
0x68: {  	v63 =	vshll.u32 v3, $0x1  }
0x69: {  	v3 =	vand.u32 $0x7, v3;
	v4 =	vand.u32 $0xFFFFFFF0, v63  }
0x6a: {  	v3 =	vor.u32 v3, v4  }
0x6b: {  	v4 =	vperm.xlane v3, v0;
	_ =	sdelay $0x1  }
0x6c: {  	v3 =	vperm.xlane v3, v2;
	v4 =	vadd.s32 v1, v4;
	_ =	sdelay $0x1  }
0x6d: {  	v3 =	vadd.s32 v1, v3;
	_ =	sdelay $0x1  }
0x6e: {  	s17 =	sld [smem:$0x7F8]  }
0x6f: {  	[tilespmem:s21], [sflag:$0x1] =	stream.indirect_vreg.gather [hbm4b:s3+s2], $0x80, v4, vm0, $0xb8;
	[tilespmem:$0x1E180] =	vst v63  }
0x70: {  	s19 =	sld [smem:$0x7FB]  }
0x71: {  	[tilespmem:s24], [sflag:$0x1] =	stream.indirect_vreg.gather [hbm4b:s3+s2], $0x80, v3, vm0, $0xb8;
	[tilespmem:$0x1E180] =	vst v63  }
0x72: {  	s11 =	sld [smem:$0x7F7]  }
0x73: {  	[tilespmem:s16], [sflag:$0x1] =	stream.indirect.gather [hbm4b:s4+s15], $0x80, s5, s15, $0xb8;
	[tilespmem:$0x1E180] =	vst v63  }
0x74: {  	s13 =	rddreg [dreg:$0x1c]  }
0x75: {  	[tilespmem:s26], [sflag:$0x1] =	stream.linear.gather [hbm4b:s13+s2], $0x50, $0x38;
	[tilespmem:$0x1E180] =	vst v63  }
0x76: {  	s14 =	rddreg [dreg:$0x1d]  }
0x77: {  	[tilespmem:s31], [sflag:$0x1] =	stream.linear.gather [hbm4b:s14+s2], $0x50, $0x38;
	[tilespmem:$0x1E180] =	vst v63  }
0x78: {  	s18 =	sld [smem:$0x7FA];
	s21 =	simm.s32 $0x1DC80  }
0x79: {  	[tilespmem:s21], [sflag:$0x1] =	stream.linear.gather [hbm4b:s17+s2], $0x50, $0x38;
	[tilespmem:$0x1E180] =	vst v63  }
0x7a: {  	s0 =	simm.s32 $0x0;
	s5 =	sld [smem:$0x7F9];
	s26 =	simm.s32 $0x1DD00  }
0x7b: {  	[tilespmem:s26], [sflag:$0x1] =	stream.linear.gather [hbm4b:s18+s2], $0x50, $0x38;
	[tilespmem:$0x1E180] =	vst v63  }
0x7c: {  	s1 =	simm.s32 $0x0;
	s24 =	simm.s32 $0x1DD80;
	s31 =	sld [smem:$0x7FD]  }
0x7d: {  	[tilespmem:s24], [sflag:$0x1] =	stream.linear.gather [hbm4b:s19+s2], $0x50, $0x38;
	[tilespmem:$0x1E180] =	vst v63  }
.LBB2_2:
0x7e: {  	p0 =	seq.s32 s1, $0x0  }
0x7f: {  	s12 =	simm.s32 @!p0 $0x4  }
0x80: {  	_ =	swait.ge @!p0 [sflag:s12], $0x5000  }
0x81: {  	[sflag:s12] =	ssyncset.done @!p0 $0x0  }
0x82: {  	[sflag:s12] =	ssyncadd.s32 @!p0 $0xFFFFB000  }
0x83: {  	_ =	swait.ge @!p0 [sflag:s12], $0x2800  }
0x84: {  	[sflag:s12] =	ssyncset.done @!p0 $0x0  }
0x85: {  	[sflag:s12] =	ssyncadd.s32 @!p0 $0xFFFFD800  }
0x86: {  	_ =	swait.ge @!p0 [sflag:s12], $0x50  }
0x87: {  	[sflag:s12] =	ssyncset.done @!p0 $0x0  }
0x88: {  	[sflag:s12] =	ssyncadd.s32 @!p0 $0xFFFFFFB0;
	s12 =	sshra.s32 s0, $0x2  }
0x89: {  	v3 =	vld [tilespmem:s12+$0x50];
	_ =	sdelay $0x4  }
0x8a: {  	v4 =	vshll.u32 v3, $0x1  }
0x8b: {  	v3 =	vand.u32 $0x7, v3;
	v4 =	vand.u32 $0xFFFFFFF0, v4  }
0x8c: {  	v3 =	vor.u32 v3, v4  }
0x8d: {  	v4 =	vperm.xlane v3, v0;
	_ =	sdelay $0x1  }
0x8e: {  	v3 =	vperm.xlane v3, v2;
	v4 =	vadd.s32 v1, v4;
	_ =	sdelay $0x1  }
0x8f: {  	v3 =	vadd.s32 v1, v3;
	_ =	sdelay $0x2  }
0x90: {  	[tilespmem:s22], [sflag:$0x2] =	stream.indirect_vreg.gather [hbm4b:s3+s2], $0x80, v4, vm0, $0xb8;
	[tilespmem:$0x1E180] =	vst v63  }
0x91: {  	s13 =	rddreg [dreg:$0xa]  }
0x92: {  	[tilespmem:s13], [sflag:$0x2] =	stream.indirect_vreg.gather [hbm4b:s3+s2], $0x80, v3, vm0, $0xb8;
	[tilespmem:$0x1E180] =	vst v63  }
0x93: {  	v3 =	vld [tilespmem:s12+$0x60];
	_ =	sdelay $0x4  }
0x94: {  	v31 =	vshll.u32 v3, $0x1  }
0x95: {  	v3 =	vand.u32 $0x7, v3;
	v4 =	vand.u32 $0xFFFFFFF0, v31  }
0x96: {  	v3 =	vor.u32 v3, v4  }
0x97: {  	v4 =	vperm.xlane v3, v0;
	_ =	sdelay $0x1  }
0x98: {  	v3 =	vperm.xlane v3, v2;
	v4 =	vadd.s32 v1, v4;
	_ =	sdelay $0x1  }
0x99: {  	v3 =	vadd.s32 v1, v3;
	_ =	sdelay $0x1  }
0x9a: {  	s19 =	rddreg [dreg:$0xb]  }
0x9b: {  	[tilespmem:s19], [sflag:$0x2] =	stream.indirect_vreg.gather [hbm4b:s3+s2], $0x80, v4, vm0, $0xb8;
	[tilespmem:$0x1E180] =	vst v63  }
0x9c: {  	s14 =	rddreg [dreg:$0xc]  }
0x9d: {  	[tilespmem:s14], [sflag:$0x2] =	stream.indirect_vreg.gather [hbm4b:s3+s2], $0x80, v3, vm0, $0xb8;
	[tilespmem:$0x1E180] =	vst v63  }
0x9e: {  	v3 =	vld [tilespmem:s12+$0x70];
	_ =	sdelay $0x4  }
0x9f: {  	v32 =	vshll.u32 v3, $0x1  }
0xa0: {  	v3 =	vand.u32 $0x7, v3;
	v4 =	vand.u32 $0xFFFFFFF0, v32  }
0xa1: {  	v3 =	vor.u32 v3, v4  }
0xa2: {  	v4 =	vperm.xlane v3, v0;
	_ =	sdelay $0x1  }
0xa3: {  	v3 =	vperm.xlane v3, v2;
	v4 =	vadd.s32 v1, v4;
	_ =	sdelay $0x1  }
0xa4: {  	v3 =	vadd.s32 v1, v3;
	_ =	sdelay $0x1  }
0xa5: {  	s14 =	rddreg [dreg:$0xd]  }
0xa6: {  	[tilespmem:s14], [sflag:$0x2] =	stream.indirect_vreg.gather [hbm4b:s3+s2], $0x80, v4, vm0, $0xb8;
	[tilespmem:$0x1E180] =	vst v63  }
0xa7: {  	s17 =	rddreg [dreg:$0xe]  }
0xa8: {  	[tilespmem:s17], [sflag:$0x2] =	stream.indirect_vreg.gather [hbm4b:s3+s2], $0x80, v3, vm0, $0xb8;
	[tilespmem:$0x1E180] =	vst v63  }
0xa9: {  	v3 =	vld [tilespmem:s12+$0x80];
	_ =	sdelay $0x4  }
0xaa: {  	v33 =	vshll.u32 v3, $0x1  }
0xab: {  	v3 =	vand.u32 $0x7, v3;
	v4 =	vand.u32 $0xFFFFFFF0, v33  }
0xac: {  	v3 =	vor.u32 v3, v4  }
0xad: {  	v4 =	vperm.xlane v3, v0;
	_ =	sdelay $0x1  }
0xae: {  	v3 =	vperm.xlane v3, v2;
	v4 =	vadd.s32 v1, v4;
	_ =	sdelay $0x1  }
0xaf: {  	v3 =	vadd.s32 v1, v3;
	_ =	sdelay $0x1  }
0xb0: {  	s18 =	rddreg [dreg:$0xf]  }
0xb1: {  	[tilespmem:s18], [sflag:$0x2] =	stream.indirect_vreg.gather [hbm4b:s3+s2], $0x80, v4, vm0, $0xb8;
	[tilespmem:$0x1E180] =	vst v63  }
0xb2: {  	s19 =	rddreg [dreg:$0x10]  }
0xb3: {  	[tilespmem:s19], [sflag:$0x2] =	stream.indirect_vreg.gather [hbm4b:s3+s2], $0x80, v3, vm0, $0xb8;
	[tilespmem:$0x1E180] =	vst v63  }
0xb4: {  	v3 =	vld [tilespmem:s12+$0x90];
	_ =	sdelay $0x4  }
0xb5: {  	v34 =	vshll.u32 v3, $0x1  }
0xb6: {  	v3 =	vand.u32 $0x7, v3;
	v4 =	vand.u32 $0xFFFFFFF0, v34  }
0xb7: {  	v3 =	vor.u32 v3, v4  }
0xb8: {  	v4 =	vperm.xlane v3, v0;
	_ =	sdelay $0x1  }
0xb9: {  	v3 =	vperm.xlane v3, v2;
	v4 =	vadd.s32 v1, v4  }
0xba: {  	s14 =	rddreg [dreg:$0x11]  }
0xbb: {  	s17 =	rddreg [dreg:$0x12];
	v3 =	vadd.s32 v1, v3  }
0xbc: {  	s18 =	rddreg [dreg:$0x4]  }
0xbd: {  	s13 =	sadd.s32 s1, s18;
	s18 =	rddreg [dreg:$0x6]  }
0xbe: {  	[tilespmem:s14], [sflag:$0x2] =	stream.indirect_vreg.gather [hbm4b:s3+s2], $0x80, v4, vm0, $0xb8;
	[tilespmem:$0x1E180] =	vst v63  }
0xbf: {  	s14 =	rddreg [dreg:$0x5]  }
0xc0: {  	[tilespmem:s17], [sflag:$0x2] =	stream.indirect_vreg.gather [hbm4b:s3+s2], $0x80, v3, vm0, $0xb8;
	[tilespmem:$0x1E180] =	vst v63  }
0xc1: {  	s19 =	sadd.s32 $0x27D0, s12;
	s17 =	rddreg [dreg:$0x13]  }
0xc2: {  	[tilespmem:s23], [sflag:$0x2] =	stream.indirect.gather [hbm4b:s4+s15], $0x80, s19, s15, $0xb8;
	[tilespmem:$0x1E180] =	vst v63  }
0xc3: {  	s19 =	rddreg [dreg:$0x15]  }
0xc4: {  	[tilespmem:s17], [sflag:$0x2] =	stream.linear.gather [hbm4b:s13+s2], $0x50, $0x38;
	[tilespmem:$0x1E180] =	vst v63  }
0xc5: {  	s17 =	rddreg [dreg:$0x14]  }
0xc6: {  	s13 =	sadd.s32 s1, s14;
	s14 =	rddreg [dreg:$0x7]  }
0xc7: {  	[tilespmem:s17], [sflag:$0x2] =	stream.linear.gather [hbm4b:s13+s2], $0x50, $0x38;
	[tilespmem:$0x1E180] =	vst v63  }
0xc8: {  	s18 =	sadd.s32 s1, s18;
	s17 =	rddreg [dreg:$0x16]  }
0xc9: {  	[tilespmem:s19], [sflag:$0x2] =	stream.linear.gather [hbm4b:s18+s2], $0x50, $0x38;
	[tilespmem:$0x1E180] =	vst v63  }
0xca: {  	s13 =	sadd.s32 s1, s14;
	s18 =	rddreg [dreg:$0x8]  }
0xcb: {  	[tilespmem:s17], [sflag:$0x2] =	stream.linear.gather [hbm4b:s13+s2], $0x50, $0x38;
	[tilespmem:$0x1E180] =	vst v63  }
0xcc: {  	s19 =	rddreg [dreg:$0x17];
	s18 =	sadd.s32 s1, s18  }
0xcd: {  	[tilespmem:s19], [sflag:$0x2] =	stream.linear.gather [hbm4b:s18+s2], $0x50, $0x38;
	[tilespmem:$0x1E180] =	vst v63  }
0xce: {  	_ =	swait.ge [sflag:s20], $0x5000  }
0xcf: {  	[sflag:s20] =	ssyncset.done $0x0  }
0xd0: {  	[sflag:s20] =	ssyncadd.s32 $0xFFFFB000  }
0xd1: {  	_ =	swait.ge [sflag:s20], $0x2800  }
0xd2: {  	[sflag:s20] =	ssyncset.done $0x0  }
0xd3: {  	[sflag:s20] =	ssyncadd.s32 $0xFFFFD800  }
0xd4: {  	_ =	swait.ge [sflag:s20], $0x50  }
0xd5: {  	[sflag:s20] =	ssyncset.done $0x0  }
0xd6: {  	[sflag:s20] =	ssyncadd.s32 $0xFFFFFFB0  }
0xd7: {  	_ =	swait.ge [sflag:s20], $0x50  }
0xd8: {  	[sflag:s20] =	ssyncset.done $0x0  }
0xd9: {  	[sflag:s20] =	ssyncadd.s32 $0xFFFFFFB0  }
0xda: {  	_ =	swait.ge [sflag:s20], $0x50  }
0xdb: {  	[sflag:s20] =	ssyncset.done $0x0  }
0xdc: {  	[sflag:s20] =	ssyncadd.s32 $0xFFFFFFB0  }
0xdd: {  	_ =	swait.ge [sflag:s20], $0x50  }
0xde: {  	[sflag:s20] =	ssyncset.done $0x0  }
0xdf: {  	[sflag:s20] =	ssyncadd.s32 $0xFFFFFFB0  }
0xe0: {  	_ =	swait.ge [sflag:s20], $0x50  }
0xe1: {  	[sflag:s20] =	ssyncset.done $0x0  }
0xe2: {  	[sflag:s20] =	ssyncadd.s32 $0xFFFFFFB0  }
0xe3: {  	v3 =	vld [tilespmem:$0x1DD00];
	_ =	sdelay $0x1  }
0xe4: {  	v35 =	vld [tilespmem:s12+$0x2780];
	_ =	sdelay $0x2  }
0xe5: {  	(erf) = vrcp.f32 v3  }
0xe6: {  	v5 =	vld [tilespmem:s12+$0x0]  }
0xe7: {  	v4 =	vshll.u32 v35, $0x2  }
0xe8: {  	v6 =	vor.u32 $0x1, v4  }
0xe9: {  	v7 =	vld [tilespmem:$0x1DB80]  }
0xea: {  	v9 =	vld [tilespmem:$0x1DC00];
	v8 =	vor.u32 $0x2, v4  }
0xeb: {  	v11 =	vld [tilespmem:$0x1DC80];
	v5 =	vshll.u32 v5, $0x2  }
0xec: {  	v10 =	vor.u32 $0x1, v5;
	v4 =	vld.idx.msk [tilespmem:v4+s28+$0x0], $0xffff  }
0xed: {  	v6 =	vld.idx.msk [tilespmem:v6+s28+$0x0], $0xffff  }
0xee: {  	v12 =	vor.u32 $0x2, v5;
	v13 =	vpop (erf)  }
0xef: {  	v8 =	vld.idx.msk [tilespmem:v8+s28+$0x0], $0xffff;
	v14 =	vmul.f32 v13, v7;
	v15 =	vmul.f32 v13, v9  }
0xf0: {  	vm1 =	vgt.f32 v3, $0.0e+00;
	v5 =	vld.idx.msk [tilespmem:v5+s28+$0x0], $0xffff  }
0xf1: {  	v3 =	vld.idx.msk [tilespmem:v10+s28+$0x0], $0xffff;
	v36 =	vmul.f32 v13, v11;
	v7 =	vsel vm1, v14, v7;
	v9 =	vsel vm1, v15, v9  }
0xf2: {  	v7 =	vmul.f32 v7, v4;
	v9 =	vmul.f32 v9, v6  }
0xf3: {  	v12 =	vld.idx.msk [tilespmem:v12+s28+$0x0], $0xffff;
	v10 =	vsel vm1, v36, v11  }
0xf4: {  	v37 =	vmul.f32 v10, v8;
	v7 =	vadd.f32 v9, v7;
	_ =	sdelay $0x1  }
0xf5: {  	v3 =	vmul.f32 v6, v3;
	v4 =	vmul.f32 v4, v5;
	v38 =	vadd.f32 v7, v37;
	_ =	sdelay $0x1  }
0xf6: {  	v39 =	vld [tilespmem:$0x1DD80];
	v40 =	vmul.f32 v8, v12;
	v3 =	vadd.f32 v3, v4;
	v5 =	vsub.f32 $1.000000000e+00, v38;
	_ =	sdelay $0x1  }
0xf7: {  	v3 =	vadd.f32 v40, v3;
	v41 =	vmul.f32 $5.000000000e-01, v5;
	_ =	sdelay $0x1  }
0xf8: {  	v3 =	vmul.f32 v41, v3  }
0xf9: {  	vm1 =	veq.f32 v39, $1.000000000e+00  }
0xfa: {  	v3 =	vnsel vm1, $0x3F800000, v3  }
0xfb: {  	[tilespmem:$0x1DE00] =	vst v3;
	v3 =	vld [tilespmem:$0x1DD10];
	_ =	sdelay $0x1  }
0xfc: {  	v42 =	vld [tilespmem:s12+$0x2790];
	_ =	sdelay $0x2  }
0xfd: {  	(erf) = vrcp.f32 v3  }
0xfe: {  	v43 =	vld [tilespmem:s12+$0x10]  }
0xff: {  	v4 =	vshll.u32 v42, $0x2  }
0x100: {  	v44 =	vor.u32 $0x1, v4  }
0x101: {  	v45 =	vld [tilespmem:$0x1DB90]  }
0x102: {  	v47 =	vld [tilespmem:$0x1DC10];
	v46 =	vor.u32 $0x2, v4  }
0x103: {  	v49 =	vld [tilespmem:$0x1DC90];
	v5 =	vshll.u32 v43, $0x2  }
0x104: {  	v48 =	vor.u32 $0x1, v5;
	v4 =	vld.idx.msk [tilespmem:v4+s28+$0x0], $0xffff  }
0x105: {  	v6 =	vld.idx.msk [tilespmem:v44+s28+$0x0], $0xffff  }
0x106: {  	v50 =	vor.u32 $0x2, v5;
	v51 =	vpop (erf)  }
0x107: {  	v8 =	vld.idx.msk [tilespmem:v46+s28+$0x0], $0xffff;
	v52 =	vmul.f32 v51, v45;
	v53 =	vmul.f32 v51, v47  }
0x108: {  	vm1 =	vgt.f32 v3, $0.0e+00;
	v5 =	vld.idx.msk [tilespmem:v5+s28+$0x0], $0xffff  }
0x109: {  	v3 =	vld.idx.msk [tilespmem:v48+s28+$0x0], $0xffff;
	v54 =	vmul.f32 v51, v49;
	v7 =	vsel vm1, v52, v45;
	v9 =	vsel vm1, v53, v47  }
0x10a: {  	v7 =	vmul.f32 v7, v4;
	v9 =	vmul.f32 v9, v6  }
0x10b: {  	v12 =	vld.idx.msk [tilespmem:v50+s28+$0x0], $0xffff;
	v10 =	vsel vm1, v54, v49  }
0x10c: {  	v55 =	vmul.f32 v10, v8;
	v7 =	vadd.f32 v9, v7;
	_ =	sdelay $0x1  }
0x10d: {  	v3 =	vmul.f32 v6, v3;
	v4 =	vmul.f32 v4, v5;
	v56 =	vadd.f32 v7, v55;
	_ =	sdelay $0x1  }
0x10e: {  	v57 =	vld [tilespmem:$0x1DD90];
	v58 =	vmul.f32 v8, v12;
	v3 =	vadd.f32 v3, v4;
	v5 =	vsub.f32 $1.000000000e+00, v56;
	_ =	sdelay $0x1  }
0x10f: {  	v3 =	vadd.f32 v58, v3;
	v59 =	vmul.f32 $5.000000000e-01, v5;
	_ =	sdelay $0x1  }
0x110: {  	v3 =	vmul.f32 v59, v3  }
0x111: {  	vm1 =	veq.f32 v57, $1.000000000e+00  }
0x112: {  	v3 =	vnsel vm1, $0x3F800000, v3  }
0x113: {  	[tilespmem:$0x1DE10] =	vst v3;
	v3 =	vld [tilespmem:$0x1DD20];
	_ =	sdelay $0x1  }
0x114: {  	v60 =	vld [tilespmem:s12+$0x27A0];
	_ =	sdelay $0x2  }
0x115: {  	(erf) = vrcp.f32 v3  }
0x116: {  	v61 =	vld [tilespmem:s12+$0x20]  }
0x117: {  	v4 =	vshll.u32 v60, $0x2  }
0x118: {  	v62 =	vor.u32 $0x1, v4  }
0x119: {  	v63 =	vld [tilespmem:$0x1DBA0]  }
0x11a: {  	v19 =	vld [tilespmem:$0x1DC20];
	v18 =	vor.u32 $0x2, v4  }
0x11b: {  	v21 =	vld [tilespmem:$0x1DCA0];
	v5 =	vshll.u32 v61, $0x2  }
0x11c: {  	v20 =	vor.u32 $0x1, v5;
	v4 =	vld.idx.msk [tilespmem:v4+s28+$0x0], $0xffff  }
0x11d: {  	v6 =	vld.idx.msk [tilespmem:v62+s28+$0x0], $0xffff  }
0x11e: {  	v22 =	vor.u32 $0x2, v5;
	v23 =	vpop (erf)  }
0x11f: {  	v8 =	vld.idx.msk [tilespmem:v18+s28+$0x0], $0xffff;
	v24 =	vmul.f32 v23, v63;
	v25 =	vmul.f32 v23, v19  }
0x120: {  	vm1 =	vgt.f32 v3, $0.0e+00;
	v5 =	vld.idx.msk [tilespmem:v5+s28+$0x0], $0xffff  }
0x121: {  	v3 =	vld.idx.msk [tilespmem:v20+s28+$0x0], $0xffff;
	v26 =	vmul.f32 v23, v21;
	v7 =	vsel vm1, v24, v63;
	v9 =	vsel vm1, v25, v19  }
0x122: {  	v7 =	vmul.f32 v7, v4;
	v9 =	vmul.f32 v9, v6  }
0x123: {  	v12 =	vld.idx.msk [tilespmem:v22+s28+$0x0], $0xffff;
	v10 =	vsel vm1, v26, v21  }
0x124: {  	v27 =	vmul.f32 v10, v8;
	v7 =	vadd.f32 v9, v7;
	_ =	sdelay $0x1  }
0x125: {  	v3 =	vmul.f32 v6, v3;
	v4 =	vmul.f32 v4, v5;
	v28 =	vadd.f32 v7, v27;
	_ =	sdelay $0x1  }
0x126: {  	v29 =	vld [tilespmem:$0x1DDA0];
	v30 =	vmul.f32 v8, v12;
	v3 =	vadd.f32 v3, v4;
	v5 =	vsub.f32 $1.000000000e+00, v28;
	_ =	sdelay $0x1  }
0x127: {  	v3 =	vadd.f32 v30, v3;
	v31 =	vmul.f32 $5.000000000e-01, v5;
	_ =	sdelay $0x1  }
0x128: {  	v3 =	vmul.f32 v31, v3  }
0x129: {  	vm1 =	veq.f32 v29, $1.000000000e+00  }
0x12a: {  	v3 =	vnsel vm1, $0x3F800000, v3  }
0x12b: {  	[tilespmem:$0x1DE20] =	vst v3;
	v3 =	vld [tilespmem:$0x1DD30];
	_ =	sdelay $0x1  }
0x12c: {  	v32 =	vld [tilespmem:s12+$0x27B0];
	_ =	sdelay $0x2  }
0x12d: {  	(erf) = vrcp.f32 v3  }
0x12e: {  	v33 =	vld [tilespmem:s12+$0x30]  }
0x12f: {  	v4 =	vshll.u32 v32, $0x2  }
0x130: {  	v34 =	vor.u32 $0x1, v4  }
0x131: {  	v35 =	vld [tilespmem:$0x1DBB0]  }
0x132: {  	v37 =	vld [tilespmem:$0x1DC30];
	v36 =	vor.u32 $0x2, v4  }
0x133: {  	v39 =	vld [tilespmem:$0x1DCB0];
	v5 =	vshll.u32 v33, $0x2  }
0x134: {  	v38 =	vor.u32 $0x1, v5;
	v4 =	vld.idx.msk [tilespmem:v4+s28+$0x0], $0xffff  }
0x135: {  	v6 =	vld.idx.msk [tilespmem:v34+s28+$0x0], $0xffff  }
0x136: {  	v40 =	vor.u32 $0x2, v5;
	v41 =	vpop (erf)  }
0x137: {  	v8 =	vld.idx.msk [tilespmem:v36+s28+$0x0], $0xffff;
	v42 =	vmul.f32 v41, v35;
	v43 =	vmul.f32 v41, v37  }
0x138: {  	vm1 =	vgt.f32 v3, $0.0e+00;
	v5 =	vld.idx.msk [tilespmem:v5+s28+$0x0], $0xffff  }
0x139: {  	v3 =	vld.idx.msk [tilespmem:v38+s28+$0x0], $0xffff;
	v44 =	vmul.f32 v41, v39;
	v7 =	vsel vm1, v42, v35;
	v9 =	vsel vm1, v43, v37  }
0x13a: {  	v7 =	vmul.f32 v7, v4;
	v9 =	vmul.f32 v9, v6  }
0x13b: {  	v12 =	vld.idx.msk [tilespmem:v40+s28+$0x0], $0xffff;
	v10 =	vsel vm1, v44, v39  }
0x13c: {  	v45 =	vmul.f32 v10, v8;
	v7 =	vadd.f32 v9, v7;
	_ =	sdelay $0x1  }
0x13d: {  	v3 =	vmul.f32 v6, v3;
	v4 =	vmul.f32 v4, v5;
	v46 =	vadd.f32 v7, v45;
	_ =	sdelay $0x1  }
0x13e: {  	v47 =	vld [tilespmem:$0x1DDB0];
	v48 =	vmul.f32 v8, v12;
	v3 =	vadd.f32 v3, v4;
	v5 =	vsub.f32 $1.000000000e+00, v46;
	_ =	sdelay $0x1  }
0x13f: {  	v3 =	vadd.f32 v48, v3;
	v49 =	vmul.f32 $5.000000000e-01, v5;
	_ =	sdelay $0x1  }
0x140: {  	v3 =	vmul.f32 v49, v3  }
0x141: {  	vm1 =	veq.f32 v47, $1.000000000e+00  }
0x142: {  	v3 =	vnsel vm1, $0x3F800000, v3  }
0x143: {  	[tilespmem:$0x1DE30] =	vst v3;
	v3 =	vld [tilespmem:$0x1DD40];
	_ =	sdelay $0x1  }
0x144: {  	v50 =	vld [tilespmem:s12+$0x27C0];
	_ =	sdelay $0x2  }
0x145: {  	(erf) = vrcp.f32 v3  }
0x146: {  	v51 =	vld [tilespmem:s12+$0x40]  }
0x147: {  	v4 =	vshll.u32 v50, $0x2  }
0x148: {  	v52 =	vor.u32 $0x1, v4  }
0x149: {  	v53 =	vld [tilespmem:$0x1DBC0]  }
0x14a: {  	v55 =	vld [tilespmem:$0x1DC40];
	v54 =	vor.u32 $0x2, v4  }
0x14b: {  	v57 =	vld [tilespmem:$0x1DCC0];
	v5 =	vshll.u32 v51, $0x2  }
0x14c: {  	v56 =	vor.u32 $0x1, v5;
	v4 =	vld.idx.msk [tilespmem:v4+s28+$0x0], $0xffff  }
0x14d: {  	v6 =	vld.idx.msk [tilespmem:v52+s28+$0x0], $0xffff  }
0x14e: {  	v58 =	vor.u32 $0x2, v5;
	v59 =	vpop (erf)  }
0x14f: {  	v8 =	vld.idx.msk [tilespmem:v54+s28+$0x0], $0xffff;
	v60 =	vmul.f32 v59, v53;
	v61 =	vmul.f32 v59, v55  }
0x150: {  	vm1 =	vgt.f32 v3, $0.0e+00;
	v5 =	vld.idx.msk [tilespmem:v5+s28+$0x0], $0xffff  }
0x151: {  	v3 =	vld.idx.msk [tilespmem:v56+s28+$0x0], $0xffff;
	v62 =	vmul.f32 v59, v57;
	v7 =	vsel vm1, v60, v53;
	v9 =	vsel vm1, v61, v55  }
0x152: {  	v7 =	vmul.f32 v7, v4;
	v9 =	vmul.f32 v9, v6  }
0x153: {  	v12 =	vld.idx.msk [tilespmem:v58+s28+$0x0], $0xffff;
	v10 =	vsel vm1, v62, v57  }
0x154: {  	v63 =	vmul.f32 v10, v8;
	v7 =	vadd.f32 v9, v7;
	_ =	sdelay $0x1  }
0x155: {  	v3 =	vmul.f32 v6, v3;
	v4 =	vmul.f32 v4, v5;
	v9 =	vadd.f32 v7, v63;
	_ =	sdelay $0x1  }
0x156: {  	v11 =	vmul.f32 v8, v12;
	v10 =	vld [tilespmem:$0x1DDC0];
	v3 =	vadd.f32 v3, v4;
	v5 =	vsub.f32 $1.000000000e+00, v9;
	_ =	sdelay $0x1  }
0x157: {  	v3 =	vadd.f32 v11, v3;
	v12 =	vmul.f32 $5.000000000e-01, v5;
	_ =	sdelay $0x1  }
0x158: {  	v3 =	vmul.f32 v12, v3  }
0x159: {  	vm1 =	veq.f32 v10, $1.000000000e+00  }
0x15a: {  	v3 =	vnsel vm1, $0x3F800000, v3  }
0x15b: {  	[tilespmem:$0x1DE40] =	vst v3  }
0x15c: {  	[hbm4b:s5+s2] =	stream.linear.scatter [tilespmem:s29], [sflag:$0x3], $0x5000, $0x38;
	[tilespmem:$0x1E180] =	vst v63  }
0x15d: {  	s14 =	rddreg [dreg:$0x3]  }
0x15e: {  	[hbm4b:s11+s2] =	stream.linear.scatter [tilespmem:s16], [sflag:$0x3], $0x2800, $0x38;
	[tilespmem:$0x1E180] =	vst v63  }
0x15f: {  	s18 =	simm.s32 $0x1DE00;
	s13 =	sadd.s32 s1, s14  }
0x160: {  	[hbm4b:s13+s2] =	stream.linear.scatter [tilespmem:s18], [sflag:$0x3], $0x50, $0x38;
	[tilespmem:$0x1E180] =	vst v63  }
0x161: {  	_ =	swait.ge [sflag:s25], $0x5000  }
0x162: {  	[sflag:s25] =	ssyncset.done $0x0  }
0x163: {  	[sflag:s25] =	ssyncadd.s32 $0xFFFFB000  }
0x164: {  	_ =	swait.ge [sflag:s25], $0x2800  }
0x165: {  	[sflag:s25] =	ssyncset.done $0x0  }
0x166: {  	[sflag:s25] =	ssyncadd.s32 $0xFFFFD800  }
0x167: {  	_ =	swait.ge [sflag:s25], $0x50  }
0x168: {  	[sflag:s25] =	ssyncset.done $0x0  }
0x169: {  	[sflag:s25] =	ssyncadd.s32 $0xFFFFFFB0  }
0x16a: {  	v3 =	vld [tilespmem:s12+$0xA0];
	_ =	sdelay $0x4  }
0x16b: {  	v13 =	vshll.u32 v3, $0x1  }
0x16c: {  	v3 =	vand.u32 $0x7, v3;
	v4 =	vand.u32 $0xFFFFFFF0, v13  }
0x16d: {  	v3 =	vor.u32 v3, v4  }
0x16e: {  	v4 =	vperm.xlane v3, v0;
	_ =	sdelay $0x1  }
0x16f: {  	v3 =	vperm.xlane v3, v2;
	v4 =	vadd.s32 v1, v4;
	_ =	sdelay $0x1  }
0x170: {  	v3 =	vadd.s32 v1, v3;
	_ =	sdelay $0x2  }
0x171: {  	[tilespmem:s29], [sflag:$0x1] =	stream.indirect_vreg.gather [hbm4b:s3+s2], $0x80, v4, vm0, $0xb8;
	[tilespmem:$0x1E180] =	vst v63  }
0x172: {  	s17 =	simm.s32 $0x5700  }
0x173: {  	[tilespmem:s17], [sflag:$0x1] =	stream.indirect_vreg.gather [hbm4b:s3+s2], $0x80, v3, vm0, $0xb8;
	[tilespmem:$0x1E180] =	vst v63  }
0x174: {  	v3 =	vld [tilespmem:s12+$0xB0];
	_ =	sdelay $0x4  }
0x175: {  	v14 =	vshll.u32 v3, $0x1  }
0x176: {  	v3 =	vand.u32 $0x7, v3;
	v4 =	vand.u32 $0xFFFFFFF0, v14  }
0x177: {  	v3 =	vor.u32 v3, v4  }
0x178: {  	v4 =	vperm.xlane v3, v0;
	_ =	sdelay $0x1  }
0x179: {  	v3 =	vperm.xlane v3, v2;
	v4 =	vadd.s32 v1, v4;
	_ =	sdelay $0x1  }
0x17a: {  	v3 =	vadd.s32 v1, v3;
	_ =	sdelay $0x1  }
0x17b: {  	s19 =	simm.s32 $0x5F00  }
0x17c: {  	[tilespmem:s19], [sflag:$0x1] =	stream.indirect_vreg.gather [hbm4b:s3+s2], $0x80, v4, vm0, $0xb8;
	[tilespmem:$0x1E180] =	vst v63  }
0x17d: {  	s18 =	simm.s32 $0x6700  }
0x17e: {  	[tilespmem:s18], [sflag:$0x1] =	stream.indirect_vreg.gather [hbm4b:s3+s2], $0x80, v3, vm0, $0xb8;
	[tilespmem:$0x1E180] =	vst v63  }
0x17f: {  	v3 =	vld [tilespmem:s12+$0xC0];
	_ =	sdelay $0x4  }
0x180: {  	v15 =	vshll.u32 v3, $0x1  }
0x181: {  	v3 =	vand.u32 $0x7, v3;
	v4 =	vand.u32 $0xFFFFFFF0, v15  }
0x182: {  	v3 =	vor.u32 v3, v4  }
0x183: {  	v4 =	vperm.xlane v3, v0;
	_ =	sdelay $0x1  }
0x184: {  	v3 =	vperm.xlane v3, v2;
	v4 =	vadd.s32 v1, v4;
	_ =	sdelay $0x1  }
0x185: {  	v3 =	vadd.s32 v1, v3;
	_ =	sdelay $0x1  }
0x186: {  	s14 =	simm.s32 $0x6F00  }
0x187: {  	[tilespmem:s14], [sflag:$0x1] =	stream.indirect_vreg.gather [hbm4b:s3+s2], $0x80, v4, vm0, $0xb8;
	[tilespmem:$0x1E180] =	vst v63  }
0x188: {  	s18 =	simm.s32 $0x7700  }
0x189: {  	[tilespmem:s18], [sflag:$0x1] =	stream.indirect_vreg.gather [hbm4b:s3+s2], $0x80, v3, vm0, $0xb8;
	[tilespmem:$0x1E180] =	vst v63  }
0x18a: {  	v3 =	vld [tilespmem:s12+$0xD0];
	_ =	sdelay $0x4  }
0x18b: {  	v16 =	vshll.u32 v3, $0x1  }
0x18c: {  	v3 =	vand.u32 $0x7, v3;
	v4 =	vand.u32 $0xFFFFFFF0, v16  }
0x18d: {  	v3 =	vor.u32 v3, v4  }
0x18e: {  	v4 =	vperm.xlane v3, v0;
	_ =	sdelay $0x1  }
0x18f: {  	v3 =	vperm.xlane v3, v2;
	v4 =	vadd.s32 v1, v4;
	_ =	sdelay $0x1  }
0x190: {  	v3 =	vadd.s32 v1, v3;
	_ =	sdelay $0x1  }
0x191: {  	s14 =	simm.s32 $0x7F00  }
0x192: {  	[tilespmem:s14], [sflag:$0x1] =	stream.indirect_vreg.gather [hbm4b:s3+s2], $0x80, v4, vm0, $0xb8;
	[tilespmem:$0x1E180] =	vst v63  }
0x193: {  	s18 =	simm.s32 $0x8700  }
0x194: {  	[tilespmem:s18], [sflag:$0x1] =	stream.indirect_vreg.gather [hbm4b:s3+s2], $0x80, v3, vm0, $0xb8;
	[tilespmem:$0x1E180] =	vst v63  }
0x195: {  	v3 =	vld [tilespmem:s12+$0xE0];
	_ =	sdelay $0x4  }
0x196: {  	v17 =	vshll.u32 v3, $0x1  }
0x197: {  	v3 =	vand.u32 $0x7, v3;
	v4 =	vand.u32 $0xFFFFFFF0, v17  }
0x198: {  	v3 =	vor.u32 v3, v4  }
0x199: {  	v4 =	vperm.xlane v3, v0;
	_ =	sdelay $0x1  }
0x19a: {  	v3 =	vperm.xlane v3, v2;
	v4 =	vadd.s32 v1, v4;
	_ =	sdelay $0x1  }
0x19b: {  	v3 =	vadd.s32 v1, v3;
	_ =	sdelay $0x1  }
0x19c: {  	s14 =	simm.s32 $0x8F00  }
0x19d: {  	[tilespmem:s14], [sflag:$0x1] =	stream.indirect_vreg.gather [hbm4b:s3+s2], $0x80, v4, vm0, $0xb8;
	[tilespmem:$0x1E180] =	vst v63  }
0x19e: {  	s18 =	simm.s32 $0x9700  }
0x19f: {  	[tilespmem:s18], [sflag:$0x1] =	stream.indirect_vreg.gather [hbm4b:s3+s2], $0x80, v3, vm0, $0xb8;
	[tilespmem:$0x1E180] =	vst v63  }
0x1a0: {  	s13 =	sshrl.u32 s31, $0x3;
	s14 =	sadd.s32 $0x2820, s12  }
0x1a1: {  	[tilespmem:s16], [sflag:$0x1] =	stream.indirect.gather [hbm4b:s4+s15], $0x80, s14, s15, $0xb8;
	[tilespmem:$0x1E180] =	vst v63  }
0x1a2: {  	s18 =	simm.s32 $0x1DB80;
	s14 =	sadd.s32 s6, s13  }
0x1a3: {  	[tilespmem:s18], [sflag:$0x1] =	stream.linear.gather [hbm4b:s14+s2], $0x50, $0x38;
	[tilespmem:$0x1E180] =	vst v63  }
0x1a4: {  	s14 =	sadd.s32 s7, s13;
	s18 =	simm.s32 $0x1DC00  }
0x1a5: {  	[tilespmem:s18], [sflag:$0x1] =	stream.linear.gather [hbm4b:s14+s2], $0x50, $0x38;
	[tilespmem:$0x1E180] =	vst v63  }
0x1a6: {  	s18 =	sadd.s32 s8, s13  }
0x1a7: {  	[tilespmem:s21], [sflag:$0x1] =	stream.linear.gather [hbm4b:s18+s2], $0x50, $0x38;
	[tilespmem:$0x1E180] =	vst v63  }
0x1a8: {  	s18 =	sadd.s32 s9, s13  }
0x1a9: {  	[tilespmem:s26], [sflag:$0x1] =	stream.linear.gather [hbm4b:s18+s2], $0x50, $0x38;
	[tilespmem:$0x1E180] =	vst v63  }
0x1aa: {  	s13 =	sadd.s32 s10, s13  }
0x1ab: {  	[tilespmem:s24], [sflag:$0x1] =	stream.linear.gather [hbm4b:s13+s2], $0x50, $0x38;
	[tilespmem:$0x1E180] =	vst v63  }
0x1ac: {  	_ =	swait.ge [sflag:s30], $0x5000  }
0x1ad: {  	[sflag:s30] =	ssyncset.done $0x0  }
0x1ae: {  	[sflag:s30] =	ssyncadd.s32 $0xFFFFB000  }
0x1af: {  	_ =	swait.ge [sflag:s30], $0x2800  }
0x1b0: {  	[sflag:s30] =	ssyncset.done $0x0  }
0x1b1: {  	[sflag:s30] =	ssyncadd.s32 $0xFFFFD800  }
0x1b2: {  	_ =	swait.ge [sflag:s30], $0x50  }
0x1b3: {  	[sflag:s30] =	ssyncset.done $0x0  }
0x1b4: {  	[sflag:s30] =	ssyncadd.s32 $0xFFFFFFB0  }
0x1b5: {  	_ =	swait.ge [sflag:s30], $0x50  }
0x1b6: {  	[sflag:s30] =	ssyncset.done $0x0  }
0x1b7: {  	[sflag:s30] =	ssyncadd.s32 $0xFFFFFFB0  }
0x1b8: {  	_ =	swait.ge [sflag:s30], $0x50  }
0x1b9: {  	[sflag:s30] =	ssyncset.done $0x0  }
0x1ba: {  	[sflag:s30] =	ssyncadd.s32 $0xFFFFFFB0  }
0x1bb: {  	_ =	swait.ge [sflag:s30], $0x50  }
0x1bc: {  	[sflag:s30] =	ssyncset.done $0x0  }
0x1bd: {  	[sflag:s30] =	ssyncadd.s32 $0xFFFFFFB0  }
0x1be: {  	_ =	swait.ge [sflag:s30], $0x50  }
0x1bf: {  	[sflag:s30] =	ssyncset.done $0x0  }
0x1c0: {  	[sflag:s30] =	ssyncadd.s32 $0xFFFFFFB0  }
0x1c1: {  	v3 =	vld [tilespmem:$0x1E000];
	_ =	sdelay $0x1  }
0x1c2: {  	v18 =	vld [tilespmem:s12+$0x27D0];
	_ =	sdelay $0x2  }
0x1c3: {  	(erf) = vrcp.f32 v3  }
0x1c4: {  	v19 =	vld [tilespmem:s12+$0x50]  }
0x1c5: {  	v4 =	vshll.u32 v18, $0x2  }
0x1c6: {  	v20 =	vor.u32 $0x1, v4  }
0x1c7: {  	v21 =	vld [tilespmem:$0x1DE80]  }
0x1c8: {  	v23 =	vld [tilespmem:$0x1DF00];
	v22 =	vor.u32 $0x2, v4  }
0x1c9: {  	v25 =	vld [tilespmem:$0x1DF80];
	v5 =	vshll.u32 v19, $0x2  }
0x1ca: {  	v24 =	vor.u32 $0x1, v5;
	v4 =	vld.idx.msk [tilespmem:v4+s28+$0x0], $0xffff  }
0x1cb: {  	v6 =	vld.idx.msk [tilespmem:v20+s28+$0x0], $0xffff  }
0x1cc: {  	v26 =	vor.u32 $0x2, v5;
	v27 =	vpop (erf)  }
0x1cd: {  	v8 =	vld.idx.msk [tilespmem:v22+s28+$0x0], $0xffff;
	v28 =	vmul.f32 v27, v21;
	v29 =	vmul.f32 v27, v23  }
0x1ce: {  	vm1 =	vgt.f32 v3, $0.0e+00;
	v5 =	vld.idx.msk [tilespmem:v5+s28+$0x0], $0xffff  }
0x1cf: {  	v3 =	vld.idx.msk [tilespmem:v24+s28+$0x0], $0xffff;
	v30 =	vmul.f32 v27, v25;
	v7 =	vsel vm1, v28, v21;
	v9 =	vsel vm1, v29, v23  }
0x1d0: {  	v7 =	vmul.f32 v7, v4;
	v9 =	vmul.f32 v9, v6  }
0x1d1: {  	v12 =	vld.idx.msk [tilespmem:v26+s28+$0x0], $0xffff;
	v10 =	vsel vm1, v30, v25  }
0x1d2: {  	v31 =	vmul.f32 v10, v8;
	v7 =	vadd.f32 v9, v7;
	_ =	sdelay $0x1  }
0x1d3: {  	v3 =	vmul.f32 v6, v3;
	v4 =	vmul.f32 v4, v5;
	v32 =	vadd.f32 v7, v31;
	_ =	sdelay $0x1  }
0x1d4: {  	v33 =	vld [tilespmem:$0x1E080];
	v34 =	vmul.f32 v8, v12;
	v3 =	vadd.f32 v3, v4;
	v5 =	vsub.f32 $1.000000000e+00, v32;
	_ =	sdelay $0x1  }
0x1d5: {  	v3 =	vadd.f32 v34, v3;
	v35 =	vmul.f32 $5.000000000e-01, v5;
	_ =	sdelay $0x1  }
0x1d6: {  	v3 =	vmul.f32 v35, v3  }
0x1d7: {  	vm1 =	veq.f32 v33, $1.000000000e+00  }
0x1d8: {  	v3 =	vnsel vm1, $0x3F800000, v3  }
0x1d9: {  	[tilespmem:$0x1E100] =	vst v3;
	v3 =	vld [tilespmem:$0x1E010];
	_ =	sdelay $0x1  }
0x1da: {  	v36 =	vld [tilespmem:s12+$0x27E0];
	_ =	sdelay $0x2  }
0x1db: {  	(erf) = vrcp.f32 v3  }
0x1dc: {  	v37 =	vld [tilespmem:s12+$0x60]  }
0x1dd: {  	v4 =	vshll.u32 v36, $0x2  }
0x1de: {  	v38 =	vor.u32 $0x1, v4  }
0x1df: {  	v39 =	vld [tilespmem:$0x1DE90]  }
0x1e0: {  	v41 =	vld [tilespmem:$0x1DF10];
	v40 =	vor.u32 $0x2, v4  }
0x1e1: {  	v43 =	vld [tilespmem:$0x1DF90];
	v5 =	vshll.u32 v37, $0x2  }
0x1e2: {  	v42 =	vor.u32 $0x1, v5;
	v4 =	vld.idx.msk [tilespmem:v4+s28+$0x0], $0xffff  }
0x1e3: {  	v6 =	vld.idx.msk [tilespmem:v38+s28+$0x0], $0xffff  }
0x1e4: {  	v44 =	vor.u32 $0x2, v5;
	v45 =	vpop (erf)  }
0x1e5: {  	v8 =	vld.idx.msk [tilespmem:v40+s28+$0x0], $0xffff;
	v46 =	vmul.f32 v45, v39;
	v47 =	vmul.f32 v45, v41  }
0x1e6: {  	vm1 =	vgt.f32 v3, $0.0e+00;
	v5 =	vld.idx.msk [tilespmem:v5+s28+$0x0], $0xffff  }
0x1e7: {  	v3 =	vld.idx.msk [tilespmem:v42+s28+$0x0], $0xffff;
	v48 =	vmul.f32 v45, v43;
	v7 =	vsel vm1, v46, v39;
	v9 =	vsel vm1, v47, v41  }
0x1e8: {  	v7 =	vmul.f32 v7, v4;
	v9 =	vmul.f32 v9, v6  }
0x1e9: {  	v12 =	vld.idx.msk [tilespmem:v44+s28+$0x0], $0xffff;
	v10 =	vsel vm1, v48, v43  }
0x1ea: {  	v49 =	vmul.f32 v10, v8;
	v7 =	vadd.f32 v9, v7;
	_ =	sdelay $0x1  }
0x1eb: {  	v3 =	vmul.f32 v6, v3;
	v4 =	vmul.f32 v4, v5;
	v50 =	vadd.f32 v7, v49;
	_ =	sdelay $0x1  }
0x1ec: {  	v51 =	vld [tilespmem:$0x1E090];
	v52 =	vmul.f32 v8, v12;
	v3 =	vadd.f32 v3, v4;
	v5 =	vsub.f32 $1.000000000e+00, v50;
	_ =	sdelay $0x1  }
0x1ed: {  	v3 =	vadd.f32 v52, v3;
	v53 =	vmul.f32 $5.000000000e-01, v5;
	_ =	sdelay $0x1  }
0x1ee: {  	v3 =	vmul.f32 v53, v3  }
0x1ef: {  	vm1 =	veq.f32 v51, $1.000000000e+00  }
0x1f0: {  	v3 =	vnsel vm1, $0x3F800000, v3  }
0x1f1: {  	[tilespmem:$0x1E110] =	vst v3;
	v3 =	vld [tilespmem:$0x1E020];
	_ =	sdelay $0x1  }
0x1f2: {  	v54 =	vld [tilespmem:s12+$0x27F0];
	_ =	sdelay $0x2  }
0x1f3: {  	(erf) = vrcp.f32 v3  }
0x1f4: {  	v55 =	vld [tilespmem:s12+$0x70]  }
0x1f5: {  	v4 =	vshll.u32 v54, $0x2  }
0x1f6: {  	v56 =	vor.u32 $0x1, v4  }
0x1f7: {  	v57 =	vld [tilespmem:$0x1DEA0]  }
0x1f8: {  	v59 =	vld [tilespmem:$0x1DF20];
	v58 =	vor.u32 $0x2, v4  }
0x1f9: {  	v61 =	vld [tilespmem:$0x1DFA0];
	v5 =	vshll.u32 v55, $0x2  }
0x1fa: {  	v60 =	vor.u32 $0x1, v5;
	v4 =	vld.idx.msk [tilespmem:v4+s28+$0x0], $0xffff  }
0x1fb: {  	v6 =	vld.idx.msk [tilespmem:v56+s28+$0x0], $0xffff  }
0x1fc: {  	v62 =	vor.u32 $0x2, v5;
	v63 =	vpop (erf)  }
0x1fd: {  	v8 =	vld.idx.msk [tilespmem:v58+s28+$0x0], $0xffff;
	v18 =	vmul.f32 v63, v57;
	v19 =	vmul.f32 v63, v59  }
0x1fe: {  	vm1 =	vgt.f32 v3, $0.0e+00;
	v5 =	vld.idx.msk [tilespmem:v5+s28+$0x0], $0xffff  }
0x1ff: {  	v3 =	vld.idx.msk [tilespmem:v60+s28+$0x0], $0xffff;
	v20 =	vmul.f32 v63, v61;
	v7 =	vsel vm1, v18, v57;
	v9 =	vsel vm1, v19, v59  }
0x200: {  	v7 =	vmul.f32 v7, v4;
	v9 =	vmul.f32 v9, v6  }
0x201: {  	v12 =	vld.idx.msk [tilespmem:v62+s28+$0x0], $0xffff;
	v10 =	vsel vm1, v20, v61  }
0x202: {  	v21 =	vmul.f32 v10, v8;
	v7 =	vadd.f32 v9, v7;
	_ =	sdelay $0x1  }
0x203: {  	v3 =	vmul.f32 v6, v3;
	v4 =	vmul.f32 v4, v5;
	v22 =	vadd.f32 v7, v21;
	_ =	sdelay $0x1  }
0x204: {  	v23 =	vld [tilespmem:$0x1E0A0];
	v24 =	vmul.f32 v8, v12;
	v3 =	vadd.f32 v3, v4;
	v5 =	vsub.f32 $1.000000000e+00, v22;
	_ =	sdelay $0x1  }
0x205: {  	v3 =	vadd.f32 v24, v3;
	v25 =	vmul.f32 $5.000000000e-01, v5;
	_ =	sdelay $0x1  }
0x206: {  	v3 =	vmul.f32 v25, v3  }
0x207: {  	vm1 =	veq.f32 v23, $1.000000000e+00  }
0x208: {  	v3 =	vnsel vm1, $0x3F800000, v3  }
0x209: {  	[tilespmem:$0x1E120] =	vst v3;
	v3 =	vld [tilespmem:$0x1E030];
	_ =	sdelay $0x1  }
0x20a: {  	v26 =	vld [tilespmem:s12+$0x2800];
	_ =	sdelay $0x2  }
0x20b: {  	(erf) = vrcp.f32 v3  }
0x20c: {  	v27 =	vld [tilespmem:s12+$0x80]  }
0x20d: {  	v4 =	vshll.u32 v26, $0x2  }
0x20e: {  	v28 =	vor.u32 $0x1, v4  }
0x20f: {  	v29 =	vld [tilespmem:$0x1DEB0]  }
0x210: {  	v31 =	vld [tilespmem:$0x1DF30];
	v30 =	vor.u32 $0x2, v4  }
0x211: {  	v33 =	vld [tilespmem:$0x1DFB0];
	v5 =	vshll.u32 v27, $0x2  }
0x212: {  	v32 =	vor.u32 $0x1, v5;
	v4 =	vld.idx.msk [tilespmem:v4+s28+$0x0], $0xffff  }
0x213: {  	v6 =	vld.idx.msk [tilespmem:v28+s28+$0x0], $0xffff  }
0x214: {  	v34 =	vor.u32 $0x2, v5;
	v35 =	vpop (erf)  }
0x215: {  	v8 =	vld.idx.msk [tilespmem:v30+s28+$0x0], $0xffff;
	v36 =	vmul.f32 v35, v29;
	v37 =	vmul.f32 v35, v31  }
0x216: {  	vm1 =	vgt.f32 v3, $0.0e+00;
	v5 =	vld.idx.msk [tilespmem:v5+s28+$0x0], $0xffff  }
0x217: {  	v3 =	vld.idx.msk [tilespmem:v32+s28+$0x0], $0xffff;
	v38 =	vmul.f32 v35, v33;
	v7 =	vsel vm1, v36, v29;
	v9 =	vsel vm1, v37, v31  }
0x218: {  	v7 =	vmul.f32 v7, v4;
	v9 =	vmul.f32 v9, v6  }
0x219: {  	v12 =	vld.idx.msk [tilespmem:v34+s28+$0x0], $0xffff;
	v10 =	vsel vm1, v38, v33  }
0x21a: {  	v39 =	vmul.f32 v10, v8;
	v7 =	vadd.f32 v9, v7;
	_ =	sdelay $0x1  }
0x21b: {  	v3 =	vmul.f32 v6, v3;
	v4 =	vmul.f32 v4, v5;
	v40 =	vadd.f32 v7, v39;
	_ =	sdelay $0x1  }
0x21c: {  	v41 =	vld [tilespmem:$0x1E0B0];
	v42 =	vmul.f32 v8, v12;
	v3 =	vadd.f32 v3, v4;
	v5 =	vsub.f32 $1.000000000e+00, v40;
	_ =	sdelay $0x1  }
0x21d: {  	v3 =	vadd.f32 v42, v3;
	v43 =	vmul.f32 $5.000000000e-01, v5;
	_ =	sdelay $0x1  }
0x21e: {  	v3 =	vmul.f32 v43, v3  }
0x21f: {  	vm1 =	veq.f32 v41, $1.000000000e+00  }
0x220: {  	v3 =	vnsel vm1, $0x3F800000, v3  }
0x221: {  	[tilespmem:$0x1E130] =	vst v3;
	v3 =	vld [tilespmem:$0x1E040];
	_ =	sdelay $0x1  }
0x222: {  	v44 =	vld [tilespmem:s12+$0x2810];
	_ =	sdelay $0x2  }
0x223: {  	(erf) = vrcp.f32 v3  }
0x224: {  	v45 =	vld [tilespmem:s12+$0x90]  }
0x225: {  	v4 =	vshll.u32 v44, $0x2  }
0x226: {  	v46 =	vor.u32 $0x1, v4  }
0x227: {  	v47 =	vld [tilespmem:$0x1DEC0]  }
0x228: {  	v49 =	vld [tilespmem:$0x1DF40];
	v48 =	vor.u32 $0x2, v4  }
0x229: {  	v51 =	vld [tilespmem:$0x1DFC0];
	v5 =	vshll.u32 v45, $0x2  }
0x22a: {  	v50 =	vor.u32 $0x1, v5;
	v4 =	vld.idx.msk [tilespmem:v4+s28+$0x0], $0xffff  }
0x22b: {  	v6 =	vld.idx.msk [tilespmem:v46+s28+$0x0], $0xffff  }
0x22c: {  	v52 =	vor.u32 $0x2, v5;
	v53 =	vpop (erf)  }
0x22d: {  	v8 =	vld.idx.msk [tilespmem:v48+s28+$0x0], $0xffff;
	v54 =	vmul.f32 v53, v47;
	v55 =	vmul.f32 v53, v49  }
0x22e: {  	vm1 =	vgt.f32 v3, $0.0e+00;
	v3 =	vld.idx.msk [tilespmem:v5+s28+$0x0], $0xffff  }
0x22f: {  	v56 =	vld.idx.msk [tilespmem:v50+s28+$0x0], $0xffff;
	v57 =	vmul.f32 v53, v51;
	v7 =	vsel vm1, v54, v47;
	v9 =	vsel vm1, v55, v49  }
0x230: {  	v7 =	vmul.f32 v7, v4;
	v9 =	vmul.f32 v9, v6  }
0x231: {  	v12 =	vld.idx.msk [tilespmem:v52+s28+$0x0], $0xffff;
	v10 =	vsel vm1, v57, v51  }
0x232: {  	v58 =	vmul.f32 v10, v8;
	v7 =	vadd.f32 v9, v7;
	_ =	sdelay $0x1  }
0x233: {  	v3 =	vmul.f32 v4, v3;
	v59 =	vmul.f32 v6, v56;
	v60 =	vadd.f32 v7, v58;
	_ =	sdelay $0x1  }
0x234: {  	v61 =	vld [tilespmem:$0x1E0C0];
	v62 =	vmul.f32 v8, v12;
	v3 =	vadd.f32 v59, v3;
	v5 =	vsub.f32 $1.000000000e+00, v60;
	_ =	sdelay $0x1  }
0x235: {  	v3 =	vadd.f32 v62, v3;
	v63 =	vmul.f32 $5.000000000e-01, v5;
	_ =	sdelay $0x1  }
0x236: {  	v3 =	vmul.f32 v63, v3  }
0x237: {  	s12 =	rddreg [dreg:$0x9];
	vm1 =	veq.f32 v61, $1.000000000e+00  }
0x238: {  	s12 =	sadd.s32 s1, s12;
	s1 =	sadd.s32 $0x14, s1;
	v3 =	vnsel vm1, $0x3F800000, v3  }
0x239: {  	s13 =	sadd.s32 $0xA00, s5;
	p0 =	sne.s32 s1, $0x4D8;
	[tilespmem:$0x1E140] =	vst v3  }
0x23a: {  	[hbm4b:s13+s2] =	stream.linear.scatter [tilespmem:s22], [sflag:$0x4], $0x5000, $0x38;
	[tilespmem:$0x1E180] =	vst v63  }
.Ltmp0:
0x23b: {  	_ = 	snop;
	(pc) =	sbr.rel @p0 .LBB2_2-.Ltmp0, $4  }
0x23c: {  	s0 =	sadd.s32 $0x280, s0;
	s31 =	sadd.s32 $0xA0, s31;
	s14 =	sadd.s32 $0x500, s11  }
0x23d: {  	[hbm4b:s14+s2] =	stream.linear.scatter [tilespmem:s23], [sflag:$0x4], $0x2800, $0x38;
	[tilespmem:$0x1E180] =	vst v63  }
0x23e: {  	s11 =	sadd.s32 $0xA00, s11;
	s5 =	sadd.s32 $0x1400, s5;
	s18 =	rddreg [dreg:$0x18]  }
0x23f: {  	[hbm4b:s12+s2] =	stream.linear.scatter [tilespmem:s18], [sflag:$0x4], $0x50, $0x38;
	[tilespmem:$0x1E180] =	vst v63  }
0x240: {  	_ =	swait.ge [sflag:s20], $0x5000  }
0x241: {  	[sflag:s20] =	ssyncset.done $0x0  }
0x242: {  	[sflag:s20] =	ssyncadd.s32 $0xFFFFB000  }
0x243: {  	_ =	swait.ge [sflag:s20], $0x2800  }
0x244: {  	[sflag:s20] =	ssyncset.done $0x0  }
0x245: {  	[sflag:s20] =	ssyncadd.s32 $0xFFFFD800  }
0x246: {  	_ =	swait.ge [sflag:s20], $0x50  }
0x247: {  	[sflag:s20] =	ssyncset.done $0x0  }
0x248: {  	[sflag:s20] =	ssyncadd.s32 $0xFFFFFFB0  }
0x249: {  	_ =	swait.ge [sflag:s20], $0x50  }
0x24a: {  	[sflag:s20] =	ssyncset.done $0x0  }
0x24b: {  	[sflag:s20] =	ssyncadd.s32 $0xFFFFFFB0  }
0x24c: {  	_ =	swait.ge [sflag:s20], $0x50  }
0x24d: {  	[sflag:s20] =	ssyncset.done $0x0  }
0x24e: {  	[sflag:s20] =	ssyncadd.s32 $0xFFFFFFB0  }
0x24f: {  	_ =	swait.ge [sflag:s20], $0x50  }
0x250: {  	[sflag:s20] =	ssyncset.done $0x0  }
0x251: {  	[sflag:s20] =	ssyncadd.s32 $0xFFFFFFB0  }
0x252: {  	_ =	swait.ge [sflag:s20], $0x50  }
0x253: {  	[sflag:s20] =	ssyncset.done $0x0  }
0x254: {  	[sflag:s20] =	ssyncadd.s32 $0xFFFFFFB0  }
0x255: {  	v3 =	vld [tilespmem:$0x1DD00];
	_ =	sdelay $0x1  }
0x256: {  	v4 =	vld [tilespmem:$0x4E40];
	_ =	sdelay $0x2  }
0x257: {  	(erf) = vrcp.f32 v3  }
0x258: {  	v5 =	vld [tilespmem:$0x26C0]  }
0x259: {  	v4 =	vshll.u32 v4, $0x2  }
0x25a: {  	v6 =	vor.u32 $0x1, v4  }
0x25b: {  	v7 =	vld [tilespmem:$0x1DB80]  }
0x25c: {  	v9 =	vld [tilespmem:$0x1DC00];
	v8 =	vor.u32 $0x2, v4  }
0x25d: {  	v11 =	vld [tilespmem:$0x1DC80];
	v5 =	vshll.u32 v5, $0x2  }
0x25e: {  	v10 =	vor.u32 $0x1, v5;
	v4 =	vld.idx.msk [tilespmem:v4+s28+$0x0], $0xffff  }
0x25f: {  	v6 =	vld.idx.msk [tilespmem:v6+s28+$0x0], $0xffff  }
0x260: {  	v12 =	vor.u32 $0x2, v5;
	v13 =	vpop (erf)  }
0x261: {  	v8 =	vld.idx.msk [tilespmem:v8+s28+$0x0], $0xffff;
	v14 =	vmul.f32 v13, v7;
	v15 =	vmul.f32 v13, v9  }
0x262: {  	vm1 =	vgt.f32 v3, $0.0e+00;
	v5 =	vld.idx.msk [tilespmem:v5+s28+$0x0], $0xffff  }
0x263: {  	v3 =	vld.idx.msk [tilespmem:v10+s28+$0x0], $0xffff;
	v29 =	vmul.f32 v13, v11;
	v7 =	vsel vm1, v14, v7;
	v9 =	vsel vm1, v15, v9  }
0x264: {  	v7 =	vmul.f32 v7, v4;
	v9 =	vmul.f32 v9, v6  }
0x265: {  	v12 =	vld.idx.msk [tilespmem:v12+s28+$0x0], $0xffff;
	v10 =	vsel vm1, v29, v11  }
0x266: {  	v30 =	vmul.f32 v10, v8;
	v7 =	vadd.f32 v9, v7  }
0x267: {  	v31 =	vld [tilespmem:$0x1DD10]  }
0x268: {  	v3 =	vmul.f32 v6, v3;
	v4 =	vmul.f32 v4, v5;
	v32 =	vadd.f32 v7, v30  }
0x269: {  	v33 =	vld [tilespmem:$0x4E50]  }
0x26a: {  	v34 =	vld [tilespmem:$0x1DD80];
	v35 =	vmul.f32 v8, v12;
	v3 =	vadd.f32 v3, v4;
	v5 =	vsub.f32 $1.000000000e+00, v32;
	_ =	sdelay $0x1  }
0x26b: {  	(erf) = vrcp.f32 v31;
	v3 =	vadd.f32 v35, v3;
	v36 =	vmul.f32 $5.000000000e-01, v5  }
0x26c: {  	v37 =	vld [tilespmem:$0x26D0]  }
0x26d: {  	v6 =	vshll.u32 v33, $0x2;
	v3 =	vmul.f32 v36, v3  }
0x26e: {  	vm1 =	veq.f32 v34, $1.000000000e+00;
	v38 =	vor.u32 $0x1, v6  }
0x26f: {  	v39 =	vld [tilespmem:$0x1DB90];
	v3 =	vnsel vm1, $0x3F800000, v3  }
0x270: {  	v40 =	vld [tilespmem:$0x1DC10];
	[tilespmem:$0x1DE00] =	vst v3;
	v3 =	vor.u32 $0x2, v6  }
0x271: {  	v42 =	vld [tilespmem:$0x1DC90];
	v5 =	vshll.u32 v37, $0x2  }
0x272: {  	v41 =	vor.u32 $0x1, v5;
	v6 =	vld.idx.msk [tilespmem:v6+s28+$0x0], $0xffff  }
0x273: {  	v4 =	vld.idx.msk [tilespmem:v38+s28+$0x0], $0xffff  }
0x274: {  	v44 =	vpop (erf);
	v43 =	vor.u32 $0x2, v5  }
0x275: {  	v45 =	vmul.f32 v44, v39;
	v46 =	vmul.f32 v44, v40;
	v3 =	vld.idx.msk [tilespmem:v3+s28+$0x0], $0xffff  }
0x276: {  	vm1 =	vgt.f32 v31, $0.0e+00;
	v5 =	vld.idx.msk [tilespmem:v5+s28+$0x0], $0xffff  }
0x277: {  	v47 =	vmul.f32 v44, v42;
	v7 =	vsel vm1, v45, v39;
	v8 =	vsel vm1, v46, v40;
	v9 =	vld.idx.msk [tilespmem:v41+s28+$0x0], $0xffff  }
0x278: {  	v7 =	vmul.f32 v7, v6;
	v8 =	vmul.f32 v8, v4  }
0x279: {  	v10 =	vsel vm1, v47, v42;
	v12 =	vld.idx.msk [tilespmem:v43+s28+$0x0], $0xffff  }
0x27a: {  	v7 =	vadd.f32 v8, v7;
	v48 =	vmul.f32 v10, v3  }
0x27b: {  	v49 =	vld [tilespmem:$0x1DD20]  }
0x27c: {  	v5 =	vmul.f32 v6, v5;
	v4 =	vmul.f32 v4, v9;
	v50 =	vadd.f32 v7, v48  }
0x27d: {  	v51 =	vld [tilespmem:$0x4E60]  }
0x27e: {  	v52 =	vld [tilespmem:$0x1DD90];
	v4 =	vadd.f32 v4, v5;
	v3 =	vmul.f32 v3, v12;
	v53 =	vsub.f32 $1.000000000e+00, v50;
	_ =	sdelay $0x1  }
0x27f: {  	(erf) = vrcp.f32 v49;
	v3 =	vadd.f32 v3, v4;
	v54 =	vmul.f32 $5.000000000e-01, v53  }
0x280: {  	v55 =	vld [tilespmem:$0x26E0]  }
0x281: {  	v56 =	vshll.u32 v51, $0x2;
	v3 =	vmul.f32 v54, v3  }
0x282: {  	v57 =	vor.u32 $0x1, v56;
	vm1 =	veq.f32 v52, $1.000000000e+00  }
0x283: {  	v58 =	vld [tilespmem:$0x1DBA0];
	v3 =	vnsel vm1, $0x3F800000, v3  }
0x284: {  	v59 =	vld [tilespmem:$0x1DC20];
	[tilespmem:$0x1DE10] =	vst v3;
	v3 =	vor.u32 $0x2, v56  }
0x285: {  	v61 =	vld [tilespmem:$0x1DCA0];
	v5 =	vshll.u32 v55, $0x2  }
0x286: {  	v60 =	vor.u32 $0x1, v5;
	v6 =	vld.idx.msk [tilespmem:v56+s28+$0x0], $0xffff  }
0x287: {  	v4 =	vld.idx.msk [tilespmem:v57+s28+$0x0], $0xffff  }
0x288: {  	v63 =	vpop (erf);
	v62 =	vor.u32 $0x2, v5  }
0x289: {  	v18 =	vmul.f32 v63, v58;
	v19 =	vmul.f32 v63, v59;
	v3 =	vld.idx.msk [tilespmem:v3+s28+$0x0], $0xffff  }
0x28a: {  	vm1 =	vgt.f32 v49, $0.0e+00;
	v5 =	vld.idx.msk [tilespmem:v5+s28+$0x0], $0xffff  }
0x28b: {  	v20 =	vmul.f32 v63, v61;
	v7 =	vsel vm1, v18, v58;
	v8 =	vsel vm1, v19, v59;
	v9 =	vld.idx.msk [tilespmem:v60+s28+$0x0], $0xffff  }
0x28c: {  	v7 =	vmul.f32 v7, v6;
	v8 =	vmul.f32 v8, v4  }
0x28d: {  	v10 =	vsel vm1, v20, v61;
	v12 =	vld.idx.msk [tilespmem:v62+s28+$0x0], $0xffff  }
0x28e: {  	v7 =	vadd.f32 v8, v7;
	v21 =	vmul.f32 v10, v3  }
0x28f: {  	v22 =	vld [tilespmem:$0x1DD30]  }
0x290: {  	v5 =	vmul.f32 v6, v5;
	v4 =	vmul.f32 v4, v9;
	v23 =	vadd.f32 v7, v21  }
0x291: {  	v24 =	vld [tilespmem:$0x4E70]  }
0x292: {  	v25 =	vld [tilespmem:$0x1DDA0];
	v4 =	vadd.f32 v4, v5;
	v3 =	vmul.f32 v3, v12;
	v26 =	vsub.f32 $1.000000000e+00, v23;
	_ =	sdelay $0x1  }
0x293: {  	(erf) = vrcp.f32 v22;
	v3 =	vadd.f32 v3, v4;
	v27 =	vmul.f32 $5.000000000e-01, v26  }
0x294: {  	v28 =	vld [tilespmem:$0x26F0]  }
0x295: {  	v29 =	vshll.u32 v24, $0x2;
	v3 =	vmul.f32 v27, v3  }
0x296: {  	v30 =	vor.u32 $0x1, v29;
	vm1 =	veq.f32 v25, $1.000000000e+00  }
0x297: {  	v32 =	vld [tilespmem:$0x1DC30];
	v3 =	vnsel vm1, $0x3F800000, v3  }
0x298: {  	v31 =	vld [tilespmem:$0x1DBB0];
	[tilespmem:$0x1DE20] =	vst v3;
	v3 =	vor.u32 $0x2, v29  }
0x299: {  	v34 =	vld [tilespmem:$0x1DCB0];
	v5 =	vshll.u32 v28, $0x2  }
0x29a: {  	v33 =	vor.u32 $0x1, v5;
	v6 =	vld.idx.msk [tilespmem:v29+s28+$0x0], $0xffff  }
0x29b: {  	v4 =	vld.idx.msk [tilespmem:v30+s28+$0x0], $0xffff  }
0x29c: {  	v36 =	vpop (erf);
	v35 =	vor.u32 $0x2, v5  }
0x29d: {  	v37 =	vmul.f32 v36, v31;
	v38 =	vmul.f32 v36, v32;
	v3 =	vld.idx.msk [tilespmem:v3+s28+$0x0], $0xffff  }
0x29e: {  	vm1 =	vgt.f32 v22, $0.0e+00;
	v5 =	vld.idx.msk [tilespmem:v5+s28+$0x0], $0xffff  }
0x29f: {  	v39 =	vmul.f32 v36, v34;
	v7 =	vsel vm1, v37, v31;
	v8 =	vsel vm1, v38, v32;
	v9 =	vld.idx.msk [tilespmem:v33+s28+$0x0], $0xffff  }
0x2a0: {  	v7 =	vmul.f32 v7, v6;
	v8 =	vmul.f32 v8, v4  }
0x2a1: {  	v10 =	vsel vm1, v39, v34;
	v12 =	vld.idx.msk [tilespmem:v35+s28+$0x0], $0xffff  }
0x2a2: {  	v7 =	vadd.f32 v8, v7;
	v40 =	vmul.f32 v10, v3  }
0x2a3: {  	v41 =	vld [tilespmem:$0x1DD40]  }
0x2a4: {  	v5 =	vmul.f32 v6, v5;
	v4 =	vmul.f32 v4, v9;
	v42 =	vadd.f32 v7, v40  }
0x2a5: {  	v43 =	vld [tilespmem:$0x4E80]  }
0x2a6: {  	v44 =	vld [tilespmem:$0x1DDB0];
	v4 =	vadd.f32 v4, v5;
	v3 =	vmul.f32 v3, v12;
	v45 =	vsub.f32 $1.000000000e+00, v42;
	_ =	sdelay $0x1  }
0x2a7: {  	(erf) = vrcp.f32 v41;
	v3 =	vadd.f32 v3, v4;
	v46 =	vmul.f32 $5.000000000e-01, v45  }
0x2a8: {  	v47 =	vld [tilespmem:$0x2700]  }
0x2a9: {  	v48 =	vshll.u32 v43, $0x2;
	v3 =	vmul.f32 v46, v3  }
0x2aa: {  	v49 =	vor.u32 $0x1, v48;
	vm1 =	veq.f32 v44, $1.000000000e+00  }
0x2ab: {  	v51 =	vld [tilespmem:$0x1DC40];
	v3 =	vnsel vm1, $0x3F800000, v3  }
0x2ac: {  	v50 =	vld [tilespmem:$0x1DBC0];
	[tilespmem:$0x1DE30] =	vst v3;
	v3 =	vor.u32 $0x2, v48  }
0x2ad: {  	v53 =	vld [tilespmem:$0x1DCC0];
	v5 =	vshll.u32 v47, $0x2  }
0x2ae: {  	v52 =	vor.u32 $0x1, v5;
	v6 =	vld.idx.msk [tilespmem:v48+s28+$0x0], $0xffff  }
0x2af: {  	v4 =	vld.idx.msk [tilespmem:v49+s28+$0x0], $0xffff  }
0x2b0: {  	v55 =	vpop (erf);
	v54 =	vor.u32 $0x2, v5  }
0x2b1: {  	v56 =	vmul.f32 v55, v50;
	v57 =	vmul.f32 v55, v51;
	v3 =	vld.idx.msk [tilespmem:v3+s28+$0x0], $0xffff  }
0x2b2: {  	vm1 =	vgt.f32 v41, $0.0e+00;
	v5 =	vld.idx.msk [tilespmem:v5+s28+$0x0], $0xffff  }
0x2b3: {  	v58 =	vmul.f32 v55, v53;
	v7 =	vsel vm1, v56, v50;
	v8 =	vsel vm1, v57, v51;
	v9 =	vld.idx.msk [tilespmem:v52+s28+$0x0], $0xffff  }
0x2b4: {  	v7 =	vmul.f32 v7, v6;
	v8 =	vmul.f32 v8, v4  }
0x2b5: {  	v10 =	vsel vm1, v58, v53;
	v12 =	vld.idx.msk [tilespmem:v54+s28+$0x0], $0xffff  }
0x2b6: {  	v7 =	vadd.f32 v8, v7;
	v59 =	vmul.f32 v10, v3;
	_ =	sdelay $0x1  }
0x2b7: {  	v5 =	vmul.f32 v6, v5;
	v4 =	vmul.f32 v4, v9;
	v60 =	vadd.f32 v7, v59;
	_ =	sdelay $0x1  }
0x2b8: {  	v61 =	vld [tilespmem:$0x1DDC0];
	v4 =	vadd.f32 v4, v5;
	v3 =	vmul.f32 v3, v12;
	v62 =	vsub.f32 $1.000000000e+00, v60;
	_ =	sdelay $0x1  }
0x2b9: {  	v3 =	vadd.f32 v3, v4;
	v63 =	vmul.f32 $5.000000000e-01, v62;
	_ =	sdelay $0x1  }
0x2ba: {  	v3 =	vmul.f32 v63, v3  }
0x2bb: {  	vm1 =	veq.f32 v61, $1.000000000e+00  }
0x2bc: {  	s0 =	rddreg [dreg:$0x1e];
	v3 =	vnsel vm1, $0x3F800000, v3  }
0x2bd: {  	s18 =	sld [smem:$0x7F6];
	[tilespmem:$0x1DE40] =	vst v3  }
0x2be: {  	[hbm4b:s0+s2] =	stream.linear.scatter [tilespmem:s29], [sflag:$0x3], $0x5000, $0x38;
	[tilespmem:$0x1E180] =	vst v63  }
0x2bf: {  	_ = 	snop  }
0x2c0: {  	[hbm4b:s18+s2] =	stream.linear.scatter [tilespmem:s16], [sflag:$0x3], $0x2800, $0x38;
	[tilespmem:$0x1E180] =	vst v63  }
0x2c1: {  	s1 =	simm.s32 $0x1DE00;
	s21 =	rddreg [dreg:$0x1f]  }
0x2c2: {  	[hbm4b:s21+s2] =	stream.linear.scatter [tilespmem:s1], [sflag:$0x3], $0x50, $0x38;
	[tilespmem:$0x1E180] =	vst v63  }
0x2c3: {  	_ =	swait.ge [sflag:s25], $0x5000  }
0x2c4: {  	[sflag:s25] =	ssyncset.done $0x0  }
0x2c5: {  	[sflag:s25] =	ssyncadd.s32 $0xFFFFB000  }
0x2c6: {  	_ =	swait.ge [sflag:s25], $0x2800  }
0x2c7: {  	[sflag:s25] =	ssyncset.done $0x0  }
0x2c8: {  	[sflag:s25] =	ssyncadd.s32 $0xFFFFD800  }
0x2c9: {  	_ =	swait.ge [sflag:s25], $0x50  }
0x2ca: {  	[sflag:s25] =	ssyncset.done $0x0  }
0x2cb: {  	s24 =	simm.s32 $0x4;
	[sflag:s25] =	ssyncadd.s32 $0xFFFFFFB0  }
0x2cc: {  	_ =	swait.ge [sflag:s24], $0x5000  }
0x2cd: {  	[sflag:s24] =	ssyncset.done $0x0  }
0x2ce: {  	[sflag:s24] =	ssyncadd.s32 $0xFFFFB000  }
0x2cf: {  	_ =	swait.ge [sflag:s24], $0x2800  }
0x2d0: {  	[sflag:s24] =	ssyncset.done $0x0  }
0x2d1: {  	[sflag:s24] =	ssyncadd.s32 $0xFFFFD800  }
0x2d2: {  	_ =	swait.ge [sflag:s24], $0x50  }
0x2d3: {  	s5 =	sld [smem:$0x7F5]  }
0x2d4: {  	s26 =	sld [smem:$0x7FC];
	_ =	sdelay $0x1  }
0x2d5: {  	s5 =	sadd.s32 $0x1, s5  }
0x2d6: {  	p0 =	sne.s32 s5, s26  }
.Ltmp1:
0x2d7: {  	_ = 	snop;
	(pc) =	sbr.rel @p0 .LBB2_1-.Ltmp1, $4  }
0x2d8: {  	s11 =	simm.s32 $0x6700;
	s12 =	simm.s32 $0x6F00  }
0x2d9: {  	s13 =	simm.s32 $0x7700;
	s14 =	simm.s32 $0x7F00;
	s31 =	simm.s32 $0x1DC00  }
0x2da: {  	s18 =	simm.s32 $0x8700;
	s21 =	simm.s32 $0x8F00;
	[sflag:s24] =	ssyncset.done $0x0  }
0x2db: {  	[sflag:s24] =	ssyncadd.s32 $0xFFFFFFB0;
	s24 =	simm.s32 $0x9700;
	s26 =	simm.s32 $0x1DB80  }
0x2dc: {  	_ =	sfence.sel $0x180000  }
0x2dd: {  	[bflag:$0x0] =	sbarrier.arrive $0xFFFF  }
0x2de: {  	_ =	strace $0x90000047  }
0x2df: {  	s0 =	stileid.u32;
	[bflag:$0x2] =	sbarrier.arrive $0xFFFF  }
0x2e0: {  	p0 =	sne.s32 s0, $0x0;
	s0 =	rddreg [dreg:$0x2]  }
0x2e1: {  	s0 =	sadd.s32 @!p0 $0x100000, s0  }
0x2e2: {  	[sflag:s0] =	ssyncadd.tile.s32 @!p0 $0x1;
	_ =	shalt  }
.Lfunc_end2:
_tile_overlayer_lowered:
.L_overlay_start_2:
0x2e3: {  	(tag) =	ssettag $0x2  }
0x2e4: {  	s0 =	rddreg [dreg:$0x0];
	s2 =	stileid.u32  }
0x2e5: {  	s1 =	rddreg [dreg:$0x1];
	p0 =	sne.s32 s2, $0x0  }
0x2e6: {  	s3 =	rddreg [dreg:$0x2];
	[bflag:$0x3] =	sbarrier.arrive $0xFFFF;
	s2 =	simm.s32 @!p0 $0x1C05  }
0x2e7: {  	[timem:s3], [sflag:s2] =	dma.local @!p0 [hbm:s0], s1  }
0x2e8: {  	s0 =	simm.s32 @!p0 $0x5  }
0x2e9: {  	_ =	swait.ge @!p0 [sflag:s0], s1  }
0x2ea: {  	s1 =	ssub.s32 @!p0 $0x0, s1;
	[sflag:s0] =	ssyncset.done @!p0 $0x0  }
0x2eb: {  	[sflag:s0] =	ssyncadd.s32 @!p0 s1  }
0x2ec: {  	[bflag:$0x3] =	sbarrier.arrive $0xFFFF  }
0x2ed: {  	_ =	shalt  }

</sc_bundles>
